<compile_context>
chip_gen: v7x
topology: tpu7x:2x2x1
jax: 0.10.2.dev20260603
libtpu: 0.0.44.dev20260713+nightly
codegen_flags: <defaults>
</compile_context>

<pallas_src>
import functools

import jax
import jax.numpy as jnp
from jax import lax
from jax.experimental import pallas as pl
from jax.experimental.pallas import tpu as pltpu
from jax.experimental.pallas import tpu_sc as plsc

N, E, D, L = 10000, 320000, 128, 2
DH = D // 2
NC, NS = 2, 16
EPT = E // NS
C = 80
NP = 10240
RPT = NP // NS
ZR = 160


EB = 2000


def _encode_body(x_ref, atom_ref, bond_ref, ea_ref, h_ref, t_ref, c_ref):
    c_ref[0, 0] = ea_ref[0] * 64 + ea_ref[1] * 8 + ea_ref[2]
    h = jnp.zeros((EB, D), jnp.float32)
    ids64 = lax.broadcasted_iota(jnp.int32, (1, 64), 1)
    for i in range(9):
        col = x_ref[:, i][:, None]
        oh = (col == ids64).astype(jnp.float32)
        h = h + jnp.dot(oh, atom_ref[i],
                        preferred_element_type=jnp.float32,
                        precision=lax.Precision.HIGHEST)
    h_ref[0] = h[:, :DH]
    h_ref[1] = h[:, DH:]

    @pl.when(pl.program_id(0) == 0)
    def _tables():
        cidx = lax.broadcasted_iota(jnp.int32, (512, 1), 0)
        ids8 = lax.broadcasted_iota(jnp.int32, (1, 8), 1)
        oh0 = ((cidx // 64) == ids8).astype(jnp.float32)
        oh1 = (((cidx // 8) % 8) == ids8).astype(jnp.float32)
        oh2 = ((cidx % 8) == ids8).astype(jnp.float32)
        for l in range(L):
            t = (jnp.dot(oh0, bond_ref[l, 0],
                         preferred_element_type=jnp.float32,
                         precision=lax.Precision.HIGHEST)
                 + jnp.dot(oh1, bond_ref[l, 1],
                           preferred_element_type=jnp.float32,
                           precision=lax.Precision.HIGHEST)
                 + jnp.dot(oh2, bond_ref[l, 2],
                           preferred_element_type=jnp.float32,
                           precision=lax.Precision.HIGHEST))
            t_ref[l, 0] = t[:, :DH]
            t_ref[l, 1] = t[:, DH:]


_encode = pl.pallas_call(
    _encode_body,
    grid=(N // EB,),
    in_specs=[
        pl.BlockSpec((EB, 9), lambda i: (i, 0)),
        pl.BlockSpec((9, 64, D), lambda i: (0, 0, 0)),
        pl.BlockSpec((L, 3, 8, D), lambda i: (0, 0, 0, 0)),
        pl.BlockSpec((3, E // (N // EB)), lambda i: (0, i)),
    ],
    out_specs=(
        pl.BlockSpec((2, EB, DH), lambda i: (0, i, 0)),
        pl.BlockSpec((L, 2, 512, DH), lambda i: (0, 0, 0, 0)),
        pl.BlockSpec((1, 1, E // (N // EB)), lambda i: (i, 0, 0)),
    ),
    out_shape=(
        jax.ShapeDtypeStruct((2, N, DH), jnp.float32),
        jax.ShapeDtypeStruct((L, 2, 512, DH), jnp.float32),
        jax.ShapeDtypeStruct((N // EB, 1, E // (N // EB)), jnp.int32),
    ),
)


NCH = EPT // C


def _edge_body(h_hbm, src_hbm, dst_hbm, c_hbm, t_hbm,
               out_hbm,
               srcb0, srcb1, dstb0, dstb1, dstS0, dstS1,
               cb0, cb1, hb0, hb1, tb0, tb1, mb0, mb1, zb, aggsh,
               semi0, semi1, semh0, semh1, semt0, semt1, sems0, sems1):
    cid = lax.axis_index("c")
    sid = lax.axis_index("s")
    base = sid * EPT

    slots = (
        (None, srcb0, dstb0, dstS0, cb0, hb0, tb0, mb0,
         semi0, semh0, semt0, sems0),
        (None, srcb1, dstb1, dstS1, cb1, hb1, tb1, mb1,
         semi1, semh1, semt1, sems1),
    )

    def idx_issue(k, s):
        srcb_, dstb_, cb_ = slots[s][1], slots[s][2], slots[s][4]
        semi_ = slots[s][8]
        off = base + k * C
        pltpu.async_copy(src_hbm.at[pl.ds(off, C)], srcb_, semi_)
        pltpu.async_copy(dst_hbm.at[pl.ds(off, C)], dstb_, semi_)
        pltpu.async_copy(c_hbm.at[pl.ds(off, C)], cb_, semi_)

    def idx_wait(k, s):
        srcb_, dstb_, cb_ = slots[s][1], slots[s][2], slots[s][4]
        semi_ = slots[s][8]
        off = base + k * C
        pltpu.make_async_copy(src_hbm.at[pl.ds(off, C)], srcb_, semi_).wait()
        pltpu.make_async_copy(dst_hbm.at[pl.ds(off, C)], dstb_, semi_).wait()
        pltpu.make_async_copy(c_hbm.at[pl.ds(off, C)], cb_, semi_).wait()

    def cidx(s):
        srcb_, cb_ = slots[s][1], slots[s][4]
        coff = cid * 512
        soff = cid * N
        for g in range(C // 16):
            sl = pl.ds(g * 16, 16)
            cb_[sl] = cb_[sl] + coff
            srcb_[sl] = srcb_[sl] + soff

    def gather_issue(s):
        srcb_, cb_, hb_, tb_ = (slots[s][1], slots[s][4], slots[s][5],
                                slots[s][6])
        semh_, semt_ = slots[s][9], slots[s][10]
        pltpu.async_copy(h_hbm.at[srcb_], hb_, semh_)
        pltpu.async_copy(t_hbm.at[cb_], tb_, semt_)

    def gather_wait(s):
        srcb_, cb_, hb_, tb_ = (slots[s][1], slots[s][4], slots[s][5],
                                slots[s][6])
        semh_, semt_ = slots[s][9], slots[s][10]
        pltpu.make_async_copy(h_hbm.at[srcb_], hb_, semh_).wait()
        pltpu.make_async_copy(t_hbm.at[cb_], tb_, semt_).wait()

    def dst_snap(s):
        dstb_, dstS_ = slots[s][2], slots[s][3]
        for g in range(C // 16):
            sl = pl.ds(g * 16, 16)
            dstS_[sl] = dstb_[sl]

    def compute(s):
        hb_, tb_, mb_ = slots[s][5], slots[s][6], slots[s][7]

        def _row(r, _):
            for q in range(DH // 16):
                sl = pl.ds(q * 16, 16)
                mb_[r, sl] = jnp.maximum(hb_[r, sl] + tb_[r, sl], 0.0)
            return 0
        lax.fori_loop(0, C, _row, 0)

    def scat_issue(s):
        dstS_, mb_, sems_ = slots[s][3], slots[s][7], slots[s][11]
        pltpu.async_copy(mb_, aggsh.at[dstS_], sems_, add=True)

    def scat_wait(s):
        dstS_, mb_, sems_ = slots[s][3], slots[s][7], slots[s][11]
        pltpu.make_async_copy(mb_, aggsh.at[dstS_], sems_).wait()

    zero16 = jnp.zeros((16,), jnp.float32)

    def _zrow(r, _):
        for q in range(DH // 16):
            zb[r, pl.ds(q * 16, 16)] = zero16
        return 0
    lax.fori_loop(0, ZR, _zrow, 0)
    for t in range(RPT // ZR):
        r0 = sid * RPT + t * ZR
        pltpu.sync_copy(zb, aggsh.at[pl.ds(r0, ZR)])
    plsc.subcore_barrier()

    idx_issue(0, 0)
    idx_wait(0, 0)
    cidx(0)
    gather_issue(0)
    idx_issue(1, 1)

    def _pair(j, _):
        for s in (0, 1):
            k = 2 * j + s

            @pl.when(k + 1 < NCH)
            def _():
                idx_wait(k + 1, 1 - s)
                cidx(1 - s)
                gather_issue(1 - s)
            gather_wait(s)

            @pl.when(k >= 2)
            def _():
                scat_wait(s)
            dst_snap(s)

            @pl.when(k + 2 < NCH)
            def _():
                idx_issue(k + 2, s)
            compute(s)
            scat_issue(s)
        return 0

    lax.fori_loop(0, NCH // 2, _pair, 0)
    scat_wait(0)
    scat_wait(1)
    plsc.subcore_barrier()

    for t in range(RPT // ZR):
        r0 = sid * RPT + t * ZR
        pltpu.sync_copy(aggsh.at[pl.ds(r0, ZR)], out_hbm.at[cid, pl.ds(r0, ZR)])


_EDGE_CACHE = {}


def _build_edge_phase():
    return functools.partial(
        pl.kernel,
        out_type=jax.ShapeDtypeStruct((NC, NP, DH), jnp.float32),
        mesh=plsc.VectorSubcoreMesh(core_axis_name="c", subcore_axis_name="s",
                                    num_cores=NC, num_subcores=NS),
        compiler_params=pltpu.CompilerParams(use_tc_tiling_on_sc=False),
        scratch_types=(
            [pltpu.VMEM((C,), jnp.int32)] * 6
            + [pltpu.VMEM((C,), jnp.int32)] * 2
            + [pltpu.VMEM((C, DH), jnp.float32)] * 6
            + [pltpu.VMEM((ZR, DH), jnp.float32)]
            + [pltpu.VMEM_SHARED((NP, DH), jnp.float32)]
            + [pltpu.SemaphoreType.DMA] * 8
        ),
    )(_edge_body)


def _edge_phase(*args):
    if "f" not in _EDGE_CACHE:
        _EDGE_CACHE["f"] = _build_edge_phase()
    return _EDGE_CACHE["f"](*args)


def _mlp_body(h_ref, agg_ref, eps_ref, w1_ref, b1_ref, g1_ref, be1_ref,
              w2_ref, b2_ref, g_ref, be_ref, out_ref, *, last):
    hfull = jnp.concatenate([h_ref[0], h_ref[1]], axis=1)
    afull = jnp.concatenate([agg_ref[0, :N], agg_ref[1, :N]], axis=1)
    z = (1.0 + eps_ref[0]) * hfull + afull
    y = jnp.dot(z, w1_ref[...], preferred_element_type=jnp.float32)
    y = y + b1_ref[...]
    m = jnp.mean(y, axis=0, keepdims=True)
    v = jnp.mean((y - m) ** 2, axis=0, keepdims=True)
    y = (y - m) * lax.rsqrt(v + 1e-5) * g1_ref[...] + be1_ref[...]
    y = jnp.maximum(y, 0.0)
    o = jnp.dot(y, w2_ref[...], preferred_element_type=jnp.float32)
    o = o + b2_ref[...]
    m2 = jnp.mean(o, axis=0, keepdims=True)
    v2 = jnp.mean((o - m2) ** 2, axis=0, keepdims=True)
    o = (o - m2) * lax.rsqrt(v2 + 1e-5) * g_ref[...] + be_ref[...]
    if last:
        out_ref[...] = o
    else:
        o = jnp.maximum(o, 0.0)
        out_ref[0] = o[:, :DH]
        out_ref[1] = o[:, DH:]


def _mlp(last):
    return pl.pallas_call(
        functools.partial(_mlp_body, last=last),
        in_specs=[
            pl.BlockSpec(memory_space=pltpu.VMEM),
            pl.BlockSpec(memory_space=pltpu.VMEM),
            pl.BlockSpec(memory_space=pltpu.SMEM),
            pl.BlockSpec(memory_space=pltpu.VMEM),
            pl.BlockSpec(memory_space=pltpu.VMEM),
            pl.BlockSpec(memory_space=pltpu.VMEM),
            pl.BlockSpec(memory_space=pltpu.VMEM),
            pl.BlockSpec(memory_space=pltpu.VMEM),
            pl.BlockSpec(memory_space=pltpu.VMEM),
            pl.BlockSpec(memory_space=pltpu.VMEM),
            pl.BlockSpec(memory_space=pltpu.VMEM),
        ],
        out_shape=(jax.ShapeDtypeStruct((N, D), jnp.float32) if last
                   else jax.ShapeDtypeStruct((2, N, DH), jnp.float32)),
    )


def kernel(x, edge_index, edge_attr, batch, atom_emb, bond_emb, eps,
           W1, b1, g1, be1, W2, b2, g, be):
    h, T, cflat = _encode(x.astype(jnp.int32), atom_emb, bond_emb,
                          edge_attr.astype(jnp.int32).T)
    src = edge_index[0].astype(jnp.int32)
    dst = edge_index[1].astype(jnp.int32)
    for l in range(L):
        agg = _edge_phase(h.reshape(2 * N, DH), src, dst, cflat.reshape(E),
                          T[l].reshape(2 * 512, DH))
        h = _mlp(l == L - 1)(
            h, agg, eps[l].reshape(1),
            W1[l], b1[l].reshape(1, 2 * D), g1[l].reshape(1, 2 * D),
            be1[l].reshape(1, 2 * D),
            W2[l], b2[l].reshape(1, D), g[l].reshape(1, D),
            be[l].reshape(1, D))
    return (h, batch)

# --- scband reference (transcript-rebuilt; emitter-appended) ---
"""Pipeline reference for scband-gnn-node-81621558493500 (READ-ONLY COPY).

The authoritative reference and input builder live on the scoring server;
editing this copy changes nothing except your own understanding.
"""

import jax, jax.numpy as jnp
import numpy as np

N, E, D, L = 10000, 320000, 128, 2

def setup_inputs(seed: int = 0):
    key = jax.random.key(seed)
    ks = jax.random.split(key, 10)
    x = jax.random.randint(ks[0], (N, 9), 0, 64)
    edge_index = jax.random.randint(ks[1], (2, E), 0, N)
    edge_attr = jax.random.randint(ks[2], (E, 3), 0, 8)
    batch = jnp.sort(jax.random.randint(ks[3], (N,), 0, 256))
    atom_emb = jax.random.normal(ks[4], (9, 64, D), dtype=jnp.float32) * 0.05
    bond_emb = jax.random.normal(ks[5], (L, 3, 8, D), dtype=jnp.float32) * 0.05
    eps = jnp.zeros((L,), dtype=jnp.float32)
    W1 = jax.random.normal(ks[6], (L, D, 2 * D), dtype=jnp.float32) * (1.0 / np.sqrt(D))
    b1 = jnp.zeros((L, 2 * D), dtype=jnp.float32)
    g1 = jnp.ones((L, 2 * D), dtype=jnp.float32)
    be1 = jnp.zeros((L, 2 * D), dtype=jnp.float32)
    W2 = jax.random.normal(ks[7], (L, 2 * D, D), dtype=jnp.float32) * (1.0 / np.sqrt(2 * D))
    b2 = jnp.zeros((L, D), dtype=jnp.float32)
    g = jnp.ones((L, D), dtype=jnp.float32)
    be = jnp.zeros((L, D), dtype=jnp.float32)
    return {"x": x, "edge_index": edge_index, "edge_attr": edge_attr, "batch": batch,
            "atom_emb": atom_emb, "bond_emb": bond_emb, "eps": eps,
            "W1": W1, "b1": b1, "g1": g1, "be1": be1,
            "W2": W2, "b2": b2, "g": g, "be": be}

def _bn(z, gamma, beta):
    m = jnp.mean(z, axis=0)
    v = jnp.var(z, axis=0)
    return (z - m) / jnp.sqrt(v + 1e-5) * gamma + beta

def reference(x, edge_index, edge_attr, batch, atom_emb, bond_emb, eps, W1, b1, g1, be1, W2, b2, g, be):
    # AtomEncoder: sum of 9 per-feature embedding lookups
    h = jnp.zeros((N, D), dtype=jnp.float32)
    for i in range(9):
        h = h + atom_emb[i][x[:, i]]
    src, dst = edge_index[0], edge_index[1]
    for l in range(L):
        # BondEncoder (per-layer): sum of 3 per-feature embedding lookups
        ee = jnp.zeros((E, D), dtype=jnp.float32)
        for i in range(3):
            ee = ee + bond_emb[l, i][edge_attr[:, i]]
        # message: relu(x_j + edge_attr), aggr='add' at dst
        msg = jax.nn.relu(h[src] + ee)
        agg = jnp.zeros_like(h).at[dst].add(msg)
        z = (1.0 + eps[l]) * h + agg
        # GIN MLP: Linear -> BatchNorm -> ReLU -> Linear
        z = z @ W1[l] + b1[l]
        z = _bn(z, g1[l], be1[l])
        z = jax.nn.relu(z)
        z = z @ W2[l] + b2[l]
        # outer batch norm
        z = _bn(z, g[l], be[l])
        # dropout with drop_ratio=0.0 (eval) is identity; relu except on last layer
        if l < L - 1:
            z = jax.nn.relu(z)
        h = z
    # JK == 'last'
    return (h, batch)

if __name__ == "__main__":
    import jax
    _d = setup_inputs()
    print(jax.jit(kernel)(*tuple(_d.values())))

</pallas_src>

<mosaic_0001>
#map = affine_map<(d0, d1) -> (0, 0)>
#map1 = affine_map<(d0, d1) -> (0)>
#map2 = affine_map<(d0, d1) -> (0, 0, 0)>
module attributes {stable_mosaic.version = 14 : i64} {
  func.func @_edge_body(%arg0: i32, %arg1: i32, %arg2: memref<20000x64xf32, #tpu.memory_space<hbm>>, %arg3: memref<320000xi32, #tpu.memory_space<hbm>>, %arg4: memref<320000xi32, #tpu.memory_space<hbm>>, %arg5: memref<320000xi32, #tpu.memory_space<hbm>>, %arg6: memref<1024x64xf32, #tpu.memory_space<hbm>>, %arg7: memref<2x10240x64xf32, #tpu.memory_space<hbm>>, %arg8: memref<80xi32, #tpu.memory_space<vmem>>, %arg9: memref<80xi32, #tpu.memory_space<vmem>>, %arg10: memref<80xi32, #tpu.memory_space<vmem>>, %arg11: memref<80xi32, #tpu.memory_space<vmem>>, %arg12: memref<80xi32, #tpu.memory_space<vmem>>, %arg13: memref<80xi32, #tpu.memory_space<vmem>>, %arg14: memref<80xi32, #tpu.memory_space<vmem>>, %arg15: memref<80xi32, #tpu.memory_space<vmem>>, %arg16: memref<80x64xf32, #tpu.memory_space<vmem>>, %arg17: memref<80x64xf32, #tpu.memory_space<vmem>>, %arg18: memref<80x64xf32, #tpu.memory_space<vmem>>, %arg19: memref<80x64xf32, #tpu.memory_space<vmem>>, %arg20: memref<80x64xf32, #tpu.memory_space<vmem>>, %arg21: memref<80x64xf32, #tpu.memory_space<vmem>>, %arg22: memref<160x64xf32, #tpu.memory_space<vmem>>, %arg23: memref<10240x64xf32, #tpu.memory_space<vmem_shared>>, %arg24: memref<!tpu.dma_semaphore, #tpu.memory_space<semaphore_mem>>, %arg25: memref<!tpu.dma_semaphore, #tpu.memory_space<semaphore_mem>>, %arg26: memref<!tpu.dma_semaphore, #tpu.memory_space<semaphore_mem>>, %arg27: memref<!tpu.dma_semaphore, #tpu.memory_space<semaphore_mem>>, %arg28: memref<!tpu.dma_semaphore, #tpu.memory_space<semaphore_mem>>, %arg29: memref<!tpu.dma_semaphore, #tpu.memory_space<semaphore_mem>>, %arg30: memref<!tpu.dma_semaphore, #tpu.memory_space<semaphore_mem>>, %arg31: memref<!tpu.dma_semaphore, #tpu.memory_space<semaphore_mem>>) attributes {dimension_semantics = [#tpu.dimension_semantics<core_parallel>, #tpu.dimension_semantics<subcore_parallel>], iteration_bounds = array<i64: 2, 16>, scalar_prefetch = 0 : i64, scratch_operands = 24 : i64, tpu.core_type = #tpu.core_type<sc_vector_subcore>, window_params = [{transform_indices = #map}, {transform_indices = #map1}, {transform_indices = #map1}, {transform_indices = #map1}, {transform_indices = #map}, {transform_indices = #map2}]} {
    %mul3A = arith.constant 20000 : i32
    %mul3A_0 = arith.muli %arg1, %mul3A : i32
    %broadcast_in_dim3A = arith.constant 0.000000e+00 : f32
    %broadcast_in_dim3A_1 = vector.broadcast %broadcast_in_dim3A : f32 to vector<16xf32>
    %scan3A = arith.constant 0 : i32
    %scan3A_2 = arith.constant 0 : i32
    %scan3A_3 = arith.constant 160 : i32
    %scan3A_4 = arith.addi %scan3A_2, %scan3A_3 : i32
    %scan3A_5 = arith.constant 1 : i32
    %scan3A_6 = scf.for %scan3A_173 = %scan3A_2 to %scan3A_4 step %scan3A_5 iter_args(%scan3A_174 = %scan3A) -> (i32)  : i32 {
      %swap3A_175 = arith.index_cast %scan3A_173 : i32 to index
      %swap3A_176 = arith.constant 0 : index
      %swap3A_177 = tpu.vector_load %arg22[%swap3A_175, %swap3A_176] {strides = array<i32>} : memref<160x64xf32, #tpu.memory_space<vmem>>, vector<1x16xf32>,
      %swap3A_178 = vector.shape_cast %swap3A_177 : vector<1x16xf32> to vector<16xf32>
      %swap3A_179 = vector.shape_cast %broadcast_in_dim3A_1 : vector<16xf32> to vector<1x16xf32>
      tpu.vector_store %arg22[%swap3A_175, %swap3A_176], %swap3A_179 {strides = array<i32>} : memref<160x64xf32, #tpu.memory_space<vmem>>, vector<1x16xf32>,
      %swap3A_180 = arith.index_cast %scan3A_173 : i32 to index
      %swap3A_181 = arith.constant 16 : index
      %swap3A_182 = tpu.vector_load %arg22[%swap3A_180, %swap3A_181] {strides = array<i32>} : memref<160x64xf32, #tpu.memory_space<vmem>>, vector<1x16xf32>,
      %swap3A_183 = vector.shape_cast %swap3A_182 : vector<1x16xf32> to vector<16xf32>
      %swap3A_184 = vector.shape_cast %broadcast_in_dim3A_1 : vector<16xf32> to vector<1x16xf32>
      tpu.vector_store %arg22[%swap3A_180, %swap3A_181], %swap3A_184 {strides = array<i32>} : memref<160x64xf32, #tpu.memory_space<vmem>>, vector<1x16xf32>,
      %swap3A_185 = arith.index_cast %scan3A_173 : i32 to index
      %swap3A_186 = arith.constant 32 : index
      %swap3A_187 = tpu.vector_load %arg22[%swap3A_185, %swap3A_186] {strides = array<i32>} : memref<160x64xf32, #tpu.memory_space<vmem>>, vector<1x16xf32>,
      %swap3A_188 = vector.shape_cast %swap3A_187 : vector<1x16xf32> to vector<16xf32>
      %swap3A_189 = vector.shape_cast %broadcast_in_dim3A_1 : vector<16xf32> to vector<1x16xf32>
      tpu.vector_store %arg22[%swap3A_185, %swap3A_186], %swap3A_189 {strides = array<i32>} : memref<160x64xf32, #tpu.memory_space<vmem>>, vector<1x16xf32>,
      %swap3A_190 = arith.index_cast %scan3A_173 : i32 to index
      %swap3A_191 = arith.constant 48 : index
      %swap3A_192 = tpu.vector_load %arg22[%swap3A_190, %swap3A_191] {strides = array<i32>} : memref<160x64xf32, #tpu.memory_space<vmem>>, vector<1x16xf32>,
      %swap3A_193 = vector.shape_cast %swap3A_192 : vector<1x16xf32> to vector<16xf32>
      %swap3A_194 = vector.shape_cast %broadcast_in_dim3A_1 : vector<16xf32> to vector<1x16xf32>
      tpu.vector_store %arg22[%swap3A_190, %swap3A_191], %swap3A_194 {strides = array<i32>} : memref<160x64xf32, #tpu.memory_space<vmem>>, vector<1x16xf32>,
      %scan3A_195 = arith.constant 0 : i32
      scf.yield %scan3A_195 : i32
    }
    %scan3A_7 = arith.constant 160 : i32
    %mul3A_8 = arith.constant 640 : i32
    %mul3A_9 = arith.muli %arg1, %mul3A_8 : i32
    %add3A = arith.constant 0 : i32
    %add3A_10 = arith.addi %mul3A_9, %add3A : i32
    "tpu.region"() ({
      %run_scoped3A = tpu.sem_alloc : memref<!tpu.dma_semaphore, #tpu.memory_space<semaphore_mem>>
      %dma_start3A_173 = arith.constant 0 : i32
      %dma_start3A_174 = tpu.memref_slice %arg23[%add3A_10, %dma_start3A_173] : memref<10240x64xf32, #tpu.memory_space<vmem_shared>> -> memref<160x64xf32, #tpu.memory_space<vmem_shared>>
      %dma_start3A_175 = arith.constant 0 : i32
      %dma_start3A_176 = tpu.memref_slice %arg23[%add3A_10, %dma_start3A_175] : memref<10240x64xf32, #tpu.memory_space<vmem_shared>> -> memref<160x64xf32, #tpu.memory_space<vmem_shared>>
      tpu.enqueue_dma source(%arg22 : memref<160x64xf32, #tpu.memory_space<vmem>>) target(%dma_start3A_176 : memref<160x64xf32, #tpu.memory_space<vmem_shared>>) target_semaphore(%run_scoped3A : memref<!tpu.dma_semaphore, #tpu.memory_space<semaphore_mem>>)
      %dma_wait3A_177 = arith.constant 0 : i32
      %dma_wait3A_178 = tpu.memref_slice %arg23[%add3A_10, %dma_wait3A_177] : memref<10240x64xf32, #tpu.memory_space<vmem_shared>> -> memref<160x64xf32, #tpu.memory_space<vmem_shared>>
      %dma_wait3A_179 = arith.constant 0 : i32
      %dma_wait3A_180 = tpu.memref_slice %arg23[%add3A_10, %dma_wait3A_179] : memref<10240x64xf32, #tpu.memory_space<vmem_shared>> -> memref<160x64xf32, #tpu.memory_space<vmem_shared>>
      tpu.wait_dma2 semaphore(%run_scoped3A : memref<!tpu.dma_semaphore, #tpu.memory_space<semaphore_mem>>) src(%arg22 : memref<160x64xf32, #tpu.memory_space<vmem>>) dst(%dma_wait3A_180 : memref<160x64xf32, #tpu.memory_space<vmem_shared>>)
      tpu.yield
    }) : () -> ()
    %mul3A_11 = arith.constant 640 : i32
    %mul3A_12 = arith.muli %arg1, %mul3A_11 : i32
    %add3A_13 = arith.constant 160 : i32
    %add3A_14 = arith.addi %mul3A_12, %add3A_13 : i32
    "tpu.region"() ({
      %run_scoped3A = tpu.sem_alloc : memref<!tpu.dma_semaphore, #tpu.memory_space<semaphore_mem>>
      %dma_start3A_173 = arith.constant 0 : i32
      %dma_start3A_174 = tpu.memref_slice %arg23[%add3A_14, %dma_start3A_173] : memref<10240x64xf32, #tpu.memory_space<vmem_shared>> -> memref<160x64xf32, #tpu.memory_space<vmem_shared>>
      %dma_start3A_175 = arith.constant 0 : i32
      %dma_start3A_176 = tpu.memref_slice %arg23[%add3A_14, %dma_start3A_175] : memref<10240x64xf32, #tpu.memory_space<vmem_shared>> -> memref<160x64xf32, #tpu.memory_space<vmem_shared>>
      tpu.enqueue_dma source(%arg22 : memref<160x64xf32, #tpu.memory_space<vmem>>) target(%dma_start3A_176 : memref<160x64xf32, #tpu.memory_space<vmem_shared>>) target_semaphore(%run_scoped3A : memref<!tpu.dma_semaphore, #tpu.memory_space<semaphore_mem>>)
      %dma_wait3A_177 = arith.constant 0 : i32
      %dma_wait3A_178 = tpu.memref_slice %arg23[%add3A_14, %dma_wait3A_177] : memref<10240x64xf32, #tpu.memory_space<vmem_shared>> -> memref<160x64xf32, #tpu.memory_space<vmem_shared>>
      %dma_wait3A_179 = arith.constant 0 : i32
      %dma_wait3A_180 = tpu.memref_slice %arg23[%add3A_14, %dma_wait3A_179] : memref<10240x64xf32, #tpu.memory_space<vmem_shared>> -> memref<160x64xf32, #tpu.memory_space<vmem_shared>>
      tpu.wait_dma2 semaphore(%run_scoped3A : memref<!tpu.dma_semaphore, #tpu.memory_space<semaphore_mem>>) src(%arg22 : memref<160x64xf32, #tpu.memory_space<vmem>>) dst(%dma_wait3A_180 : memref<160x64xf32, #tpu.memory_space<vmem_shared>>)
      tpu.yield
    }) : () -> ()
    %mul3A_15 = arith.constant 640 : i32
    %mul3A_16 = arith.muli %arg1, %mul3A_15 : i32
    %add3A_17 = arith.constant 320 : i32
    %add3A_18 = arith.addi %mul3A_16, %add3A_17 : i32
    "tpu.region"() ({
      %run_scoped3A = tpu.sem_alloc : memref<!tpu.dma_semaphore, #tpu.memory_space<semaphore_mem>>
      %dma_start3A_173 = arith.constant 0 : i32
      %dma_start3A_174 = tpu.memref_slice %arg23[%add3A_18, %dma_start3A_173] : memref<10240x64xf32, #tpu.memory_space<vmem_shared>> -> memref<160x64xf32, #tpu.memory_space<vmem_shared>>
      %dma_start3A_175 = arith.constant 0 : i32
      %dma_start3A_176 = tpu.memref_slice %arg23[%add3A_18, %dma_start3A_175] : memref<10240x64xf32, #tpu.memory_space<vmem_shared>> -> memref<160x64xf32, #tpu.memory_space<vmem_shared>>
      tpu.enqueue_dma source(%arg22 : memref<160x64xf32, #tpu.memory_space<vmem>>) target(%dma_start3A_176 : memref<160x64xf32, #tpu.memory_space<vmem_shared>>) target_semaphore(%run_scoped3A : memref<!tpu.dma_semaphore, #tpu.memory_space<semaphore_mem>>)
      %dma_wait3A_177 = arith.constant 0 : i32
      %dma_wait3A_178 = tpu.memref_slice %arg23[%add3A_18, %dma_wait3A_177] : memref<10240x64xf32, #tpu.memory_space<vmem_shared>> -> memref<160x64xf32, #tpu.memory_space<vmem_shared>>
      %dma_wait3A_179 = arith.constant 0 : i32
      %dma_wait3A_180 = tpu.memref_slice %arg23[%add3A_18, %dma_wait3A_179] : memref<10240x64xf32, #tpu.memory_space<vmem_shared>> -> memref<160x64xf32, #tpu.memory_space<vmem_shared>>
      tpu.wait_dma2 semaphore(%run_scoped3A : memref<!tpu.dma_semaphore, #tpu.memory_space<semaphore_mem>>) src(%arg22 : memref<160x64xf32, #tpu.memory_space<vmem>>) dst(%dma_wait3A_180 : memref<160x64xf32, #tpu.memory_space<vmem_shared>>)
      tpu.yield
    }) : () -> ()
    %mul3A_19 = arith.constant 640 : i32
    %mul3A_20 = arith.muli %arg1, %mul3A_19 : i32
    %add3A_21 = arith.constant 480 : i32
    %add3A_22 = arith.addi %mul3A_20, %add3A_21 : i32
    "tpu.region"() ({
      %run_scoped3A = tpu.sem_alloc : memref<!tpu.dma_semaphore, #tpu.memory_space<semaphore_mem>>
      %dma_start3A_173 = arith.constant 0 : i32
      %dma_start3A_174 = tpu.memref_slice %arg23[%add3A_22, %dma_start3A_173] : memref<10240x64xf32, #tpu.memory_space<vmem_shared>> -> memref<160x64xf32, #tpu.memory_space<vmem_shared>>
      %dma_start3A_175 = arith.constant 0 : i32
      %dma_start3A_176 = tpu.memref_slice %arg23[%add3A_22, %dma_start3A_175] : memref<10240x64xf32, #tpu.memory_space<vmem_shared>> -> memref<160x64xf32, #tpu.memory_space<vmem_shared>>
      tpu.enqueue_dma source(%arg22 : memref<160x64xf32, #tpu.memory_space<vmem>>) target(%dma_start3A_176 : memref<160x64xf32, #tpu.memory_space<vmem_shared>>) target_semaphore(%run_scoped3A : memref<!tpu.dma_semaphore, #tpu.memory_space<semaphore_mem>>)
      %dma_wait3A_177 = arith.constant 0 : i32
      %dma_wait3A_178 = tpu.memref_slice %arg23[%add3A_22, %dma_wait3A_177] : memref<10240x64xf32, #tpu.memory_space<vmem_shared>> -> memref<160x64xf32, #tpu.memory_space<vmem_shared>>
      %dma_wait3A_179 = arith.constant 0 : i32
      %dma_wait3A_180 = tpu.memref_slice %arg23[%add3A_22, %dma_wait3A_179] : memref<10240x64xf32, #tpu.memory_space<vmem_shared>> -> memref<160x64xf32, #tpu.memory_space<vmem_shared>>
      tpu.wait_dma2 semaphore(%run_scoped3A : memref<!tpu.dma_semaphore, #tpu.memory_space<semaphore_mem>>) src(%arg22 : memref<160x64xf32, #tpu.memory_space<vmem>>) dst(%dma_wait3A_180 : memref<160x64xf32, #tpu.memory_space<vmem_shared>>)
      tpu.yield
    }) : () -> ()
    %barrier3A = arith.constant 0 : index
    tpu.barrier barrier_id(%barrier3A)
    %add3A_23 = arith.constant 0 : i32
    %add3A_24 = arith.addi %mul3A_0, %add3A_23 : i32
    %dma_start3A = tpu.memref_slice %arg3[%add3A_24] : memref<320000xi32, #tpu.memory_space<hbm>> -> memref<80xi32, #tpu.memory_space<hbm>>
    %dma_start3A_25 = tpu.memref_slice %arg3[%add3A_24] : memref<320000xi32, #tpu.memory_space<hbm>> -> memref<80xi32, #tpu.memory_space<hbm>>
    tpu.enqueue_dma source(%dma_start3A_25 : memref<80xi32, #tpu.memory_space<hbm>>) target(%arg8 : memref<80xi32, #tpu.memory_space<vmem>>) target_semaphore(%arg24 : memref<!tpu.dma_semaphore, #tpu.memory_space<semaphore_mem>>)
    %dma_start3A_26 = tpu.memref_slice %arg4[%add3A_24] : memref<320000xi32, #tpu.memory_space<hbm>> -> memref<80xi32, #tpu.memory_space<hbm>>
    %dma_start3A_27 = tpu.memref_slice %arg4[%add3A_24] : memref<320000xi32, #tpu.memory_space<hbm>> -> memref<80xi32, #tpu.memory_space<hbm>>
    tpu.enqueue_dma source(%dma_start3A_27 : memref<80xi32, #tpu.memory_space<hbm>>) target(%arg10 : memref<80xi32, #tpu.memory_space<vmem>>) target_semaphore(%arg24 : memref<!tpu.dma_semaphore, #tpu.memory_space<semaphore_mem>>)
    %dma_start3A_28 = tpu.memref_slice %arg5[%add3A_24] : memref<320000xi32, #tpu.memory_space<hbm>> -> memref<80xi32, #tpu.memory_space<hbm>>
    %dma_start3A_29 = tpu.memref_slice %arg5[%add3A_24] : memref<320000xi32, #tpu.memory_space<hbm>> -> memref<80xi32, #tpu.memory_space<hbm>>
    tpu.enqueue_dma source(%dma_start3A_29 : memref<80xi32, #tpu.memory_space<hbm>>) target(%arg14 : memref<80xi32, #tpu.memory_space<vmem>>) target_semaphore(%arg24 : memref<!tpu.dma_semaphore, #tpu.memory_space<semaphore_mem>>)
    %add3A_30 = arith.constant 0 : i32
    %add3A_31 = arith.addi %mul3A_0, %add3A_30 : i32
    %dma_wait3A = tpu.memref_slice %arg3[%add3A_31] : memref<320000xi32, #tpu.memory_space<hbm>> -> memref<80xi32, #tpu.memory_space<hbm>>
    %dma_wait3A_32 = tpu.memref_slice %arg3[%add3A_31] : memref<320000xi32, #tpu.memory_space<hbm>> -> memref<80xi32, #tpu.memory_space<hbm>>
    tpu.wait_dma2 semaphore(%arg24 : memref<!tpu.dma_semaphore, #tpu.memory_space<semaphore_mem>>) src(%dma_wait3A_32 : memref<80xi32, #tpu.memory_space<hbm>>) dst(%arg8 : memref<80xi32, #tpu.memory_space<vmem>>)
    %dma_wait3A_33 = tpu.memref_slice %arg4[%add3A_31] : memref<320000xi32, #tpu.memory_space<hbm>> -> memref<80xi32, #tpu.memory_space<hbm>>
    %dma_wait3A_34 = tpu.memref_slice %arg4[%add3A_31] : memref<320000xi32, #tpu.memory_space<hbm>> -> memref<80xi32, #tpu.memory_space<hbm>>
    tpu.wait_dma2 semaphore(%arg24 : memref<!tpu.dma_semaphore, #tpu.memory_space<semaphore_mem>>) src(%dma_wait3A_34 : memref<80xi32, #tpu.memory_space<hbm>>) dst(%arg10 : memref<80xi32, #tpu.memory_space<vmem>>)
    %dma_wait3A_35 = tpu.memref_slice %arg5[%add3A_31] : memref<320000xi32, #tpu.memory_space<hbm>> -> memref<80xi32, #tpu.memory_space<hbm>>
    %dma_wait3A_36 = tpu.memref_slice %arg5[%add3A_31] : memref<320000xi32, #tpu.memory_space<hbm>> -> memref<80xi32, #tpu.memory_space<hbm>>
    tpu.wait_dma2 semaphore(%arg24 : memref<!tpu.dma_semaphore, #tpu.memory_space<semaphore_mem>>) src(%dma_wait3A_36 : memref<80xi32, #tpu.memory_space<hbm>>) dst(%arg14 : memref<80xi32, #tpu.memory_space<vmem>>)
    %mul3A_37 = arith.constant 512 : i32
    %mul3A_38 = arith.muli %arg0, %mul3A_37 : i32
    %mul3A_39 = arith.constant 10000 : i32
    %mul3A_40 = arith.muli %arg0, %mul3A_39 : i32
    %get3A = arith.constant 0 : index
    %get3A_41 = tpu.vector_load %arg14[%get3A] {strides = array<i32>} : memref<80xi32, #tpu.memory_space<vmem>>, vector<16xi32>,
    %get3A_42 = vector.shape_cast %get3A_41 : vector<16xi32> to vector<16xi32>
    %add3A_43 = vector.broadcast %mul3A_38 : i32 to vector<16xi32>
    %add3A_44 = arith.addi %get3A_42, %add3A_43 : vector<16xi32>
    %swap3A = arith.constant 0 : index
    %swap3A_45 = tpu.vector_load %arg14[%swap3A] {strides = array<i32>} : memref<80xi32, #tpu.memory_space<vmem>>, vector<16xi32>,
    %swap3A_46 = vector.shape_cast %swap3A_45 : vector<16xi32> to vector<16xi32>
    %swap3A_47 = vector.shape_cast %add3A_44 : vector<16xi32> to vector<16xi32>
    tpu.vector_store %arg14[%swap3A], %swap3A_47 {strides = array<i32>} : memref<80xi32, #tpu.memory_space<vmem>>, vector<16xi32>,
    %get3A_48 = arith.constant 0 : index
    %get3A_49 = tpu.vector_load %arg8[%get3A_48] {strides = array<i32>} : memref<80xi32, #tpu.memory_space<vmem>>, vector<16xi32>,
    %get3A_50 = vector.shape_cast %get3A_49 : vector<16xi32> to vector<16xi32>
    %add3A_51 = vector.broadcast %mul3A_40 : i32 to vector<16xi32>
    %add3A_52 = arith.addi %get3A_50, %add3A_51 : vector<16xi32>
    %swap3A_53 = arith.constant 0 : index
    %swap3A_54 = tpu.vector_load %arg8[%swap3A_53] {strides = array<i32>} : memref<80xi32, #tpu.memory_space<vmem>>, vector<16xi32>,
    %swap3A_55 = vector.shape_cast %swap3A_54 : vector<16xi32> to vector<16xi32>
    %swap3A_56 = vector.shape_cast %add3A_52 : vector<16xi32> to vector<16xi32>
    tpu.vector_store %arg8[%swap3A_53], %swap3A_56 {strides = array<i32>} : memref<80xi32, #tpu.memory_space<vmem>>, vector<16xi32>,
    %get3A_57 = arith.constant 16 : index
    %get3A_58 = tpu.vector_load %arg14[%get3A_57] {strides = array<i32>} : memref<80xi32, #tpu.memory_space<vmem>>, vector<16xi32>,
    %get3A_59 = vector.shape_cast %get3A_58 : vector<16xi32> to vector<16xi32>
    %add3A_60 = vector.broadcast %mul3A_38 : i32 to vector<16xi32>
    %add3A_61 = arith.addi %get3A_59, %add3A_60 : vector<16xi32>
    %swap3A_62 = arith.constant 16 : index
    %swap3A_63 = tpu.vector_load %arg14[%swap3A_62] {strides = array<i32>} : memref<80xi32, #tpu.memory_space<vmem>>, vector<16xi32>,
    %swap3A_64 = vector.shape_cast %swap3A_63 : vector<16xi32> to vector<16xi32>
    %swap3A_65 = vector.shape_cast %add3A_61 : vector<16xi32> to vector<16xi32>
    tpu.vector_store %arg14[%swap3A_62], %swap3A_65 {strides = array<i32>} : memref<80xi32, #tpu.memory_space<vmem>>, vector<16xi32>,
    %get3A_66 = arith.constant 16 : index
    %get3A_67 = tpu.vector_load %arg8[%get3A_66] {strides = array<i32>} : memref<80xi32, #tpu.memory_space<vmem>>, vector<16xi32>,
    %get3A_68 = vector.shape_cast %get3A_67 : vector<16xi32> to vector<16xi32>
    %add3A_69 = vector.broadcast %mul3A_40 : i32 to vector<16xi32>
    %add3A_70 = arith.addi %get3A_68, %add3A_69 : vector<16xi32>
    %swap3A_71 = arith.constant 16 : index
    %swap3A_72 = tpu.vector_load %arg8[%swap3A_71] {strides = array<i32>} : memref<80xi32, #tpu.memory_space<vmem>>, vector<16xi32>,
    %swap3A_73 = vector.shape_cast %swap3A_72 : vector<16xi32> to vector<16xi32>
    %swap3A_74 = vector.shape_cast %add3A_70 : vector<16xi32> to vector<16xi32>
    tpu.vector_store %arg8[%swap3A_71], %swap3A_74 {strides = array<i32>} : memref<80xi32, #tpu.memory_space<vmem>>, vector<16xi32>,
    %get3A_75 = arith.constant 32 : index
    %get3A_76 = tpu.vector_load %arg14[%get3A_75] {strides = array<i32>} : memref<80xi32, #tpu.memory_space<vmem>>, vector<16xi32>,
    %get3A_77 = vector.shape_cast %get3A_76 : vector<16xi32> to vector<16xi32>
    %add3A_78 = vector.broadcast %mul3A_38 : i32 to vector<16xi32>
    %add3A_79 = arith.addi %get3A_77, %add3A_78 : vector<16xi32>
    %swap3A_80 = arith.constant 32 : index
    %swap3A_81 = tpu.vector_load %arg14[%swap3A_80] {strides = array<i32>} : memref<80xi32, #tpu.memory_space<vmem>>, vector<16xi32>,
    %swap3A_82 = vector.shape_cast %swap3A_81 : vector<16xi32> to vector<16xi32>
    %swap3A_83 = vector.shape_cast %add3A_79 : vector<16xi32> to vector<16xi32>
    tpu.vector_store %arg14[%swap3A_80], %swap3A_83 {strides = array<i32>} : memref<80xi32, #tpu.memory_space<vmem>>, vector<16xi32>,
    %get3A_84 = arith.constant 32 : index
    %get3A_85 = tpu.vector_load %arg8[%get3A_84] {strides = array<i32>} : memref<80xi32, #tpu.memory_space<vmem>>, vector<16xi32>,
    %get3A_86 = vector.shape_cast %get3A_85 : vector<16xi32> to vector<16xi32>
    %add3A_87 = vector.broadcast %mul3A_40 : i32 to vector<16xi32>
    %add3A_88 = arith.addi %get3A_86, %add3A_87 : vector<16xi32>
    %swap3A_89 = arith.constant 32 : index
    %swap3A_90 = tpu.vector_load %arg8[%swap3A_89] {strides = array<i32>} : memref<80xi32, #tpu.memory_space<vmem>>, vector<16xi32>,
    %swap3A_91 = vector.shape_cast %swap3A_90 : vector<16xi32> to vector<16xi32>
    %swap3A_92 = vector.shape_cast %add3A_88 : vector<16xi32> to vector<16xi32>
    tpu.vector_store %arg8[%swap3A_89], %swap3A_92 {strides = array<i32>} : memref<80xi32, #tpu.memory_space<vmem>>, vector<16xi32>,
    %get3A_93 = arith.constant 48 : index
    %get3A_94 = tpu.vector_load %arg14[%get3A_93] {strides = array<i32>} : memref<80xi32, #tpu.memory_space<vmem>>, vector<16xi32>,
    %get3A_95 = vector.shape_cast %get3A_94 : vector<16xi32> to vector<16xi32>
    %add3A_96 = vector.broadcast %mul3A_38 : i32 to vector<16xi32>
    %add3A_97 = arith.addi %get3A_95, %add3A_96 : vector<16xi32>
    %swap3A_98 = arith.constant 48 : index
    %swap3A_99 = tpu.vector_load %arg14[%swap3A_98] {strides = array<i32>} : memref<80xi32, #tpu.memory_space<vmem>>, vector<16xi32>,
    %swap3A_100 = vector.shape_cast %swap3A_99 : vector<16xi32> to vector<16xi32>
    %swap3A_101 = vector.shape_cast %add3A_97 : vector<16xi32> to vector<16xi32>
    tpu.vector_store %arg14[%swap3A_98], %swap3A_101 {strides = array<i32>} : memref<80xi32, #tpu.memory_space<vmem>>, vector<16xi32>,
    %get3A_102 = arith.constant 48 : index
    %get3A_103 = tpu.vector_load %arg8[%get3A_102] {strides = array<i32>} : memref<80xi32, #tpu.memory_space<vmem>>, vector<16xi32>,
    %get3A_104 = vector.shape_cast %get3A_103 : vector<16xi32> to vector<16xi32>
    %add3A_105 = vector.broadcast %mul3A_40 : i32 to vector<16xi32>
    %add3A_106 = arith.addi %get3A_104, %add3A_105 : vector<16xi32>
    %swap3A_107 = arith.constant 48 : index
    %swap3A_108 = tpu.vector_load %arg8[%swap3A_107] {strides = array<i32>} : memref<80xi32, #tpu.memory_space<vmem>>, vector<16xi32>,
    %swap3A_109 = vector.shape_cast %swap3A_108 : vector<16xi32> to vector<16xi32>
    %swap3A_110 = vector.shape_cast %add3A_106 : vector<16xi32> to vector<16xi32>
    tpu.vector_store %arg8[%swap3A_107], %swap3A_110 {strides = array<i32>} : memref<80xi32, #tpu.memory_space<vmem>>, vector<16xi32>,
    %get3A_111 = arith.constant 64 : index
    %get3A_112 = tpu.vector_load %arg14[%get3A_111] {strides = array<i32>} : memref<80xi32, #tpu.memory_space<vmem>>, vector<16xi32>,
    %get3A_113 = vector.shape_cast %get3A_112 : vector<16xi32> to vector<16xi32>
    %add3A_114 = vector.broadcast %mul3A_38 : i32 to vector<16xi32>
    %add3A_115 = arith.addi %get3A_113, %add3A_114 : vector<16xi32>
    %swap3A_116 = arith.constant 64 : index
    %swap3A_117 = tpu.vector_load %arg14[%swap3A_116] {strides = array<i32>} : memref<80xi32, #tpu.memory_space<vmem>>, vector<16xi32>,
    %swap3A_118 = vector.shape_cast %swap3A_117 : vector<16xi32> to vector<16xi32>
    %swap3A_119 = vector.shape_cast %add3A_115 : vector<16xi32> to vector<16xi32>
    tpu.vector_store %arg14[%swap3A_116], %swap3A_119 {strides = array<i32>} : memref<80xi32, #tpu.memory_space<vmem>>, vector<16xi32>,
    %get3A_120 = arith.constant 64 : index
    %get3A_121 = tpu.vector_load %arg8[%get3A_120] {strides = array<i32>} : memref<80xi32, #tpu.memory_space<vmem>>, vector<16xi32>,
    %get3A_122 = vector.shape_cast %get3A_121 : vector<16xi32> to vector<16xi32>
    %add3A_123 = vector.broadcast %mul3A_40 : i32 to vector<16xi32>
    %add3A_124 = arith.addi %get3A_122, %add3A_123 : vector<16xi32>
    %swap3A_125 = arith.constant 64 : index
    %swap3A_126 = tpu.vector_load %arg8[%swap3A_125] {strides = array<i32>} : memref<80xi32, #tpu.memory_space<vmem>>, vector<16xi32>,
    %swap3A_127 = vector.shape_cast %swap3A_126 : vector<16xi32> to vector<16xi32>
    %swap3A_128 = vector.shape_cast %add3A_124 : vector<16xi32> to vector<16xi32>
    tpu.vector_store %arg8[%swap3A_125], %swap3A_128 {strides = array<i32>} : memref<80xi32, #tpu.memory_space<vmem>>, vector<16xi32>,
    %dma_start3A_129 = arith.constant 0 : i32
    %dma_start3A_130 = arith.constant 0 : i32
    %dma_start3A_131 = tpu.memref_slice %arg2[%dma_start3A_129, %dma_start3A_130] : memref<20000x64xf32, #tpu.memory_space<hbm>> -> memref<20000x64xf32, #tpu.memory_space<hbm>>
    tpu.enqueue_indirect_dma source(%dma_start3A_131 : memref<20000x64xf32, #tpu.memory_space<hbm>>) target(%arg16 : memref<80x64xf32, #tpu.memory_space<vmem>>) offsets(%arg8 : memref<80xi32, #tpu.memory_space<vmem>>) semaphore(%arg26 : memref<!tpu.dma_semaphore, #tpu.memory_space<semaphore_mem>>)
    %dma_start3A_132 = arith.constant 0 : i32
    %dma_start3A_133 = arith.constant 0 : i32
    %dma_start3A_134 = tpu.memref_slice %arg6[%dma_start3A_132, %dma_start3A_133] : memref<1024x64xf32, #tpu.memory_space<hbm>> -> memref<1024x64xf32, #tpu.memory_space<hbm>>
    tpu.enqueue_indirect_dma source(%dma_start3A_134 : memref<1024x64xf32, #tpu.memory_space<hbm>>) target(%arg18 : memref<80x64xf32, #tpu.memory_space<vmem>>) offsets(%arg14 : memref<80xi32, #tpu.memory_space<vmem>>) semaphore(%arg28 : memref<!tpu.dma_semaphore, #tpu.memory_space<semaphore_mem>>)
    %add3A_135 = arith.constant 80 : i32
    %add3A_136 = arith.addi %mul3A_0, %add3A_135 : i32
    %dma_start3A_137 = tpu.memref_slice %arg3[%add3A_136] : memref<320000xi32, #tpu.memory_space<hbm>> -> memref<80xi32, #tpu.memory_space<hbm>>
    %dma_start3A_138 = tpu.memref_slice %arg3[%add3A_136] : memref<320000xi32, #tpu.memory_space<hbm>> -> memref<80xi32, #tpu.memory_space<hbm>>
    tpu.enqueue_dma source(%dma_start3A_138 : memref<80xi32, #tpu.memory_space<hbm>>) target(%arg9 : memref<80xi32, #tpu.memory_space<vmem>>) target_semaphore(%arg25 : memref<!tpu.dma_semaphore, #tpu.memory_space<semaphore_mem>>)
    %dma_start3A_139 = tpu.memref_slice %arg4[%add3A_136] : memref<320000xi32, #tpu.memory_space<hbm>> -> memref<80xi32, #tpu.memory_space<hbm>>
    %dma_start3A_140 = tpu.memref_slice %arg4[%add3A_136] : memref<320000xi32, #tpu.memory_space<hbm>> -> memref<80xi32, #tpu.memory_space<hbm>>
    tpu.enqueue_dma source(%dma_start3A_140 : memref<80xi32, #tpu.memory_space<hbm>>) target(%arg11 : memref<80xi32, #tpu.memory_space<vmem>>) target_semaphore(%arg25 : memref<!tpu.dma_semaphore, #tpu.memory_space<semaphore_mem>>)
    %dma_start3A_141 = tpu.memref_slice %arg5[%add3A_136] : memref<320000xi32, #tpu.memory_space<hbm>> -> memref<80xi32, #tpu.memory_space<hbm>>
    %dma_start3A_142 = tpu.memref_slice %arg5[%add3A_136] : memref<320000xi32, #tpu.memory_space<hbm>> -> memref<80xi32, #tpu.memory_space<hbm>>
    tpu.enqueue_dma source(%dma_start3A_142 : memref<80xi32, #tpu.memory_space<hbm>>) target(%arg15 : memref<80xi32, #tpu.memory_space<vmem>>) target_semaphore(%arg25 : memref<!tpu.dma_semaphore, #tpu.memory_space<semaphore_mem>>)
    %scan3A_143 = arith.constant 0 : i32
    %scan3A_144 = arith.constant 0 : i32
    %scan3A_145 = arith.constant 125 : i32
    %scan3A_146 = arith.addi %scan3A_144, %scan3A_145 : i32
    %scan3A_147 = arith.constant 1 : i32
    %scan3A_148 = scf.for %scan3A_173 = %scan3A_144 to %scan3A_146 step %scan3A_147 iter_args(%scan3A_174 = %scan3A_143) -> (i32)  : i32 {
      %mul3A_175 = arith.constant 2 : i32
      %mul3A_176 = arith.muli %mul3A_175, %scan3A_173 : i32
      %add3A_177 = arith.constant 0 : i32
      %add3A_178 = arith.addi %mul3A_176, %add3A_177 : i32
      %add3A_179 = arith.constant 1 : i32
      %add3A_180 = arith.addi %add3A_178, %add3A_179 : i32
      %lt3A = arith.constant 250 : i32
      %lt3A_181 = arith.cmpi slt, %add3A_180, %lt3A : i32
      %convert_element_type3A = arith.extui %lt3A_181 : i1 to i32
      %cond3A = arith.constant 0 : i32
      %cond3A_182 = arith.cmpi ne, %convert_element_type3A, %cond3A : i32
      scf.if %cond3A_182 {
        %add3A_320 = arith.constant 1 : i32
        %add3A_321 = arith.addi %add3A_178, %add3A_320 : i32
        %mul3A_322 = arith.constant 80 : i32
        %mul3A_323 = arith.muli %add3A_321, %mul3A_322 : i32
        %add3A_324 = arith.addi %mul3A_0, %mul3A_323 : i32
        %dma_wait3A_325 = tpu.memref_slice %arg3[%add3A_324] : memref<320000xi32, #tpu.memory_space<hbm>> -> memref<80xi32, #tpu.memory_space<hbm>>
        %dma_wait3A_326 = tpu.memref_slice %arg3[%add3A_324] : memref<320000xi32, #tpu.memory_space<hbm>> -> memref<80xi32, #tpu.memory_space<hbm>>
        tpu.wait_dma2 semaphore(%arg25 : memref<!tpu.dma_semaphore, #tpu.memory_space<semaphore_mem>>) src(%dma_wait3A_326 : memref<80xi32, #tpu.memory_space<hbm>>) dst(%arg9 : memref<80xi32, #tpu.memory_space<vmem>>)
        %dma_wait3A_327 = tpu.memref_slice %arg4[%add3A_324] : memref<320000xi32, #tpu.memory_space<hbm>> -> memref<80xi32, #tpu.memory_space<hbm>>
        %dma_wait3A_328 = tpu.memref_slice %arg4[%add3A_324] : memref<320000xi32, #tpu.memory_space<hbm>> -> memref<80xi32, #tpu.memory_space<hbm>>
        tpu.wait_dma2 semaphore(%arg25 : memref<!tpu.dma_semaphore, #tpu.memory_space<semaphore_mem>>) src(%dma_wait3A_328 : memref<80xi32, #tpu.memory_space<hbm>>) dst(%arg11 : memref<80xi32, #tpu.memory_space<vmem>>)
        %dma_wait3A_329 = tpu.memref_slice %arg5[%add3A_324] : memref<320000xi32, #tpu.memory_space<hbm>> -> memref<80xi32, #tpu.memory_space<hbm>>
        %dma_wait3A_330 = tpu.memref_slice %arg5[%add3A_324] : memref<320000xi32, #tpu.memory_space<hbm>> -> memref<80xi32, #tpu.memory_space<hbm>>
        tpu.wait_dma2 semaphore(%arg25 : memref<!tpu.dma_semaphore, #tpu.memory_space<semaphore_mem>>) src(%dma_wait3A_330 : memref<80xi32, #tpu.memory_space<hbm>>) dst(%arg15 : memref<80xi32, #tpu.memory_space<vmem>>)
        %mul3A_331 = arith.constant 512 : i32
        %mul3A_332 = arith.muli %arg0, %mul3A_331 : i32
        %mul3A_333 = arith.constant 10000 : i32
        %mul3A_334 = arith.muli %arg0, %mul3A_333 : i32
        %get3A_335 = arith.constant 0 : index
        %get3A_336 = tpu.vector_load %arg15[%get3A_335] {strides = array<i32>} : memref<80xi32, #tpu.memory_space<vmem>>, vector<16xi32>,
        %get3A_337 = vector.shape_cast %get3A_336 : vector<16xi32> to vector<16xi32>
        %add3A_338 = vector.broadcast %mul3A_332 : i32 to vector<16xi32>
        %add3A_339 = arith.addi %get3A_337, %add3A_338 : vector<16xi32>
        %swap3A_340 = arith.constant 0 : index
        %swap3A_341 = tpu.vector_load %arg15[%swap3A_340] {strides = array<i32>} : memref<80xi32, #tpu.memory_space<vmem>>, vector<16xi32>,
        %swap3A_342 = vector.shape_cast %swap3A_341 : vector<16xi32> to vector<16xi32>
        %swap3A_343 = vector.shape_cast %add3A_339 : vector<16xi32> to vector<16xi32>
        tpu.vector_store %arg15[%swap3A_340], %swap3A_343 {strides = array<i32>} : memref<80xi32, #tpu.memory_space<vmem>>, vector<16xi32>,
        %get3A_344 = arith.constant 0 : index
        %get3A_345 = tpu.vector_load %arg9[%get3A_344] {strides = array<i32>} : memref<80xi32, #tpu.memory_space<vmem>>, vector<16xi32>,
        %get3A_346 = vector.shape_cast %get3A_345 : vector<16xi32> to vector<16xi32>
        %add3A_347 = vector.broadcast %mul3A_334 : i32 to vector<16xi32>
        %add3A_348 = arith.addi %get3A_346, %add3A_347 : vector<16xi32>
        %swap3A_349 = arith.constant 0 : index
        %swap3A_350 = tpu.vector_load %arg9[%swap3A_349] {strides = array<i32>} : memref<80xi32, #tpu.memory_space<vmem>>, vector<16xi32>,
        %swap3A_351 = vector.shape_cast %swap3A_350 : vector<16xi32> to vector<16xi32>
        %swap3A_352 = vector.shape_cast %add3A_348 : vector<16xi32> to vector<16xi32>
        tpu.vector_store %arg9[%swap3A_349], %swap3A_352 {strides = array<i32>} : memref<80xi32, #tpu.memory_space<vmem>>, vector<16xi32>,
        %get3A_353 = arith.constant 16 : index
        %get3A_354 = tpu.vector_load %arg15[%get3A_353] {strides = array<i32>} : memref<80xi32, #tpu.memory_space<vmem>>, vector<16xi32>,
        %get3A_355 = vector.shape_cast %get3A_354 : vector<16xi32> to vector<16xi32>
        %add3A_356 = vector.broadcast %mul3A_332 : i32 to vector<16xi32>
        %add3A_357 = arith.addi %get3A_355, %add3A_356 : vector<16xi32>
        %swap3A_358 = arith.constant 16 : index
        %swap3A_359 = tpu.vector_load %arg15[%swap3A_358] {strides = array<i32>} : memref<80xi32, #tpu.memory_space<vmem>>, vector<16xi32>,
        %swap3A_360 = vector.shape_cast %swap3A_359 : vector<16xi32> to vector<16xi32>
        %swap3A_361 = vector.shape_cast %add3A_357 : vector<16xi32> to vector<16xi32>
        tpu.vector_store %arg15[%swap3A_358], %swap3A_361 {strides = array<i32>} : memref<80xi32, #tpu.memory_space<vmem>>, vector<16xi32>,
        %get3A_362 = arith.constant 16 : index
        %get3A_363 = tpu.vector_load %arg9[%get3A_362] {strides = array<i32>} : memref<80xi32, #tpu.memory_space<vmem>>, vector<16xi32>,
        %get3A_364 = vector.shape_cast %get3A_363 : vector<16xi32> to vector<16xi32>
        %add3A_365 = vector.broadcast %mul3A_334 : i32 to vector<16xi32>
        %add3A_366 = arith.addi %get3A_364, %add3A_365 : vector<16xi32>
        %swap3A_367 = arith.constant 16 : index
        %swap3A_368 = tpu.vector_load %arg9[%swap3A_367] {strides = array<i32>} : memref<80xi32, #tpu.memory_space<vmem>>, vector<16xi32>,
        %swap3A_369 = vector.shape_cast %swap3A_368 : vector<16xi32> to vector<16xi32>
        %swap3A_370 = vector.shape_cast %add3A_366 : vector<16xi32> to vector<16xi32>
        tpu.vector_store %arg9[%swap3A_367], %swap3A_370 {strides = array<i32>} : memref<80xi32, #tpu.memory_space<vmem>>, vector<16xi32>,
        %get3A_371 = arith.constant 32 : index
        %get3A_372 = tpu.vector_load %arg15[%get3A_371] {strides = array<i32>} : memref<80xi32, #tpu.memory_space<vmem>>, vector<16xi32>,
        %get3A_373 = vector.shape_cast %get3A_372 : vector<16xi32> to vector<16xi32>
        %add3A_374 = vector.broadcast %mul3A_332 : i32 to vector<16xi32>
        %add3A_375 = arith.addi %get3A_373, %add3A_374 : vector<16xi32>
        %swap3A_376 = arith.constant 32 : index
        %swap3A_377 = tpu.vector_load %arg15[%swap3A_376] {strides = array<i32>} : memref<80xi32, #tpu.memory_space<vmem>>, vector<16xi32>,
        %swap3A_378 = vector.shape_cast %swap3A_377 : vector<16xi32> to vector<16xi32>
        %swap3A_379 = vector.shape_cast %add3A_375 : vector<16xi32> to vector<16xi32>
        tpu.vector_store %arg15[%swap3A_376], %swap3A_379 {strides = array<i32>} : memref<80xi32, #tpu.memory_space<vmem>>, vector<16xi32>,
        %get3A_380 = arith.constant 32 : index
        %get3A_381 = tpu.vector_load %arg9[%get3A_380] {strides = array<i32>} : memref<80xi32, #tpu.memory_space<vmem>>, vector<16xi32>,
        %get3A_382 = vector.shape_cast %get3A_381 : vector<16xi32> to vector<16xi32>
        %add3A_383 = vector.broadcast %mul3A_334 : i32 to vector<16xi32>
        %add3A_384 = arith.addi %get3A_382, %add3A_383 : vector<16xi32>
        %swap3A_385 = arith.constant 32 : index
        %swap3A_386 = tpu.vector_load %arg9[%swap3A_385] {strides = array<i32>} : memref<80xi32, #tpu.memory_space<vmem>>, vector<16xi32>,
        %swap3A_387 = vector.shape_cast %swap3A_386 : vector<16xi32> to vector<16xi32>
        %swap3A_388 = vector.shape_cast %add3A_384 : vector<16xi32> to vector<16xi32>
        tpu.vector_store %arg9[%swap3A_385], %swap3A_388 {strides = array<i32>} : memref<80xi32, #tpu.memory_space<vmem>>, vector<16xi32>,
        %get3A_389 = arith.constant 48 : index
        %get3A_390 = tpu.vector_load %arg15[%get3A_389] {strides = array<i32>} : memref<80xi32, #tpu.memory_space<vmem>>, vector<16xi32>,
        %get3A_391 = vector.shape_cast %get3A_390 : vector<16xi32> to vector<16xi32>
        %add3A_392 = vector.broadcast %mul3A_332 : i32 to vector<16xi32>
        %add3A_393 = arith.addi %get3A_391, %add3A_392 : vector<16xi32>
        %swap3A_394 = arith.constant 48 : index
        %swap3A_395 = tpu.vector_load %arg15[%swap3A_394] {strides = array<i32>} : memref<80xi32, #tpu.memory_space<vmem>>, vector<16xi32>,
        %swap3A_396 = vector.shape_cast %swap3A_395 : vector<16xi32> to vector<16xi32>
        %swap3A_397 = vector.shape_cast %add3A_393 : vector<16xi32> to vector<16xi32>
        tpu.vector_store %arg15[%swap3A_394], %swap3A_397 {strides = array<i32>} : memref<80xi32, #tpu.memory_space<vmem>>, vector<16xi32>,
        %get3A_398 = arith.constant 48 : index
        %get3A_399 = tpu.vector_load %arg9[%get3A_398] {strides = array<i32>} : memref<80xi32, #tpu.memory_space<vmem>>, vector<16xi32>,
        %get3A_400 = vector.shape_cast %get3A_399 : vector<16xi32> to vector<16xi32>
        %add3A_401 = vector.broadcast %mul3A_334 : i32 to vector<16xi32>
        %add3A_402 = arith.addi %get3A_400, %add3A_401 : vector<16xi32>
        %swap3A_403 = arith.constant 48 : index
        %swap3A_404 = tpu.vector_load %arg9[%swap3A_403] {strides = array<i32>} : memref<80xi32, #tpu.memory_space<vmem>>, vector<16xi32>,
        %swap3A_405 = vector.shape_cast %swap3A_404 : vector<16xi32> to vector<16xi32>
        %swap3A_406 = vector.shape_cast %add3A_402 : vector<16xi32> to vector<16xi32>
        tpu.vector_store %arg9[%swap3A_403], %swap3A_406 {strides = array<i32>} : memref<80xi32, #tpu.memory_space<vmem>>, vector<16xi32>,
        %get3A_407 = arith.constant 64 : index
        %get3A_408 = tpu.vector_load %arg15[%get3A_407] {strides = array<i32>} : memref<80xi32, #tpu.memory_space<vmem>>, vector<16xi32>,
        %get3A_409 = vector.shape_cast %get3A_408 : vector<16xi32> to vector<16xi32>
        %add3A_410 = vector.broadcast %mul3A_332 : i32 to vector<16xi32>
        %add3A_411 = arith.addi %get3A_409, %add3A_410 : vector<16xi32>
        %swap3A_412 = arith.constant 64 : index
        %swap3A_413 = tpu.vector_load %arg15[%swap3A_412] {strides = array<i32>} : memref<80xi32, #tpu.memory_space<vmem>>, vector<16xi32>,
        %swap3A_414 = vector.shape_cast %swap3A_413 : vector<16xi32> to vector<16xi32>
        %swap3A_415 = vector.shape_cast %add3A_411 : vector<16xi32> to vector<16xi32>
        tpu.vector_store %arg15[%swap3A_412], %swap3A_415 {strides = array<i32>} : memref<80xi32, #tpu.memory_space<vmem>>, vector<16xi32>,
        %get3A_416 = arith.constant 64 : index
        %get3A_417 = tpu.vector_load %arg9[%get3A_416] {strides = array<i32>} : memref<80xi32, #tpu.memory_space<vmem>>, vector<16xi32>,
        %get3A_418 = vector.shape_cast %get3A_417 : vector<16xi32> to vector<16xi32>
        %add3A_419 = vector.broadcast %mul3A_334 : i32 to vector<16xi32>
        %add3A_420 = arith.addi %get3A_418, %add3A_419 : vector<16xi32>
        %swap3A_421 = arith.constant 64 : index
        %swap3A_422 = tpu.vector_load %arg9[%swap3A_421] {strides = array<i32>} : memref<80xi32, #tpu.memory_space<vmem>>, vector<16xi32>,
        %swap3A_423 = vector.shape_cast %swap3A_422 : vector<16xi32> to vector<16xi32>
        %swap3A_424 = vector.shape_cast %add3A_420 : vector<16xi32> to vector<16xi32>
        tpu.vector_store %arg9[%swap3A_421], %swap3A_424 {strides = array<i32>} : memref<80xi32, #tpu.memory_space<vmem>>, vector<16xi32>,
        %dma_start3A_425 = arith.constant 0 : i32
        %dma_start3A_426 = arith.constant 0 : i32
        %dma_start3A_427 = tpu.memref_slice %arg2[%dma_start3A_425, %dma_start3A_426] : memref<20000x64xf32, #tpu.memory_space<hbm>> -> memref<20000x64xf32, #tpu.memory_space<hbm>>
        tpu.enqueue_indirect_dma source(%dma_start3A_427 : memref<20000x64xf32, #tpu.memory_space<hbm>>) target(%arg17 : memref<80x64xf32, #tpu.memory_space<vmem>>) offsets(%arg9 : memref<80xi32, #tpu.memory_space<vmem>>) semaphore(%arg27 : memref<!tpu.dma_semaphore, #tpu.memory_space<semaphore_mem>>)
        %dma_start3A_428 = arith.constant 0 : i32
        %dma_start3A_429 = arith.constant 0 : i32
        %dma_start3A_430 = tpu.memref_slice %arg6[%dma_start3A_428, %dma_start3A_429] : memref<1024x64xf32, #tpu.memory_space<hbm>> -> memref<1024x64xf32, #tpu.memory_space<hbm>>
        tpu.enqueue_indirect_dma source(%dma_start3A_430 : memref<1024x64xf32, #tpu.memory_space<hbm>>) target(%arg19 : memref<80x64xf32, #tpu.memory_space<vmem>>) offsets(%arg15 : memref<80xi32, #tpu.memory_space<vmem>>) semaphore(%arg29 : memref<!tpu.dma_semaphore, #tpu.memory_space<semaphore_mem>>)
      } else {
      }
      %dma_wait3A_183 = arith.constant 0 : i32
      %dma_wait3A_184 = arith.constant 0 : i32
      %dma_wait3A_185 = tpu.memref_slice %arg2[%dma_wait3A_183, %dma_wait3A_184] : memref<20000x64xf32, #tpu.memory_space<hbm>> -> memref<20000x64xf32, #tpu.memory_space<hbm>>
      tpu.wait_indirect_dma semaphore(%arg26 : memref<!tpu.dma_semaphore, #tpu.memory_space<semaphore_mem>>) src(%dma_wait3A_185 : memref<20000x64xf32, #tpu.memory_space<hbm>>) dst(%arg16 : memref<80x64xf32, #tpu.memory_space<vmem>>)
      %dma_wait3A_186 = arith.constant 0 : i32
      %dma_wait3A_187 = arith.constant 0 : i32
      %dma_wait3A_188 = tpu.memref_slice %arg6[%dma_wait3A_186, %dma_wait3A_187] : memref<1024x64xf32, #tpu.memory_space<hbm>> -> memref<1024x64xf32, #tpu.memory_space<hbm>>
      tpu.wait_indirect_dma semaphore(%arg28 : memref<!tpu.dma_semaphore, #tpu.memory_space<semaphore_mem>>) src(%dma_wait3A_188 : memref<1024x64xf32, #tpu.memory_space<hbm>>) dst(%arg18 : memref<80x64xf32, #tpu.memory_space<vmem>>)
      %ge3A = arith.constant 2 : i32
      %ge3A_189 = arith.cmpi sge, %add3A_178, %ge3A : i32
      %convert_element_type3A_190 = arith.extui %ge3A_189 : i1 to i32
      %cond3A_191 = arith.constant 0 : i32
      %cond3A_192 = arith.cmpi ne, %convert_element_type3A_190, %cond3A_191 : i32
      scf.if %cond3A_192 {
        %dma_wait3A_320 = arith.constant 0 : i32
        %dma_wait3A_321 = arith.constant 0 : i32
        %dma_wait3A_322 = tpu.memref_slice %arg23[%dma_wait3A_320, %dma_wait3A_321] : memref<10240x64xf32, #tpu.memory_space<vmem_shared>> -> memref<10240x64xf32, #tpu.memory_space<vmem_shared>>
        tpu.wait_indirect_dma semaphore(%arg30 : memref<!tpu.dma_semaphore, #tpu.memory_space<semaphore_mem>>) src(%arg20 : memref<80x64xf32, #tpu.memory_space<vmem>>) dst(%dma_wait3A_322 : memref<10240x64xf32, #tpu.memory_space<vmem_shared>>)
      } else {
      }
      %get3A_193 = arith.constant 0 : index
      %get3A_194 = tpu.vector_load %arg10[%get3A_193] {strides = array<i32>} : memref<80xi32, #tpu.memory_space<vmem>>, vector<16xi32>,
      %get3A_195 = vector.shape_cast %get3A_194 : vector<16xi32> to vector<16xi32>
      %swap3A_196 = arith.constant 0 : index
      %swap3A_197 = tpu.vector_load %arg12[%swap3A_196] {strides = array<i32>} : memref<80xi32, #tpu.memory_space<vmem>>, vector<16xi32>,
      %swap3A_198 = vector.shape_cast %swap3A_197 : vector<16xi32> to vector<16xi32>
      %swap3A_199 = vector.shape_cast %get3A_195 : vector<16xi32> to vector<16xi32>
      tpu.vector_store %arg12[%swap3A_196], %swap3A_199 {strides = array<i32>} : memref<80xi32, #tpu.memory_space<vmem>>, vector<16xi32>,
      %get3A_200 = arith.constant 16 : index
      %get3A_201 = tpu.vector_load %arg10[%get3A_200] {strides = array<i32>} : memref<80xi32, #tpu.memory_space<vmem>>, vector<16xi32>,
      %get3A_202 = vector.shape_cast %get3A_201 : vector<16xi32> to vector<16xi32>
      %swap3A_203 = arith.constant 16 : index
      %swap3A_204 = tpu.vector_load %arg12[%swap3A_203] {strides = array<i32>} : memref<80xi32, #tpu.memory_space<vmem>>, vector<16xi32>,
      %swap3A_205 = vector.shape_cast %swap3A_204 : vector<16xi32> to vector<16xi32>
      %swap3A_206 = vector.shape_cast %get3A_202 : vector<16xi32> to vector<16xi32>
      tpu.vector_store %arg12[%swap3A_203], %swap3A_206 {strides = array<i32>} : memref<80xi32, #tpu.memory_space<vmem>>, vector<16xi32>,
      %get3A_207 = arith.constant 32 : index
      %get3A_208 = tpu.vector_load %arg10[%get3A_207] {strides = array<i32>} : memref<80xi32, #tpu.memory_space<vmem>>, vector<16xi32>,
      %get3A_209 = vector.shape_cast %get3A_208 : vector<16xi32> to vector<16xi32>
      %swap3A_210 = arith.constant 32 : index
      %swap3A_211 = tpu.vector_load %arg12[%swap3A_210] {strides = array<i32>} : memref<80xi32, #tpu.memory_space<vmem>>, vector<16xi32>,
      %swap3A_212 = vector.shape_cast %swap3A_211 : vector<16xi32> to vector<16xi32>
      %swap3A_213 = vector.shape_cast %get3A_209 : vector<16xi32> to vector<16xi32>
      tpu.vector_store %arg12[%swap3A_210], %swap3A_213 {strides = array<i32>} : memref<80xi32, #tpu.memory_space<vmem>>, vector<16xi32>,
      %get3A_214 = arith.constant 48 : index
      %get3A_215 = tpu.vector_load %arg10[%get3A_214] {strides = array<i32>} : memref<80xi32, #tpu.memory_space<vmem>>, vector<16xi32>,
      %get3A_216 = vector.shape_cast %get3A_215 : vector<16xi32> to vector<16xi32>
      %swap3A_217 = arith.constant 48 : index
      %swap3A_218 = tpu.vector_load %arg12[%swap3A_217] {strides = array<i32>} : memref<80xi32, #tpu.memory_space<vmem>>, vector<16xi32>,
      %swap3A_219 = vector.shape_cast %swap3A_218 : vector<16xi32> to vector<16xi32>
      %swap3A_220 = vector.shape_cast %get3A_216 : vector<16xi32> to vector<16xi32>
      tpu.vector_store %arg12[%swap3A_217], %swap3A_220 {strides = array<i32>} : memref<80xi32, #tpu.memory_space<vmem>>, vector<16xi32>,
      %get3A_221 = arith.constant 64 : index
      %get3A_222 = tpu.vector_load %arg10[%get3A_221] {strides = array<i32>} : memref<80xi32, #tpu.memory_space<vmem>>, vector<16xi32>,
      %get3A_223 = vector.shape_cast %get3A_222 : vector<16xi32> to vector<16xi32>
      %swap3A_224 = arith.constant 64 : index
      %swap3A_225 = tpu.vector_load %arg12[%swap3A_224] {strides = array<i32>} : memref<80xi32, #tpu.memory_space<vmem>>, vector<16xi32>,
      %swap3A_226 = vector.shape_cast %swap3A_225 : vector<16xi32> to vector<16xi32>
      %swap3A_227 = vector.shape_cast %get3A_223 : vector<16xi32> to vector<16xi32>
      tpu.vector_store %arg12[%swap3A_224], %swap3A_227 {strides = array<i32>} : memref<80xi32, #tpu.memory_space<vmem>>, vector<16xi32>,
      %add3A_228 = arith.constant 2 : i32
      %add3A_229 = arith.addi %add3A_178, %add3A_228 : i32
      %lt3A_230 = arith.constant 250 : i32
      %lt3A_231 = arith.cmpi slt, %add3A_229, %lt3A_230 : i32
      %convert_element_type3A_232 = arith.extui %lt3A_231 : i1 to i32
      %cond3A_233 = arith.constant 0 : i32
      %cond3A_234 = arith.cmpi ne, %convert_element_type3A_232, %cond3A_233 : i32
      scf.if %cond3A_234 {
        %add3A_320 = arith.constant 2 : i32
        %add3A_321 = arith.addi %add3A_178, %add3A_320 : i32
        %mul3A_322 = arith.constant 80 : i32
        %mul3A_323 = arith.muli %add3A_321, %mul3A_322 : i32
        %add3A_324 = arith.addi %mul3A_0, %mul3A_323 : i32
        %dma_start3A_325 = tpu.memref_slice %arg3[%add3A_324] : memref<320000xi32, #tpu.memory_space<hbm>> -> memref<80xi32, #tpu.memory_space<hbm>>
        %dma_start3A_326 = tpu.memref_slice %arg3[%add3A_324] : memref<320000xi32, #tpu.memory_space<hbm>> -> memref<80xi32, #tpu.memory_space<hbm>>
        tpu.enqueue_dma source(%dma_start3A_326 : memref<80xi32, #tpu.memory_space<hbm>>) target(%arg8 : memref<80xi32, #tpu.memory_space<vmem>>) target_semaphore(%arg24 : memref<!tpu.dma_semaphore, #tpu.memory_space<semaphore_mem>>)
        %dma_start3A_327 = tpu.memref_slice %arg4[%add3A_324] : memref<320000xi32, #tpu.memory_space<hbm>> -> memref<80xi32, #tpu.memory_space<hbm>>
        %dma_start3A_328 = tpu.memref_slice %arg4[%add3A_324] : memref<320000xi32, #tpu.memory_space<hbm>> -> memref<80xi32, #tpu.memory_space<hbm>>
        tpu.enqueue_dma source(%dma_start3A_328 : memref<80xi32, #tpu.memory_space<hbm>>) target(%arg10 : memref<80xi32, #tpu.memory_space<vmem>>) target_semaphore(%arg24 : memref<!tpu.dma_semaphore, #tpu.memory_space<semaphore_mem>>)
        %dma_start3A_329 = tpu.memref_slice %arg5[%add3A_324] : memref<320000xi32, #tpu.memory_space<hbm>> -> memref<80xi32, #tpu.memory_space<hbm>>
        %dma_start3A_330 = tpu.memref_slice %arg5[%add3A_324] : memref<320000xi32, #tpu.memory_space<hbm>> -> memref<80xi32, #tpu.memory_space<hbm>>
        tpu.enqueue_dma source(%dma_start3A_330 : memref<80xi32, #tpu.memory_space<hbm>>) target(%arg14 : memref<80xi32, #tpu.memory_space<vmem>>) target_semaphore(%arg24 : memref<!tpu.dma_semaphore, #tpu.memory_space<semaphore_mem>>)
      } else {
      }
      %scan3A_235 = arith.constant 0 : i32
      %scan3A_236 = arith.constant 0 : i32
      %scan3A_237 = arith.constant 80 : i32
      %scan3A_238 = arith.addi %scan3A_236, %scan3A_237 : i32
      %scan3A_239 = arith.constant 1 : i32
      %scan3A_240 = scf.for %scan3A_320 = %scan3A_236 to %scan3A_238 step %scan3A_239 iter_args(%scan3A_321 = %scan3A_235) -> (i32)  : i32 {
        %get3A_322 = arith.index_cast %scan3A_320 : i32 to index
        %get3A_323 = arith.constant 0 : index
        %get3A_324 = tpu.vector_load %arg16[%get3A_322, %get3A_323] {strides = array<i32>} : memref<80x64xf32, #tpu.memory_space<vmem>>, vector<1x16xf32>,
        %get3A_325 = vector.shape_cast %get3A_324 : vector<1x16xf32> to vector<16xf32>
        %get3A_326 = arith.index_cast %scan3A_320 : i32 to index
        %get3A_327 = arith.constant 0 : index
        %get3A_328 = tpu.vector_load %arg18[%get3A_326, %get3A_327] {strides = array<i32>} : memref<80x64xf32, #tpu.memory_space<vmem>>, vector<1x16xf32>,
        %get3A_329 = vector.shape_cast %get3A_328 : vector<1x16xf32> to vector<16xf32>
        %add3A_330 = arith.addf %get3A_325, %get3A_329 : vector<16xf32>
        %max3A = arith.constant 0.000000e+00 : f32
        %max3A_331 = vector.broadcast %max3A : f32 to vector<16xf32>
        %max3A_332 = arith.maximumf %add3A_330, %max3A_331 : vector<16xf32>
        %swap3A_333 = arith.index_cast %scan3A_320 : i32 to index
        %swap3A_334 = arith.constant 0 : index
        %swap3A_335 = tpu.vector_load %arg20[%swap3A_333, %swap3A_334] {strides = array<i32>} : memref<80x64xf32, #tpu.memory_space<vmem>>, vector<1x16xf32>,
        %swap3A_336 = vector.shape_cast %swap3A_335 : vector<1x16xf32> to vector<16xf32>
        %swap3A_337 = vector.shape_cast %max3A_332 : vector<16xf32> to vector<1x16xf32>
        tpu.vector_store %arg20[%swap3A_333, %swap3A_334], %swap3A_337 {strides = array<i32>} : memref<80x64xf32, #tpu.memory_space<vmem>>, vector<1x16xf32>,
        %get3A_338 = arith.index_cast %scan3A_320 : i32 to index
        %get3A_339 = arith.constant 16 : index
        %get3A_340 = tpu.vector_load %arg16[%get3A_338, %get3A_339] {strides = array<i32>} : memref<80x64xf32, #tpu.memory_space<vmem>>, vector<1x16xf32>,
        %get3A_341 = vector.shape_cast %get3A_340 : vector<1x16xf32> to vector<16xf32>
        %get3A_342 = arith.index_cast %scan3A_320 : i32 to index
        %get3A_343 = arith.constant 16 : index
        %get3A_344 = tpu.vector_load %arg18[%get3A_342, %get3A_343] {strides = array<i32>} : memref<80x64xf32, #tpu.memory_space<vmem>>, vector<1x16xf32>,
        %get3A_345 = vector.shape_cast %get3A_344 : vector<1x16xf32> to vector<16xf32>
        %add3A_346 = arith.addf %get3A_341, %get3A_345 : vector<16xf32>
        %max3A_347 = arith.constant 0.000000e+00 : f32
        %max3A_348 = vector.broadcast %max3A_347 : f32 to vector<16xf32>
        %max3A_349 = arith.maximumf %add3A_346, %max3A_348 : vector<16xf32>
        %swap3A_350 = arith.index_cast %scan3A_320 : i32 to index
        %swap3A_351 = arith.constant 16 : index
        %swap3A_352 = tpu.vector_load %arg20[%swap3A_350, %swap3A_351] {strides = array<i32>} : memref<80x64xf32, #tpu.memory_space<vmem>>, vector<1x16xf32>,
        %swap3A_353 = vector.shape_cast %swap3A_352 : vector<1x16xf32> to vector<16xf32>
        %swap3A_354 = vector.shape_cast %max3A_349 : vector<16xf32> to vector<1x16xf32>
        tpu.vector_store %arg20[%swap3A_350, %swap3A_351], %swap3A_354 {strides = array<i32>} : memref<80x64xf32, #tpu.memory_space<vmem>>, vector<1x16xf32>,
        %get3A_355 = arith.index_cast %scan3A_320 : i32 to index
        %get3A_356 = arith.constant 32 : index
        %get3A_357 = tpu.vector_load %arg16[%get3A_355, %get3A_356] {strides = array<i32>} : memref<80x64xf32, #tpu.memory_space<vmem>>, vector<1x16xf32>,
        %get3A_358 = vector.shape_cast %get3A_357 : vector<1x16xf32> to vector<16xf32>
        %get3A_359 = arith.index_cast %scan3A_320 : i32 to index
        %get3A_360 = arith.constant 32 : index
        %get3A_361 = tpu.vector_load %arg18[%get3A_359, %get3A_360] {strides = array<i32>} : memref<80x64xf32, #tpu.memory_space<vmem>>, vector<1x16xf32>,
        %get3A_362 = vector.shape_cast %get3A_361 : vector<1x16xf32> to vector<16xf32>
        %add3A_363 = arith.addf %get3A_358, %get3A_362 : vector<16xf32>
        %max3A_364 = arith.constant 0.000000e+00 : f32
        %max3A_365 = vector.broadcast %max3A_364 : f32 to vector<16xf32>
        %max3A_366 = arith.maximumf %add3A_363, %max3A_365 : vector<16xf32>
        %swap3A_367 = arith.index_cast %scan3A_320 : i32 to index
        %swap3A_368 = arith.constant 32 : index
        %swap3A_369 = tpu.vector_load %arg20[%swap3A_367, %swap3A_368] {strides = array<i32>} : memref<80x64xf32, #tpu.memory_space<vmem>>, vector<1x16xf32>,
        %swap3A_370 = vector.shape_cast %swap3A_369 : vector<1x16xf32> to vector<16xf32>
        %swap3A_371 = vector.shape_cast %max3A_366 : vector<16xf32> to vector<1x16xf32>
        tpu.vector_store %arg20[%swap3A_367, %swap3A_368], %swap3A_371 {strides = array<i32>} : memref<80x64xf32, #tpu.memory_space<vmem>>, vector<1x16xf32>,
        %get3A_372 = arith.index_cast %scan3A_320 : i32 to index
        %get3A_373 = arith.constant 48 : index
        %get3A_374 = tpu.vector_load %arg16[%get3A_372, %get3A_373] {strides = array<i32>} : memref<80x64xf32, #tpu.memory_space<vmem>>, vector<1x16xf32>,
        %get3A_375 = vector.shape_cast %get3A_374 : vector<1x16xf32> to vector<16xf32>
        %get3A_376 = arith.index_cast %scan3A_320 : i32 to index
        %get3A_377 = arith.constant 48 : index
        %get3A_378 = tpu.vector_load %arg18[%get3A_376, %get3A_377] {strides = array<i32>} : memref<80x64xf32, #tpu.memory_space<vmem>>, vector<1x16xf32>,
        %get3A_379 = vector.shape_cast %get3A_378 : vector<1x16xf32> to vector<16xf32>
        %add3A_380 = arith.addf %get3A_375, %get3A_379 : vector<16xf32>
        %max3A_381 = arith.constant 0.000000e+00 : f32
        %max3A_382 = vector.broadcast %max3A_381 : f32 to vector<16xf32>
        %max3A_383 = arith.maximumf %add3A_380, %max3A_382 : vector<16xf32>
        %swap3A_384 = arith.index_cast %scan3A_320 : i32 to index
        %swap3A_385 = arith.constant 48 : index
        %swap3A_386 = tpu.vector_load %arg20[%swap3A_384, %swap3A_385] {strides = array<i32>} : memref<80x64xf32, #tpu.memory_space<vmem>>, vector<1x16xf32>,
        %swap3A_387 = vector.shape_cast %swap3A_386 : vector<1x16xf32> to vector<16xf32>
        %swap3A_388 = vector.shape_cast %max3A_383 : vector<16xf32> to vector<1x16xf32>
        tpu.vector_store %arg20[%swap3A_384, %swap3A_385], %swap3A_388 {strides = array<i32>} : memref<80x64xf32, #tpu.memory_space<vmem>>, vector<1x16xf32>,
        %scan3A_389 = arith.constant 0 : i32
        scf.yield %scan3A_389 : i32
      }
      %scan3A_241 = arith.constant 80 : i32
      %dma_start3A_242 = arith.constant 0 : i32
      %dma_start3A_243 = arith.constant 0 : i32
      %dma_start3A_244 = tpu.memref_slice %arg23[%dma_start3A_242, %dma_start3A_243] : memref<10240x64xf32, #tpu.memory_space<vmem_shared>> -> memref<10240x64xf32, #tpu.memory_space<vmem_shared>>
      tpu.enqueue_indirect_dma source(%arg20 : memref<80x64xf32, #tpu.memory_space<vmem>>) target(%dma_start3A_244 : memref<10240x64xf32, #tpu.memory_space<vmem_shared>>) offsets(%arg12 : memref<80xi32, #tpu.memory_space<vmem>>) semaphore(%arg30 : memref<!tpu.dma_semaphore, #tpu.memory_space<semaphore_mem>>) {add = true}
      %mul3A_245 = arith.constant 2 : i32
      %mul3A_246 = arith.muli %mul3A_245, %scan3A_173 : i32
      %add3A_247 = arith.constant 1 : i32
      %add3A_248 = arith.addi %mul3A_246, %add3A_247 : i32
      %add3A_249 = arith.constant 1 : i32
      %add3A_250 = arith.addi %add3A_248, %add3A_249 : i32
      %lt3A_251 = arith.constant 250 : i32
      %lt3A_252 = arith.cmpi slt, %add3A_250, %lt3A_251 : i32
      %convert_element_type3A_253 = arith.extui %lt3A_252 : i1 to i32
      %cond3A_254 = arith.constant 0 : i32
      %cond3A_255 = arith.cmpi ne, %convert_element_type3A_253, %cond3A_254 : i32
      scf.if %cond3A_255 {
        %add3A_320 = arith.constant 1 : i32
        %add3A_321 = arith.addi %add3A_248, %add3A_320 : i32
        %mul3A_322 = arith.constant 80 : i32
        %mul3A_323 = arith.muli %add3A_321, %mul3A_322 : i32
        %add3A_324 = arith.addi %mul3A_0, %mul3A_323 : i32
        %dma_wait3A_325 = tpu.memref_slice %arg3[%add3A_324] : memref<320000xi32, #tpu.memory_space<hbm>> -> memref<80xi32, #tpu.memory_space<hbm>>
        %dma_wait3A_326 = tpu.memref_slice %arg3[%add3A_324] : memref<320000xi32, #tpu.memory_space<hbm>> -> memref<80xi32, #tpu.memory_space<hbm>>
        tpu.wait_dma2 semaphore(%arg24 : memref<!tpu.dma_semaphore, #tpu.memory_space<semaphore_mem>>) src(%dma_wait3A_326 : memref<80xi32, #tpu.memory_space<hbm>>) dst(%arg8 : memref<80xi32, #tpu.memory_space<vmem>>)
        %dma_wait3A_327 = tpu.memref_slice %arg4[%add3A_324] : memref<320000xi32, #tpu.memory_space<hbm>> -> memref<80xi32, #tpu.memory_space<hbm>>
        %dma_wait3A_328 = tpu.memref_slice %arg4[%add3A_324] : memref<320000xi32, #tpu.memory_space<hbm>> -> memref<80xi32, #tpu.memory_space<hbm>>
        tpu.wait_dma2 semaphore(%arg24 : memref<!tpu.dma_semaphore, #tpu.memory_space<semaphore_mem>>) src(%dma_wait3A_328 : memref<80xi32, #tpu.memory_space<hbm>>) dst(%arg10 : memref<80xi32, #tpu.memory_space<vmem>>)
        %dma_wait3A_329 = tpu.memref_slice %arg5[%add3A_324] : memref<320000xi32, #tpu.memory_space<hbm>> -> memref<80xi32, #tpu.memory_space<hbm>>
        %dma_wait3A_330 = tpu.memref_slice %arg5[%add3A_324] : memref<320000xi32, #tpu.memory_space<hbm>> -> memref<80xi32, #tpu.memory_space<hbm>>
        tpu.wait_dma2 semaphore(%arg24 : memref<!tpu.dma_semaphore, #tpu.memory_space<semaphore_mem>>) src(%dma_wait3A_330 : memref<80xi32, #tpu.memory_space<hbm>>) dst(%arg14 : memref<80xi32, #tpu.memory_space<vmem>>)
        %mul3A_331 = arith.constant 512 : i32
        %mul3A_332 = arith.muli %arg0, %mul3A_331 : i32
        %mul3A_333 = arith.constant 10000 : i32
        %mul3A_334 = arith.muli %arg0, %mul3A_333 : i32
        %get3A_335 = arith.constant 0 : index
        %get3A_336 = tpu.vector_load %arg14[%get3A_335] {strides = array<i32>} : memref<80xi32, #tpu.memory_space<vmem>>, vector<16xi32>,
        %get3A_337 = vector.shape_cast %get3A_336 : vector<16xi32> to vector<16xi32>
        %add3A_338 = vector.broadcast %mul3A_332 : i32 to vector<16xi32>
        %add3A_339 = arith.addi %get3A_337, %add3A_338 : vector<16xi32>
        %swap3A_340 = arith.constant 0 : index
        %swap3A_341 = tpu.vector_load %arg14[%swap3A_340] {strides = array<i32>} : memref<80xi32, #tpu.memory_space<vmem>>, vector<16xi32>,
        %swap3A_342 = vector.shape_cast %swap3A_341 : vector<16xi32> to vector<16xi32>
        %swap3A_343 = vector.shape_cast %add3A_339 : vector<16xi32> to vector<16xi32>
        tpu.vector_store %arg14[%swap3A_340], %swap3A_343 {strides = array<i32>} : memref<80xi32, #tpu.memory_space<vmem>>, vector<16xi32>,
        %get3A_344 = arith.constant 0 : index
        %get3A_345 = tpu.vector_load %arg8[%get3A_344] {strides = array<i32>} : memref<80xi32, #tpu.memory_space<vmem>>, vector<16xi32>,
        %get3A_346 = vector.shape_cast %get3A_345 : vector<16xi32> to vector<16xi32>
        %add3A_347 = vector.broadcast %mul3A_334 : i32 to vector<16xi32>
        %add3A_348 = arith.addi %get3A_346, %add3A_347 : vector<16xi32>
        %swap3A_349 = arith.constant 0 : index
        %swap3A_350 = tpu.vector_load %arg8[%swap3A_349] {strides = array<i32>} : memref<80xi32, #tpu.memory_space<vmem>>, vector<16xi32>,
        %swap3A_351 = vector.shape_cast %swap3A_350 : vector<16xi32> to vector<16xi32>
        %swap3A_352 = vector.shape_cast %add3A_348 : vector<16xi32> to vector<16xi32>
        tpu.vector_store %arg8[%swap3A_349], %swap3A_352 {strides = array<i32>} : memref<80xi32, #tpu.memory_space<vmem>>, vector<16xi32>,
        %get3A_353 = arith.constant 16 : index
        %get3A_354 = tpu.vector_load %arg14[%get3A_353] {strides = array<i32>} : memref<80xi32, #tpu.memory_space<vmem>>, vector<16xi32>,
        %get3A_355 = vector.shape_cast %get3A_354 : vector<16xi32> to vector<16xi32>
        %add3A_356 = vector.broadcast %mul3A_332 : i32 to vector<16xi32>
        %add3A_357 = arith.addi %get3A_355, %add3A_356 : vector<16xi32>
        %swap3A_358 = arith.constant 16 : index
        %swap3A_359 = tpu.vector_load %arg14[%swap3A_358] {strides = array<i32>} : memref<80xi32, #tpu.memory_space<vmem>>, vector<16xi32>,
        %swap3A_360 = vector.shape_cast %swap3A_359 : vector<16xi32> to vector<16xi32>
        %swap3A_361 = vector.shape_cast %add3A_357 : vector<16xi32> to vector<16xi32>
        tpu.vector_store %arg14[%swap3A_358], %swap3A_361 {strides = array<i32>} : memref<80xi32, #tpu.memory_space<vmem>>, vector<16xi32>,
        %get3A_362 = arith.constant 16 : index
        %get3A_363 = tpu.vector_load %arg8[%get3A_362] {strides = array<i32>} : memref<80xi32, #tpu.memory_space<vmem>>, vector<16xi32>,
        %get3A_364 = vector.shape_cast %get3A_363 : vector<16xi32> to vector<16xi32>
        %add3A_365 = vector.broadcast %mul3A_334 : i32 to vector<16xi32>
        %add3A_366 = arith.addi %get3A_364, %add3A_365 : vector<16xi32>
        %swap3A_367 = arith.constant 16 : index
        %swap3A_368 = tpu.vector_load %arg8[%swap3A_367] {strides = array<i32>} : memref<80xi32, #tpu.memory_space<vmem>>, vector<16xi32>,
        %swap3A_369 = vector.shape_cast %swap3A_368 : vector<16xi32> to vector<16xi32>
        %swap3A_370 = vector.shape_cast %add3A_366 : vector<16xi32> to vector<16xi32>
        tpu.vector_store %arg8[%swap3A_367], %swap3A_370 {strides = array<i32>} : memref<80xi32, #tpu.memory_space<vmem>>, vector<16xi32>,
        %get3A_371 = arith.constant 32 : index
        %get3A_372 = tpu.vector_load %arg14[%get3A_371] {strides = array<i32>} : memref<80xi32, #tpu.memory_space<vmem>>, vector<16xi32>,
        %get3A_373 = vector.shape_cast %get3A_372 : vector<16xi32> to vector<16xi32>
        %add3A_374 = vector.broadcast %mul3A_332 : i32 to vector<16xi32>
        %add3A_375 = arith.addi %get3A_373, %add3A_374 : vector<16xi32>
        %swap3A_376 = arith.constant 32 : index
        %swap3A_377 = tpu.vector_load %arg14[%swap3A_376] {strides = array<i32>} : memref<80xi32, #tpu.memory_space<vmem>>, vector<16xi32>,
        %swap3A_378 = vector.shape_cast %swap3A_377 : vector<16xi32> to vector<16xi32>
        %swap3A_379 = vector.shape_cast %add3A_375 : vector<16xi32> to vector<16xi32>
        tpu.vector_store %arg14[%swap3A_376], %swap3A_379 {strides = array<i32>} : memref<80xi32, #tpu.memory_space<vmem>>, vector<16xi32>,
        %get3A_380 = arith.constant 32 : index
        %get3A_381 = tpu.vector_load %arg8[%get3A_380] {strides = array<i32>} : memref<80xi32, #tpu.memory_space<vmem>>, vector<16xi32>,
        %get3A_382 = vector.shape_cast %get3A_381 : vector<16xi32> to vector<16xi32>
        %add3A_383 = vector.broadcast %mul3A_334 : i32 to vector<16xi32>
        %add3A_384 = arith.addi %get3A_382, %add3A_383 : vector<16xi32>
        %swap3A_385 = arith.constant 32 : index
        %swap3A_386 = tpu.vector_load %arg8[%swap3A_385] {strides = array<i32>} : memref<80xi32, #tpu.memory_space<vmem>>, vector<16xi32>,
        %swap3A_387 = vector.shape_cast %swap3A_386 : vector<16xi32> to vector<16xi32>
        %swap3A_388 = vector.shape_cast %add3A_384 : vector<16xi32> to vector<16xi32>
        tpu.vector_store %arg8[%swap3A_385], %swap3A_388 {strides = array<i32>} : memref<80xi32, #tpu.memory_space<vmem>>, vector<16xi32>,
        %get3A_389 = arith.constant 48 : index
        %get3A_390 = tpu.vector_load %arg14[%get3A_389] {strides = array<i32>} : memref<80xi32, #tpu.memory_space<vmem>>, vector<16xi32>,
        %get3A_391 = vector.shape_cast %get3A_390 : vector<16xi32> to vector<16xi32>
        %add3A_392 = vector.broadcast %mul3A_332 : i32 to vector<16xi32>
        %add3A_393 = arith.addi %get3A_391, %add3A_392 : vector<16xi32>
        %swap3A_394 = arith.constant 48 : index
        %swap3A_395 = tpu.vector_load %arg14[%swap3A_394] {strides = array<i32>} : memref<80xi32, #tpu.memory_space<vmem>>, vector<16xi32>,
        %swap3A_396 = vector.shape_cast %swap3A_395 : vector<16xi32> to vector<16xi32>
        %swap3A_397 = vector.shape_cast %add3A_393 : vector<16xi32> to vector<16xi32>
        tpu.vector_store %arg14[%swap3A_394], %swap3A_397 {strides = array<i32>} : memref<80xi32, #tpu.memory_space<vmem>>, vector<16xi32>,
        %get3A_398 = arith.constant 48 : index
        %get3A_399 = tpu.vector_load %arg8[%get3A_398] {strides = array<i32>} : memref<80xi32, #tpu.memory_space<vmem>>, vector<16xi32>,
        %get3A_400 = vector.shape_cast %get3A_399 : vector<16xi32> to vector<16xi32>
        %add3A_401 = vector.broadcast %mul3A_334 : i32 to vector<16xi32>
        %add3A_402 = arith.addi %get3A_400, %add3A_401 : vector<16xi32>
        %swap3A_403 = arith.constant 48 : index
        %swap3A_404 = tpu.vector_load %arg8[%swap3A_403] {strides = array<i32>} : memref<80xi32, #tpu.memory_space<vmem>>, vector<16xi32>,
        %swap3A_405 = vector.shape_cast %swap3A_404 : vector<16xi32> to vector<16xi32>
        %swap3A_406 = vector.shape_cast %add3A_402 : vector<16xi32> to vector<16xi32>
        tpu.vector_store %arg8[%swap3A_403], %swap3A_406 {strides = array<i32>} : memref<80xi32, #tpu.memory_space<vmem>>, vector<16xi32>,
        %get3A_407 = arith.constant 64 : index
        %get3A_408 = tpu.vector_load %arg14[%get3A_407] {strides = array<i32>} : memref<80xi32, #tpu.memory_space<vmem>>, vector<16xi32>,
        %get3A_409 = vector.shape_cast %get3A_408 : vector<16xi32> to vector<16xi32>
        %add3A_410 = vector.broadcast %mul3A_332 : i32 to vector<16xi32>
        %add3A_411 = arith.addi %get3A_409, %add3A_410 : vector<16xi32>
        %swap3A_412 = arith.constant 64 : index
        %swap3A_413 = tpu.vector_load %arg14[%swap3A_412] {strides = array<i32>} : memref<80xi32, #tpu.memory_space<vmem>>, vector<16xi32>,
        %swap3A_414 = vector.shape_cast %swap3A_413 : vector<16xi32> to vector<16xi32>
        %swap3A_415 = vector.shape_cast %add3A_411 : vector<16xi32> to vector<16xi32>
        tpu.vector_store %arg14[%swap3A_412], %swap3A_415 {strides = array<i32>} : memref<80xi32, #tpu.memory_space<vmem>>, vector<16xi32>,
        %get3A_416 = arith.constant 64 : index
        %get3A_417 = tpu.vector_load %arg8[%get3A_416] {strides = array<i32>} : memref<80xi32, #tpu.memory_space<vmem>>, vector<16xi32>,
        %get3A_418 = vector.shape_cast %get3A_417 : vector<16xi32> to vector<16xi32>
        %add3A_419 = vector.broadcast %mul3A_334 : i32 to vector<16xi32>
        %add3A_420 = arith.addi %get3A_418, %add3A_419 : vector<16xi32>
        %swap3A_421 = arith.constant 64 : index
        %swap3A_422 = tpu.vector_load %arg8[%swap3A_421] {strides = array<i32>} : memref<80xi32, #tpu.memory_space<vmem>>, vector<16xi32>,
        %swap3A_423 = vector.shape_cast %swap3A_422 : vector<16xi32> to vector<16xi32>
        %swap3A_424 = vector.shape_cast %add3A_420 : vector<16xi32> to vector<16xi32>
        tpu.vector_store %arg8[%swap3A_421], %swap3A_424 {strides = array<i32>} : memref<80xi32, #tpu.memory_space<vmem>>, vector<16xi32>,
        %dma_start3A_425 = arith.constant 0 : i32
        %dma_start3A_426 = arith.constant 0 : i32
        %dma_start3A_427 = tpu.memref_slice %arg2[%dma_start3A_425, %dma_start3A_426] : memref<20000x64xf32, #tpu.memory_space<hbm>> -> memref<20000x64xf32, #tpu.memory_space<hbm>>
        tpu.enqueue_indirect_dma source(%dma_start3A_427 : memref<20000x64xf32, #tpu.memory_space<hbm>>) target(%arg16 : memref<80x64xf32, #tpu.memory_space<vmem>>) offsets(%arg8 : memref<80xi32, #tpu.memory_space<vmem>>) semaphore(%arg26 : memref<!tpu.dma_semaphore, #tpu.memory_space<semaphore_mem>>)
        %dma_start3A_428 = arith.constant 0 : i32
        %dma_start3A_429 = arith.constant 0 : i32
        %dma_start3A_430 = tpu.memref_slice %arg6[%dma_start3A_428, %dma_start3A_429] : memref<1024x64xf32, #tpu.memory_space<hbm>> -> memref<1024x64xf32, #tpu.memory_space<hbm>>
        tpu.enqueue_indirect_dma source(%dma_start3A_430 : memref<1024x64xf32, #tpu.memory_space<hbm>>) target(%arg18 : memref<80x64xf32, #tpu.memory_space<vmem>>) offsets(%arg14 : memref<80xi32, #tpu.memory_space<vmem>>) semaphore(%arg28 : memref<!tpu.dma_semaphore, #tpu.memory_space<semaphore_mem>>)
      } else {
      }
      %dma_wait3A_256 = arith.constant 0 : i32
      %dma_wait3A_257 = arith.constant 0 : i32
      %dma_wait3A_258 = tpu.memref_slice %arg2[%dma_wait3A_256, %dma_wait3A_257] : memref<20000x64xf32, #tpu.memory_space<hbm>> -> memref<20000x64xf32, #tpu.memory_space<hbm>>
      tpu.wait_indirect_dma semaphore(%arg27 : memref<!tpu.dma_semaphore, #tpu.memory_space<semaphore_mem>>) src(%dma_wait3A_258 : memref<20000x64xf32, #tpu.memory_space<hbm>>) dst(%arg17 : memref<80x64xf32, #tpu.memory_space<vmem>>)
      %dma_wait3A_259 = arith.constant 0 : i32
      %dma_wait3A_260 = arith.constant 0 : i32
      %dma_wait3A_261 = tpu.memref_slice %arg6[%dma_wait3A_259, %dma_wait3A_260] : memref<1024x64xf32, #tpu.memory_space<hbm>> -> memref<1024x64xf32, #tpu.memory_space<hbm>>
      tpu.wait_indirect_dma semaphore(%arg29 : memref<!tpu.dma_semaphore, #tpu.memory_space<semaphore_mem>>) src(%dma_wait3A_261 : memref<1024x64xf32, #tpu.memory_space<hbm>>) dst(%arg19 : memref<80x64xf32, #tpu.memory_space<vmem>>)
      %ge3A_262 = arith.constant 2 : i32
      %ge3A_263 = arith.cmpi sge, %add3A_248, %ge3A_262 : i32
      %convert_element_type3A_264 = arith.extui %ge3A_263 : i1 to i32
      %cond3A_265 = arith.constant 0 : i32
      %cond3A_266 = arith.cmpi ne, %convert_element_type3A_264, %cond3A_265 : i32
      scf.if %cond3A_266 {
        %dma_wait3A_320 = arith.constant 0 : i32
        %dma_wait3A_321 = arith.constant 0 : i32
        %dma_wait3A_322 = tpu.memref_slice %arg23[%dma_wait3A_320, %dma_wait3A_321] : memref<10240x64xf32, #tpu.memory_space<vmem_shared>> -> memref<10240x64xf32, #tpu.memory_space<vmem_shared>>
        tpu.wait_indirect_dma semaphore(%arg31 : memref<!tpu.dma_semaphore, #tpu.memory_space<semaphore_mem>>) src(%arg21 : memref<80x64xf32, #tpu.memory_space<vmem>>) dst(%dma_wait3A_322 : memref<10240x64xf32, #tpu.memory_space<vmem_shared>>)
      } else {
      }
      %get3A_267 = arith.constant 0 : index
      %get3A_268 = tpu.vector_load %arg11[%get3A_267] {strides = array<i32>} : memref<80xi32, #tpu.memory_space<vmem>>, vector<16xi32>,
      %get3A_269 = vector.shape_cast %get3A_268 : vector<16xi32> to vector<16xi32>
      %swap3A_270 = arith.constant 0 : index
      %swap3A_271 = tpu.vector_load %arg13[%swap3A_270] {strides = array<i32>} : memref<80xi32, #tpu.memory_space<vmem>>, vector<16xi32>,
      %swap3A_272 = vector.shape_cast %swap3A_271 : vector<16xi32> to vector<16xi32>
      %swap3A_273 = vector.shape_cast %get3A_269 : vector<16xi32> to vector<16xi32>
      tpu.vector_store %arg13[%swap3A_270], %swap3A_273 {strides = array<i32>} : memref<80xi32, #tpu.memory_space<vmem>>, vector<16xi32>,
      %get3A_274 = arith.constant 16 : index
      %get3A_275 = tpu.vector_load %arg11[%get3A_274] {strides = array<i32>} : memref<80xi32, #tpu.memory_space<vmem>>, vector<16xi32>,
      %get3A_276 = vector.shape_cast %get3A_275 : vector<16xi32> to vector<16xi32>
      %swap3A_277 = arith.constant 16 : index
      %swap3A_278 = tpu.vector_load %arg13[%swap3A_277] {strides = array<i32>} : memref<80xi32, #tpu.memory_space<vmem>>, vector<16xi32>,
      %swap3A_279 = vector.shape_cast %swap3A_278 : vector<16xi32> to vector<16xi32>
      %swap3A_280 = vector.shape_cast %get3A_276 : vector<16xi32> to vector<16xi32>
      tpu.vector_store %arg13[%swap3A_277], %swap3A_280 {strides = array<i32>} : memref<80xi32, #tpu.memory_space<vmem>>, vector<16xi32>,
      %get3A_281 = arith.constant 32 : index
      %get3A_282 = tpu.vector_load %arg11[%get3A_281] {strides = array<i32>} : memref<80xi32, #tpu.memory_space<vmem>>, vector<16xi32>,
      %get3A_283 = vector.shape_cast %get3A_282 : vector<16xi32> to vector<16xi32>
      %swap3A_284 = arith.constant 32 : index
      %swap3A_285 = tpu.vector_load %arg13[%swap3A_284] {strides = array<i32>} : memref<80xi32, #tpu.memory_space<vmem>>, vector<16xi32>,
      %swap3A_286 = vector.shape_cast %swap3A_285 : vector<16xi32> to vector<16xi32>
      %swap3A_287 = vector.shape_cast %get3A_283 : vector<16xi32> to vector<16xi32>
      tpu.vector_store %arg13[%swap3A_284], %swap3A_287 {strides = array<i32>} : memref<80xi32, #tpu.memory_space<vmem>>, vector<16xi32>,
      %get3A_288 = arith.constant 48 : index
      %get3A_289 = tpu.vector_load %arg11[%get3A_288] {strides = array<i32>} : memref<80xi32, #tpu.memory_space<vmem>>, vector<16xi32>,
      %get3A_290 = vector.shape_cast %get3A_289 : vector<16xi32> to vector<16xi32>
      %swap3A_291 = arith.constant 48 : index
      %swap3A_292 = tpu.vector_load %arg13[%swap3A_291] {strides = array<i32>} : memref<80xi32, #tpu.memory_space<vmem>>, vector<16xi32>,
      %swap3A_293 = vector.shape_cast %swap3A_292 : vector<16xi32> to vector<16xi32>
      %swap3A_294 = vector.shape_cast %get3A_290 : vector<16xi32> to vector<16xi32>
      tpu.vector_store %arg13[%swap3A_291], %swap3A_294 {strides = array<i32>} : memref<80xi32, #tpu.memory_space<vmem>>, vector<16xi32>,
      %get3A_295 = arith.constant 64 : index
      %get3A_296 = tpu.vector_load %arg11[%get3A_295] {strides = array<i32>} : memref<80xi32, #tpu.memory_space<vmem>>, vector<16xi32>,
      %get3A_297 = vector.shape_cast %get3A_296 : vector<16xi32> to vector<16xi32>
      %swap3A_298 = arith.constant 64 : index
      %swap3A_299 = tpu.vector_load %arg13[%swap3A_298] {strides = array<i32>} : memref<80xi32, #tpu.memory_space<vmem>>, vector<16xi32>,
      %swap3A_300 = vector.shape_cast %swap3A_299 : vector<16xi32> to vector<16xi32>
      %swap3A_301 = vector.shape_cast %get3A_297 : vector<16xi32> to vector<16xi32>
      tpu.vector_store %arg13[%swap3A_298], %swap3A_301 {strides = array<i32>} : memref<80xi32, #tpu.memory_space<vmem>>, vector<16xi32>,
      %add3A_302 = arith.constant 2 : i32
      %add3A_303 = arith.addi %add3A_248, %add3A_302 : i32
      %lt3A_304 = arith.constant 250 : i32
      %lt3A_305 = arith.cmpi slt, %add3A_303, %lt3A_304 : i32
      %convert_element_type3A_306 = arith.extui %lt3A_305 : i1 to i32
      %cond3A_307 = arith.constant 0 : i32
      %cond3A_308 = arith.cmpi ne, %convert_element_type3A_306, %cond3A_307 : i32
      scf.if %cond3A_308 {
        %add3A_320 = arith.constant 2 : i32
        %add3A_321 = arith.addi %add3A_248, %add3A_320 : i32
        %mul3A_322 = arith.constant 80 : i32
        %mul3A_323 = arith.muli %add3A_321, %mul3A_322 : i32
        %add3A_324 = arith.addi %mul3A_0, %mul3A_323 : i32
        %dma_start3A_325 = tpu.memref_slice %arg3[%add3A_324] : memref<320000xi32, #tpu.memory_space<hbm>> -> memref<80xi32, #tpu.memory_space<hbm>>
        %dma_start3A_326 = tpu.memref_slice %arg3[%add3A_324] : memref<320000xi32, #tpu.memory_space<hbm>> -> memref<80xi32, #tpu.memory_space<hbm>>
        tpu.enqueue_dma source(%dma_start3A_326 : memref<80xi32, #tpu.memory_space<hbm>>) target(%arg9 : memref<80xi32, #tpu.memory_space<vmem>>) target_semaphore(%arg25 : memref<!tpu.dma_semaphore, #tpu.memory_space<semaphore_mem>>)
        %dma_start3A_327 = tpu.memref_slice %arg4[%add3A_324] : memref<320000xi32, #tpu.memory_space<hbm>> -> memref<80xi32, #tpu.memory_space<hbm>>
        %dma_start3A_328 = tpu.memref_slice %arg4[%add3A_324] : memref<320000xi32, #tpu.memory_space<hbm>> -> memref<80xi32, #tpu.memory_space<hbm>>
        tpu.enqueue_dma source(%dma_start3A_328 : memref<80xi32, #tpu.memory_space<hbm>>) target(%arg11 : memref<80xi32, #tpu.memory_space<vmem>>) target_semaphore(%arg25 : memref<!tpu.dma_semaphore, #tpu.memory_space<semaphore_mem>>)
        %dma_start3A_329 = tpu.memref_slice %arg5[%add3A_324] : memref<320000xi32, #tpu.memory_space<hbm>> -> memref<80xi32, #tpu.memory_space<hbm>>
        %dma_start3A_330 = tpu.memref_slice %arg5[%add3A_324] : memref<320000xi32, #tpu.memory_space<hbm>> -> memref<80xi32, #tpu.memory_space<hbm>>
        tpu.enqueue_dma source(%dma_start3A_330 : memref<80xi32, #tpu.memory_space<hbm>>) target(%arg15 : memref<80xi32, #tpu.memory_space<vmem>>) target_semaphore(%arg25 : memref<!tpu.dma_semaphore, #tpu.memory_space<semaphore_mem>>)
      } else {
      }
      %scan3A_309 = arith.constant 0 : i32
      %scan3A_310 = arith.constant 0 : i32
      %scan3A_311 = arith.constant 80 : i32
      %scan3A_312 = arith.addi %scan3A_310, %scan3A_311 : i32
      %scan3A_313 = arith.constant 1 : i32
      %scan3A_314 = scf.for %scan3A_320 = %scan3A_310 to %scan3A_312 step %scan3A_313 iter_args(%scan3A_321 = %scan3A_309) -> (i32)  : i32 {
        %get3A_322 = arith.index_cast %scan3A_320 : i32 to index
        %get3A_323 = arith.constant 0 : index
        %get3A_324 = tpu.vector_load %arg17[%get3A_322, %get3A_323] {strides = array<i32>} : memref<80x64xf32, #tpu.memory_space<vmem>>, vector<1x16xf32>,
        %get3A_325 = vector.shape_cast %get3A_324 : vector<1x16xf32> to vector<16xf32>
        %get3A_326 = arith.index_cast %scan3A_320 : i32 to index
        %get3A_327 = arith.constant 0 : index
        %get3A_328 = tpu.vector_load %arg19[%get3A_326, %get3A_327] {strides = array<i32>} : memref<80x64xf32, #tpu.memory_space<vmem>>, vector<1x16xf32>,
        %get3A_329 = vector.shape_cast %get3A_328 : vector<1x16xf32> to vector<16xf32>
        %add3A_330 = arith.addf %get3A_325, %get3A_329 : vector<16xf32>
        %max3A = arith.constant 0.000000e+00 : f32
        %max3A_331 = vector.broadcast %max3A : f32 to vector<16xf32>
        %max3A_332 = arith.maximumf %add3A_330, %max3A_331 : vector<16xf32>
        %swap3A_333 = arith.index_cast %scan3A_320 : i32 to index
        %swap3A_334 = arith.constant 0 : index
        %swap3A_335 = tpu.vector_load %arg21[%swap3A_333, %swap3A_334] {strides = array<i32>} : memref<80x64xf32, #tpu.memory_space<vmem>>, vector<1x16xf32>,
        %swap3A_336 = vector.shape_cast %swap3A_335 : vector<1x16xf32> to vector<16xf32>
        %swap3A_337 = vector.shape_cast %max3A_332 : vector<16xf32> to vector<1x16xf32>
        tpu.vector_store %arg21[%swap3A_333, %swap3A_334], %swap3A_337 {strides = array<i32>} : memref<80x64xf32, #tpu.memory_space<vmem>>, vector<1x16xf32>,
        %get3A_338 = arith.index_cast %scan3A_320 : i32 to index
        %get3A_339 = arith.constant 16 : index
        %get3A_340 = tpu.vector_load %arg17[%get3A_338, %get3A_339] {strides = array<i32>} : memref<80x64xf32, #tpu.memory_space<vmem>>, vector<1x16xf32>,
        %get3A_341 = vector.shape_cast %get3A_340 : vector<1x16xf32> to vector<16xf32>
        %get3A_342 = arith.index_cast %scan3A_320 : i32 to index
        %get3A_343 = arith.constant 16 : index
        %get3A_344 = tpu.vector_load %arg19[%get3A_342, %get3A_343] {strides = array<i32>} : memref<80x64xf32, #tpu.memory_space<vmem>>, vector<1x16xf32>,
        %get3A_345 = vector.shape_cast %get3A_344 : vector<1x16xf32> to vector<16xf32>
        %add3A_346 = arith.addf %get3A_341, %get3A_345 : vector<16xf32>
        %max3A_347 = arith.constant 0.000000e+00 : f32
        %max3A_348 = vector.broadcast %max3A_347 : f32 to vector<16xf32>
        %max3A_349 = arith.maximumf %add3A_346, %max3A_348 : vector<16xf32>
        %swap3A_350 = arith.index_cast %scan3A_320 : i32 to index
        %swap3A_351 = arith.constant 16 : index
        %swap3A_352 = tpu.vector_load %arg21[%swap3A_350, %swap3A_351] {strides = array<i32>} : memref<80x64xf32, #tpu.memory_space<vmem>>, vector<1x16xf32>,
        %swap3A_353 = vector.shape_cast %swap3A_352 : vector<1x16xf32> to vector<16xf32>
        %swap3A_354 = vector.shape_cast %max3A_349 : vector<16xf32> to vector<1x16xf32>
        tpu.vector_store %arg21[%swap3A_350, %swap3A_351], %swap3A_354 {strides = array<i32>} : memref<80x64xf32, #tpu.memory_space<vmem>>, vector<1x16xf32>,
        %get3A_355 = arith.index_cast %scan3A_320 : i32 to index
        %get3A_356 = arith.constant 32 : index
        %get3A_357 = tpu.vector_load %arg17[%get3A_355, %get3A_356] {strides = array<i32>} : memref<80x64xf32, #tpu.memory_space<vmem>>, vector<1x16xf32>,
        %get3A_358 = vector.shape_cast %get3A_357 : vector<1x16xf32> to vector<16xf32>
        %get3A_359 = arith.index_cast %scan3A_320 : i32 to index
        %get3A_360 = arith.constant 32 : index
        %get3A_361 = tpu.vector_load %arg19[%get3A_359, %get3A_360] {strides = array<i32>} : memref<80x64xf32, #tpu.memory_space<vmem>>, vector<1x16xf32>,
        %get3A_362 = vector.shape_cast %get3A_361 : vector<1x16xf32> to vector<16xf32>
        %add3A_363 = arith.addf %get3A_358, %get3A_362 : vector<16xf32>
        %max3A_364 = arith.constant 0.000000e+00 : f32
        %max3A_365 = vector.broadcast %max3A_364 : f32 to vector<16xf32>
        %max3A_366 = arith.maximumf %add3A_363, %max3A_365 : vector<16xf32>
        %swap3A_367 = arith.index_cast %scan3A_320 : i32 to index
        %swap3A_368 = arith.constant 32 : index
        %swap3A_369 = tpu.vector_load %arg21[%swap3A_367, %swap3A_368] {strides = array<i32>} : memref<80x64xf32, #tpu.memory_space<vmem>>, vector<1x16xf32>,
        %swap3A_370 = vector.shape_cast %swap3A_369 : vector<1x16xf32> to vector<16xf32>
        %swap3A_371 = vector.shape_cast %max3A_366 : vector<16xf32> to vector<1x16xf32>
        tpu.vector_store %arg21[%swap3A_367, %swap3A_368], %swap3A_371 {strides = array<i32>} : memref<80x64xf32, #tpu.memory_space<vmem>>, vector<1x16xf32>,
        %get3A_372 = arith.index_cast %scan3A_320 : i32 to index
        %get3A_373 = arith.constant 48 : index
        %get3A_374 = tpu.vector_load %arg17[%get3A_372, %get3A_373] {strides = array<i32>} : memref<80x64xf32, #tpu.memory_space<vmem>>, vector<1x16xf32>,
        %get3A_375 = vector.shape_cast %get3A_374 : vector<1x16xf32> to vector<16xf32>
        %get3A_376 = arith.index_cast %scan3A_320 : i32 to index
        %get3A_377 = arith.constant 48 : index
        %get3A_378 = tpu.vector_load %arg19[%get3A_376, %get3A_377] {strides = array<i32>} : memref<80x64xf32, #tpu.memory_space<vmem>>, vector<1x16xf32>,
        %get3A_379 = vector.shape_cast %get3A_378 : vector<1x16xf32> to vector<16xf32>
        %add3A_380 = arith.addf %get3A_375, %get3A_379 : vector<16xf32>
        %max3A_381 = arith.constant 0.000000e+00 : f32
        %max3A_382 = vector.broadcast %max3A_381 : f32 to vector<16xf32>
        %max3A_383 = arith.maximumf %add3A_380, %max3A_382 : vector<16xf32>
        %swap3A_384 = arith.index_cast %scan3A_320 : i32 to index
        %swap3A_385 = arith.constant 48 : index
        %swap3A_386 = tpu.vector_load %arg21[%swap3A_384, %swap3A_385] {strides = array<i32>} : memref<80x64xf32, #tpu.memory_space<vmem>>, vector<1x16xf32>,
        %swap3A_387 = vector.shape_cast %swap3A_386 : vector<1x16xf32> to vector<16xf32>
        %swap3A_388 = vector.shape_cast %max3A_383 : vector<16xf32> to vector<1x16xf32>
        tpu.vector_store %arg21[%swap3A_384, %swap3A_385], %swap3A_388 {strides = array<i32>} : memref<80x64xf32, #tpu.memory_space<vmem>>, vector<1x16xf32>,
        %scan3A_389 = arith.constant 0 : i32
        scf.yield %scan3A_389 : i32
      }
      %scan3A_315 = arith.constant 80 : i32
      %dma_start3A_316 = arith.constant 0 : i32
      %dma_start3A_317 = arith.constant 0 : i32
      %dma_start3A_318 = tpu.memref_slice %arg23[%dma_start3A_316, %dma_start3A_317] : memref<10240x64xf32, #tpu.memory_space<vmem_shared>> -> memref<10240x64xf32, #tpu.memory_space<vmem_shared>>
      tpu.enqueue_indirect_dma source(%arg21 : memref<80x64xf32, #tpu.memory_space<vmem>>) target(%dma_start3A_318 : memref<10240x64xf32, #tpu.memory_space<vmem_shared>>) offsets(%arg13 : memref<80xi32, #tpu.memory_space<vmem>>) semaphore(%arg31 : memref<!tpu.dma_semaphore, #tpu.memory_space<semaphore_mem>>) {add = true}
      %scan3A_319 = arith.constant 0 : i32
      scf.yield %scan3A_319 : i32
    }
    %scan3A_149 = arith.constant 125 : i32
    %dma_wait3A_150 = arith.constant 0 : i32
    %dma_wait3A_151 = arith.constant 0 : i32
    %dma_wait3A_152 = tpu.memref_slice %arg23[%dma_wait3A_150, %dma_wait3A_151] : memref<10240x64xf32, #tpu.memory_space<vmem_shared>> -> memref<10240x64xf32, #tpu.memory_space<vmem_shared>>
    tpu.wait_indirect_dma semaphore(%arg30 : memref<!tpu.dma_semaphore, #tpu.memory_space<semaphore_mem>>) src(%arg20 : memref<80x64xf32, #tpu.memory_space<vmem>>) dst(%dma_wait3A_152 : memref<10240x64xf32, #tpu.memory_space<vmem_shared>>)
    %dma_wait3A_153 = arith.constant 0 : i32
    %dma_wait3A_154 = arith.constant 0 : i32
    %dma_wait3A_155 = tpu.memref_slice %arg23[%dma_wait3A_153, %dma_wait3A_154] : memref<10240x64xf32, #tpu.memory_space<vmem_shared>> -> memref<10240x64xf32, #tpu.memory_space<vmem_shared>>
    tpu.wait_indirect_dma semaphore(%arg31 : memref<!tpu.dma_semaphore, #tpu.memory_space<semaphore_mem>>) src(%arg21 : memref<80x64xf32, #tpu.memory_space<vmem>>) dst(%dma_wait3A_155 : memref<10240x64xf32, #tpu.memory_space<vmem_shared>>)
    %barrier3A_156 = arith.constant 0 : index
    tpu.barrier barrier_id(%barrier3A_156)
    %mul3A_157 = arith.constant 640 : i32
    %mul3A_158 = arith.muli %arg1, %mul3A_157 : i32
    %add3A_159 = arith.constant 0 : i32
    %add3A_160 = arith.addi %mul3A_158, %add3A_159 : i32
    "tpu.region"() ({
      %run_scoped3A = tpu.sem_alloc : memref<!tpu.dma_semaphore, #tpu.memory_space<semaphore_mem>>
      %dma_start3A_173 = arith.constant 0 : i32
      %dma_start3A_174 = tpu.memref_slice %arg7[%arg0, %add3A_160, %dma_start3A_173] : memref<2x10240x64xf32, #tpu.memory_space<hbm>> -> memref<1x160x64xf32, #tpu.memory_space<hbm>>
      %dma_start3A_175 = tpu.memref_squeeze %dma_start3A_174 : memref<1x160x64xf32, #tpu.memory_space<hbm>> -> memref<160x64xf32, #tpu.memory_space<hbm>>
      %dma_start3A_176 = arith.constant 0 : i32
      %dma_start3A_177 = tpu.memref_slice %arg23[%add3A_160, %dma_start3A_176] : memref<10240x64xf32, #tpu.memory_space<vmem_shared>> -> memref<160x64xf32, #tpu.memory_space<vmem_shared>>
      tpu.enqueue_dma source(%dma_start3A_177 : memref<160x64xf32, #tpu.memory_space<vmem_shared>>) target(%dma_start3A_175 : memref<160x64xf32, #tpu.memory_space<hbm>>) target_semaphore(%run_scoped3A : memref<!tpu.dma_semaphore, #tpu.memory_space<semaphore_mem>>)
      %dma_wait3A_178 = arith.constant 0 : i32
      %dma_wait3A_179 = tpu.memref_slice %arg7[%arg0, %add3A_160, %dma_wait3A_178] : memref<2x10240x64xf32, #tpu.memory_space<hbm>> -> memref<1x160x64xf32, #tpu.memory_space<hbm>>
      %dma_wait3A_180 = tpu.memref_squeeze %dma_wait3A_179 : memref<1x160x64xf32, #tpu.memory_space<hbm>> -> memref<160x64xf32, #tpu.memory_space<hbm>>
      %dma_wait3A_181 = arith.constant 0 : i32
      %dma_wait3A_182 = tpu.memref_slice %arg23[%add3A_160, %dma_wait3A_181] : memref<10240x64xf32, #tpu.memory_space<vmem_shared>> -> memref<160x64xf32, #tpu.memory_space<vmem_shared>>
      tpu.wait_dma2 semaphore(%run_scoped3A : memref<!tpu.dma_semaphore, #tpu.memory_space<semaphore_mem>>) src(%dma_wait3A_182 : memref<160x64xf32, #tpu.memory_space<vmem_shared>>) dst(%dma_wait3A_180 : memref<160x64xf32, #tpu.memory_space<hbm>>)
      tpu.yield
    }) : () -> ()
    %mul3A_161 = arith.constant 640 : i32
    %mul3A_162 = arith.muli %arg1, %mul3A_161 : i32
    %add3A_163 = arith.constant 160 : i32
    %add3A_164 = arith.addi %mul3A_162, %add3A_163 : i32
    "tpu.region"() ({
      %run_scoped3A = tpu.sem_alloc : memref<!tpu.dma_semaphore, #tpu.memory_space<semaphore_mem>>
      %dma_start3A_173 = arith.constant 0 : i32
      %dma_start3A_174 = tpu.memref_slice %arg7[%arg0, %add3A_164, %dma_start3A_173] : memref<2x10240x64xf32, #tpu.memory_space<hbm>> -> memref<1x160x64xf32, #tpu.memory_space<hbm>>
      %dma_start3A_175 = tpu.memref_squeeze %dma_start3A_174 : memref<1x160x64xf32, #tpu.memory_space<hbm>> -> memref<160x64xf32, #tpu.memory_space<hbm>>
      %dma_start3A_176 = arith.constant 0 : i32
      %dma_start3A_177 = tpu.memref_slice %arg23[%add3A_164, %dma_start3A_176] : memref<10240x64xf32, #tpu.memory_space<vmem_shared>> -> memref<160x64xf32, #tpu.memory_space<vmem_shared>>
      tpu.enqueue_dma source(%dma_start3A_177 : memref<160x64xf32, #tpu.memory_space<vmem_shared>>) target(%dma_start3A_175 : memref<160x64xf32, #tpu.memory_space<hbm>>) target_semaphore(%run_scoped3A : memref<!tpu.dma_semaphore, #tpu.memory_space<semaphore_mem>>)
      %dma_wait3A_178 = arith.constant 0 : i32
      %dma_wait3A_179 = tpu.memref_slice %arg7[%arg0, %add3A_164, %dma_wait3A_178] : memref<2x10240x64xf32, #tpu.memory_space<hbm>> -> memref<1x160x64xf32, #tpu.memory_space<hbm>>
      %dma_wait3A_180 = tpu.memref_squeeze %dma_wait3A_179 : memref<1x160x64xf32, #tpu.memory_space<hbm>> -> memref<160x64xf32, #tpu.memory_space<hbm>>
      %dma_wait3A_181 = arith.constant 0 : i32
      %dma_wait3A_182 = tpu.memref_slice %arg23[%add3A_164, %dma_wait3A_181] : memref<10240x64xf32, #tpu.memory_space<vmem_shared>> -> memref<160x64xf32, #tpu.memory_space<vmem_shared>>
      tpu.wait_dma2 semaphore(%run_scoped3A : memref<!tpu.dma_semaphore, #tpu.memory_space<semaphore_mem>>) src(%dma_wait3A_182 : memref<160x64xf32, #tpu.memory_space<vmem_shared>>) dst(%dma_wait3A_180 : memref<160x64xf32, #tpu.memory_space<hbm>>)
      tpu.yield
    }) : () -> ()
    %mul3A_165 = arith.constant 640 : i32
    %mul3A_166 = arith.muli %arg1, %mul3A_165 : i32
    %add3A_167 = arith.constant 320 : i32
    %add3A_168 = arith.addi %mul3A_166, %add3A_167 : i32
    "tpu.region"() ({
      %run_scoped3A = tpu.sem_alloc : memref<!tpu.dma_semaphore, #tpu.memory_space<semaphore_mem>>
      %dma_start3A_173 = arith.constant 0 : i32
      %dma_start3A_174 = tpu.memref_slice %arg7[%arg0, %add3A_168, %dma_start3A_173] : memref<2x10240x64xf32, #tpu.memory_space<hbm>> -> memref<1x160x64xf32, #tpu.memory_space<hbm>>
      %dma_start3A_175 = tpu.memref_squeeze %dma_start3A_174 : memref<1x160x64xf32, #tpu.memory_space<hbm>> -> memref<160x64xf32, #tpu.memory_space<hbm>>
      %dma_start3A_176 = arith.constant 0 : i32
      %dma_start3A_177 = tpu.memref_slice %arg23[%add3A_168, %dma_start3A_176] : memref<10240x64xf32, #tpu.memory_space<vmem_shared>> -> memref<160x64xf32, #tpu.memory_space<vmem_shared>>
      tpu.enqueue_dma source(%dma_start3A_177 : memref<160x64xf32, #tpu.memory_space<vmem_shared>>) target(%dma_start3A_175 : memref<160x64xf32, #tpu.memory_space<hbm>>) target_semaphore(%run_scoped3A : memref<!tpu.dma_semaphore, #tpu.memory_space<semaphore_mem>>)
      %dma_wait3A_178 = arith.constant 0 : i32
      %dma_wait3A_179 = tpu.memref_slice %arg7[%arg0, %add3A_168, %dma_wait3A_178] : memref<2x10240x64xf32, #tpu.memory_space<hbm>> -> memref<1x160x64xf32, #tpu.memory_space<hbm>>
      %dma_wait3A_180 = tpu.memref_squeeze %dma_wait3A_179 : memref<1x160x64xf32, #tpu.memory_space<hbm>> -> memref<160x64xf32, #tpu.memory_space<hbm>>
      %dma_wait3A_181 = arith.constant 0 : i32
      %dma_wait3A_182 = tpu.memref_slice %arg23[%add3A_168, %dma_wait3A_181] : memref<10240x64xf32, #tpu.memory_space<vmem_shared>> -> memref<160x64xf32, #tpu.memory_space<vmem_shared>>
      tpu.wait_dma2 semaphore(%run_scoped3A : memref<!tpu.dma_semaphore, #tpu.memory_space<semaphore_mem>>) src(%dma_wait3A_182 : memref<160x64xf32, #tpu.memory_space<vmem_shared>>) dst(%dma_wait3A_180 : memref<160x64xf32, #tpu.memory_space<hbm>>)
      tpu.yield
    }) : () -> ()
    %mul3A_169 = arith.constant 640 : i32
    %mul3A_170 = arith.muli %arg1, %mul3A_169 : i32
    %add3A_171 = arith.constant 480 : i32
    %add3A_172 = arith.addi %mul3A_170, %add3A_171 : i32
    "tpu.region"() ({
      %run_scoped3A = tpu.sem_alloc : memref<!tpu.dma_semaphore, #tpu.memory_space<semaphore_mem>>
      %dma_start3A_173 = arith.constant 0 : i32
      %dma_start3A_174 = tpu.memref_slice %arg7[%arg0, %add3A_172, %dma_start3A_173] : memref<2x10240x64xf32, #tpu.memory_space<hbm>> -> memref<1x160x64xf32, #tpu.memory_space<hbm>>
      %dma_start3A_175 = tpu.memref_squeeze %dma_start3A_174 : memref<1x160x64xf32, #tpu.memory_space<hbm>> -> memref<160x64xf32, #tpu.memory_space<hbm>>
      %dma_start3A_176 = arith.constant 0 : i32
      %dma_start3A_177 = tpu.memref_slice %arg23[%add3A_172, %dma_start3A_176] : memref<10240x64xf32, #tpu.memory_space<vmem_shared>> -> memref<160x64xf32, #tpu.memory_space<vmem_shared>>
      tpu.enqueue_dma source(%dma_start3A_177 : memref<160x64xf32, #tpu.memory_space<vmem_shared>>) target(%dma_start3A_175 : memref<160x64xf32, #tpu.memory_space<hbm>>) target_semaphore(%run_scoped3A : memref<!tpu.dma_semaphore, #tpu.memory_space<semaphore_mem>>)
      %dma_wait3A_178 = arith.constant 0 : i32
      %dma_wait3A_179 = tpu.memref_slice %arg7[%arg0, %add3A_172, %dma_wait3A_178] : memref<2x10240x64xf32, #tpu.memory_space<hbm>> -> memref<1x160x64xf32, #tpu.memory_space<hbm>>
      %dma_wait3A_180 = tpu.memref_squeeze %dma_wait3A_179 : memref<1x160x64xf32, #tpu.memory_space<hbm>> -> memref<160x64xf32, #tpu.memory_space<hbm>>
      %dma_wait3A_181 = arith.constant 0 : i32
      %dma_wait3A_182 = tpu.memref_slice %arg23[%add3A_172, %dma_wait3A_181] : memref<10240x64xf32, #tpu.memory_space<vmem_shared>> -> memref<160x64xf32, #tpu.memory_space<vmem_shared>>
      tpu.wait_dma2 semaphore(%run_scoped3A : memref<!tpu.dma_semaphore, #tpu.memory_space<semaphore_mem>>) src(%dma_wait3A_182 : memref<160x64xf32, #tpu.memory_space<vmem_shared>>) dst(%dma_wait3A_180 : memref<160x64xf32, #tpu.memory_space<hbm>>)
      tpu.yield
    }) : () -> ()
    return
  }
}

#map = affine_map<(d0, d1) -> (0, 0)>
#map1 = affine_map<(d0, d1) -> (0)>
#map2 = affine_map<(d0, d1) -> (0, 0, 0)>
module attributes {stable_mosaic.version = 14 : i64} {
  func.func @_edge_body(%arg0: i32, %arg1: i32, %arg2: memref<20000x64xf32, #tpu.memory_space<hbm>>, %arg3: memref<320000xi32, #tpu.memory_space<hbm>>, %arg4: memref<320000xi32, #tpu.memory_space<hbm>>, %arg5: memref<320000xi32, #tpu.memory_space<hbm>>, %arg6: memref<1024x64xf32, #tpu.memory_space<hbm>>, %arg7: memref<2x10240x64xf32, #tpu.memory_space<hbm>>, %arg8: memref<80xi32, #tpu.memory_space<vmem>>, %arg9: memref<80xi32, #tpu.memory_space<vmem>>, %arg10: memref<80xi32, #tpu.memory_space<vmem>>, %arg11: memref<80xi32, #tpu.memory_space<vmem>>, %arg12: memref<80xi32, #tpu.memory_space<vmem>>, %arg13: memref<80xi32, #tpu.memory_space<vmem>>, %arg14: memref<80xi32, #tpu.memory_space<vmem>>, %arg15: memref<80xi32, #tpu.memory_space<vmem>>, %arg16: memref<80x64xf32, #tpu.memory_space<vmem>>, %arg17: memref<80x64xf32, #tpu.memory_space<vmem>>, %arg18: memref<80x64xf32, #tpu.memory_space<vmem>>, %arg19: memref<80x64xf32, #tpu.memory_space<vmem>>, %arg20: memref<80x64xf32, #tpu.memory_space<vmem>>, %arg21: memref<80x64xf32, #tpu.memory_space<vmem>>, %arg22: memref<160x64xf32, #tpu.memory_space<vmem>>, %arg23: memref<10240x64xf32, #tpu.memory_space<vmem_shared>>, %arg24: memref<!tpu.dma_semaphore, #tpu.memory_space<semaphore_mem>>, %arg25: memref<!tpu.dma_semaphore, #tpu.memory_space<semaphore_mem>>, %arg26: memref<!tpu.dma_semaphore, #tpu.memory_space<semaphore_mem>>, %arg27: memref<!tpu.dma_semaphore, #tpu.memory_space<semaphore_mem>>, %arg28: memref<!tpu.dma_semaphore, #tpu.memory_space<semaphore_mem>>, %arg29: memref<!tpu.dma_semaphore, #tpu.memory_space<semaphore_mem>>, %arg30: memref<!tpu.dma_semaphore, #tpu.memory_space<semaphore_mem>>, %arg31: memref<!tpu.dma_semaphore, #tpu.memory_space<semaphore_mem>>) attributes {dimension_semantics = [#tpu.dimension_semantics<core_parallel>, #tpu.dimension_semantics<subcore_parallel>], iteration_bounds = array<i64: 2, 16>, scalar_prefetch = 0 : i64, scratch_operands = 24 : i64, tpu.core_type = #tpu.core_type<sc_vector_subcore>, window_params = [{transform_indices = #map}, {transform_indices = #map1}, {transform_indices = #map1}, {transform_indices = #map1}, {transform_indices = #map}, {transform_indices = #map2}]} {
    %mul3A = arith.constant 20000 : i32
    %mul3A_0 = arith.muli %arg1, %mul3A : i32
    %broadcast_in_dim3A = arith.constant 0.000000e+00 : f32
    %broadcast_in_dim3A_1 = vector.broadcast %broadcast_in_dim3A : f32 to vector<16xf32>
    %scan3A = arith.constant 0 : i32
    %scan3A_2 = arith.constant 0 : i32
    %scan3A_3 = arith.constant 160 : i32
    %scan3A_4 = arith.addi %scan3A_2, %scan3A_3 : i32
    %scan3A_5 = arith.constant 1 : i32
    %scan3A_6 = scf.for %scan3A_173 = %scan3A_2 to %scan3A_4 step %scan3A_5 iter_args(%scan3A_174 = %scan3A) -> (i32)  : i32 {
      %swap3A_175 = arith.index_cast %scan3A_173 : i32 to index
      %swap3A_176 = arith.constant 0 : index
      %swap3A_177 = tpu.vector_load %arg22[%swap3A_175, %swap3A_176] {strides = array<i32>} : memref<160x64xf32, #tpu.memory_space<vmem>>, vector<1x16xf32>,
      %swap3A_178 = vector.shape_cast %swap3A_177 : vector<1x16xf32> to vector<16xf32>
      %swap3A_179 = vector.shape_cast %broadcast_in_dim3A_1 : vector<16xf32> to vector<1x16xf32>
      tpu.vector_store %arg22[%swap3A_175, %swap3A_176], %swap3A_179 {strides = array<i32>} : memref<160x64xf32, #tpu.memory_space<vmem>>, vector<1x16xf32>,
      %swap3A_180 = arith.index_cast %scan3A_173 : i32 to index
      %swap3A_181 = arith.constant 16 : index
      %swap3A_182 = tpu.vector_load %arg22[%swap3A_180, %swap3A_181] {strides = array<i32>} : memref<160x64xf32, #tpu.memory_space<vmem>>, vector<1x16xf32>,
      %swap3A_183 = vector.shape_cast %swap3A_182 : vector<1x16xf32> to vector<16xf32>
      %swap3A_184 = vector.shape_cast %broadcast_in_dim3A_1 : vector<16xf32> to vector<1x16xf32>
      tpu.vector_store %arg22[%swap3A_180, %swap3A_181], %swap3A_184 {strides = array<i32>} : memref<160x64xf32, #tpu.memory_space<vmem>>, vector<1x16xf32>,
      %swap3A_185 = arith.index_cast %scan3A_173 : i32 to index
      %swap3A_186 = arith.constant 32 : index
      %swap3A_187 = tpu.vector_load %arg22[%swap3A_185, %swap3A_186] {strides = array<i32>} : memref<160x64xf32, #tpu.memory_space<vmem>>, vector<1x16xf32>,
      %swap3A_188 = vector.shape_cast %swap3A_187 : vector<1x16xf32> to vector<16xf32>
      %swap3A_189 = vector.shape_cast %broadcast_in_dim3A_1 : vector<16xf32> to vector<1x16xf32>
      tpu.vector_store %arg22[%swap3A_185, %swap3A_186], %swap3A_189 {strides = array<i32>} : memref<160x64xf32, #tpu.memory_space<vmem>>, vector<1x16xf32>,
      %swap3A_190 = arith.index_cast %scan3A_173 : i32 to index
      %swap3A_191 = arith.constant 48 : index
      %swap3A_192 = tpu.vector_load %arg22[%swap3A_190, %swap3A_191] {strides = array<i32>} : memref<160x64xf32, #tpu.memory_space<vmem>>, vector<1x16xf32>,
      %swap3A_193 = vector.shape_cast %swap3A_192 : vector<1x16xf32> to vector<16xf32>
      %swap3A_194 = vector.shape_cast %broadcast_in_dim3A_1 : vector<16xf32> to vector<1x16xf32>
      tpu.vector_store %arg22[%swap3A_190, %swap3A_191], %swap3A_194 {strides = array<i32>} : memref<160x64xf32, #tpu.memory_space<vmem>>, vector<1x16xf32>,
      %scan3A_195 = arith.constant 0 : i32
      scf.yield %scan3A_195 : i32
    }
    %scan3A_7 = arith.constant 160 : i32
    %mul3A_8 = arith.constant 640 : i32
    %mul3A_9 = arith.muli %arg1, %mul3A_8 : i32
    %add3A = arith.constant 0 : i32
    %add3A_10 = arith.addi %mul3A_9, %add3A : i32
    "tpu.region"() ({
      %run_scoped3A = tpu.sem_alloc : memref<!tpu.dma_semaphore, #tpu.memory_space<semaphore_mem>>
      %dma_start3A_173 = arith.constant 0 : i32
      %dma_start3A_174 = tpu.memref_slice %arg23[%add3A_10, %dma_start3A_173] : memref<10240x64xf32, #tpu.memory_space<vmem_shared>> -> memref<160x64xf32, #tpu.memory_space<vmem_shared>>
      %dma_start3A_175 = arith.constant 0 : i32
      %dma_start3A_176 = tpu.memref_slice %arg23[%add3A_10, %dma_start3A_175] : memref<10240x64xf32, #tpu.memory_space<vmem_shared>> -> memref<160x64xf32, #tpu.memory_space<vmem_shared>>
      tpu.enqueue_dma source(%arg22 : memref<160x64xf32, #tpu.memory_space<vmem>>) target(%dma_start3A_176 : memref<160x64xf32, #tpu.memory_space<vmem_shared>>) target_semaphore(%run_scoped3A : memref<!tpu.dma_semaphore, #tpu.memory_space<semaphore_mem>>)
      %dma_wait3A_177 = arith.constant 0 : i32
      %dma_wait3A_178 = tpu.memref_slice %arg23[%add3A_10, %dma_wait3A_177] : memref<10240x64xf32, #tpu.memory_space<vmem_shared>> -> memref<160x64xf32, #tpu.memory_space<vmem_shared>>
      %dma_wait3A_179 = arith.constant 0 : i32
      %dma_wait3A_180 = tpu.memref_slice %arg23[%add3A_10, %dma_wait3A_179] : memref<10240x64xf32, #tpu.memory_space<vmem_shared>> -> memref<160x64xf32, #tpu.memory_space<vmem_shared>>
      tpu.wait_dma2 semaphore(%run_scoped3A : memref<!tpu.dma_semaphore, #tpu.memory_space<semaphore_mem>>) src(%arg22 : memref<160x64xf32, #tpu.memory_space<vmem>>) dst(%dma_wait3A_180 : memref<160x64xf32, #tpu.memory_space<vmem_shared>>)
      tpu.yield
    }) : () -> ()
    %mul3A_11 = arith.constant 640 : i32
    %mul3A_12 = arith.muli %arg1, %mul3A_11 : i32
    %add3A_13 = arith.constant 160 : i32
    %add3A_14 = arith.addi %mul3A_12, %add3A_13 : i32
    "tpu.region"() ({
      %run_scoped3A = tpu.sem_alloc : memref<!tpu.dma_semaphore, #tpu.memory_space<semaphore_mem>>
      %dma_start3A_173 = arith.constant 0 : i32
      %dma_start3A_174 = tpu.memref_slice %arg23[%add3A_14, %dma_start3A_173] : memref<10240x64xf32, #tpu.memory_space<vmem_shared>> -> memref<160x64xf32, #tpu.memory_space<vmem_shared>>
      %dma_start3A_175 = arith.constant 0 : i32
      %dma_start3A_176 = tpu.memref_slice %arg23[%add3A_14, %dma_start3A_175] : memref<10240x64xf32, #tpu.memory_space<vmem_shared>> -> memref<160x64xf32, #tpu.memory_space<vmem_shared>>
      tpu.enqueue_dma source(%arg22 : memref<160x64xf32, #tpu.memory_space<vmem>>) target(%dma_start3A_176 : memref<160x64xf32, #tpu.memory_space<vmem_shared>>) target_semaphore(%run_scoped3A : memref<!tpu.dma_semaphore, #tpu.memory_space<semaphore_mem>>)
      %dma_wait3A_177 = arith.constant 0 : i32
      %dma_wait3A_178 = tpu.memref_slice %arg23[%add3A_14, %dma_wait3A_177] : memref<10240x64xf32, #tpu.memory_space<vmem_shared>> -> memref<160x64xf32, #tpu.memory_space<vmem_shared>>
      %dma_wait3A_179 = arith.constant 0 : i32
      %dma_wait3A_180 = tpu.memref_slice %arg23[%add3A_14, %dma_wait3A_179] : memref<10240x64xf32, #tpu.memory_space<vmem_shared>> -> memref<160x64xf32, #tpu.memory_space<vmem_shared>>
      tpu.wait_dma2 semaphore(%run_scoped3A : memref<!tpu.dma_semaphore, #tpu.memory_space<semaphore_mem>>) src(%arg22 : memref<160x64xf32, #tpu.memory_space<vmem>>) dst(%dma_wait3A_180 : memref<160x64xf32, #tpu.memory_space<vmem_shared>>)
      tpu.yield
    }) : () -> ()
    %mul3A_15 = arith.constant 640 : i32
    %mul3A_16 = arith.muli %arg1, %mul3A_15 : i32
    %add3A_17 = arith.constant 320 : i32
    %add3A_18 = arith.addi %mul3A_16, %add3A_17 : i32
    "tpu.region"() ({
      %run_scoped3A = tpu.sem_alloc : memref<!tpu.dma_semaphore, #tpu.memory_space<semaphore_mem>>
      %dma_start3A_173 = arith.constant 0 : i32
      %dma_start3A_174 = tpu.memref_slice %arg23[%add3A_18, %dma_start3A_173] : memref<10240x64xf32, #tpu.memory_space<vmem_shared>> -> memref<160x64xf32, #tpu.memory_space<vmem_shared>>
      %dma_start3A_175 = arith.constant 0 : i32
      %dma_start3A_176 = tpu.memref_slice %arg23[%add3A_18, %dma_start3A_175] : memref<10240x64xf32, #tpu.memory_space<vmem_shared>> -> memref<160x64xf32, #tpu.memory_space<vmem_shared>>
      tpu.enqueue_dma source(%arg22 : memref<160x64xf32, #tpu.memory_space<vmem>>) target(%dma_start3A_176 : memref<160x64xf32, #tpu.memory_space<vmem_shared>>) target_semaphore(%run_scoped3A : memref<!tpu.dma_semaphore, #tpu.memory_space<semaphore_mem>>)
      %dma_wait3A_177 = arith.constant 0 : i32
      %dma_wait3A_178 = tpu.memref_slice %arg23[%add3A_18, %dma_wait3A_177] : memref<10240x64xf32, #tpu.memory_space<vmem_shared>> -> memref<160x64xf32, #tpu.memory_space<vmem_shared>>
      %dma_wait3A_179 = arith.constant 0 : i32
      %dma_wait3A_180 = tpu.memref_slice %arg23[%add3A_18, %dma_wait3A_179] : memref<10240x64xf32, #tpu.memory_space<vmem_shared>> -> memref<160x64xf32, #tpu.memory_space<vmem_shared>>
      tpu.wait_dma2 semaphore(%run_scoped3A : memref<!tpu.dma_semaphore, #tpu.memory_space<semaphore_mem>>) src(%arg22 : memref<160x64xf32, #tpu.memory_space<vmem>>) dst(%dma_wait3A_180 : memref<160x64xf32, #tpu.memory_space<vmem_shared>>)
      tpu.yield
    }) : () -> ()
    %mul3A_19 = arith.constant 640 : i32
    %mul3A_20 = arith.muli %arg1, %mul3A_19 : i32
    %add3A_21 = arith.constant 480 : i32
    %add3A_22 = arith.addi %mul3A_20, %add3A_21 : i32
    "tpu.region"() ({
      %run_scoped3A = tpu.sem_alloc : memref<!tpu.dma_semaphore, #tpu.memory_space<semaphore_mem>>
      %dma_start3A_173 = arith.constant 0 : i32
      %dma_start3A_174 = tpu.memref_slice %arg23[%add3A_22, %dma_start3A_173] : memref<10240x64xf32, #tpu.memory_space<vmem_shared>> -> memref<160x64xf32, #tpu.memory_space<vmem_shared>>
      %dma_start3A_175 = arith.constant 0 : i32
      %dma_start3A_176 = tpu.memref_slice %arg23[%add3A_22, %dma_start3A_175] : memref<10240x64xf32, #tpu.memory_space<vmem_shared>> -> memref<160x64xf32, #tpu.memory_space<vmem_shared>>
      tpu.enqueue_dma source(%arg22 : memref<160x64xf32, #tpu.memory_space<vmem>>) target(%dma_start3A_176 : memref<160x64xf32, #tpu.memory_space<vmem_shared>>) target_semaphore(%run_scoped3A : memref<!tpu.dma_semaphore, #tpu.memory_space<semaphore_mem>>)
      %dma_wait3A_177 = arith.constant 0 : i32
      %dma_wait3A_178 = tpu.memref_slice %arg23[%add3A_22, %dma_wait3A_177] : memref<10240x64xf32, #tpu.memory_space<vmem_shared>> -> memref<160x64xf32, #tpu.memory_space<vmem_shared>>
      %dma_wait3A_179 = arith.constant 0 : i32
      %dma_wait3A_180 = tpu.memref_slice %arg23[%add3A_22, %dma_wait3A_179] : memref<10240x64xf32, #tpu.memory_space<vmem_shared>> -> memref<160x64xf32, #tpu.memory_space<vmem_shared>>
      tpu.wait_dma2 semaphore(%run_scoped3A : memref<!tpu.dma_semaphore, #tpu.memory_space<semaphore_mem>>) src(%arg22 : memref<160x64xf32, #tpu.memory_space<vmem>>) dst(%dma_wait3A_180 : memref<160x64xf32, #tpu.memory_space<vmem_shared>>)
      tpu.yield
    }) : () -> ()
    %barrier3A = arith.constant 0 : index
    tpu.barrier barrier_id(%barrier3A)
    %add3A_23 = arith.constant 0 : i32
    %add3A_24 = arith.addi %mul3A_0, %add3A_23 : i32
    %dma_start3A = tpu.memref_slice %arg3[%add3A_24] : memref<320000xi32, #tpu.memory_space<hbm>> -> memref<80xi32, #tpu.memory_space<hbm>>
    %dma_start3A_25 = tpu.memref_slice %arg3[%add3A_24] : memref<320000xi32, #tpu.memory_space<hbm>> -> memref<80xi32, #tpu.memory_space<hbm>>
    tpu.enqueue_dma source(%dma_start3A_25 : memref<80xi32, #tpu.memory_space<hbm>>) target(%arg8 : memref<80xi32, #tpu.memory_space<vmem>>) target_semaphore(%arg24 : memref<!tpu.dma_semaphore, #tpu.memory_space<semaphore_mem>>)
    %dma_start3A_26 = tpu.memref_slice %arg4[%add3A_24] : memref<320000xi32, #tpu.memory_space<hbm>> -> memref<80xi32, #tpu.memory_space<hbm>>
    %dma_start3A_27 = tpu.memref_slice %arg4[%add3A_24] : memref<320000xi32, #tpu.memory_space<hbm>> -> memref<80xi32, #tpu.memory_space<hbm>>
    tpu.enqueue_dma source(%dma_start3A_27 : memref<80xi32, #tpu.memory_space<hbm>>) target(%arg10 : memref<80xi32, #tpu.memory_space<vmem>>) target_semaphore(%arg24 : memref<!tpu.dma_semaphore, #tpu.memory_space<semaphore_mem>>)
    %dma_start3A_28 = tpu.memref_slice %arg5[%add3A_24] : memref<320000xi32, #tpu.memory_space<hbm>> -> memref<80xi32, #tpu.memory_space<hbm>>
    %dma_start3A_29 = tpu.memref_slice %arg5[%add3A_24] : memref<320000xi32, #tpu.memory_space<hbm>> -> memref<80xi32, #tpu.memory_space<hbm>>
    tpu.enqueue_dma source(%dma_start3A_29 : memref<80xi32, #tpu.memory_space<hbm>>) target(%arg14 : memref<80xi32, #tpu.memory_space<vmem>>) target_semaphore(%arg24 : memref<!tpu.dma_semaphore, #tpu.memory_space<semaphore_mem>>)
    %add3A_30 = arith.constant 0 : i32
    %add3A_31 = arith.addi %mul3A_0, %add3A_30 : i32
    %dma_wait3A = tpu.memref_slice %arg3[%add3A_31] : memref<320000xi32, #tpu.memory_space<hbm>> -> memref<80xi32, #tpu.memory_space<hbm>>
    %dma_wait3A_32 = tpu.memref_slice %arg3[%add3A_31] : memref<320000xi32, #tpu.memory_space<hbm>> -> memref<80xi32, #tpu.memory_space<hbm>>
    tpu.wait_dma2 semaphore(%arg24 : memref<!tpu.dma_semaphore, #tpu.memory_space<semaphore_mem>>) src(%dma_wait3A_32 : memref<80xi32, #tpu.memory_space<hbm>>) dst(%arg8 : memref<80xi32, #tpu.memory_space<vmem>>)
    %dma_wait3A_33 = tpu.memref_slice %arg4[%add3A_31] : memref<320000xi32, #tpu.memory_space<hbm>> -> memref<80xi32, #tpu.memory_space<hbm>>
    %dma_wait3A_34 = tpu.memref_slice %arg4[%add3A_31] : memref<320000xi32, #tpu.memory_space<hbm>> -> memref<80xi32, #tpu.memory_space<hbm>>
    tpu.wait_dma2 semaphore(%arg24 : memref<!tpu.dma_semaphore, #tpu.memory_space<semaphore_mem>>) src(%dma_wait3A_34 : memref<80xi32, #tpu.memory_space<hbm>>) dst(%arg10 : memref<80xi32, #tpu.memory_space<vmem>>)
    %dma_wait3A_35 = tpu.memref_slice %arg5[%add3A_31] : memref<320000xi32, #tpu.memory_space<hbm>> -> memref<80xi32, #tpu.memory_space<hbm>>
    %dma_wait3A_36 = tpu.memref_slice %arg5[%add3A_31] : memref<320000xi32, #tpu.memory_space<hbm>> -> memref<80xi32, #tpu.memory_space<hbm>>
    tpu.wait_dma2 semaphore(%arg24 : memref<!tpu.dma_semaphore, #tpu.memory_space<semaphore_mem>>) src(%dma_wait3A_36 : memref<80xi32, #tpu.memory_space<hbm>>) dst(%arg14 : memref<80xi32, #tpu.memory_space<vmem>>)
    %mul3A_37 = arith.constant 512 : i32
    %mul3A_38 = arith.muli %arg0, %mul3A_37 : i32
    %mul3A_39 = arith.constant 10000 : i32
    %mul3A_40 = arith.muli %arg0, %mul3A_39 : i32
    %get3A = arith.constant 0 : index
    %get3A_41 = tpu.vector_load %arg14[%get3A] {strides = array<i32>} : memref<80xi32, #tpu.memory_space<vmem>>, vector<16xi32>,
    %get3A_42 = vector.shape_cast %get3A_41 : vector<16xi32> to vector<16xi32>
    %add3A_43 = vector.broadcast %mul3A_38 : i32 to vector<16xi32>
    %add3A_44 = arith.addi %get3A_42, %add3A_43 : vector<16xi32>
    %swap3A = arith.constant 0 : index
    %swap3A_45 = tpu.vector_load %arg14[%swap3A] {strides = array<i32>} : memref<80xi32, #tpu.memory_space<vmem>>, vector<16xi32>,
    %swap3A_46 = vector.shape_cast %swap3A_45 : vector<16xi32> to vector<16xi32>
    %swap3A_47 = vector.shape_cast %add3A_44 : vector<16xi32> to vector<16xi32>
    tpu.vector_store %arg14[%swap3A], %swap3A_47 {strides = array<i32>} : memref<80xi32, #tpu.memory_space<vmem>>, vector<16xi32>,
    %get3A_48 = arith.constant 0 : index
    %get3A_49 = tpu.vector_load %arg8[%get3A_48] {strides = array<i32>} : memref<80xi32, #tpu.memory_space<vmem>>, vector<16xi32>,
    %get3A_50 = vector.shape_cast %get3A_49 : vector<16xi32> to vector<16xi32>
    %add3A_51 = vector.broadcast %mul3A_40 : i32 to vector<16xi32>
    %add3A_52 = arith.addi %get3A_50, %add3A_51 : vector<16xi32>
    %swap3A_53 = arith.constant 0 : index
    %swap3A_54 = tpu.vector_load %arg8[%swap3A_53] {strides = array<i32>} : memref<80xi32, #tpu.memory_space<vmem>>, vector<16xi32>,
    %swap3A_55 = vector.shape_cast %swap3A_54 : vector<16xi32> to vector<16xi32>
    %swap3A_56 = vector.shape_cast %add3A_52 : vector<16xi32> to vector<16xi32>
    tpu.vector_store %arg8[%swap3A_53], %swap3A_56 {strides = array<i32>} : memref<80xi32, #tpu.memory_space<vmem>>, vector<16xi32>,
    %get3A_57 = arith.constant 16 : index
    %get3A_58 = tpu.vector_load %arg14[%get3A_57] {strides = array<i32>} : memref<80xi32, #tpu.memory_space<vmem>>, vector<16xi32>,
    %get3A_59 = vector.shape_cast %get3A_58 : vector<16xi32> to vector<16xi32>
    %add3A_60 = vector.broadcast %mul3A_38 : i32 to vector<16xi32>
    %add3A_61 = arith.addi %get3A_59, %add3A_60 : vector<16xi32>
    %swap3A_62 = arith.constant 16 : index
    %swap3A_63 = tpu.vector_load %arg14[%swap3A_62] {strides = array<i32>} : memref<80xi32, #tpu.memory_space<vmem>>, vector<16xi32>,
    %swap3A_64 = vector.shape_cast %swap3A_63 : vector<16xi32> to vector<16xi32>
    %swap3A_65 = vector.shape_cast %add3A_61 : vector<16xi32> to vector<16xi32>
    tpu.vector_store %arg14[%swap3A_62], %swap3A_65 {strides = array<i32>} : memref<80xi32, #tpu.memory_space<vmem>>, vector<16xi32>,
    %get3A_66 = arith.constant 16 : index
    %get3A_67 = tpu.vector_load %arg8[%get3A_66] {strides = array<i32>} : memref<80xi32, #tpu.memory_space<vmem>>, vector<16xi32>,
    %get3A_68 = vector.shape_cast %get3A_67 : vector<16xi32> to vector<16xi32>
    %add3A_69 = vector.broadcast %mul3A_40 : i32 to vector<16xi32>
    %add3A_70 = arith.addi %get3A_68, %add3A_69 : vector<16xi32>
    %swap3A_71 = arith.constant 16 : index
    %swap3A_72 = tpu.vector_load %arg8[%swap3A_71] {strides = array<i32>} : memref<80xi32, #tpu.memory_space<vmem>>, vector<16xi32>,
    %swap3A_73 = vector.shape_cast %swap3A_72 : vector<16xi32> to vector<16xi32>
    %swap3A_74 = vector.shape_cast %add3A_70 : vector<16xi32> to vector<16xi32>
    tpu.vector_store %arg8[%swap3A_71], %swap3A_74 {strides = array<i32>} : memref<80xi32, #tpu.memory_space<vmem>>, vector<16xi32>,
    %get3A_75 = arith.constant 32 : index
    %get3A_76 = tpu.vector_load %arg14[%get3A_75] {strides = array<i32>} : memref<80xi32, #tpu.memory_space<vmem>>, vector<16xi32>,
    %get3A_77 = vector.shape_cast %get3A_76 : vector<16xi32> to vector<16xi32>
    %add3A_78 = vector.broadcast %mul3A_38 : i32 to vector<16xi32>
    %add3A_79 = arith.addi %get3A_77, %add3A_78 : vector<16xi32>
    %swap3A_80 = arith.constant 32 : index
    %swap3A_81 = tpu.vector_load %arg14[%swap3A_80] {strides = array<i32>} : memref<80xi32, #tpu.memory_space<vmem>>, vector<16xi32>,
    %swap3A_82 = vector.shape_cast %swap3A_81 : vector<16xi32> to vector<16xi32>
    %swap3A_83 = vector.shape_cast %add3A_79 : vector<16xi32> to vector<16xi32>
    tpu.vector_store %arg14[%swap3A_80], %swap3A_83 {strides = array<i32>} : memref<80xi32, #tpu.memory_space<vmem>>, vector<16xi32>,
    %get3A_84 = arith.constant 32 : index
    %get3A_85 = tpu.vector_load %arg8[%get3A_84] {strides = array<i32>} : memref<80xi32, #tpu.memory_space<vmem>>, vector<16xi32>,
    %get3A_86 = vector.shape_cast %get3A_85 : vector<16xi32> to vector<16xi32>
    %add3A_87 = vector.broadcast %mul3A_40 : i32 to vector<16xi32>
    %add3A_88 = arith.addi %get3A_86, %add3A_87 : vector<16xi32>
    %swap3A_89 = arith.constant 32 : index
    %swap3A_90 = tpu.vector_load %arg8[%swap3A_89] {strides = array<i32>} : memref<80xi32, #tpu.memory_space<vmem>>, vector<16xi32>,
    %swap3A_91 = vector.shape_cast %swap3A_90 : vector<16xi32> to vector<16xi32>
    %swap3A_92 = vector.shape_cast %add3A_88 : vector<16xi32> to vector<16xi32>
    tpu.vector_store %arg8[%swap3A_89], %swap3A_92 {strides = array<i32>} : memref<80xi32, #tpu.memory_space<vmem>>, vector<16xi32>,
    %get3A_93 = arith.constant 48 : index
    %get3A_94 = tpu.vector_load %arg14[%get3A_93] {strides = array<i32>} : memref<80xi32, #tpu.memory_space<vmem>>, vector<16xi32>,
    %get3A_95 = vector.shape_cast %get3A_94 : vector<16xi32> to vector<16xi32>
    %add3A_96 = vector.broadcast %mul3A_38 : i32 to vector<16xi32>
    %add3A_97 = arith.addi %get3A_95, %add3A_96 : vector<16xi32>
    %swap3A_98 = arith.constant 48 : index
    %swap3A_99 = tpu.vector_load %arg14[%swap3A_98] {strides = array<i32>} : memref<80xi32, #tpu.memory_space<vmem>>, vector<16xi32>,
    %swap3A_100 = vector.shape_cast %swap3A_99 : vector<16xi32> to vector<16xi32>
    %swap3A_101 = vector.shape_cast %add3A_97 : vector<16xi32> to vector<16xi32>
    tpu.vector_store %arg14[%swap3A_98], %swap3A_101 {strides = array<i32>} : memref<80xi32, #tpu.memory_space<vmem>>, vector<16xi32>,
    %get3A_102 = arith.constant 48 : index
    %get3A_103 = tpu.vector_load %arg8[%get3A_102] {strides = array<i32>} : memref<80xi32, #tpu.memory_space<vmem>>, vector<16xi32>,
    %get3A_104 = vector.shape_cast %get3A_103 : vector<16xi32> to vector<16xi32>
    %add3A_105 = vector.broadcast %mul3A_40 : i32 to vector<16xi32>
    %add3A_106 = arith.addi %get3A_104, %add3A_105 : vector<16xi32>
    %swap3A_107 = arith.constant 48 : index
    %swap3A_108 = tpu.vector_load %arg8[%swap3A_107] {strides = array<i32>} : memref<80xi32, #tpu.memory_space<vmem>>, vector<16xi32>,
    %swap3A_109 = vector.shape_cast %swap3A_108 : vector<16xi32> to vector<16xi32>
    %swap3A_110 = vector.shape_cast %add3A_106 : vector<16xi32> to vector<16xi32>
    tpu.vector_store %arg8[%swap3A_107], %swap3A_110 {strides = array<i32>} : memref<80xi32, #tpu.memory_space<vmem>>, vector<16xi32>,
    %get3A_111 = arith.constant 64 : index
    %get3A_112 = tpu.vector_load %arg14[%get3A_111] {strides = array<i32>} : memref<80xi32, #tpu.memory_space<vmem>>, vector<16xi32>,
    %get3A_113 = vector.shape_cast %get3A_112 : vector<16xi32> to vector<16xi32>
    %add3A_114 = vector.broadcast %mul3A_38 : i32 to vector<16xi32>
    %add3A_115 = arith.addi %get3A_113, %add3A_114 : vector<16xi32>
    %swap3A_116 = arith.constant 64 : index
    %swap3A_117 = tpu.vector_load %arg14[%swap3A_116] {strides = array<i32>} : memref<80xi32, #tpu.memory_space<vmem>>, vector<16xi32>,
    %swap3A_118 = vector.shape_cast %swap3A_117 : vector<16xi32> to vector<16xi32>
    %swap3A_119 = vector.shape_cast %add3A_115 : vector<16xi32> to vector<16xi32>
    tpu.vector_store %arg14[%swap3A_116], %swap3A_119 {strides = array<i32>} : memref<80xi32, #tpu.memory_space<vmem>>, vector<16xi32>,
    %get3A_120 = arith.constant 64 : index
    %get3A_121 = tpu.vector_load %arg8[%get3A_120] {strides = array<i32>} : memref<80xi32, #tpu.memory_space<vmem>>, vector<16xi32>,
    %get3A_122 = vector.shape_cast %get3A_121 : vector<16xi32> to vector<16xi32>
    %add3A_123 = vector.broadcast %mul3A_40 : i32 to vector<16xi32>
    %add3A_124 = arith.addi %get3A_122, %add3A_123 : vector<16xi32>
    %swap3A_125 = arith.constant 64 : index
    %swap3A_126 = tpu.vector_load %arg8[%swap3A_125] {strides = array<i32>} : memref<80xi32, #tpu.memory_space<vmem>>, vector<16xi32>,
    %swap3A_127 = vector.shape_cast %swap3A_126 : vector<16xi32> to vector<16xi32>
    %swap3A_128 = vector.shape_cast %add3A_124 : vector<16xi32> to vector<16xi32>
    tpu.vector_store %arg8[%swap3A_125], %swap3A_128 {strides = array<i32>} : memref<80xi32, #tpu.memory_space<vmem>>, vector<16xi32>,
    %dma_start3A_129 = arith.constant 0 : i32
    %dma_start3A_130 = arith.constant 0 : i32
    %dma_start3A_131 = tpu.memref_slice %arg2[%dma_start3A_129, %dma_start3A_130] : memref<20000x64xf32, #tpu.memory_space<hbm>> -> memref<20000x64xf32, #tpu.memory_space<hbm>>
    tpu.enqueue_indirect_dma source(%dma_start3A_131 : memref<20000x64xf32, #tpu.memory_space<hbm>>) target(%arg16 : memref<80x64xf32, #tpu.memory_space<vmem>>) offsets(%arg8 : memref<80xi32, #tpu.memory_space<vmem>>) semaphore(%arg26 : memref<!tpu.dma_semaphore, #tpu.memory_space<semaphore_mem>>)
    %dma_start3A_132 = arith.constant 0 : i32
    %dma_start3A_133 = arith.constant 0 : i32
    %dma_start3A_134 = tpu.memref_slice %arg6[%dma_start3A_132, %dma_start3A_133] : memref<1024x64xf32, #tpu.memory_space<hbm>> -> memref<1024x64xf32, #tpu.memory_space<hbm>>
    tpu.enqueue_indirect_dma source(%dma_start3A_134 : memref<1024x64xf32, #tpu.memory_space<hbm>>) target(%arg18 : memref<80x64xf32, #tpu.memory_space<vmem>>) offsets(%arg14 : memref<80xi32, #tpu.memory_space<vmem>>) semaphore(%arg28 : memref<!tpu.dma_semaphore, #tpu.memory_space<semaphore_mem>>)
    %add3A_135 = arith.constant 80 : i32
    %add3A_136 = arith.addi %mul3A_0, %add3A_135 : i32
    %dma_start3A_137 = tpu.memref_slice %arg3[%add3A_136] : memref<320000xi32, #tpu.memory_space<hbm>> -> memref<80xi32, #tpu.memory_space<hbm>>
    %dma_start3A_138 = tpu.memref_slice %arg3[%add3A_136] : memref<320000xi32, #tpu.memory_space<hbm>> -> memref<80xi32, #tpu.memory_space<hbm>>
    tpu.enqueue_dma source(%dma_start3A_138 : memref<80xi32, #tpu.memory_space<hbm>>) target(%arg9 : memref<80xi32, #tpu.memory_space<vmem>>) target_semaphore(%arg25 : memref<!tpu.dma_semaphore, #tpu.memory_space<semaphore_mem>>)
    %dma_start3A_139 = tpu.memref_slice %arg4[%add3A_136] : memref<320000xi32, #tpu.memory_space<hbm>> -> memref<80xi32, #tpu.memory_space<hbm>>
    %dma_start3A_140 = tpu.memref_slice %arg4[%add3A_136] : memref<320000xi32, #tpu.memory_space<hbm>> -> memref<80xi32, #tpu.memory_space<hbm>>
    tpu.enqueue_dma source(%dma_start3A_140 : memref<80xi32, #tpu.memory_space<hbm>>) target(%arg11 : memref<80xi32, #tpu.memory_space<vmem>>) target_semaphore(%arg25 : memref<!tpu.dma_semaphore, #tpu.memory_space<semaphore_mem>>)
    %dma_start3A_141 = tpu.memref_slice %arg5[%add3A_136] : memref<320000xi32, #tpu.memory_space<hbm>> -> memref<80xi32, #tpu.memory_space<hbm>>
    %dma_start3A_142 = tpu.memref_slice %arg5[%add3A_136] : memref<320000xi32, #tpu.memory_space<hbm>> -> memref<80xi32, #tpu.memory_space<hbm>>
    tpu.enqueue_dma source(%dma_start3A_142 : memref<80xi32, #tpu.memory_space<hbm>>) target(%arg15 : memref<80xi32, #tpu.memory_space<vmem>>) target_semaphore(%arg25 : memref<!tpu.dma_semaphore, #tpu.memory_space<semaphore_mem>>)
    %scan3A_143 = arith.constant 0 : i32
    %scan3A_144 = arith.constant 0 : i32
    %scan3A_145 = arith.constant 125 : i32
    %scan3A_146 = arith.addi %scan3A_144, %scan3A_145 : i32
    %scan3A_147 = arith.constant 1 : i32
    %scan3A_148 = scf.for %scan3A_173 = %scan3A_144 to %scan3A_146 step %scan3A_147 iter_args(%scan3A_174 = %scan3A_143) -> (i32)  : i32 {
      %mul3A_175 = arith.constant 2 : i32
      %mul3A_176 = arith.muli %mul3A_175, %scan3A_173 : i32
      %add3A_177 = arith.constant 0 : i32
      %add3A_178 = arith.addi %mul3A_176, %add3A_177 : i32
      %add3A_179 = arith.constant 1 : i32
      %add3A_180 = arith.addi %add3A_178, %add3A_179 : i32
      %lt3A = arith.constant 250 : i32
      %lt3A_181 = arith.cmpi slt, %add3A_180, %lt3A : i32
      %convert_element_type3A = arith.extui %lt3A_181 : i1 to i32
      %cond3A = arith.constant 0 : i32
      %cond3A_182 = arith.cmpi ne, %convert_element_type3A, %cond3A : i32
      scf.if %cond3A_182 {
        %add3A_320 = arith.constant 1 : i32
        %add3A_321 = arith.addi %add3A_178, %add3A_320 : i32
        %mul3A_322 = arith.constant 80 : i32
        %mul3A_323 = arith.muli %add3A_321, %mul3A_322 : i32
        %add3A_324 = arith.addi %mul3A_0, %mul3A_323 : i32
        %dma_wait3A_325 = tpu.memref_slice %arg3[%add3A_324] : memref<320000xi32, #tpu.memory_space<hbm>> -> memref<80xi32, #tpu.memory_space<hbm>>
        %dma_wait3A_326 = tpu.memref_slice %arg3[%add3A_324] : memref<320000xi32, #tpu.memory_space<hbm>> -> memref<80xi32, #tpu.memory_space<hbm>>
        tpu.wait_dma2 semaphore(%arg25 : memref<!tpu.dma_semaphore, #tpu.memory_space<semaphore_mem>>) src(%dma_wait3A_326 : memref<80xi32, #tpu.memory_space<hbm>>) dst(%arg9 : memref<80xi32, #tpu.memory_space<vmem>>)
        %dma_wait3A_327 = tpu.memref_slice %arg4[%add3A_324] : memref<320000xi32, #tpu.memory_space<hbm>> -> memref<80xi32, #tpu.memory_space<hbm>>
        %dma_wait3A_328 = tpu.memref_slice %arg4[%add3A_324] : memref<320000xi32, #tpu.memory_space<hbm>> -> memref<80xi32, #tpu.memory_space<hbm>>
        tpu.wait_dma2 semaphore(%arg25 : memref<!tpu.dma_semaphore, #tpu.memory_space<semaphore_mem>>) src(%dma_wait3A_328 : memref<80xi32, #tpu.memory_space<hbm>>) dst(%arg11 : memref<80xi32, #tpu.memory_space<vmem>>)
        %dma_wait3A_329 = tpu.memref_slice %arg5[%add3A_324] : memref<320000xi32, #tpu.memory_space<hbm>> -> memref<80xi32, #tpu.memory_space<hbm>>
        %dma_wait3A_330 = tpu.memref_slice %arg5[%add3A_324] : memref<320000xi32, #tpu.memory_space<hbm>> -> memref<80xi32, #tpu.memory_space<hbm>>
        tpu.wait_dma2 semaphore(%arg25 : memref<!tpu.dma_semaphore, #tpu.memory_space<semaphore_mem>>) src(%dma_wait3A_330 : memref<80xi32, #tpu.memory_space<hbm>>) dst(%arg15 : memref<80xi32, #tpu.memory_space<vmem>>)
        %mul3A_331 = arith.constant 512 : i32
        %mul3A_332 = arith.muli %arg0, %mul3A_331 : i32
        %mul3A_333 = arith.constant 10000 : i32
        %mul3A_334 = arith.muli %arg0, %mul3A_333 : i32
        %get3A_335 = arith.constant 0 : index
        %get3A_336 = tpu.vector_load %arg15[%get3A_335] {strides = array<i32>} : memref<80xi32, #tpu.memory_space<vmem>>, vector<16xi32>,
        %get3A_337 = vector.shape_cast %get3A_336 : vector<16xi32> to vector<16xi32>
        %add3A_338 = vector.broadcast %mul3A_332 : i32 to vector<16xi32>
        %add3A_339 = arith.addi %get3A_337, %add3A_338 : vector<16xi32>
        %swap3A_340 = arith.constant 0 : index
        %swap3A_341 = tpu.vector_load %arg15[%swap3A_340] {strides = array<i32>} : memref<80xi32, #tpu.memory_space<vmem>>, vector<16xi32>,
        %swap3A_342 = vector.shape_cast %swap3A_341 : vector<16xi32> to vector<16xi32>
        %swap3A_343 = vector.shape_cast %add3A_339 : vector<16xi32> to vector<16xi32>
        tpu.vector_store %arg15[%swap3A_340], %swap3A_343 {strides = array<i32>} : memref<80xi32, #tpu.memory_space<vmem>>, vector<16xi32>,
        %get3A_344 = arith.constant 0 : index
        %get3A_345 = tpu.vector_load %arg9[%get3A_344] {strides = array<i32>} : memref<80xi32, #tpu.memory_space<vmem>>, vector<16xi32>,
        %get3A_346 = vector.shape_cast %get3A_345 : vector<16xi32> to vector<16xi32>
        %add3A_347 = vector.broadcast %mul3A_334 : i32 to vector<16xi32>
        %add3A_348 = arith.addi %get3A_346, %add3A_347 : vector<16xi32>
        %swap3A_349 = arith.constant 0 : index
        %swap3A_350 = tpu.vector_load %arg9[%swap3A_349] {strides = array<i32>} : memref<80xi32, #tpu.memory_space<vmem>>, vector<16xi32>,
        %swap3A_351 = vector.shape_cast %swap3A_350 : vector<16xi32> to vector<16xi32>
        %swap3A_352 = vector.shape_cast %add3A_348 : vector<16xi32> to vector<16xi32>
        tpu.vector_store %arg9[%swap3A_349], %swap3A_352 {strides = array<i32>} : memref<80xi32, #tpu.memory_space<vmem>>, vector<16xi32>,
        %get3A_353 = arith.constant 16 : index
        %get3A_354 = tpu.vector_load %arg15[%get3A_353] {strides = array<i32>} : memref<80xi32, #tpu.memory_space<vmem>>, vector<16xi32>,
        %get3A_355 = vector.shape_cast %get3A_354 : vector<16xi32> to vector<16xi32>
        %add3A_356 = vector.broadcast %mul3A_332 : i32 to vector<16xi32>
        %add3A_357 = arith.addi %get3A_355, %add3A_356 : vector<16xi32>
        %swap3A_358 = arith.constant 16 : index
        %swap3A_359 = tpu.vector_load %arg15[%swap3A_358] {strides = array<i32>} : memref<80xi32, #tpu.memory_space<vmem>>, vector<16xi32>,
        %swap3A_360 = vector.shape_cast %swap3A_359 : vector<16xi32> to vector<16xi32>
        %swap3A_361 = vector.shape_cast %add3A_357 : vector<16xi32> to vector<16xi32>
        tpu.vector_store %arg15[%swap3A_358], %swap3A_361 {strides = array<i32>} : memref<80xi32, #tpu.memory_space<vmem>>, vector<16xi32>,
        %get3A_362 = arith.constant 16 : index
        %get3A_363 = tpu.vector_load %arg9[%get3A_362] {strides = array<i32>} : memref<80xi32, #tpu.memory_space<vmem>>, vector<16xi32>,
        %get3A_364 = vector.shape_cast %get3A_363 : vector<16xi32> to vector<16xi32>
        %add3A_365 = vector.broadcast %mul3A_334 : i32 to vector<16xi32>
        %add3A_366 = arith.addi %get3A_364, %add3A_365 : vector<16xi32>
        %swap3A_367 = arith.constant 16 : index
        %swap3A_368 = tpu.vector_load %arg9[%swap3A_367] {strides = array<i32>} : memref<80xi32, #tpu.memory_space<vmem>>, vector<16xi32>,
        %swap3A_369 = vector.shape_cast %swap3A_368 : vector<16xi32> to vector<16xi32>
        %swap3A_370 = vector.shape_cast %add3A_366 : vector<16xi32> to vector<16xi32>
        tpu.vector_store %arg9[%swap3A_367], %swap3A_370 {strides = array<i32>} : memref<80xi32, #tpu.memory_space<vmem>>, vector<16xi32>,
        %get3A_371 = arith.constant 32 : index
        %get3A_372 = tpu.vector_load %arg15[%get3A_371] {strides = array<i32>} : memref<80xi32, #tpu.memory_space<vmem>>, vector<16xi32>,
        %get3A_373 = vector.shape_cast %get3A_372 : vector<16xi32> to vector<16xi32>
        %add3A_374 = vector.broadcast %mul3A_332 : i32 to vector<16xi32>
        %add3A_375 = arith.addi %get3A_373, %add3A_374 : vector<16xi32>
        %swap3A_376 = arith.constant 32 : index
        %swap3A_377 = tpu.vector_load %arg15[%swap3A_376] {strides = array<i32>} : memref<80xi32, #tpu.memory_space<vmem>>, vector<16xi32>,
        %swap3A_378 = vector.shape_cast %swap3A_377 : vector<16xi32> to vector<16xi32>
        %swap3A_379 = vector.shape_cast %add3A_375 : vector<16xi32> to vector<16xi32>
        tpu.vector_store %arg15[%swap3A_376], %swap3A_379 {strides = array<i32>} : memref<80xi32, #tpu.memory_space<vmem>>, vector<16xi32>,
        %get3A_380 = arith.constant 32 : index
        %get3A_381 = tpu.vector_load %arg9[%get3A_380] {strides = array<i32>} : memref<80xi32, #tpu.memory_space<vmem>>, vector<16xi32>,
        %get3A_382 = vector.shape_cast %get3A_381 : vector<16xi32> to vector<16xi32>
        %add3A_383 = vector.broadcast %mul3A_334 : i32 to vector<16xi32>
        %add3A_384 = arith.addi %get3A_382, %add3A_383 : vector<16xi32>
        %swap3A_385 = arith.constant 32 : index
        %swap3A_386 = tpu.vector_load %arg9[%swap3A_385] {strides = array<i32>} : memref<80xi32, #tpu.memory_space<vmem>>, vector<16xi32>,
        %swap3A_387 = vector.shape_cast %swap3A_386 : vector<16xi32> to vector<16xi32>
        %swap3A_388 = vector.shape_cast %add3A_384 : vector<16xi32> to vector<16xi32>
        tpu.vector_store %arg9[%swap3A_385], %swap3A_388 {strides = array<i32>} : memref<80xi32, #tpu.memory_space<vmem>>, vector<16xi32>,
        %get3A_389 = arith.constant 48 : index
        %get3A_390 = tpu.vector_load %arg15[%get3A_389] {strides = array<i32>} : memref<80xi32, #tpu.memory_space<vmem>>, vector<16xi32>,
        %get3A_391 = vector.shape_cast %get3A_390 : vector<16xi32> to vector<16xi32>
        %add3A_392 = vector.broadcast %mul3A_332 : i32 to vector<16xi32>
        %add3A_393 = arith.addi %get3A_391, %add3A_392 : vector<16xi32>
        %swap3A_394 = arith.constant 48 : index
        %swap3A_395 = tpu.vector_load %arg15[%swap3A_394] {strides = array<i32>} : memref<80xi32, #tpu.memory_space<vmem>>, vector<16xi32>,
        %swap3A_396 = vector.shape_cast %swap3A_395 : vector<16xi32> to vector<16xi32>
        %swap3A_397 = vector.shape_cast %add3A_393 : vector<16xi32> to vector<16xi32>
        tpu.vector_store %arg15[%swap3A_394], %swap3A_397 {strides = array<i32>} : memref<80xi32, #tpu.memory_space<vmem>>, vector<16xi32>,
        %get3A_398 = arith.constant 48 : index
        %get3A_399 = tpu.vector_load %arg9[%get3A_398] {strides = array<i32>} : memref<80xi32, #tpu.memory_space<vmem>>, vector<16xi32>,
        %get3A_400 = vector.shape_cast %get3A_399 : vector<16xi32> to vector<16xi32>
        %add3A_401 = vector.broadcast %mul3A_334 : i32 to vector<16xi32>
        %add3A_402 = arith.addi %get3A_400, %add3A_401 : vector<16xi32>
        %swap3A_403 = arith.constant 48 : index
        %swap3A_404 = tpu.vector_load %arg9[%swap3A_403] {strides = array<i32>} : memref<80xi32, #tpu.memory_space<vmem>>, vector<16xi32>,
        %swap3A_405 = vector.shape_cast %swap3A_404 : vector<16xi32> to vector<16xi32>
        %swap3A_406 = vector.shape_cast %add3A_402 : vector<16xi32> to vector<16xi32>
        tpu.vector_store %arg9[%swap3A_403], %swap3A_406 {strides = array<i32>} : memref<80xi32, #tpu.memory_space<vmem>>, vector<16xi32>,
        %get3A_407 = arith.constant 64 : index
        %get3A_408 = tpu.vector_load %arg15[%get3A_407] {strides = array<i32>} : memref<80xi32, #tpu.memory_space<vmem>>, vector<16xi32>,
        %get3A_409 = vector.shape_cast %get3A_408 : vector<16xi32> to vector<16xi32>
        %add3A_410 = vector.broadcast %mul3A_332 : i32 to vector<16xi32>
        %add3A_411 = arith.addi %get3A_409, %add3A_410 : vector<16xi32>
        %swap3A_412 = arith.constant 64 : index
        %swap3A_413 = tpu.vector_load %arg15[%swap3A_412] {strides = array<i32>} : memref<80xi32, #tpu.memory_space<vmem>>, vector<16xi32>,
        %swap3A_414 = vector.shape_cast %swap3A_413 : vector<16xi32> to vector<16xi32>
        %swap3A_415 = vector.shape_cast %add3A_411 : vector<16xi32> to vector<16xi32>
        tpu.vector_store %arg15[%swap3A_412], %swap3A_415 {strides = array<i32>} : memref<80xi32, #tpu.memory_space<vmem>>, vector<16xi32>,
        %get3A_416 = arith.constant 64 : index
        %get3A_417 = tpu.vector_load %arg9[%get3A_416] {strides = array<i32>} : memref<80xi32, #tpu.memory_space<vmem>>, vector<16xi32>,
        %get3A_418 = vector.shape_cast %get3A_417 : vector<16xi32> to vector<16xi32>
        %add3A_419 = vector.broadcast %mul3A_334 : i32 to vector<16xi32>
        %add3A_420 = arith.addi %get3A_418, %add3A_419 : vector<16xi32>
        %swap3A_421 = arith.constant 64 : index
        %swap3A_422 = tpu.vector_load %arg9[%swap3A_421] {strides = array<i32>} : memref<80xi32, #tpu.memory_space<vmem>>, vector<16xi32>,
        %swap3A_423 = vector.shape_cast %swap3A_422 : vector<16xi32> to vector<16xi32>
        %swap3A_424 = vector.shape_cast %add3A_420 : vector<16xi32> to vector<16xi32>
        tpu.vector_store %arg9[%swap3A_421], %swap3A_424 {strides = array<i32>} : memref<80xi32, #tpu.memory_space<vmem>>, vector<16xi32>,
        %dma_start3A_425 = arith.constant 0 : i32
        %dma_start3A_426 = arith.constant 0 : i32
        %dma_start3A_427 = tpu.memref_slice %arg2[%dma_start3A_425, %dma_start3A_426] : memref<20000x64xf32, #tpu.memory_space<hbm>> -> memref<20000x64xf32, #tpu.memory_space<hbm>>
        tpu.enqueue_indirect_dma source(%dma_start3A_427 : memref<20000x64xf32, #tpu.memory_space<hbm>>) target(%arg17 : memref<80x64xf32, #tpu.memory_space<vmem>>) offsets(%arg9 : memref<80xi32, #tpu.memory_space<vmem>>) semaphore(%arg27 : memref<!tpu.dma_semaphore, #tpu.memory_space<semaphore_mem>>)
        %dma_start3A_428 = arith.constant 0 : i32
        %dma_start3A_429 = arith.constant 0 : i32
        %dma_start3A_430 = tpu.memref_slice %arg6[%dma_start3A_428, %dma_start3A_429] : memref<1024x64xf32, #tpu.memory_space<hbm>> -> memref<1024x64xf32, #tpu.memory_space<hbm>>
        tpu.enqueue_indirect_dma source(%dma_start3A_430 : memref<1024x64xf32, #tpu.memory_space<hbm>>) target(%arg19 : memref<80x64xf32, #tpu.memory_space<vmem>>) offsets(%arg15 : memref<80xi32, #tpu.memory_space<vmem>>) semaphore(%arg29 : memref<!tpu.dma_semaphore, #tpu.memory_space<semaphore_mem>>)
      } else {
      }
      %dma_wait3A_183 = arith.constant 0 : i32
      %dma_wait3A_184 = arith.constant 0 : i32
      %dma_wait3A_185 = tpu.memref_slice %arg2[%dma_wait3A_183, %dma_wait3A_184] : memref<20000x64xf32, #tpu.memory_space<hbm>> -> memref<20000x64xf32, #tpu.memory_space<hbm>>
      tpu.wait_indirect_dma semaphore(%arg26 : memref<!tpu.dma_semaphore, #tpu.memory_space<semaphore_mem>>) src(%dma_wait3A_185 : memref<20000x64xf32, #tpu.memory_space<hbm>>) dst(%arg16 : memref<80x64xf32, #tpu.memory_space<vmem>>)
      %dma_wait3A_186 = arith.constant 0 : i32
      %dma_wait3A_187 = arith.constant 0 : i32
      %dma_wait3A_188 = tpu.memref_slice %arg6[%dma_wait3A_186, %dma_wait3A_187] : memref<1024x64xf32, #tpu.memory_space<hbm>> -> memref<1024x64xf32, #tpu.memory_space<hbm>>
      tpu.wait_indirect_dma semaphore(%arg28 : memref<!tpu.dma_semaphore, #tpu.memory_space<semaphore_mem>>) src(%dma_wait3A_188 : memref<1024x64xf32, #tpu.memory_space<hbm>>) dst(%arg18 : memref<80x64xf32, #tpu.memory_space<vmem>>)
      %ge3A = arith.constant 2 : i32
      %ge3A_189 = arith.cmpi sge, %add3A_178, %ge3A : i32
      %convert_element_type3A_190 = arith.extui %ge3A_189 : i1 to i32
      %cond3A_191 = arith.constant 0 : i32
      %cond3A_192 = arith.cmpi ne, %convert_element_type3A_190, %cond3A_191 : i32
      scf.if %cond3A_192 {
        %dma_wait3A_320 = arith.constant 0 : i32
        %dma_wait3A_321 = arith.constant 0 : i32
        %dma_wait3A_322 = tpu.memref_slice %arg23[%dma_wait3A_320, %dma_wait3A_321] : memref<10240x64xf32, #tpu.memory_space<vmem_shared>> -> memref<10240x64xf32, #tpu.memory_space<vmem_shared>>
        tpu.wait_indirect_dma semaphore(%arg30 : memref<!tpu.dma_semaphore, #tpu.memory_space<semaphore_mem>>) src(%arg20 : memref<80x64xf32, #tpu.memory_space<vmem>>) dst(%dma_wait3A_322 : memref<10240x64xf32, #tpu.memory_space<vmem_shared>>)
      } else {
      }
      %get3A_193 = arith.constant 0 : index
      %get3A_194 = tpu.vector_load %arg10[%get3A_193] {strides = array<i32>} : memref<80xi32, #tpu.memory_space<vmem>>, vector<16xi32>,
      %get3A_195 = vector.shape_cast %get3A_194 : vector<16xi32> to vector<16xi32>
      %swap3A_196 = arith.constant 0 : index
      %swap3A_197 = tpu.vector_load %arg12[%swap3A_196] {strides = array<i32>} : memref<80xi32, #tpu.memory_space<vmem>>, vector<16xi32>,
      %swap3A_198 = vector.shape_cast %swap3A_197 : vector<16xi32> to vector<16xi32>
      %swap3A_199 = vector.shape_cast %get3A_195 : vector<16xi32> to vector<16xi32>
      tpu.vector_store %arg12[%swap3A_196], %swap3A_199 {strides = array<i32>} : memref<80xi32, #tpu.memory_space<vmem>>, vector<16xi32>,
      %get3A_200 = arith.constant 16 : index
      %get3A_201 = tpu.vector_load %arg10[%get3A_200] {strides = array<i32>} : memref<80xi32, #tpu.memory_space<vmem>>, vector<16xi32>,
      %get3A_202 = vector.shape_cast %get3A_201 : vector<16xi32> to vector<16xi32>
      %swap3A_203 = arith.constant 16 : index
      %swap3A_204 = tpu.vector_load %arg12[%swap3A_203] {strides = array<i32>} : memref<80xi32, #tpu.memory_space<vmem>>, vector<16xi32>,
      %swap3A_205 = vector.shape_cast %swap3A_204 : vector<16xi32> to vector<16xi32>
      %swap3A_206 = vector.shape_cast %get3A_202 : vector<16xi32> to vector<16xi32>
      tpu.vector_store %arg12[%swap3A_203], %swap3A_206 {strides = array<i32>} : memref<80xi32, #tpu.memory_space<vmem>>, vector<16xi32>,
      %get3A_207 = arith.constant 32 : index
      %get3A_208 = tpu.vector_load %arg10[%get3A_207] {strides = array<i32>} : memref<80xi32, #tpu.memory_space<vmem>>, vector<16xi32>,
      %get3A_209 = vector.shape_cast %get3A_208 : vector<16xi32> to vector<16xi32>
      %swap3A_210 = arith.constant 32 : index
      %swap3A_211 = tpu.vector_load %arg12[%swap3A_210] {strides = array<i32>} : memref<80xi32, #tpu.memory_space<vmem>>, vector<16xi32>,
      %swap3A_212 = vector.shape_cast %swap3A_211 : vector<16xi32> to vector<16xi32>
      %swap3A_213 = vector.shape_cast %get3A_209 : vector<16xi32> to vector<16xi32>
      tpu.vector_store %arg12[%swap3A_210], %swap3A_213 {strides = array<i32>} : memref<80xi32, #tpu.memory_space<vmem>>, vector<16xi32>,
      %get3A_214 = arith.constant 48 : index
      %get3A_215 = tpu.vector_load %arg10[%get3A_214] {strides = array<i32>} : memref<80xi32, #tpu.memory_space<vmem>>, vector<16xi32>,
      %get3A_216 = vector.shape_cast %get3A_215 : vector<16xi32> to vector<16xi32>
      %swap3A_217 = arith.constant 48 : index
      %swap3A_218 = tpu.vector_load %arg12[%swap3A_217] {strides = array<i32>} : memref<80xi32, #tpu.memory_space<vmem>>, vector<16xi32>,
      %swap3A_219 = vector.shape_cast %swap3A_218 : vector<16xi32> to vector<16xi32>
      %swap3A_220 = vector.shape_cast %get3A_216 : vector<16xi32> to vector<16xi32>
      tpu.vector_store %arg12[%swap3A_217], %swap3A_220 {strides = array<i32>} : memref<80xi32, #tpu.memory_space<vmem>>, vector<16xi32>,
      %get3A_221 = arith.constant 64 : index
      %get3A_222 = tpu.vector_load %arg10[%get3A_221] {strides = array<i32>} : memref<80xi32, #tpu.memory_space<vmem>>, vector<16xi32>,
      %get3A_223 = vector.shape_cast %get3A_222 : vector<16xi32> to vector<16xi32>
      %swap3A_224 = arith.constant 64 : index
      %swap3A_225 = tpu.vector_load %arg12[%swap3A_224] {strides = array<i32>} : memref<80xi32, #tpu.memory_space<vmem>>, vector<16xi32>,
      %swap3A_226 = vector.shape_cast %swap3A_225 : vector<16xi32> to vector<16xi32>
      %swap3A_227 = vector.shape_cast %get3A_223 : vector<16xi32> to vector<16xi32>
      tpu.vector_store %arg12[%swap3A_224], %swap3A_227 {strides = array<i32>} : memref<80xi32, #tpu.memory_space<vmem>>, vector<16xi32>,
      %add3A_228 = arith.constant 2 : i32
      %add3A_229 = arith.addi %add3A_178, %add3A_228 : i32
      %lt3A_230 = arith.constant 250 : i32
      %lt3A_231 = arith.cmpi slt, %add3A_229, %lt3A_230 : i32
      %convert_element_type3A_232 = arith.extui %lt3A_231 : i1 to i32
      %cond3A_233 = arith.constant 0 : i32
      %cond3A_234 = arith.cmpi ne, %convert_element_type3A_232, %cond3A_233 : i32
      scf.if %cond3A_234 {
        %add3A_320 = arith.constant 2 : i32
        %add3A_321 = arith.addi %add3A_178, %add3A_320 : i32
        %mul3A_322 = arith.constant 80 : i32
        %mul3A_323 = arith.muli %add3A_321, %mul3A_322 : i32
        %add3A_324 = arith.addi %mul3A_0, %mul3A_323 : i32
        %dma_start3A_325 = tpu.memref_slice %arg3[%add3A_324] : memref<320000xi32, #tpu.memory_space<hbm>> -> memref<80xi32, #tpu.memory_space<hbm>>
        %dma_start3A_326 = tpu.memref_slice %arg3[%add3A_324] : memref<320000xi32, #tpu.memory_space<hbm>> -> memref<80xi32, #tpu.memory_space<hbm>>
        tpu.enqueue_dma source(%dma_start3A_326 : memref<80xi32, #tpu.memory_space<hbm>>) target(%arg8 : memref<80xi32, #tpu.memory_space<vmem>>) target_semaphore(%arg24 : memref<!tpu.dma_semaphore, #tpu.memory_space<semaphore_mem>>)
        %dma_start3A_327 = tpu.memref_slice %arg4[%add3A_324] : memref<320000xi32, #tpu.memory_space<hbm>> -> memref<80xi32, #tpu.memory_space<hbm>>
        %dma_start3A_328 = tpu.memref_slice %arg4[%add3A_324] : memref<320000xi32, #tpu.memory_space<hbm>> -> memref<80xi32, #tpu.memory_space<hbm>>
        tpu.enqueue_dma source(%dma_start3A_328 : memref<80xi32, #tpu.memory_space<hbm>>) target(%arg10 : memref<80xi32, #tpu.memory_space<vmem>>) target_semaphore(%arg24 : memref<!tpu.dma_semaphore, #tpu.memory_space<semaphore_mem>>)
        %dma_start3A_329 = tpu.memref_slice %arg5[%add3A_324] : memref<320000xi32, #tpu.memory_space<hbm>> -> memref<80xi32, #tpu.memory_space<hbm>>
        %dma_start3A_330 = tpu.memref_slice %arg5[%add3A_324] : memref<320000xi32, #tpu.memory_space<hbm>> -> memref<80xi32, #tpu.memory_space<hbm>>
        tpu.enqueue_dma source(%dma_start3A_330 : memref<80xi32, #tpu.memory_space<hbm>>) target(%arg14 : memref<80xi32, #tpu.memory_space<vmem>>) target_semaphore(%arg24 : memref<!tpu.dma_semaphore, #tpu.memory_space<semaphore_mem>>)
      } else {
      }
      %scan3A_235 = arith.constant 0 : i32
      %scan3A_236 = arith.constant 0 : i32
      %scan3A_237 = arith.constant 80 : i32
      %scan3A_238 = arith.addi %scan3A_236, %scan3A_237 : i32
      %scan3A_239 = arith.constant 1 : i32
      %scan3A_240 = scf.for %scan3A_320 = %scan3A_236 to %scan3A_238 step %scan3A_239 iter_args(%scan3A_321 = %scan3A_235) -> (i32)  : i32 {
        %get3A_322 = arith.index_cast %scan3A_320 : i32 to index
        %get3A_323 = arith.constant 0 : index
        %get3A_324 = tpu.vector_load %arg16[%get3A_322, %get3A_323] {strides = array<i32>} : memref<80x64xf32, #tpu.memory_space<vmem>>, vector<1x16xf32>,
        %get3A_325 = vector.shape_cast %get3A_324 : vector<1x16xf32> to vector<16xf32>
        %get3A_326 = arith.index_cast %scan3A_320 : i32 to index
        %get3A_327 = arith.constant 0 : index
        %get3A_328 = tpu.vector_load %arg18[%get3A_326, %get3A_327] {strides = array<i32>} : memref<80x64xf32, #tpu.memory_space<vmem>>, vector<1x16xf32>,
        %get3A_329 = vector.shape_cast %get3A_328 : vector<1x16xf32> to vector<16xf32>
        %add3A_330 = arith.addf %get3A_325, %get3A_329 : vector<16xf32>
        %max3A = arith.constant 0.000000e+00 : f32
        %max3A_331 = vector.broadcast %max3A : f32 to vector<16xf32>
        %max3A_332 = arith.maximumf %add3A_330, %max3A_331 : vector<16xf32>
        %swap3A_333 = arith.index_cast %scan3A_320 : i32 to index
        %swap3A_334 = arith.constant 0 : index
        %swap3A_335 = tpu.vector_load %arg20[%swap3A_333, %swap3A_334] {strides = array<i32>} : memref<80x64xf32, #tpu.memory_space<vmem>>, vector<1x16xf32>,
        %swap3A_336 = vector.shape_cast %swap3A_335 : vector<1x16xf32> to vector<16xf32>
        %swap3A_337 = vector.shape_cast %max3A_332 : vector<16xf32> to vector<1x16xf32>
        tpu.vector_store %arg20[%swap3A_333, %swap3A_334], %swap3A_337 {strides = array<i32>} : memref<80x64xf32, #tpu.memory_space<vmem>>, vector<1x16xf32>,
        %get3A_338 = arith.index_cast %scan3A_320 : i32 to index
        %get3A_339 = arith.constant 16 : index
        %get3A_340 = tpu.vector_load %arg16[%get3A_338, %get3A_339] {strides = array<i32>} : memref<80x64xf32, #tpu.memory_space<vmem>>, vector<1x16xf32>,
        %get3A_341 = vector.shape_cast %get3A_340 : vector<1x16xf32> to vector<16xf32>
        %get3A_342 = arith.index_cast %scan3A_320 : i32 to index
        %get3A_343 = arith.constant 16 : index
        %get3A_344 = tpu.vector_load %arg18[%get3A_342, %get3A_343] {strides = array<i32>} : memref<80x64xf32, #tpu.memory_space<vmem>>, vector<1x16xf32>,
        %get3A_345 = vector.shape_cast %get3A_344 : vector<1x16xf32> to vector<16xf32>
        %add3A_346 = arith.addf %get3A_341, %get3A_345 : vector<16xf32>
        %max3A_347 = arith.constant 0.000000e+00 : f32
        %max3A_348 = vector.broadcast %max3A_347 : f32 to vector<16xf32>
        %max3A_349 = arith.maximumf %add3A_346, %max3A_348 : vector<16xf32>
        %swap3A_350 = arith.index_cast %scan3A_320 : i32 to index
        %swap3A_351 = arith.constant 16 : index
        %swap3A_352 = tpu.vector_load %arg20[%swap3A_350, %swap3A_351] {strides = array<i32>} : memref<80x64xf32, #tpu.memory_space<vmem>>, vector<1x16xf32>,
        %swap3A_353 = vector.shape_cast %swap3A_352 : vector<1x16xf32> to vector<16xf32>
        %swap3A_354 = vector.shape_cast %max3A_349 : vector<16xf32> to vector<1x16xf32>
        tpu.vector_store %arg20[%swap3A_350, %swap3A_351], %swap3A_354 {strides = array<i32>} : memref<80x64xf32, #tpu.memory_space<vmem>>, vector<1x16xf32>,
        %get3A_355 = arith.index_cast %scan3A_320 : i32 to index
        %get3A_356 = arith.constant 32 : index
        %get3A_357 = tpu.vector_load %arg16[%get3A_355, %get3A_356] {strides = array<i32>} : memref<80x64xf32, #tpu.memory_space<vmem>>, vector<1x16xf32>,
        %get3A_358 = vector.shape_cast %get3A_357 : vector<1x16xf32> to vector<16xf32>
        %get3A_359 = arith.index_cast %scan3A_320 : i32 to index
        %get3A_360 = arith.constant 32 : index
        %get3A_361 = tpu.vector_load %arg18[%get3A_359, %get3A_360] {strides = array<i32>} : memref<80x64xf32, #tpu.memory_space<vmem>>, vector<1x16xf32>,
        %get3A_362 = vector.shape_cast %get3A_361 : vector<1x16xf32> to vector<16xf32>
        %add3A_363 = arith.addf %get3A_358, %get3A_362 : vector<16xf32>
        %max3A_364 = arith.constant 0.000000e+00 : f32
        %max3A_365 = vector.broadcast %max3A_364 : f32 to vector<16xf32>
        %max3A_366 = arith.maximumf %add3A_363, %max3A_365 : vector<16xf32>
        %swap3A_367 = arith.index_cast %scan3A_320 : i32 to index
        %swap3A_368 = arith.constant 32 : index
        %swap3A_369 = tpu.vector_load %arg20[%swap3A_367, %swap3A_368] {strides = array<i32>} : memref<80x64xf32, #tpu.memory_space<vmem>>, vector<1x16xf32>,
        %swap3A_370 = vector.shape_cast %swap3A_369 : vector<1x16xf32> to vector<16xf32>
        %swap3A_371 = vector.shape_cast %max3A_366 : vector<16xf32> to vector<1x16xf32>
        tpu.vector_store %arg20[%swap3A_367, %swap3A_368], %swap3A_371 {strides = array<i32>} : memref<80x64xf32, #tpu.memory_space<vmem>>, vector<1x16xf32>,
        %get3A_372 = arith.index_cast %scan3A_320 : i32 to index
        %get3A_373 = arith.constant 48 : index
        %get3A_374 = tpu.vector_load %arg16[%get3A_372, %get3A_373] {strides = array<i32>} : memref<80x64xf32, #tpu.memory_space<vmem>>, vector<1x16xf32>,
        %get3A_375 = vector.shape_cast %get3A_374 : vector<1x16xf32> to vector<16xf32>
        %get3A_376 = arith.index_cast %scan3A_320 : i32 to index
        %get3A_377 = arith.constant 48 : index
        %get3A_378 = tpu.vector_load %arg18[%get3A_376, %get3A_377] {strides = array<i32>} : memref<80x64xf32, #tpu.memory_space<vmem>>, vector<1x16xf32>,
        %get3A_379 = vector.shape_cast %get3A_378 : vector<1x16xf32> to vector<16xf32>
        %add3A_380 = arith.addf %get3A_375, %get3A_379 : vector<16xf32>
        %max3A_381 = arith.constant 0.000000e+00 : f32
        %max3A_382 = vector.broadcast %max3A_381 : f32 to vector<16xf32>
        %max3A_383 = arith.maximumf %add3A_380, %max3A_382 : vector<16xf32>
        %swap3A_384 = arith.index_cast %scan3A_320 : i32 to index
        %swap3A_385 = arith.constant 48 : index
        %swap3A_386 = tpu.vector_load %arg20[%swap3A_384, %swap3A_385] {strides = array<i32>} : memref<80x64xf32, #tpu.memory_space<vmem>>, vector<1x16xf32>,
        %swap3A_387 = vector.shape_cast %swap3A_386 : vector<1x16xf32> to vector<16xf32>
        %swap3A_388 = vector.shape_cast %max3A_383 : vector<16xf32> to vector<1x16xf32>
        tpu.vector_store %arg20[%swap3A_384, %swap3A_385], %swap3A_388 {strides = array<i32>} : memref<80x64xf32, #tpu.memory_space<vmem>>, vector<1x16xf32>,
        %scan3A_389 = arith.constant 0 : i32
        scf.yield %scan3A_389 : i32
      }
      %scan3A_241 = arith.constant 80 : i32
      %dma_start3A_242 = arith.constant 0 : i32
      %dma_start3A_243 = arith.constant 0 : i32
      %dma_start3A_244 = tpu.memref_slice %arg23[%dma_start3A_242, %dma_start3A_243] : memref<10240x64xf32, #tpu.memory_space<vmem_shared>> -> memref<10240x64xf32, #tpu.memory_space<vmem_shared>>
      tpu.enqueue_indirect_dma source(%arg20 : memref<80x64xf32, #tpu.memory_space<vmem>>) target(%dma_start3A_244 : memref<10240x64xf32, #tpu.memory_space<vmem_shared>>) offsets(%arg12 : memref<80xi32, #tpu.memory_space<vmem>>) semaphore(%arg30 : memref<!tpu.dma_semaphore, #tpu.memory_space<semaphore_mem>>) {add = true}
      %mul3A_245 = arith.constant 2 : i32
      %mul3A_246 = arith.muli %mul3A_245, %scan3A_173 : i32
      %add3A_247 = arith.constant 1 : i32
      %add3A_248 = arith.addi %mul3A_246, %add3A_247 : i32
      %add3A_249 = arith.constant 1 : i32
      %add3A_250 = arith.addi %add3A_248, %add3A_249 : i32
      %lt3A_251 = arith.constant 250 : i32
      %lt3A_252 = arith.cmpi slt, %add3A_250, %lt3A_251 : i32
      %convert_element_type3A_253 = arith.extui %lt3A_252 : i1 to i32
      %cond3A_254 = arith.constant 0 : i32
      %cond3A_255 = arith.cmpi ne, %convert_element_type3A_253, %cond3A_254 : i32
      scf.if %cond3A_255 {
        %add3A_320 = arith.constant 1 : i32
        %add3A_321 = arith.addi %add3A_248, %add3A_320 : i32
        %mul3A_322 = arith.constant 80 : i32
        %mul3A_323 = arith.muli %add3A_321, %mul3A_322 : i32
        %add3A_324 = arith.addi %mul3A_0, %mul3A_323 : i32
        %dma_wait3A_325 = tpu.memref_slice %arg3[%add3A_324] : memref<320000xi32, #tpu.memory_space<hbm>> -> memref<80xi32, #tpu.memory_space<hbm>>
        %dma_wait3A_326 = tpu.memref_slice %arg3[%add3A_324] : memref<320000xi32, #tpu.memory_space<hbm>> -> memref<80xi32, #tpu.memory_space<hbm>>
        tpu.wait_dma2 semaphore(%arg24 : memref<!tpu.dma_semaphore, #tpu.memory_space<semaphore_mem>>) src(%dma_wait3A_326 : memref<80xi32, #tpu.memory_space<hbm>>) dst(%arg8 : memref<80xi32, #tpu.memory_space<vmem>>)
        %dma_wait3A_327 = tpu.memref_slice %arg4[%add3A_324] : memref<320000xi32, #tpu.memory_space<hbm>> -> memref<80xi32, #tpu.memory_space<hbm>>
        %dma_wait3A_328 = tpu.memref_slice %arg4[%add3A_324] : memref<320000xi32, #tpu.memory_space<hbm>> -> memref<80xi32, #tpu.memory_space<hbm>>
        tpu.wait_dma2 semaphore(%arg24 : memref<!tpu.dma_semaphore, #tpu.memory_space<semaphore_mem>>) src(%dma_wait3A_328 : memref<80xi32, #tpu.memory_space<hbm>>) dst(%arg10 : memref<80xi32, #tpu.memory_space<vmem>>)
        %dma_wait3A_329 = tpu.memref_slice %arg5[%add3A_324] : memref<320000xi32, #tpu.memory_space<hbm>> -> memref<80xi32, #tpu.memory_space<hbm>>
        %dma_wait3A_330 = tpu.memref_slice %arg5[%add3A_324] : memref<320000xi32, #tpu.memory_space<hbm>> -> memref<80xi32, #tpu.memory_space<hbm>>
        tpu.wait_dma2 semaphore(%arg24 : memref<!tpu.dma_semaphore, #tpu.memory_space<semaphore_mem>>) src(%dma_wait3A_330 : memref<80xi32, #tpu.memory_space<hbm>>) dst(%arg14 : memref<80xi32, #tpu.memory_space<vmem>>)
        %mul3A_331 = arith.constant 512 : i32
        %mul3A_332 = arith.muli %arg0, %mul3A_331 : i32
        %mul3A_333 = arith.constant 10000 : i32
        %mul3A_334 = arith.muli %arg0, %mul3A_333 : i32
        %get3A_335 = arith.constant 0 : index
        %get3A_336 = tpu.vector_load %arg14[%get3A_335] {strides = array<i32>} : memref<80xi32, #tpu.memory_space<vmem>>, vector<16xi32>,
        %get3A_337 = vector.shape_cast %get3A_336 : vector<16xi32> to vector<16xi32>
        %add3A_338 = vector.broadcast %mul3A_332 : i32 to vector<16xi32>
        %add3A_339 = arith.addi %get3A_337, %add3A_338 : vector<16xi32>
        %swap3A_340 = arith.constant 0 : index
        %swap3A_341 = tpu.vector_load %arg14[%swap3A_340] {strides = array<i32>} : memref<80xi32, #tpu.memory_space<vmem>>, vector<16xi32>,
        %swap3A_342 = vector.shape_cast %swap3A_341 : vector<16xi32> to vector<16xi32>
        %swap3A_343 = vector.shape_cast %add3A_339 : vector<16xi32> to vector<16xi32>
        tpu.vector_store %arg14[%swap3A_340], %swap3A_343 {strides = array<i32>} : memref<80xi32, #tpu.memory_space<vmem>>, vector<16xi32>,
        %get3A_344 = arith.constant 0 : index
        %get3A_345 = tpu.vector_load %arg8[%get3A_344] {strides = array<i32>} : memref<80xi32, #tpu.memory_space<vmem>>, vector<16xi32>,
        %get3A_346 = vector.shape_cast %get3A_345 : vector<16xi32> to vector<16xi32>
        %add3A_347 = vector.broadcast %mul3A_334 : i32 to vector<16xi32>
        %add3A_348 = arith.addi %get3A_346, %add3A_347 : vector<16xi32>
        %swap3A_349 = arith.constant 0 : index
        %swap3A_350 = tpu.vector_load %arg8[%swap3A_349] {strides = array<i32>} : memref<80xi32, #tpu.memory_space<vmem>>, vector<16xi32>,
        %swap3A_351 = vector.shape_cast %swap3A_350 : vector<16xi32> to vector<16xi32>
        %swap3A_352 = vector.shape_cast %add3A_348 : vector<16xi32> to vector<16xi32>
        tpu.vector_store %arg8[%swap3A_349], %swap3A_352 {strides = array<i32>} : memref<80xi32, #tpu.memory_space<vmem>>, vector<16xi32>,
        %get3A_353 = arith.constant 16 : index
        %get3A_354 = tpu.vector_load %arg14[%get3A_353] {strides = array<i32>} : memref<80xi32, #tpu.memory_space<vmem>>, vector<16xi32>,
        %get3A_355 = vector.shape_cast %get3A_354 : vector<16xi32> to vector<16xi32>
        %add3A_356 = vector.broadcast %mul3A_332 : i32 to vector<16xi32>
        %add3A_357 = arith.addi %get3A_355, %add3A_356 : vector<16xi32>
        %swap3A_358 = arith.constant 16 : index
        %swap3A_359 = tpu.vector_load %arg14[%swap3A_358] {strides = array<i32>} : memref<80xi32, #tpu.memory_space<vmem>>, vector<16xi32>,
        %swap3A_360 = vector.shape_cast %swap3A_359 : vector<16xi32> to vector<16xi32>
        %swap3A_361 = vector.shape_cast %add3A_357 : vector<16xi32> to vector<16xi32>
        tpu.vector_store %arg14[%swap3A_358], %swap3A_361 {strides = array<i32>} : memref<80xi32, #tpu.memory_space<vmem>>, vector<16xi32>,
        %get3A_362 = arith.constant 16 : index
        %get3A_363 = tpu.vector_load %arg8[%get3A_362] {strides = array<i32>} : memref<80xi32, #tpu.memory_space<vmem>>, vector<16xi32>,
        %get3A_364 = vector.shape_cast %get3A_363 : vector<16xi32> to vector<16xi32>
        %add3A_365 = vector.broadcast %mul3A_334 : i32 to vector<16xi32>
        %add3A_366 = arith.addi %get3A_364, %add3A_365 : vector<16xi32>
        %swap3A_367 = arith.constant 16 : index
        %swap3A_368 = tpu.vector_load %arg8[%swap3A_367] {strides = array<i32>} : memref<80xi32, #tpu.memory_space<vmem>>, vector<16xi32>,
        %swap3A_369 = vector.shape_cast %swap3A_368 : vector<16xi32> to vector<16xi32>
        %swap3A_370 = vector.shape_cast %add3A_366 : vector<16xi32> to vector<16xi32>
        tpu.vector_store %arg8[%swap3A_367], %swap3A_370 {strides = array<i32>} : memref<80xi32, #tpu.memory_space<vmem>>, vector<16xi32>,
        %get3A_371 = arith.constant 32 : index
        %get3A_372 = tpu.vector_load %arg14[%get3A_371] {strides = array<i32>} : memref<80xi32, #tpu.memory_space<vmem>>, vector<16xi32>,
        %get3A_373 = vector.shape_cast %get3A_372 : vector<16xi32> to vector<16xi32>
        %add3A_374 = vector.broadcast %mul3A_332 : i32 to vector<16xi32>
        %add3A_375 = arith.addi %get3A_373, %add3A_374 : vector<16xi32>
        %swap3A_376 = arith.constant 32 : index
        %swap3A_377 = tpu.vector_load %arg14[%swap3A_376] {strides = array<i32>} : memref<80xi32, #tpu.memory_space<vmem>>, vector<16xi32>,
        %swap3A_378 = vector.shape_cast %swap3A_377 : vector<16xi32> to vector<16xi32>
        %swap3A_379 = vector.shape_cast %add3A_375 : vector<16xi32> to vector<16xi32>
        tpu.vector_store %arg14[%swap3A_376], %swap3A_379 {strides = array<i32>} : memref<80xi32, #tpu.memory_space<vmem>>, vector<16xi32>,
        %get3A_380 = arith.constant 32 : index
        %get3A_381 = tpu.vector_load %arg8[%get3A_380] {strides = array<i32>} : memref<80xi32, #tpu.memory_space<vmem>>, vector<16xi32>,
        %get3A_382 = vector.shape_cast %get3A_381 : vector<16xi32> to vector<16xi32>
        %add3A_383 = vector.broadcast %mul3A_334 : i32 to vector<16xi32>
        %add3A_384 = arith.addi %get3A_382, %add3A_383 : vector<16xi32>
        %swap3A_385 = arith.constant 32 : index
        %swap3A_386 = tpu.vector_load %arg8[%swap3A_385] {strides = array<i32>} : memref<80xi32, #tpu.memory_space<vmem>>, vector<16xi32>,
        %swap3A_387 = vector.shape_cast %swap3A_386 : vector<16xi32> to vector<16xi32>
        %swap3A_388 = vector.shape_cast %add3A_384 : vector<16xi32> to vector<16xi32>
        tpu.vector_store %arg8[%swap3A_385], %swap3A_388 {strides = array<i32>} : memref<80xi32, #tpu.memory_space<vmem>>, vector<16xi32>,
        %get3A_389 = arith.constant 48 : index
        %get3A_390 = tpu.vector_load %arg14[%get3A_389] {strides = array<i32>} : memref<80xi32, #tpu.memory_space<vmem>>, vector<16xi32>,
        %get3A_391 = vector.shape_cast %get3A_390 : vector<16xi32> to vector<16xi32>
        %add3A_392 = vector.broadcast %mul3A_332 : i32 to vector<16xi32>
        %add3A_393 = arith.addi %get3A_391, %add3A_392 : vector<16xi32>
        %swap3A_394 = arith.constant 48 : index
        %swap3A_395 = tpu.vector_load %arg14[%swap3A_394] {strides = array<i32>} : memref<80xi32, #tpu.memory_space<vmem>>, vector<16xi32>,
        %swap3A_396 = vector.shape_cast %swap3A_395 : vector<16xi32> to vector<16xi32>
        %swap3A_397 = vector.shape_cast %add3A_393 : vector<16xi32> to vector<16xi32>
        tpu.vector_store %arg14[%swap3A_394], %swap3A_397 {strides = array<i32>} : memref<80xi32, #tpu.memory_space<vmem>>, vector<16xi32>,
        %get3A_398 = arith.constant 48 : index
        %get3A_399 = tpu.vector_load %arg8[%get3A_398] {strides = array<i32>} : memref<80xi32, #tpu.memory_space<vmem>>, vector<16xi32>,
        %get3A_400 = vector.shape_cast %get3A_399 : vector<16xi32> to vector<16xi32>
        %add3A_401 = vector.broadcast %mul3A_334 : i32 to vector<16xi32>
        %add3A_402 = arith.addi %get3A_400, %add3A_401 : vector<16xi32>
        %swap3A_403 = arith.constant 48 : index
        %swap3A_404 = tpu.vector_load %arg8[%swap3A_403] {strides = array<i32>} : memref<80xi32, #tpu.memory_space<vmem>>, vector<16xi32>,
        %swap3A_405 = vector.shape_cast %swap3A_404 : vector<16xi32> to vector<16xi32>
        %swap3A_406 = vector.shape_cast %add3A_402 : vector<16xi32> to vector<16xi32>
        tpu.vector_store %arg8[%swap3A_403], %swap3A_406 {strides = array<i32>} : memref<80xi32, #tpu.memory_space<vmem>>, vector<16xi32>,
        %get3A_407 = arith.constant 64 : index
        %get3A_408 = tpu.vector_load %arg14[%get3A_407] {strides = array<i32>} : memref<80xi32, #tpu.memory_space<vmem>>, vector<16xi32>,
        %get3A_409 = vector.shape_cast %get3A_408 : vector<16xi32> to vector<16xi32>
        %add3A_410 = vector.broadcast %mul3A_332 : i32 to vector<16xi32>
        %add3A_411 = arith.addi %get3A_409, %add3A_410 : vector<16xi32>
        %swap3A_412 = arith.constant 64 : index
        %swap3A_413 = tpu.vector_load %arg14[%swap3A_412] {strides = array<i32>} : memref<80xi32, #tpu.memory_space<vmem>>, vector<16xi32>,
        %swap3A_414 = vector.shape_cast %swap3A_413 : vector<16xi32> to vector<16xi32>
        %swap3A_415 = vector.shape_cast %add3A_411 : vector<16xi32> to vector<16xi32>
        tpu.vector_store %arg14[%swap3A_412], %swap3A_415 {strides = array<i32>} : memref<80xi32, #tpu.memory_space<vmem>>, vector<16xi32>,
        %get3A_416 = arith.constant 64 : index
        %get3A_417 = tpu.vector_load %arg8[%get3A_416] {strides = array<i32>} : memref<80xi32, #tpu.memory_space<vmem>>, vector<16xi32>,
        %get3A_418 = vector.shape_cast %get3A_417 : vector<16xi32> to vector<16xi32>
        %add3A_419 = vector.broadcast %mul3A_334 : i32 to vector<16xi32>
        %add3A_420 = arith.addi %get3A_418, %add3A_419 : vector<16xi32>
        %swap3A_421 = arith.constant 64 : index
        %swap3A_422 = tpu.vector_load %arg8[%swap3A_421] {strides = array<i32>} : memref<80xi32, #tpu.memory_space<vmem>>, vector<16xi32>,
        %swap3A_423 = vector.shape_cast %swap3A_422 : vector<16xi32> to vector<16xi32>
        %swap3A_424 = vector.shape_cast %add3A_420 : vector<16xi32> to vector<16xi32>
        tpu.vector_store %arg8[%swap3A_421], %swap3A_424 {strides = array<i32>} : memref<80xi32, #tpu.memory_space<vmem>>, vector<16xi32>,
        %dma_start3A_425 = arith.constant 0 : i32
        %dma_start3A_426 = arith.constant 0 : i32
        %dma_start3A_427 = tpu.memref_slice %arg2[%dma_start3A_425, %dma_start3A_426] : memref<20000x64xf32, #tpu.memory_space<hbm>> -> memref<20000x64xf32, #tpu.memory_space<hbm>>
        tpu.enqueue_indirect_dma source(%dma_start3A_427 : memref<20000x64xf32, #tpu.memory_space<hbm>>) target(%arg16 : memref<80x64xf32, #tpu.memory_space<vmem>>) offsets(%arg8 : memref<80xi32, #tpu.memory_space<vmem>>) semaphore(%arg26 : memref<!tpu.dma_semaphore, #tpu.memory_space<semaphore_mem>>)
        %dma_start3A_428 = arith.constant 0 : i32
        %dma_start3A_429 = arith.constant 0 : i32
        %dma_start3A_430 = tpu.memref_slice %arg6[%dma_start3A_428, %dma_start3A_429] : memref<1024x64xf32, #tpu.memory_space<hbm>> -> memref<1024x64xf32, #tpu.memory_space<hbm>>
        tpu.enqueue_indirect_dma source(%dma_start3A_430 : memref<1024x64xf32, #tpu.memory_space<hbm>>) target(%arg18 : memref<80x64xf32, #tpu.memory_space<vmem>>) offsets(%arg14 : memref<80xi32, #tpu.memory_space<vmem>>) semaphore(%arg28 : memref<!tpu.dma_semaphore, #tpu.memory_space<semaphore_mem>>)
      } else {
      }
      %dma_wait3A_256 = arith.constant 0 : i32
      %dma_wait3A_257 = arith.constant 0 : i32
      %dma_wait3A_258 = tpu.memref_slice %arg2[%dma_wait3A_256, %dma_wait3A_257] : memref<20000x64xf32, #tpu.memory_space<hbm>> -> memref<20000x64xf32, #tpu.memory_space<hbm>>
      tpu.wait_indirect_dma semaphore(%arg27 : memref<!tpu.dma_semaphore, #tpu.memory_space<semaphore_mem>>) src(%dma_wait3A_258 : memref<20000x64xf32, #tpu.memory_space<hbm>>) dst(%arg17 : memref<80x64xf32, #tpu.memory_space<vmem>>)
      %dma_wait3A_259 = arith.constant 0 : i32
      %dma_wait3A_260 = arith.constant 0 : i32
      %dma_wait3A_261 = tpu.memref_slice %arg6[%dma_wait3A_259, %dma_wait3A_260] : memref<1024x64xf32, #tpu.memory_space<hbm>> -> memref<1024x64xf32, #tpu.memory_space<hbm>>
      tpu.wait_indirect_dma semaphore(%arg29 : memref<!tpu.dma_semaphore, #tpu.memory_space<semaphore_mem>>) src(%dma_wait3A_261 : memref<1024x64xf32, #tpu.memory_space<hbm>>) dst(%arg19 : memref<80x64xf32, #tpu.memory_space<vmem>>)
      %ge3A_262 = arith.constant 2 : i32
      %ge3A_263 = arith.cmpi sge, %add3A_248, %ge3A_262 : i32
      %convert_element_type3A_264 = arith.extui %ge3A_263 : i1 to i32
      %cond3A_265 = arith.constant 0 : i32
      %cond3A_266 = arith.cmpi ne, %convert_element_type3A_264, %cond3A_265 : i32
      scf.if %cond3A_266 {
        %dma_wait3A_320 = arith.constant 0 : i32
        %dma_wait3A_321 = arith.constant 0 : i32
        %dma_wait3A_322 = tpu.memref_slice %arg23[%dma_wait3A_320, %dma_wait3A_321] : memref<10240x64xf32, #tpu.memory_space<vmem_shared>> -> memref<10240x64xf32, #tpu.memory_space<vmem_shared>>
        tpu.wait_indirect_dma semaphore(%arg31 : memref<!tpu.dma_semaphore, #tpu.memory_space<semaphore_mem>>) src(%arg21 : memref<80x64xf32, #tpu.memory_space<vmem>>) dst(%dma_wait3A_322 : memref<10240x64xf32, #tpu.memory_space<vmem_shared>>)
      } else {
      }
      %get3A_267 = arith.constant 0 : index
      %get3A_268 = tpu.vector_load %arg11[%get3A_267] {strides = array<i32>} : memref<80xi32, #tpu.memory_space<vmem>>, vector<16xi32>,
      %get3A_269 = vector.shape_cast %get3A_268 : vector<16xi32> to vector<16xi32>
      %swap3A_270 = arith.constant 0 : index
      %swap3A_271 = tpu.vector_load %arg13[%swap3A_270] {strides = array<i32>} : memref<80xi32, #tpu.memory_space<vmem>>, vector<16xi32>,
      %swap3A_272 = vector.shape_cast %swap3A_271 : vector<16xi32> to vector<16xi32>
      %swap3A_273 = vector.shape_cast %get3A_269 : vector<16xi32> to vector<16xi32>
      tpu.vector_store %arg13[%swap3A_270], %swap3A_273 {strides = array<i32>} : memref<80xi32, #tpu.memory_space<vmem>>, vector<16xi32>,
      %get3A_274 = arith.constant 16 : index
      %get3A_275 = tpu.vector_load %arg11[%get3A_274] {strides = array<i32>} : memref<80xi32, #tpu.memory_space<vmem>>, vector<16xi32>,
      %get3A_276 = vector.shape_cast %get3A_275 : vector<16xi32> to vector<16xi32>
      %swap3A_277 = arith.constant 16 : index
      %swap3A_278 = tpu.vector_load %arg13[%swap3A_277] {strides = array<i32>} : memref<80xi32, #tpu.memory_space<vmem>>, vector<16xi32>,
      %swap3A_279 = vector.shape_cast %swap3A_278 : vector<16xi32> to vector<16xi32>
      %swap3A_280 = vector.shape_cast %get3A_276 : vector<16xi32> to vector<16xi32>
      tpu.vector_store %arg13[%swap3A_277], %swap3A_280 {strides = array<i32>} : memref<80xi32, #tpu.memory_space<vmem>>, vector<16xi32>,
      %get3A_281 = arith.constant 32 : index
      %get3A_282 = tpu.vector_load %arg11[%get3A_281] {strides = array<i32>} : memref<80xi32, #tpu.memory_space<vmem>>, vector<16xi32>,
      %get3A_283 = vector.shape_cast %get3A_282 : vector<16xi32> to vector<16xi32>
      %swap3A_284 = arith.constant 32 : index
      %swap3A_285 = tpu.vector_load %arg13[%swap3A_284] {strides = array<i32>} : memref<80xi32, #tpu.memory_space<vmem>>, vector<16xi32>,
      %swap3A_286 = vector.shape_cast %swap3A_285 : vector<16xi32> to vector<16xi32>
      %swap3A_287 = vector.shape_cast %get3A_283 : vector<16xi32> to vector<16xi32>
      tpu.vector_store %arg13[%swap3A_284], %swap3A_287 {strides = array<i32>} : memref<80xi32, #tpu.memory_space<vmem>>, vector<16xi32>,
      %get3A_288 = arith.constant 48 : index
      %get3A_289 = tpu.vector_load %arg11[%get3A_288] {strides = array<i32>} : memref<80xi32, #tpu.memory_space<vmem>>, vector<16xi32>,
      %get3A_290 = vector.shape_cast %get3A_289 : vector<16xi32> to vector<16xi32>
      %swap3A_291 = arith.constant 48 : index
      %swap3A_292 = tpu.vector_load %arg13[%swap3A_291] {strides = array<i32>} : memref<80xi32, #tpu.memory_space<vmem>>, vector<16xi32>,
      %swap3A_293 = vector.shape_cast %swap3A_292 : vector<16xi32> to vector<16xi32>
      %swap3A_294 = vector.shape_cast %get3A_290 : vector<16xi32> to vector<16xi32>
      tpu.vector_store %arg13[%swap3A_291], %swap3A_294 {strides = array<i32>} : memref<80xi32, #tpu.memory_space<vmem>>, vector<16xi32>,
      %get3A_295 = arith.constant 64 : index
      %get3A_296 = tpu.vector_load %arg11[%get3A_295] {strides = array<i32>} : memref<80xi32, #tpu.memory_space<vmem>>, vector<16xi32>,
      %get3A_297 = vector.shape_cast %get3A_296 : vector<16xi32> to vector<16xi32>
      %swap3A_298 = arith.constant 64 : index
      %swap3A_299 = tpu.vector_load %arg13[%swap3A_298] {strides = array<i32>} : memref<80xi32, #tpu.memory_space<vmem>>, vector<16xi32>,
      %swap3A_300 = vector.shape_cast %swap3A_299 : vector<16xi32> to vector<16xi32>
      %swap3A_301 = vector.shape_cast %get3A_297 : vector<16xi32> to vector<16xi32>
      tpu.vector_store %arg13[%swap3A_298], %swap3A_301 {strides = array<i32>} : memref<80xi32, #tpu.memory_space<vmem>>, vector<16xi32>,
      %add3A_302 = arith.constant 2 : i32
      %add3A_303 = arith.addi %add3A_248, %add3A_302 : i32
      %lt3A_304 = arith.constant 250 : i32
      %lt3A_305 = arith.cmpi slt, %add3A_303, %lt3A_304 : i32
      %convert_element_type3A_306 = arith.extui %lt3A_305 : i1 to i32
      %cond3A_307 = arith.constant 0 : i32
      %cond3A_308 = arith.cmpi ne, %convert_element_type3A_306, %cond3A_307 : i32
      scf.if %cond3A_308 {
        %add3A_320 = arith.constant 2 : i32
        %add3A_321 = arith.addi %add3A_248, %add3A_320 : i32
        %mul3A_322 = arith.constant 80 : i32
        %mul3A_323 = arith.muli %add3A_321, %mul3A_322 : i32
        %add3A_324 = arith.addi %mul3A_0, %mul3A_323 : i32
        %dma_start3A_325 = tpu.memref_slice %arg3[%add3A_324] : memref<320000xi32, #tpu.memory_space<hbm>> -> memref<80xi32, #tpu.memory_space<hbm>>
        %dma_start3A_326 = tpu.memref_slice %arg3[%add3A_324] : memref<320000xi32, #tpu.memory_space<hbm>> -> memref<80xi32, #tpu.memory_space<hbm>>
        tpu.enqueue_dma source(%dma_start3A_326 : memref<80xi32, #tpu.memory_space<hbm>>) target(%arg9 : memref<80xi32, #tpu.memory_space<vmem>>) target_semaphore(%arg25 : memref<!tpu.dma_semaphore, #tpu.memory_space<semaphore_mem>>)
        %dma_start3A_327 = tpu.memref_slice %arg4[%add3A_324] : memref<320000xi32, #tpu.memory_space<hbm>> -> memref<80xi32, #tpu.memory_space<hbm>>
        %dma_start3A_328 = tpu.memref_slice %arg4[%add3A_324] : memref<320000xi32, #tpu.memory_space<hbm>> -> memref<80xi32, #tpu.memory_space<hbm>>
        tpu.enqueue_dma source(%dma_start3A_328 : memref<80xi32, #tpu.memory_space<hbm>>) target(%arg11 : memref<80xi32, #tpu.memory_space<vmem>>) target_semaphore(%arg25 : memref<!tpu.dma_semaphore, #tpu.memory_space<semaphore_mem>>)
        %dma_start3A_329 = tpu.memref_slice %arg5[%add3A_324] : memref<320000xi32, #tpu.memory_space<hbm>> -> memref<80xi32, #tpu.memory_space<hbm>>
        %dma_start3A_330 = tpu.memref_slice %arg5[%add3A_324] : memref<320000xi32, #tpu.memory_space<hbm>> -> memref<80xi32, #tpu.memory_space<hbm>>
        tpu.enqueue_dma source(%dma_start3A_330 : memref<80xi32, #tpu.memory_space<hbm>>) target(%arg15 : memref<80xi32, #tpu.memory_space<vmem>>) target_semaphore(%arg25 : memref<!tpu.dma_semaphore, #tpu.memory_space<semaphore_mem>>)
      } else {
      }
      %scan3A_309 = arith.constant 0 : i32
      %scan3A_310 = arith.constant 0 : i32
      %scan3A_311 = arith.constant 80 : i32
      %scan3A_312 = arith.addi %scan3A_310, %scan3A_311 : i32
      %scan3A_313 = arith.constant 1 : i32
      %scan3A_314 = scf.for %scan3A_320 = %scan3A_310 to %scan3A_312 step %scan3A_313 iter_args(%scan3A_321 = %scan3A_309) -> (i32)  : i32 {
        %get3A_322 = arith.index_cast %scan3A_320 : i32 to index
        %get3A_323 = arith.constant 0 : index
        %get3A_324 = tpu.vector_load %arg17[%get3A_322, %get3A_323] {strides = array<i32>} : memref<80x64xf32, #tpu.memory_space<vmem>>, vector<1x16xf32>,
        %get3A_325 = vector.shape_cast %get3A_324 : vector<1x16xf32> to vector<16xf32>
        %get3A_326 = arith.index_cast %scan3A_320 : i32 to index
        %get3A_327 = arith.constant 0 : index
        %get3A_328 = tpu.vector_load %arg19[%get3A_326, %get3A_327] {strides = array<i32>} : memref<80x64xf32, #tpu.memory_space<vmem>>, vector<1x16xf32>,
        %get3A_329 = vector.shape_cast %get3A_328 : vector<1x16xf32> to vector<16xf32>
        %add3A_330 = arith.addf %get3A_325, %get3A_329 : vector<16xf32>
        %max3A = arith.constant 0.000000e+00 : f32
        %max3A_331 = vector.broadcast %max3A : f32 to vector<16xf32>
        %max3A_332 = arith.maximumf %add3A_330, %max3A_331 : vector<16xf32>
        %swap3A_333 = arith.index_cast %scan3A_320 : i32 to index
        %swap3A_334 = arith.constant 0 : index
        %swap3A_335 = tpu.vector_load %arg21[%swap3A_333, %swap3A_334] {strides = array<i32>} : memref<80x64xf32, #tpu.memory_space<vmem>>, vector<1x16xf32>,
        %swap3A_336 = vector.shape_cast %swap3A_335 : vector<1x16xf32> to vector<16xf32>
        %swap3A_337 = vector.shape_cast %max3A_332 : vector<16xf32> to vector<1x16xf32>
        tpu.vector_store %arg21[%swap3A_333, %swap3A_334], %swap3A_337 {strides = array<i32>} : memref<80x64xf32, #tpu.memory_space<vmem>>, vector<1x16xf32>,
        %get3A_338 = arith.index_cast %scan3A_320 : i32 to index
        %get3A_339 = arith.constant 16 : index
        %get3A_340 = tpu.vector_load %arg17[%get3A_338, %get3A_339] {strides = array<i32>} : memref<80x64xf32, #tpu.memory_space<vmem>>, vector<1x16xf32>,
        %get3A_341 = vector.shape_cast %get3A_340 : vector<1x16xf32> to vector<16xf32>
        %get3A_342 = arith.index_cast %scan3A_320 : i32 to index
        %get3A_343 = arith.constant 16 : index
        %get3A_344 = tpu.vector_load %arg19[%get3A_342, %get3A_343] {strides = array<i32>} : memref<80x64xf32, #tpu.memory_space<vmem>>, vector<1x16xf32>,
        %get3A_345 = vector.shape_cast %get3A_344 : vector<1x16xf32> to vector<16xf32>
        %add3A_346 = arith.addf %get3A_341, %get3A_345 : vector<16xf32>
        %max3A_347 = arith.constant 0.000000e+00 : f32
        %max3A_348 = vector.broadcast %max3A_347 : f32 to vector<16xf32>
        %max3A_349 = arith.maximumf %add3A_346, %max3A_348 : vector<16xf32>
        %swap3A_350 = arith.index_cast %scan3A_320 : i32 to index
        %swap3A_351 = arith.constant 16 : index
        %swap3A_352 = tpu.vector_load %arg21[%swap3A_350, %swap3A_351] {strides = array<i32>} : memref<80x64xf32, #tpu.memory_space<vmem>>, vector<1x16xf32>,
        %swap3A_353 = vector.shape_cast %swap3A_352 : vector<1x16xf32> to vector<16xf32>
        %swap3A_354 = vector.shape_cast %max3A_349 : vector<16xf32> to vector<1x16xf32>
        tpu.vector_store %arg21[%swap3A_350, %swap3A_351], %swap3A_354 {strides = array<i32>} : memref<80x64xf32, #tpu.memory_space<vmem>>, vector<1x16xf32>,
        %get3A_355 = arith.index_cast %scan3A_320 : i32 to index
        %get3A_356 = arith.constant 32 : index
        %get3A_357 = tpu.vector_load %arg17[%get3A_355, %get3A_356] {strides = array<i32>} : memref<80x64xf32, #tpu.memory_space<vmem>>, vector<1x16xf32>,
        %get3A_358 = vector.shape_cast %get3A_357 : vector<1x16xf32> to vector<16xf32>
        %get3A_359 = arith.index_cast %scan3A_320 : i32 to index
        %get3A_360 = arith.constant 32 : index
        %get3A_361 = tpu.vector_load %arg19[%get3A_359, %get3A_360] {strides = array<i32>} : memref<80x64xf32, #tpu.memory_space<vmem>>, vector<1x16xf32>,
        %get3A_362 = vector.shape_cast %get3A_361 : vector<1x16xf32> to vector<16xf32>
        %add3A_363 = arith.addf %get3A_358, %get3A_362 : vector<16xf32>
        %max3A_364 = arith.constant 0.000000e+00 : f32
        %max3A_365 = vector.broadcast %max3A_364 : f32 to vector<16xf32>
        %max3A_366 = arith.maximumf %add3A_363, %max3A_365 : vector<16xf32>
        %swap3A_367 = arith.index_cast %scan3A_320 : i32 to index
        %swap3A_368 = arith.constant 32 : index
        %swap3A_369 = tpu.vector_load %arg21[%swap3A_367, %swap3A_368] {strides = array<i32>} : memref<80x64xf32, #tpu.memory_space<vmem>>, vector<1x16xf32>,
        %swap3A_370 = vector.shape_cast %swap3A_369 : vector<1x16xf32> to vector<16xf32>
        %swap3A_371 = vector.shape_cast %max3A_366 : vector<16xf32> to vector<1x16xf32>
        tpu.vector_store %arg21[%swap3A_367, %swap3A_368], %swap3A_371 {strides = array<i32>} : memref<80x64xf32, #tpu.memory_space<vmem>>, vector<1x16xf32>,
        %get3A_372 = arith.index_cast %scan3A_320 : i32 to index
        %get3A_373 = arith.constant 48 : index
        %get3A_374 = tpu.vector_load %arg17[%get3A_372, %get3A_373] {strides = array<i32>} : memref<80x64xf32, #tpu.memory_space<vmem>>, vector<1x16xf32>,
        %get3A_375 = vector.shape_cast %get3A_374 : vector<1x16xf32> to vector<16xf32>
        %get3A_376 = arith.index_cast %scan3A_320 : i32 to index
        %get3A_377 = arith.constant 48 : index
        %get3A_378 = tpu.vector_load %arg19[%get3A_376, %get3A_377] {strides = array<i32>} : memref<80x64xf32, #tpu.memory_space<vmem>>, vector<1x16xf32>,
        %get3A_379 = vector.shape_cast %get3A_378 : vector<1x16xf32> to vector<16xf32>
        %add3A_380 = arith.addf %get3A_375, %get3A_379 : vector<16xf32>
        %max3A_381 = arith.constant 0.000000e+00 : f32
        %max3A_382 = vector.broadcast %max3A_381 : f32 to vector<16xf32>
        %max3A_383 = arith.maximumf %add3A_380, %max3A_382 : vector<16xf32>
        %swap3A_384 = arith.index_cast %scan3A_320 : i32 to index
        %swap3A_385 = arith.constant 48 : index
        %swap3A_386 = tpu.vector_load %arg21[%swap3A_384, %swap3A_385] {strides = array<i32>} : memref<80x64xf32, #tpu.memory_space<vmem>>, vector<1x16xf32>,
        %swap3A_387 = vector.shape_cast %swap3A_386 : vector<1x16xf32> to vector<16xf32>
        %swap3A_388 = vector.shape_cast %max3A_383 : vector<16xf32> to vector<1x16xf32>
        tpu.vector_store %arg21[%swap3A_384, %swap3A_385], %swap3A_388 {strides = array<i32>} : memref<80x64xf32, #tpu.memory_space<vmem>>, vector<1x16xf32>,
        %scan3A_389 = arith.constant 0 : i32
        scf.yield %scan3A_389 : i32
      }
      %scan3A_315 = arith.constant 80 : i32
      %dma_start3A_316 = arith.constant 0 : i32
      %dma_start3A_317 = arith.constant 0 : i32
      %dma_start3A_318 = tpu.memref_slice %arg23[%dma_start3A_316, %dma_start3A_317] : memref<10240x64xf32, #tpu.memory_space<vmem_shared>> -> memref<10240x64xf32, #tpu.memory_space<vmem_shared>>
      tpu.enqueue_indirect_dma source(%arg21 : memref<80x64xf32, #tpu.memory_space<vmem>>) target(%dma_start3A_318 : memref<10240x64xf32, #tpu.memory_space<vmem_shared>>) offsets(%arg13 : memref<80xi32, #tpu.memory_space<vmem>>) semaphore(%arg31 : memref<!tpu.dma_semaphore, #tpu.memory_space<semaphore_mem>>) {add = true}
      %scan3A_319 = arith.constant 0 : i32
      scf.yield %scan3A_319 : i32
    }
    %scan3A_149 = arith.constant 125 : i32
    %dma_wait3A_150 = arith.constant 0 : i32
    %dma_wait3A_151 = arith.constant 0 : i32
    %dma_wait3A_152 = tpu.memref_slice %arg23[%dma_wait3A_150, %dma_wait3A_151] : memref<10240x64xf32, #tpu.memory_space<vmem_shared>> -> memref<10240x64xf32, #tpu.memory_space<vmem_shared>>
    tpu.wait_indirect_dma semaphore(%arg30 : memref<!tpu.dma_semaphore, #tpu.memory_space<semaphore_mem>>) src(%arg20 : memref<80x64xf32, #tpu.memory_space<vmem>>) dst(%dma_wait3A_152 : memref<10240x64xf32, #tpu.memory_space<vmem_shared>>)
    %dma_wait3A_153 = arith.constant 0 : i32
    %dma_wait3A_154 = arith.constant 0 : i32
    %dma_wait3A_155 = tpu.memref_slice %arg23[%dma_wait3A_153, %dma_wait3A_154] : memref<10240x64xf32, #tpu.memory_space<vmem_shared>> -> memref<10240x64xf32, #tpu.memory_space<vmem_shared>>
    tpu.wait_indirect_dma semaphore(%arg31 : memref<!tpu.dma_semaphore, #tpu.memory_space<semaphore_mem>>) src(%arg21 : memref<80x64xf32, #tpu.memory_space<vmem>>) dst(%dma_wait3A_155 : memref<10240x64xf32, #tpu.memory_space<vmem_shared>>)
    %barrier3A_156 = arith.constant 0 : index
    tpu.barrier barrier_id(%barrier3A_156)
    %mul3A_157 = arith.constant 640 : i32
    %mul3A_158 = arith.muli %arg1, %mul3A_157 : i32
    %add3A_159 = arith.constant 0 : i32
    %add3A_160 = arith.addi %mul3A_158, %add3A_159 : i32
    "tpu.region"() ({
      %run_scoped3A = tpu.sem_alloc : memref<!tpu.dma_semaphore, #tpu.memory_space<semaphore_mem>>
      %dma_start3A_173 = arith.constant 0 : i32
      %dma_start3A_174 = tpu.memref_slice %arg7[%arg0, %add3A_160, %dma_start3A_173] : memref<2x10240x64xf32, #tpu.memory_space<hbm>> -> memref<1x160x64xf32, #tpu.memory_space<hbm>>
      %dma_start3A_175 = tpu.memref_squeeze %dma_start3A_174 : memref<1x160x64xf32, #tpu.memory_space<hbm>> -> memref<160x64xf32, #tpu.memory_space<hbm>>
      %dma_start3A_176 = arith.constant 0 : i32
      %dma_start3A_177 = tpu.memref_slice %arg23[%add3A_160, %dma_start3A_176] : memref<10240x64xf32, #tpu.memory_space<vmem_shared>> -> memref<160x64xf32, #tpu.memory_space<vmem_shared>>
      tpu.enqueue_dma source(%dma_start3A_177 : memref<160x64xf32, #tpu.memory_space<vmem_shared>>) target(%dma_start3A_175 : memref<160x64xf32, #tpu.memory_space<hbm>>) target_semaphore(%run_scoped3A : memref<!tpu.dma_semaphore, #tpu.memory_space<semaphore_mem>>)
      %dma_wait3A_178 = arith.constant 0 : i32
      %dma_wait3A_179 = tpu.memref_slice %arg7[%arg0, %add3A_160, %dma_wait3A_178] : memref<2x10240x64xf32, #tpu.memory_space<hbm>> -> memref<1x160x64xf32, #tpu.memory_space<hbm>>
      %dma_wait3A_180 = tpu.memref_squeeze %dma_wait3A_179 : memref<1x160x64xf32, #tpu.memory_space<hbm>> -> memref<160x64xf32, #tpu.memory_space<hbm>>
      %dma_wait3A_181 = arith.constant 0 : i32
      %dma_wait3A_182 = tpu.memref_slice %arg23[%add3A_160, %dma_wait3A_181] : memref<10240x64xf32, #tpu.memory_space<vmem_shared>> -> memref<160x64xf32, #tpu.memory_space<vmem_shared>>
      tpu.wait_dma2 semaphore(%run_scoped3A : memref<!tpu.dma_semaphore, #tpu.memory_space<semaphore_mem>>) src(%dma_wait3A_182 : memref<160x64xf32, #tpu.memory_space<vmem_shared>>) dst(%dma_wait3A_180 : memref<160x64xf32, #tpu.memory_space<hbm>>)
      tpu.yield
    }) : () -> ()
    %mul3A_161 = arith.constant 640 : i32
    %mul3A_162 = arith.muli %arg1, %mul3A_161 : i32
    %add3A_163 = arith.constant 160 : i32
    %add3A_164 = arith.addi %mul3A_162, %add3A_163 : i32
    "tpu.region"() ({
      %run_scoped3A = tpu.sem_alloc : memref<!tpu.dma_semaphore, #tpu.memory_space<semaphore_mem>>
      %dma_start3A_173 = arith.constant 0 : i32
      %dma_start3A_174 = tpu.memref_slice %arg7[%arg0, %add3A_164, %dma_start3A_173] : memref<2x10240x64xf32, #tpu.memory_space<hbm>> -> memref<1x160x64xf32, #tpu.memory_space<hbm>>
      %dma_start3A_175 = tpu.memref_squeeze %dma_start3A_174 : memref<1x160x64xf32, #tpu.memory_space<hbm>> -> memref<160x64xf32, #tpu.memory_space<hbm>>
      %dma_start3A_176 = arith.constant 0 : i32
      %dma_start3A_177 = tpu.memref_slice %arg23[%add3A_164, %dma_start3A_176] : memref<10240x64xf32, #tpu.memory_space<vmem_shared>> -> memref<160x64xf32, #tpu.memory_space<vmem_shared>>
      tpu.enqueue_dma source(%dma_start3A_177 : memref<160x64xf32, #tpu.memory_space<vmem_shared>>) target(%dma_start3A_175 : memref<160x64xf32, #tpu.memory_space<hbm>>) target_semaphore(%run_scoped3A : memref<!tpu.dma_semaphore, #tpu.memory_space<semaphore_mem>>)
      %dma_wait3A_178 = arith.constant 0 : i32
      %dma_wait3A_179 = tpu.memref_slice %arg7[%arg0, %add3A_164, %dma_wait3A_178] : memref<2x10240x64xf32, #tpu.memory_space<hbm>> -> memref<1x160x64xf32, #tpu.memory_space<hbm>>
      %dma_wait3A_180 = tpu.memref_squeeze %dma_wait3A_179 : memref<1x160x64xf32, #tpu.memory_space<hbm>> -> memref<160x64xf32, #tpu.memory_space<hbm>>
      %dma_wait3A_181 = arith.constant 0 : i32
      %dma_wait3A_182 = tpu.memref_slice %arg23[%add3A_164, %dma_wait3A_181] : memref<10240x64xf32, #tpu.memory_space<vmem_shared>> -> memref<160x64xf32, #tpu.memory_space<vmem_shared>>
      tpu.wait_dma2 semaphore(%run_scoped3A : memref<!tpu.dma_semaphore, #tpu.memory_space<semaphore_mem>>) src(%dma_wait3A_182 : memref<160x64xf32, #tpu.memory_space<vmem_shared>>) dst(%dma_wait3A_180 : memref<160x64xf32, #tpu.memory_space<hbm>>)
      tpu.yield
    }) : () -> ()
    %mul3A_165 = arith.constant 640 : i32
    %mul3A_166 = arith.muli %arg1, %mul3A_165 : i32
    %add3A_167 = arith.constant 320 : i32
    %add3A_168 = arith.addi %mul3A_166, %add3A_167 : i32
    "tpu.region"() ({
      %run_scoped3A = tpu.sem_alloc : memref<!tpu.dma_semaphore, #tpu.memory_space<semaphore_mem>>
      %dma_start3A_173 = arith.constant 0 : i32
      %dma_start3A_174 = tpu.memref_slice %arg7[%arg0, %add3A_168, %dma_start3A_173] : memref<2x10240x64xf32, #tpu.memory_space<hbm>> -> memref<1x160x64xf32, #tpu.memory_space<hbm>>
      %dma_start3A_175 = tpu.memref_squeeze %dma_start3A_174 : memref<1x160x64xf32, #tpu.memory_space<hbm>> -> memref<160x64xf32, #tpu.memory_space<hbm>>
      %dma_start3A_176 = arith.constant 0 : i32
      %dma_start3A_177 = tpu.memref_slice %arg23[%add3A_168, %dma_start3A_176] : memref<10240x64xf32, #tpu.memory_space<vmem_shared>> -> memref<160x64xf32, #tpu.memory_space<vmem_shared>>
      tpu.enqueue_dma source(%dma_start3A_177 : memref<160x64xf32, #tpu.memory_space<vmem_shared>>) target(%dma_start3A_175 : memref<160x64xf32, #tpu.memory_space<hbm>>) target_semaphore(%run_scoped3A : memref<!tpu.dma_semaphore, #tpu.memory_space<semaphore_mem>>)
      %dma_wait3A_178 = arith.constant 0 : i32
      %dma_wait3A_179 = tpu.memref_slice %arg7[%arg0, %add3A_168, %dma_wait3A_178] : memref<2x10240x64xf32, #tpu.memory_space<hbm>> -> memref<1x160x64xf32, #tpu.memory_space<hbm>>
      %dma_wait3A_180 = tpu.memref_squeeze %dma_wait3A_179 : memref<1x160x64xf32, #tpu.memory_space<hbm>> -> memref<160x64xf32, #tpu.memory_space<hbm>>
      %dma_wait3A_181 = arith.constant 0 : i32
      %dma_wait3A_182 = tpu.memref_slice %arg23[%add3A_168, %dma_wait3A_181] : memref<10240x64xf32, #tpu.memory_space<vmem_shared>> -> memref<160x64xf32, #tpu.memory_space<vmem_shared>>
      tpu.wait_dma2 semaphore(%run_scoped3A : memref<!tpu.dma_semaphore, #tpu.memory_space<semaphore_mem>>) src(%dma_wait3A_182 : memref<160x64xf32, #tpu.memory_space<vmem_shared>>) dst(%dma_wait3A_180 : memref<160x64xf32, #tpu.memory_space<hbm>>)
      tpu.yield
    }) : () -> ()
    %mul3A_169 = arith.constant 640 : i32
    %mul3A_170 = arith.muli %arg1, %mul3A_169 : i32
    %add3A_171 = arith.constant 480 : i32
    %add3A_172 = arith.addi %mul3A_170, %add3A_171 : i32
    "tpu.region"() ({
      %run_scoped3A = tpu.sem_alloc : memref<!tpu.dma_semaphore, #tpu.memory_space<semaphore_mem>>
      %dma_start3A_173 = arith.constant 0 : i32
      %dma_start3A_174 = tpu.memref_slice %arg7[%arg0, %add3A_172, %dma_start3A_173] : memref<2x10240x64xf32, #tpu.memory_space<hbm>> -> memref<1x160x64xf32, #tpu.memory_space<hbm>>
      %dma_start3A_175 = tpu.memref_squeeze %dma_start3A_174 : memref<1x160x64xf32, #tpu.memory_space<hbm>> -> memref<160x64xf32, #tpu.memory_space<hbm>>
      %dma_start3A_176 = arith.constant 0 : i32
      %dma_start3A_177 = tpu.memref_slice %arg23[%add3A_172, %dma_start3A_176] : memref<10240x64xf32, #tpu.memory_space<vmem_shared>> -> memref<160x64xf32, #tpu.memory_space<vmem_shared>>
      tpu.enqueue_dma source(%dma_start3A_177 : memref<160x64xf32, #tpu.memory_space<vmem_shared>>) target(%dma_start3A_175 : memref<160x64xf32, #tpu.memory_space<hbm>>) target_semaphore(%run_scoped3A : memref<!tpu.dma_semaphore, #tpu.memory_space<semaphore_mem>>)
      %dma_wait3A_178 = arith.constant 0 : i32
      %dma_wait3A_179 = tpu.memref_slice %arg7[%arg0, %add3A_172, %dma_wait3A_178] : memref<2x10240x64xf32, #tpu.memory_space<hbm>> -> memref<1x160x64xf32, #tpu.memory_space<hbm>>
      %dma_wait3A_180 = tpu.memref_squeeze %dma_wait3A_179 : memref<1x160x64xf32, #tpu.memory_space<hbm>> -> memref<160x64xf32, #tpu.memory_space<hbm>>
      %dma_wait3A_181 = arith.constant 0 : i32
      %dma_wait3A_182 = tpu.memref_slice %arg23[%add3A_172, %dma_wait3A_181] : memref<10240x64xf32, #tpu.memory_space<vmem_shared>> -> memref<160x64xf32, #tpu.memory_space<vmem_shared>>
      tpu.wait_dma2 semaphore(%run_scoped3A : memref<!tpu.dma_semaphore, #tpu.memory_space<semaphore_mem>>) src(%dma_wait3A_182 : memref<160x64xf32, #tpu.memory_space<vmem_shared>>) dst(%dma_wait3A_180 : memref<160x64xf32, #tpu.memory_space<hbm>>)
      tpu.yield
    }) : () -> ()
    return
  }
}

module attributes {stable_mosaic.version = 14 : i64} {
  func.func @_encode_body(%arg0: i32, %arg1: memref<2000x9xi32, #tpu.memory_space<vmem>>, %arg2: memref<9x64x128xf32, #tpu.memory_space<vmem>>, %arg3: memref<2x3x8x128xf32, #tpu.memory_space<vmem>>, %arg4: memref<3x64000xi32, #tpu.memory_space<vmem>>, %arg5: memref<2x2000x64xf32, #tpu.memory_space<vmem>>, %arg6: memref<2x2x512x64xf32, #tpu.memory_space<vmem>>, %arg7: memref<1x1x64000xi32, #tpu.memory_space<vmem>>) attributes {dimension_semantics = [#tpu.dimension_semantics<arbitrary>], iteration_bounds = array<i64: 5>, scalar_prefetch = 0 : i64, scratch_operands = 0 : i64, tpu.core_type = #tpu.core_type<tc>, window_params = [{transform_indices = @transform_0, window_bounds = array<i64: 2000, 9>}, {pipeline_mode = #tpu.pipeline_mode<synchronous>, transform_indices = @transform_1, window_bounds = array<i64: 9, 64, 128>}, {pipeline_mode = #tpu.pipeline_mode<synchronous>, transform_indices = @transform_2, window_bounds = array<i64: 2, 3, 8, 128>}, {transform_indices = @transform_3, window_bounds = array<i64: 3, 64000>}, {transform_indices = @transform_4, window_bounds = array<i64: 2, 2000, 64>}, {pipeline_mode = #tpu.pipeline_mode<synchronous>, transform_indices = @transform_5, window_bounds = array<i64: 2, 2, 512, 64>}, {transform_indices = @transform_6, window_bounds = array<i64: 1, 1, 64000>}]} {
    %get3A = arith.constant 0 : index
    %get3A_0 = arith.constant 0 : index
    %get3A_1 = vector.load %arg4[%get3A, %get3A_0] : memref<3x64000xi32, #tpu.memory_space<vmem>>, vector<1x64000xi32>
    %get3A_2 = vector.shape_cast %get3A_1 : vector<1x64000xi32> to vector<64000xi32>
    %mul3A = arith.constant 64 : i32
    %mul3A_3 = vector.broadcast %mul3A : i32 to vector<64000xi32>
    %mul3A_4 = arith.muli %get3A_2, %mul3A_3 : vector<64000xi32>
    %get3A_5 = arith.constant 1 : index
    %get3A_6 = arith.constant 0 : index
    %get3A_7 = vector.load %arg4[%get3A_5, %get3A_6] : memref<3x64000xi32, #tpu.memory_space<vmem>>, vector<1x64000xi32>
    %get3A_8 = vector.shape_cast %get3A_7 : vector<1x64000xi32> to vector<64000xi32>
    %mul3A_9 = arith.constant 8 : i32
    %mul3A_10 = vector.broadcast %mul3A_9 : i32 to vector<64000xi32>
    %mul3A_11 = arith.muli %get3A_8, %mul3A_10 : vector<64000xi32>
    %add3A = arith.addi %mul3A_4, %mul3A_11 : vector<64000xi32>
    %get3A_12 = arith.constant 2 : index
    %get3A_13 = arith.constant 0 : index
    %get3A_14 = vector.load %arg4[%get3A_12, %get3A_13] : memref<3x64000xi32, #tpu.memory_space<vmem>>, vector<1x64000xi32>
    %get3A_15 = vector.shape_cast %get3A_14 : vector<1x64000xi32> to vector<64000xi32>
    %add3A_16 = arith.addi %add3A, %get3A_15 : vector<64000xi32>
    %swap3A = arith.constant 0 : index
    %swap3A_17 = arith.constant 0 : index
    %swap3A_18 = arith.constant 0 : index
    %swap3A_19 = vector.load %arg7[%swap3A, %swap3A_17, %swap3A_18] : memref<1x1x64000xi32, #tpu.memory_space<vmem>>, vector<1x1x64000xi32>
    %swap3A_20 = vector.shape_cast %swap3A_19 : vector<1x1x64000xi32> to vector<64000xi32>
    %swap3A_21 = vector.shape_cast %add3A_16 : vector<64000xi32> to vector<1x1x64000xi32>
    tpu.vector_store %arg7[%swap3A, %swap3A_17, %swap3A_18], %swap3A_21 {strides = array<i32>} : memref<1x1x64000xi32, #tpu.memory_space<vmem>>, vector<1x1x64000xi32>,
    %broadcast_in_dim3A = arith.constant 0.000000e+00 : f32
    %broadcast_in_dim3A_22 = vector.broadcast %broadcast_in_dim3A : f32 to vector<2000x128xf32>
    %iota3A = tpu.iota {dimensions = array<i32: 1>} : vector<1x64xi32>
    %get3A_23 = arith.constant 0 : index
    %get3A_24 = arith.constant 0 : index
    %get3A_25 = vector.load %arg1[%get3A_23, %get3A_24] : memref<2000x9xi32, #tpu.memory_space<vmem>>, vector<2000x1xi32>
    %get3A_26 = vector.shape_cast %get3A_25 : vector<2000x1xi32> to vector<2000xi32>
    %broadcast_in_dim3A_27 = vector.shape_cast %get3A_26 : vector<2000xi32> to vector<2000x1xi32>
    %eq3A = vector.broadcast %broadcast_in_dim3A_27 : vector<2000x1xi32> to vector<2000x64xi32>
    %eq3A_28 = vector.broadcast %iota3A : vector<1x64xi32> to vector<2000x64xi32>
    %eq3A_29 = arith.cmpi eq, %eq3A, %eq3A_28 : vector<2000x64xi32>
    %convert_element_type3A = arith.extui %eq3A_29 : vector<2000x64xi1> to vector<2000x64xi32>
    %convert_element_type3A_30 = arith.sitofp %convert_element_type3A : vector<2000x64xi32> to vector<2000x64xf32>
    %get3A_31 = arith.constant 0 : index
    %get3A_32 = arith.constant 0 : index
    %get3A_33 = arith.constant 0 : index
    %get3A_34 = vector.load %arg2[%get3A_31, %get3A_32, %get3A_33] : memref<9x64x128xf32, #tpu.memory_space<vmem>>, vector<1x64x128xf32>
    %get3A_35 = vector.shape_cast %get3A_34 : vector<1x64x128xf32> to vector<64x128xf32>
    %dot_general3A = arith.constant dense<0.000000e+00> : vector<2000x128xf32>
    %dot_general3A_36 = tpu.matmul %convert_element_type3A_30, %get3A_35, %dot_general3A {dimension_numbers = #tpu.dot_dimension_numbers<[1], [0], [0], [1], [0, 0, 1, 1], [], []>, precision = #tpu.contract_precision<fp32>, transpose_lhs_hint = false} : vector<2000x64xf32>, vector<64x128xf32>, vector<2000x128xf32> -> vector<2000x128xf32>
    %add3A_37 = arith.addf %broadcast_in_dim3A_22, %dot_general3A_36 : vector<2000x128xf32>
    %get3A_38 = arith.constant 0 : index
    %get3A_39 = arith.constant 1 : index
    %get3A_40 = vector.load %arg1[%get3A_38, %get3A_39] : memref<2000x9xi32, #tpu.memory_space<vmem>>, vector<2000x1xi32>
    %get3A_41 = vector.shape_cast %get3A_40 : vector<2000x1xi32> to vector<2000xi32>
    %broadcast_in_dim3A_42 = vector.shape_cast %get3A_41 : vector<2000xi32> to vector<2000x1xi32>
    %eq3A_43 = vector.broadcast %broadcast_in_dim3A_42 : vector<2000x1xi32> to vector<2000x64xi32>
    %eq3A_44 = vector.broadcast %iota3A : vector<1x64xi32> to vector<2000x64xi32>
    %eq3A_45 = arith.cmpi eq, %eq3A_43, %eq3A_44 : vector<2000x64xi32>
    %convert_element_type3A_46 = arith.extui %eq3A_45 : vector<2000x64xi1> to vector<2000x64xi32>
    %convert_element_type3A_47 = arith.sitofp %convert_element_type3A_46 : vector<2000x64xi32> to vector<2000x64xf32>
    %get3A_48 = arith.constant 1 : index
    %get3A_49 = arith.constant 0 : index
    %get3A_50 = arith.constant 0 : index
    %get3A_51 = vector.load %arg2[%get3A_48, %get3A_49, %get3A_50] : memref<9x64x128xf32, #tpu.memory_space<vmem>>, vector<1x64x128xf32>
    %get3A_52 = vector.shape_cast %get3A_51 : vector<1x64x128xf32> to vector<64x128xf32>
    %dot_general3A_53 = arith.constant dense<0.000000e+00> : vector<2000x128xf32>
    %dot_general3A_54 = tpu.matmul %convert_element_type3A_47, %get3A_52, %dot_general3A_53 {dimension_numbers = #tpu.dot_dimension_numbers<[1], [0], [0], [1], [0, 0, 1, 1], [], []>, precision = #tpu.contract_precision<fp32>, transpose_lhs_hint = false} : vector<2000x64xf32>, vector<64x128xf32>, vector<2000x128xf32> -> vector<2000x128xf32>
    %add3A_55 = arith.addf %add3A_37, %dot_general3A_54 : vector<2000x128xf32>
    %get3A_56 = arith.constant 0 : index
    %get3A_57 = arith.constant 2 : index
    %get3A_58 = vector.load %arg1[%get3A_56, %get3A_57] : memref<2000x9xi32, #tpu.memory_space<vmem>>, vector<2000x1xi32>
    %get3A_59 = vector.shape_cast %get3A_58 : vector<2000x1xi32> to vector<2000xi32>
    %broadcast_in_dim3A_60 = vector.shape_cast %get3A_59 : vector<2000xi32> to vector<2000x1xi32>
    %eq3A_61 = vector.broadcast %broadcast_in_dim3A_60 : vector<2000x1xi32> to vector<2000x64xi32>
    %eq3A_62 = vector.broadcast %iota3A : vector<1x64xi32> to vector<2000x64xi32>
    %eq3A_63 = arith.cmpi eq, %eq3A_61, %eq3A_62 : vector<2000x64xi32>
    %convert_element_type3A_64 = arith.extui %eq3A_63 : vector<2000x64xi1> to vector<2000x64xi32>
    %convert_element_type3A_65 = arith.sitofp %convert_element_type3A_64 : vector<2000x64xi32> to vector<2000x64xf32>
    %get3A_66 = arith.constant 2 : index
    %get3A_67 = arith.constant 0 : index
    %get3A_68 = arith.constant 0 : index
    %get3A_69 = vector.load %arg2[%get3A_66, %get3A_67, %get3A_68] : memref<9x64x128xf32, #tpu.memory_space<vmem>>, vector<1x64x128xf32>
    %get3A_70 = vector.shape_cast %get3A_69 : vector<1x64x128xf32> to vector<64x128xf32>
    %dot_general3A_71 = arith.constant dense<0.000000e+00> : vector<2000x128xf32>
    %dot_general3A_72 = tpu.matmul %convert_element_type3A_65, %get3A_70, %dot_general3A_71 {dimension_numbers = #tpu.dot_dimension_numbers<[1], [0], [0], [1], [0, 0, 1, 1], [], []>, precision = #tpu.contract_precision<fp32>, transpose_lhs_hint = false} : vector<2000x64xf32>, vector<64x128xf32>, vector<2000x128xf32> -> vector<2000x128xf32>
    %add3A_73 = arith.addf %add3A_55, %dot_general3A_72 : vector<2000x128xf32>
    %get3A_74 = arith.constant 0 : index
    %get3A_75 = arith.constant 3 : index
    %get3A_76 = vector.load %arg1[%get3A_74, %get3A_75] : memref<2000x9xi32, #tpu.memory_space<vmem>>, vector<2000x1xi32>
    %get3A_77 = vector.shape_cast %get3A_76 : vector<2000x1xi32> to vector<2000xi32>
    %broadcast_in_dim3A_78 = vector.shape_cast %get3A_77 : vector<2000xi32> to vector<2000x1xi32>
    %eq3A_79 = vector.broadcast %broadcast_in_dim3A_78 : vector<2000x1xi32> to vector<2000x64xi32>
    %eq3A_80 = vector.broadcast %iota3A : vector<1x64xi32> to vector<2000x64xi32>
    %eq3A_81 = arith.cmpi eq, %eq3A_79, %eq3A_80 : vector<2000x64xi32>
    %convert_element_type3A_82 = arith.extui %eq3A_81 : vector<2000x64xi1> to vector<2000x64xi32>
    %convert_element_type3A_83 = arith.sitofp %convert_element_type3A_82 : vector<2000x64xi32> to vector<2000x64xf32>
    %get3A_84 = arith.constant 3 : index
    %get3A_85 = arith.constant 0 : index
    %get3A_86 = arith.constant 0 : index
    %get3A_87 = vector.load %arg2[%get3A_84, %get3A_85, %get3A_86] : memref<9x64x128xf32, #tpu.memory_space<vmem>>, vector<1x64x128xf32>
    %get3A_88 = vector.shape_cast %get3A_87 : vector<1x64x128xf32> to vector<64x128xf32>
    %dot_general3A_89 = arith.constant dense<0.000000e+00> : vector<2000x128xf32>
    %dot_general3A_90 = tpu.matmul %convert_element_type3A_83, %get3A_88, %dot_general3A_89 {dimension_numbers = #tpu.dot_dimension_numbers<[1], [0], [0], [1], [0, 0, 1, 1], [], []>, precision = #tpu.contract_precision<fp32>, transpose_lhs_hint = false} : vector<2000x64xf32>, vector<64x128xf32>, vector<2000x128xf32> -> vector<2000x128xf32>
    %add3A_91 = arith.addf %add3A_73, %dot_general3A_90 : vector<2000x128xf32>
    %get3A_92 = arith.constant 0 : index
    %get3A_93 = arith.constant 4 : index
    %get3A_94 = vector.load %arg1[%get3A_92, %get3A_93] : memref<2000x9xi32, #tpu.memory_space<vmem>>, vector<2000x1xi32>
    %get3A_95 = vector.shape_cast %get3A_94 : vector<2000x1xi32> to vector<2000xi32>
    %broadcast_in_dim3A_96 = vector.shape_cast %get3A_95 : vector<2000xi32> to vector<2000x1xi32>
    %eq3A_97 = vector.broadcast %broadcast_in_dim3A_96 : vector<2000x1xi32> to vector<2000x64xi32>
    %eq3A_98 = vector.broadcast %iota3A : vector<1x64xi32> to vector<2000x64xi32>
    %eq3A_99 = arith.cmpi eq, %eq3A_97, %eq3A_98 : vector<2000x64xi32>
    %convert_element_type3A_100 = arith.extui %eq3A_99 : vector<2000x64xi1> to vector<2000x64xi32>
    %convert_element_type3A_101 = arith.sitofp %convert_element_type3A_100 : vector<2000x64xi32> to vector<2000x64xf32>
    %get3A_102 = arith.constant 4 : index
    %get3A_103 = arith.constant 0 : index
    %get3A_104 = arith.constant 0 : index
    %get3A_105 = vector.load %arg2[%get3A_102, %get3A_103, %get3A_104] : memref<9x64x128xf32, #tpu.memory_space<vmem>>, vector<1x64x128xf32>
    %get3A_106 = vector.shape_cast %get3A_105 : vector<1x64x128xf32> to vector<64x128xf32>
    %dot_general3A_107 = arith.constant dense<0.000000e+00> : vector<2000x128xf32>
    %dot_general3A_108 = tpu.matmul %convert_element_type3A_101, %get3A_106, %dot_general3A_107 {dimension_numbers = #tpu.dot_dimension_numbers<[1], [0], [0], [1], [0, 0, 1, 1], [], []>, precision = #tpu.contract_precision<fp32>, transpose_lhs_hint = false} : vector<2000x64xf32>, vector<64x128xf32>, vector<2000x128xf32> -> vector<2000x128xf32>
    %add3A_109 = arith.addf %add3A_91, %dot_general3A_108 : vector<2000x128xf32>
    %get3A_110 = arith.constant 0 : index
    %get3A_111 = arith.constant 5 : index
    %get3A_112 = vector.load %arg1[%get3A_110, %get3A_111] : memref<2000x9xi32, #tpu.memory_space<vmem>>, vector<2000x1xi32>
    %get3A_113 = vector.shape_cast %get3A_112 : vector<2000x1xi32> to vector<2000xi32>
    %broadcast_in_dim3A_114 = vector.shape_cast %get3A_113 : vector<2000xi32> to vector<2000x1xi32>
    %eq3A_115 = vector.broadcast %broadcast_in_dim3A_114 : vector<2000x1xi32> to vector<2000x64xi32>
    %eq3A_116 = vector.broadcast %iota3A : vector<1x64xi32> to vector<2000x64xi32>
    %eq3A_117 = arith.cmpi eq, %eq3A_115, %eq3A_116 : vector<2000x64xi32>
    %convert_element_type3A_118 = arith.extui %eq3A_117 : vector<2000x64xi1> to vector<2000x64xi32>
    %convert_element_type3A_119 = arith.sitofp %convert_element_type3A_118 : vector<2000x64xi32> to vector<2000x64xf32>
    %get3A_120 = arith.constant 5 : index
    %get3A_121 = arith.constant 0 : index
    %get3A_122 = arith.constant 0 : index
    %get3A_123 = vector.load %arg2[%get3A_120, %get3A_121, %get3A_122] : memref<9x64x128xf32, #tpu.memory_space<vmem>>, vector<1x64x128xf32>
    %get3A_124 = vector.shape_cast %get3A_123 : vector<1x64x128xf32> to vector<64x128xf32>
    %dot_general3A_125 = arith.constant dense<0.000000e+00> : vector<2000x128xf32>
    %dot_general3A_126 = tpu.matmul %convert_element_type3A_119, %get3A_124, %dot_general3A_125 {dimension_numbers = #tpu.dot_dimension_numbers<[1], [0], [0], [1], [0, 0, 1, 1], [], []>, precision = #tpu.contract_precision<fp32>, transpose_lhs_hint = false} : vector<2000x64xf32>, vector<64x128xf32>, vector<2000x128xf32> -> vector<2000x128xf32>
    %add3A_127 = arith.addf %add3A_109, %dot_general3A_126 : vector<2000x128xf32>
    %get3A_128 = arith.constant 0 : index
    %get3A_129 = arith.constant 6 : index
    %get3A_130 = vector.load %arg1[%get3A_128, %get3A_129] : memref<2000x9xi32, #tpu.memory_space<vmem>>, vector<2000x1xi32>
    %get3A_131 = vector.shape_cast %get3A_130 : vector<2000x1xi32> to vector<2000xi32>
    %broadcast_in_dim3A_132 = vector.shape_cast %get3A_131 : vector<2000xi32> to vector<2000x1xi32>
    %eq3A_133 = vector.broadcast %broadcast_in_dim3A_132 : vector<2000x1xi32> to vector<2000x64xi32>
    %eq3A_134 = vector.broadcast %iota3A : vector<1x64xi32> to vector<2000x64xi32>
    %eq3A_135 = arith.cmpi eq, %eq3A_133, %eq3A_134 : vector<2000x64xi32>
    %convert_element_type3A_136 = arith.extui %eq3A_135 : vector<2000x64xi1> to vector<2000x64xi32>
    %convert_element_type3A_137 = arith.sitofp %convert_element_type3A_136 : vector<2000x64xi32> to vector<2000x64xf32>
    %get3A_138 = arith.constant 6 : index
    %get3A_139 = arith.constant 0 : index
    %get3A_140 = arith.constant 0 : index
    %get3A_141 = vector.load %arg2[%get3A_138, %get3A_139, %get3A_140] : memref<9x64x128xf32, #tpu.memory_space<vmem>>, vector<1x64x128xf32>
    %get3A_142 = vector.shape_cast %get3A_141 : vector<1x64x128xf32> to vector<64x128xf32>
    %dot_general3A_143 = arith.constant dense<0.000000e+00> : vector<2000x128xf32>
    %dot_general3A_144 = tpu.matmul %convert_element_type3A_137, %get3A_142, %dot_general3A_143 {dimension_numbers = #tpu.dot_dimension_numbers<[1], [0], [0], [1], [0, 0, 1, 1], [], []>, precision = #tpu.contract_precision<fp32>, transpose_lhs_hint = false} : vector<2000x64xf32>, vector<64x128xf32>, vector<2000x128xf32> -> vector<2000x128xf32>
    %add3A_145 = arith.addf %add3A_127, %dot_general3A_144 : vector<2000x128xf32>
    %get3A_146 = arith.constant 0 : index
    %get3A_147 = arith.constant 7 : index
    %get3A_148 = vector.load %arg1[%get3A_146, %get3A_147] : memref<2000x9xi32, #tpu.memory_space<vmem>>, vector<2000x1xi32>
    %get3A_149 = vector.shape_cast %get3A_148 : vector<2000x1xi32> to vector<2000xi32>
    %broadcast_in_dim3A_150 = vector.shape_cast %get3A_149 : vector<2000xi32> to vector<2000x1xi32>
    %eq3A_151 = vector.broadcast %broadcast_in_dim3A_150 : vector<2000x1xi32> to vector<2000x64xi32>
    %eq3A_152 = vector.broadcast %iota3A : vector<1x64xi32> to vector<2000x64xi32>
    %eq3A_153 = arith.cmpi eq, %eq3A_151, %eq3A_152 : vector<2000x64xi32>
    %convert_element_type3A_154 = arith.extui %eq3A_153 : vector<2000x64xi1> to vector<2000x64xi32>
    %convert_element_type3A_155 = arith.sitofp %convert_element_type3A_154 : vector<2000x64xi32> to vector<2000x64xf32>
    %get3A_156 = arith.constant 7 : index
    %get3A_157 = arith.constant 0 : index
    %get3A_158 = arith.constant 0 : index
    %get3A_159 = vector.load %arg2[%get3A_156, %get3A_157, %get3A_158] : memref<9x64x128xf32, #tpu.memory_space<vmem>>, vector<1x64x128xf32>
    %get3A_160 = vector.shape_cast %get3A_159 : vector<1x64x128xf32> to vector<64x128xf32>
    %dot_general3A_161 = arith.constant dense<0.000000e+00> : vector<2000x128xf32>
    %dot_general3A_162 = tpu.matmul %convert_element_type3A_155, %get3A_160, %dot_general3A_161 {dimension_numbers = #tpu.dot_dimension_numbers<[1], [0], [0], [1], [0, 0, 1, 1], [], []>, precision = #tpu.contract_precision<fp32>, transpose_lhs_hint = false} : vector<2000x64xf32>, vector<64x128xf32>, vector<2000x128xf32> -> vector<2000x128xf32>
    %add3A_163 = arith.addf %add3A_145, %dot_general3A_162 : vector<2000x128xf32>
    %get3A_164 = arith.constant 0 : index
    %get3A_165 = arith.constant 8 : index
    %get3A_166 = vector.load %arg1[%get3A_164, %get3A_165] : memref<2000x9xi32, #tpu.memory_space<vmem>>, vector<2000x1xi32>
    %get3A_167 = vector.shape_cast %get3A_166 : vector<2000x1xi32> to vector<2000xi32>
    %broadcast_in_dim3A_168 = vector.shape_cast %get3A_167 : vector<2000xi32> to vector<2000x1xi32>
    %eq3A_169 = vector.broadcast %broadcast_in_dim3A_168 : vector<2000x1xi32> to vector<2000x64xi32>
    %eq3A_170 = vector.broadcast %iota3A : vector<1x64xi32> to vector<2000x64xi32>
    %eq3A_171 = arith.cmpi eq, %eq3A_169, %eq3A_170 : vector<2000x64xi32>
    %convert_element_type3A_172 = arith.extui %eq3A_171 : vector<2000x64xi1> to vector<2000x64xi32>
    %convert_element_type3A_173 = arith.sitofp %convert_element_type3A_172 : vector<2000x64xi32> to vector<2000x64xf32>
    %get3A_174 = arith.constant 8 : index
    %get3A_175 = arith.constant 0 : index
    %get3A_176 = arith.constant 0 : index
    %get3A_177 = vector.load %arg2[%get3A_174, %get3A_175, %get3A_176] : memref<9x64x128xf32, #tpu.memory_space<vmem>>, vector<1x64x128xf32>
    %get3A_178 = vector.shape_cast %get3A_177 : vector<1x64x128xf32> to vector<64x128xf32>
    %dot_general3A_179 = arith.constant dense<0.000000e+00> : vector<2000x128xf32>
    %dot_general3A_180 = tpu.matmul %convert_element_type3A_173, %get3A_178, %dot_general3A_179 {dimension_numbers = #tpu.dot_dimension_numbers<[1], [0], [0], [1], [0, 0, 1, 1], [], []>, precision = #tpu.contract_precision<fp32>, transpose_lhs_hint = false} : vector<2000x64xf32>, vector<64x128xf32>, vector<2000x128xf32> -> vector<2000x128xf32>
    %add3A_181 = arith.addf %add3A_163, %dot_general3A_180 : vector<2000x128xf32>
    %slice3A = vector.extract_strided_slice %add3A_181 {offsets = [0, 0], sizes = [2000, 64], strides = [1, 1]} : vector<2000x128xf32> to vector<2000x64xf32>
    %swap3A_182 = arith.constant 0 : index
    %swap3A_183 = arith.constant 0 : index
    %swap3A_184 = arith.constant 0 : index
    %swap3A_185 = vector.load %arg5[%swap3A_182, %swap3A_183, %swap3A_184] : memref<2x2000x64xf32, #tpu.memory_space<vmem>>, vector<1x2000x64xf32>
    %swap3A_186 = vector.shape_cast %swap3A_185 : vector<1x2000x64xf32> to vector<2000x64xf32>
    %swap3A_187 = vector.shape_cast %slice3A : vector<2000x64xf32> to vector<1x2000x64xf32>
    tpu.vector_store %arg5[%swap3A_182, %swap3A_183, %swap3A_184], %swap3A_187 {strides = array<i32>} : memref<2x2000x64xf32, #tpu.memory_space<vmem>>, vector<1x2000x64xf32>,
    %slice3A_188 = vector.extract_strided_slice %add3A_181 {offsets = [0, 64], sizes = [2000, 64], strides = [1, 1]} : vector<2000x128xf32> to vector<2000x64xf32>
    %swap3A_189 = arith.constant 1 : index
    %swap3A_190 = arith.constant 0 : index
    %swap3A_191 = arith.constant 0 : index
    %swap3A_192 = vector.load %arg5[%swap3A_189, %swap3A_190, %swap3A_191] : memref<2x2000x64xf32, #tpu.memory_space<vmem>>, vector<1x2000x64xf32>
    %swap3A_193 = vector.shape_cast %swap3A_192 : vector<1x2000x64xf32> to vector<2000x64xf32>
    %swap3A_194 = vector.shape_cast %slice3A_188 : vector<2000x64xf32> to vector<1x2000x64xf32>
    tpu.vector_store %arg5[%swap3A_189, %swap3A_190, %swap3A_191], %swap3A_194 {strides = array<i32>} : memref<2x2000x64xf32, #tpu.memory_space<vmem>>, vector<1x2000x64xf32>,
    %eq3A_195 = arith.constant 0 : i32
    %eq3A_196 = arith.cmpi eq, %arg0, %eq3A_195 : i32
    %convert_element_type3A_197 = arith.extui %eq3A_196 : i1 to i32
    %cond3A = arith.constant 0 : i32
    %cond3A_198 = arith.cmpi ne, %convert_element_type3A_197, %cond3A : i32
    scf.if %cond3A_198 {
      %iota3A_199 = tpu.iota {dimensions = array<i32: 0>} : vector<512x1xi32>
      %iota3A_200 = tpu.iota {dimensions = array<i32: 1>} : vector<1x8xi32>
      %jit3A = arith.constant 64 : i32
      %div3A = vector.broadcast %jit3A : i32 to vector<512x1xi32>
      %div3A_201 = arith.divsi %iota3A_199, %div3A : vector<512x1xi32>
      %sign3A = arith.constant 0 : i32
      %sign3A_202 = vector.broadcast %sign3A : i32 to vector<512x1xi32>
      %sign3A_203 = arith.cmpi sgt, %iota3A_199, %sign3A_202 : vector<512x1xi32>
      %sign3A_204 = arith.extui %sign3A_203 : vector<512x1xi1> to vector<512x1xi32>
      %sign3A_205 = arith.constant 0 : i32
      %sign3A_206 = vector.broadcast %sign3A_205 : i32 to vector<512x1xi32>
      %sign3A_207 = arith.cmpi slt, %iota3A_199, %sign3A_206 : vector<512x1xi32>
      %sign3A_208 = arith.extui %sign3A_207 : vector<512x1xi1> to vector<512x1xi32>
      %sign3A_209 = arith.subi %sign3A_204, %sign3A_208 : vector<512x1xi32>
      %sign3A_210 = arith.constant 0 : i32
      %sign3A_211 = arith.cmpi sgt, %jit3A, %sign3A_210 : i32
      %sign3A_212 = arith.extui %sign3A_211 : i1 to i32
      %sign3A_213 = arith.constant 0 : i32
      %sign3A_214 = arith.cmpi slt, %jit3A, %sign3A_213 : i32
      %sign3A_215 = arith.extui %sign3A_214 : i1 to i32
      %sign3A_216 = arith.subi %sign3A_212, %sign3A_215 : i32
      %ne3A = vector.broadcast %sign3A_216 : i32 to vector<512x1xi32>
      %ne3A_217 = arith.cmpi ne, %sign3A_209, %ne3A : vector<512x1xi32>
      %rem3A = vector.broadcast %jit3A : i32 to vector<512x1xi32>
      %rem3A_218 = arith.remsi %iota3A_199, %rem3A : vector<512x1xi32>
      %ne3A_219 = arith.constant 0 : i32
      %ne3A_220 = vector.broadcast %ne3A_219 : i32 to vector<512x1xi32>
      %ne3A_221 = arith.cmpi ne, %rem3A_218, %ne3A_220 : vector<512x1xi32>
      %and3A = arith.andi %ne3A_217, %ne3A_221 : vector<512x1xi1>
      %sub3A = arith.constant 1 : i32
      %sub3A_222 = vector.broadcast %sub3A : i32 to vector<512x1xi32>
      %sub3A_223 = arith.subi %div3A_201, %sub3A_222 : vector<512x1xi32>
      %select_n3A = arith.select %and3A, %sub3A_223, %div3A_201 : vector<512x1xi1>, vector<512x1xi32>
      %eq3A_224 = vector.broadcast %select_n3A : vector<512x1xi32> to vector<512x8xi32>
      %eq3A_225 = vector.broadcast %iota3A_200 : vector<1x8xi32> to vector<512x8xi32>
      %eq3A_226 = arith.cmpi eq, %eq3A_224, %eq3A_225 : vector<512x8xi32>
      %convert_element_type3A_227 = arith.extui %eq3A_226 : vector<512x8xi1> to vector<512x8xi32>
      %convert_element_type3A_228 = arith.sitofp %convert_element_type3A_227 : vector<512x8xi32> to vector<512x8xf32>
      %jit3A_229 = arith.constant 8 : i32
      %div3A_230 = vector.broadcast %jit3A_229 : i32 to vector<512x1xi32>
      %div3A_231 = arith.divsi %iota3A_199, %div3A_230 : vector<512x1xi32>
      %sign3A_232 = arith.constant 0 : i32
      %sign3A_233 = vector.broadcast %sign3A_232 : i32 to vector<512x1xi32>
      %sign3A_234 = arith.cmpi sgt, %iota3A_199, %sign3A_233 : vector<512x1xi32>
      %sign3A_235 = arith.extui %sign3A_234 : vector<512x1xi1> to vector<512x1xi32>
      %sign3A_236 = arith.constant 0 : i32
      %sign3A_237 = vector.broadcast %sign3A_236 : i32 to vector<512x1xi32>
      %sign3A_238 = arith.cmpi slt, %iota3A_199, %sign3A_237 : vector<512x1xi32>
      %sign3A_239 = arith.extui %sign3A_238 : vector<512x1xi1> to vector<512x1xi32>
      %sign3A_240 = arith.subi %sign3A_235, %sign3A_239 : vector<512x1xi32>
      %sign3A_241 = arith.constant 0 : i32
      %sign3A_242 = arith.cmpi sgt, %jit3A_229, %sign3A_241 : i32
      %sign3A_243 = arith.extui %sign3A_242 : i1 to i32
      %sign3A_244 = arith.constant 0 : i32
      %sign3A_245 = arith.cmpi slt, %jit3A_229, %sign3A_244 : i32
      %sign3A_246 = arith.extui %sign3A_245 : i1 to i32
      %sign3A_247 = arith.subi %sign3A_243, %sign3A_246 : i32
      %ne3A_248 = vector.broadcast %sign3A_247 : i32 to vector<512x1xi32>
      %ne3A_249 = arith.cmpi ne, %sign3A_240, %ne3A_248 : vector<512x1xi32>
      %rem3A_250 = vector.broadcast %jit3A_229 : i32 to vector<512x1xi32>
      %rem3A_251 = arith.remsi %iota3A_199, %rem3A_250 : vector<512x1xi32>
      %ne3A_252 = arith.constant 0 : i32
      %ne3A_253 = vector.broadcast %ne3A_252 : i32 to vector<512x1xi32>
      %ne3A_254 = arith.cmpi ne, %rem3A_251, %ne3A_253 : vector<512x1xi32>
      %and3A_255 = arith.andi %ne3A_249, %ne3A_254 : vector<512x1xi1>
      %sub3A_256 = arith.constant 1 : i32
      %sub3A_257 = vector.broadcast %sub3A_256 : i32 to vector<512x1xi32>
      %sub3A_258 = arith.subi %div3A_231, %sub3A_257 : vector<512x1xi32>
      %select_n3A_259 = arith.select %and3A_255, %sub3A_258, %div3A_231 : vector<512x1xi1>, vector<512x1xi32>
      %jit3A_260 = arith.constant 8 : i32
      %eq3A_261 = arith.constant 0 : i32
      %eq3A_262 = arith.cmpi eq, %jit3A_260, %eq3A_261 : i32
      %jit3A_263 = arith.constant 1 : i32
      %select_n3A_264 = arith.select %eq3A_262, %jit3A_263, %jit3A_260 : i32
      %rem3A_265 = vector.broadcast %select_n3A_264 : i32 to vector<512x1xi32>
      %rem3A_266 = arith.remsi %select_n3A_259, %rem3A_265 : vector<512x1xi32>
      %ne3A_267 = arith.constant 0 : i32
      %ne3A_268 = vector.broadcast %ne3A_267 : i32 to vector<512x1xi32>
      %ne3A_269 = arith.cmpi ne, %rem3A_266, %ne3A_268 : vector<512x1xi32>
      %lt3A = arith.constant 0 : i32
      %lt3A_270 = vector.broadcast %lt3A : i32 to vector<512x1xi32>
      %lt3A_271 = arith.cmpi slt, %rem3A_266, %lt3A_270 : vector<512x1xi32>
      %lt3A_272 = arith.constant 0 : i32
      %lt3A_273 = arith.cmpi slt, %select_n3A_264, %lt3A_272 : i32
      %ne3A_274 = vector.broadcast %lt3A_273 : i1 to vector<512x1xi1>
      %ne3A_275 = vector.broadcast %ne3A_274 : vector<512x1xi1> to vector<512x1xi1>
      %ne3A_276 = arith.xori %lt3A_271, %ne3A_275 : vector<512x1xi1>
      %and3A_277 = arith.andi %ne3A_276, %ne3A_269 : vector<512x1xi1>
      %add3A_278 = vector.broadcast %select_n3A_264 : i32 to vector<512x1xi32>
      %add3A_279 = arith.addi %rem3A_266, %add3A_278 : vector<512x1xi32>
      %select_n3A_280 = arith.select %and3A_277, %add3A_279, %rem3A_266 : vector<512x1xi1>, vector<512x1xi32>
      %eq3A_281 = vector.broadcast %select_n3A_280 : vector<512x1xi32> to vector<512x8xi32>
      %eq3A_282 = vector.broadcast %iota3A_200 : vector<1x8xi32> to vector<512x8xi32>
      %eq3A_283 = arith.cmpi eq, %eq3A_281, %eq3A_282 : vector<512x8xi32>
      %convert_element_type3A_284 = arith.extui %eq3A_283 : vector<512x8xi1> to vector<512x8xi32>
      %convert_element_type3A_285 = arith.sitofp %convert_element_type3A_284 : vector<512x8xi32> to vector<512x8xf32>
      %jit3A_286 = arith.constant 8 : i32
      %eq3A_287 = arith.constant 0 : i32
      %eq3A_288 = arith.cmpi eq, %jit3A_286, %eq3A_287 : i32
      %jit3A_289 = arith.constant 1 : i32
      %select_n3A_290 = arith.select %eq3A_288, %jit3A_289, %jit3A_286 : i32
      %rem3A_291 = vector.broadcast %select_n3A_290 : i32 to vector<512x1xi32>
      %rem3A_292 = arith.remsi %iota3A_199, %rem3A_291 : vector<512x1xi32>
      %ne3A_293 = arith.constant 0 : i32
      %ne3A_294 = vector.broadcast %ne3A_293 : i32 to vector<512x1xi32>
      %ne3A_295 = arith.cmpi ne, %rem3A_292, %ne3A_294 : vector<512x1xi32>
      %lt3A_296 = arith.constant 0 : i32
      %lt3A_297 = vector.broadcast %lt3A_296 : i32 to vector<512x1xi32>
      %lt3A_298 = arith.cmpi slt, %rem3A_292, %lt3A_297 : vector<512x1xi32>
      %lt3A_299 = arith.constant 0 : i32
      %lt3A_300 = arith.cmpi slt, %select_n3A_290, %lt3A_299 : i32
      %ne3A_301 = vector.broadcast %lt3A_300 : i1 to vector<512x1xi1>
      %ne3A_302 = vector.broadcast %ne3A_301 : vector<512x1xi1> to vector<512x1xi1>
      %ne3A_303 = arith.xori %lt3A_298, %ne3A_302 : vector<512x1xi1>
      %and3A_304 = arith.andi %ne3A_303, %ne3A_295 : vector<512x1xi1>
      %add3A_305 = vector.broadcast %select_n3A_290 : i32 to vector<512x1xi32>
      %add3A_306 = arith.addi %rem3A_292, %add3A_305 : vector<512x1xi32>
      %select_n3A_307 = arith.select %and3A_304, %add3A_306, %rem3A_292 : vector<512x1xi1>, vector<512x1xi32>
      %eq3A_308 = vector.broadcast %select_n3A_307 : vector<512x1xi32> to vector<512x8xi32>
      %eq3A_309 = vector.broadcast %iota3A_200 : vector<1x8xi32> to vector<512x8xi32>
      %eq3A_310 = arith.cmpi eq, %eq3A_308, %eq3A_309 : vector<512x8xi32>
      %convert_element_type3A_311 = arith.extui %eq3A_310 : vector<512x8xi1> to vector<512x8xi32>
      %convert_element_type3A_312 = arith.sitofp %convert_element_type3A_311 : vector<512x8xi32> to vector<512x8xf32>
      %get3A_313 = arith.constant 0 : index
      %get3A_314 = arith.constant 0 : index
      %get3A_315 = arith.constant 0 : index
      %get3A_316 = arith.constant 0 : index
      %get3A_317 = vector.load %arg3[%get3A_313, %get3A_314, %get3A_315, %get3A_316] : memref<2x3x8x128xf32, #tpu.memory_space<vmem>>, vector<1x1x8x128xf32>
      %get3A_318 = vector.shape_cast %get3A_317 : vector<1x1x8x128xf32> to vector<8x128xf32>
      %dot_general3A_319 = arith.constant dense<0.000000e+00> : vector<512x128xf32>
      %dot_general3A_320 = tpu.matmul %convert_element_type3A_228, %get3A_318, %dot_general3A_319 {dimension_numbers = #tpu.dot_dimension_numbers<[1], [0], [0], [1], [0, 0, 1, 1], [], []>, precision = #tpu.contract_precision<fp32>, transpose_lhs_hint = false} : vector<512x8xf32>, vector<8x128xf32>, vector<512x128xf32> -> vector<512x128xf32>
      %get3A_321 = arith.constant 0 : index
      %get3A_322 = arith.constant 1 : index
      %get3A_323 = arith.constant 0 : index
      %get3A_324 = arith.constant 0 : index
      %get3A_325 = vector.load %arg3[%get3A_321, %get3A_322, %get3A_323, %get3A_324] : memref<2x3x8x128xf32, #tpu.memory_space<vmem>>, vector<1x1x8x128xf32>
      %get3A_326 = vector.shape_cast %get3A_325 : vector<1x1x8x128xf32> to vector<8x128xf32>
      %dot_general3A_327 = arith.constant dense<0.000000e+00> : vector<512x128xf32>
      %dot_general3A_328 = tpu.matmul %convert_element_type3A_285, %get3A_326, %dot_general3A_327 {dimension_numbers = #tpu.dot_dimension_numbers<[1], [0], [0], [1], [0, 0, 1, 1], [], []>, precision = #tpu.contract_precision<fp32>, transpose_lhs_hint = false} : vector<512x8xf32>, vector<8x128xf32>, vector<512x128xf32> -> vector<512x128xf32>
      %add3A_329 = arith.addf %dot_general3A_320, %dot_general3A_328 : vector<512x128xf32>
      %get3A_330 = arith.constant 0 : index
      %get3A_331 = arith.constant 2 : index
      %get3A_332 = arith.constant 0 : index
      %get3A_333 = arith.constant 0 : index
      %get3A_334 = vector.load %arg3[%get3A_330, %get3A_331, %get3A_332, %get3A_333] : memref<2x3x8x128xf32, #tpu.memory_space<vmem>>, vector<1x1x8x128xf32>
      %get3A_335 = vector.shape_cast %get3A_334 : vector<1x1x8x128xf32> to vector<8x128xf32>
      %dot_general3A_336 = arith.constant dense<0.000000e+00> : vector<512x128xf32>
      %dot_general3A_337 = tpu.matmul %convert_element_type3A_312, %get3A_335, %dot_general3A_336 {dimension_numbers = #tpu.dot_dimension_numbers<[1], [0], [0], [1], [0, 0, 1, 1], [], []>, precision = #tpu.contract_precision<fp32>, transpose_lhs_hint = false} : vector<512x8xf32>, vector<8x128xf32>, vector<512x128xf32> -> vector<512x128xf32>
      %add3A_338 = arith.addf %add3A_329, %dot_general3A_337 : vector<512x128xf32>
      %slice3A_339 = vector.extract_strided_slice %add3A_338 {offsets = [0, 0], sizes = [512, 64], strides = [1, 1]} : vector<512x128xf32> to vector<512x64xf32>
      %swap3A_340 = arith.constant 0 : index
      %swap3A_341 = arith.constant 0 : index
      %swap3A_342 = arith.constant 0 : index
      %swap3A_343 = arith.constant 0 : index
      %swap3A_344 = vector.load %arg6[%swap3A_340, %swap3A_341, %swap3A_342, %swap3A_343] : memref<2x2x512x64xf32, #tpu.memory_space<vmem>>, vector<1x1x512x64xf32>
      %swap3A_345 = vector.shape_cast %swap3A_344 : vector<1x1x512x64xf32> to vector<512x64xf32>
      %swap3A_346 = vector.shape_cast %slice3A_339 : vector<512x64xf32> to vector<1x1x512x64xf32>
      tpu.vector_store %arg6[%swap3A_340, %swap3A_341, %swap3A_342, %swap3A_343], %swap3A_346 {strides = array<i32>} : memref<2x2x512x64xf32, #tpu.memory_space<vmem>>, vector<1x1x512x64xf32>,
      %slice3A_347 = vector.extract_strided_slice %add3A_338 {offsets = [0, 64], sizes = [512, 64], strides = [1, 1]} : vector<512x128xf32> to vector<512x64xf32>
      %swap3A_348 = arith.constant 0 : index
      %swap3A_349 = arith.constant 1 : index
      %swap3A_350 = arith.constant 0 : index
      %swap3A_351 = arith.constant 0 : index
      %swap3A_352 = vector.load %arg6[%swap3A_348, %swap3A_349, %swap3A_350, %swap3A_351] : memref<2x2x512x64xf32, #tpu.memory_space<vmem>>, vector<1x1x512x64xf32>
      %swap3A_353 = vector.shape_cast %swap3A_352 : vector<1x1x512x64xf32> to vector<512x64xf32>
      %swap3A_354 = vector.shape_cast %slice3A_347 : vector<512x64xf32> to vector<1x1x512x64xf32>
      tpu.vector_store %arg6[%swap3A_348, %swap3A_349, %swap3A_350, %swap3A_351], %swap3A_354 {strides = array<i32>} : memref<2x2x512x64xf32, #tpu.memory_space<vmem>>, vector<1x1x512x64xf32>,
      %get3A_355 = arith.constant 1 : index
      %get3A_356 = arith.constant 0 : index
      %get3A_357 = arith.constant 0 : index
      %get3A_358 = arith.constant 0 : index
      %get3A_359 = vector.load %arg3[%get3A_355, %get3A_356, %get3A_357, %get3A_358] : memref<2x3x8x128xf32, #tpu.memory_space<vmem>>, vector<1x1x8x128xf32>
      %get3A_360 = vector.shape_cast %get3A_359 : vector<1x1x8x128xf32> to vector<8x128xf32>
      %dot_general3A_361 = arith.constant dense<0.000000e+00> : vector<512x128xf32>
      %dot_general3A_362 = tpu.matmul %convert_element_type3A_228, %get3A_360, %dot_general3A_361 {dimension_numbers = #tpu.dot_dimension_numbers<[1], [0], [0], [1], [0, 0, 1, 1], [], []>, precision = #tpu.contract_precision<fp32>, transpose_lhs_hint = false} : vector<512x8xf32>, vector<8x128xf32>, vector<512x128xf32> -> vector<512x128xf32>
      %get3A_363 = arith.constant 1 : index
      %get3A_364 = arith.constant 1 : index
      %get3A_365 = arith.constant 0 : index
      %get3A_366 = arith.constant 0 : index
      %get3A_367 = vector.load %arg3[%get3A_363, %get3A_364, %get3A_365, %get3A_366] : memref<2x3x8x128xf32, #tpu.memory_space<vmem>>, vector<1x1x8x128xf32>
      %get3A_368 = vector.shape_cast %get3A_367 : vector<1x1x8x128xf32> to vector<8x128xf32>
      %dot_general3A_369 = arith.constant dense<0.000000e+00> : vector<512x128xf32>
      %dot_general3A_370 = tpu.matmul %convert_element_type3A_285, %get3A_368, %dot_general3A_369 {dimension_numbers = #tpu.dot_dimension_numbers<[1], [0], [0], [1], [0, 0, 1, 1], [], []>, precision = #tpu.contract_precision<fp32>, transpose_lhs_hint = false} : vector<512x8xf32>, vector<8x128xf32>, vector<512x128xf32> -> vector<512x128xf32>
      %add3A_371 = arith.addf %dot_general3A_362, %dot_general3A_370 : vector<512x128xf32>
      %get3A_372 = arith.constant 1 : index
      %get3A_373 = arith.constant 2 : index
      %get3A_374 = arith.constant 0 : index
      %get3A_375 = arith.constant 0 : index
      %get3A_376 = vector.load %arg3[%get3A_372, %get3A_373, %get3A_374, %get3A_375] : memref<2x3x8x128xf32, #tpu.memory_space<vmem>>, vector<1x1x8x128xf32>
      %get3A_377 = vector.shape_cast %get3A_376 : vector<1x1x8x128xf32> to vector<8x128xf32>
      %dot_general3A_378 = arith.constant dense<0.000000e+00> : vector<512x128xf32>
      %dot_general3A_379 = tpu.matmul %convert_element_type3A_312, %get3A_377, %dot_general3A_378 {dimension_numbers = #tpu.dot_dimension_numbers<[1], [0], [0], [1], [0, 0, 1, 1], [], []>, precision = #tpu.contract_precision<fp32>, transpose_lhs_hint = false} : vector<512x8xf32>, vector<8x128xf32>, vector<512x128xf32> -> vector<512x128xf32>
      %add3A_380 = arith.addf %add3A_371, %dot_general3A_379 : vector<512x128xf32>
      %slice3A_381 = vector.extract_strided_slice %add3A_380 {offsets = [0, 0], sizes = [512, 64], strides = [1, 1]} : vector<512x128xf32> to vector<512x64xf32>
      %swap3A_382 = arith.constant 1 : index
      %swap3A_383 = arith.constant 0 : index
      %swap3A_384 = arith.constant 0 : index
      %swap3A_385 = arith.constant 0 : index
      %swap3A_386 = vector.load %arg6[%swap3A_382, %swap3A_383, %swap3A_384, %swap3A_385] : memref<2x2x512x64xf32, #tpu.memory_space<vmem>>, vector<1x1x512x64xf32>
      %swap3A_387 = vector.shape_cast %swap3A_386 : vector<1x1x512x64xf32> to vector<512x64xf32>
      %swap3A_388 = vector.shape_cast %slice3A_381 : vector<512x64xf32> to vector<1x1x512x64xf32>
      tpu.vector_store %arg6[%swap3A_382, %swap3A_383, %swap3A_384, %swap3A_385], %swap3A_388 {strides = array<i32>} : memref<2x2x512x64xf32, #tpu.memory_space<vmem>>, vector<1x1x512x64xf32>,
      %slice3A_389 = vector.extract_strided_slice %add3A_380 {offsets = [0, 64], sizes = [512, 64], strides = [1, 1]} : vector<512x128xf32> to vector<512x64xf32>
      %swap3A_390 = arith.constant 1 : index
      %swap3A_391 = arith.constant 1 : index
      %swap3A_392 = arith.constant 0 : index
      %swap3A_393 = arith.constant 0 : index
      %swap3A_394 = vector.load %arg6[%swap3A_390, %swap3A_391, %swap3A_392, %swap3A_393] : memref<2x2x512x64xf32, #tpu.memory_space<vmem>>, vector<1x1x512x64xf32>
      %swap3A_395 = vector.shape_cast %swap3A_394 : vector<1x1x512x64xf32> to vector<512x64xf32>
      %swap3A_396 = vector.shape_cast %slice3A_389 : vector<512x64xf32> to vector<1x1x512x64xf32>
      tpu.vector_store %arg6[%swap3A_390, %swap3A_391, %swap3A_392, %swap3A_393], %swap3A_396 {strides = array<i32>} : memref<2x2x512x64xf32, #tpu.memory_space<vmem>>, vector<1x1x512x64xf32>,
    } else {
    }
    return
  }
  func.func @transform_0(%arg0: i32) -> (i32, i32) {
    %c0_i32 = arith.constant 0 : i32
    %c0_i32_0 = arith.constant 0 : i32
    return %arg0, %c0_i32 : i32, i32
  }
  func.func @transform_1(%arg0: i32) -> (i32, i32, i32) {
    %c0_i32 = arith.constant 0 : i32
    %c0_i32_0 = arith.constant 0 : i32
    %c0_i32_1 = arith.constant 0 : i32
    %c0_i32_2 = arith.constant 0 : i32
    return %c0_i32, %c0_i32_0, %c0_i32_1 : i32, i32, i32
  }
  func.func @transform_2(%arg0: i32) -> (i32, i32, i32, i32) {
    %c0_i32 = arith.constant 0 : i32
    %c0_i32_0 = arith.constant 0 : i32
    %c0_i32_1 = arith.constant 0 : i32
    %c0_i32_2 = arith.constant 0 : i32
    %c0_i32_3 = arith.constant 0 : i32
    return %c0_i32, %c0_i32_0, %c0_i32_1, %c0_i32_2 : i32, i32, i32, i32
  }
  func.func @transform_3(%arg0: i32) -> (i32, i32) {
    %c0_i32 = arith.constant 0 : i32
    %c0_i32_0 = arith.constant 0 : i32
    return %c0_i32, %arg0 : i32, i32
  }
  func.func @transform_4(%arg0: i32) -> (i32, i32, i32) {
    %c0_i32 = arith.constant 0 : i32
    %c0_i32_0 = arith.constant 0 : i32
    %c0_i32_1 = arith.constant 0 : i32
    return %c0_i32, %arg0, %c0_i32_0 : i32, i32, i32
  }
  func.func @transform_5(%arg0: i32) -> (i32, i32, i32, i32) {
    %c0_i32 = arith.constant 0 : i32
    %c0_i32_0 = arith.constant 0 : i32
    %c0_i32_1 = arith.constant 0 : i32
    %c0_i32_2 = arith.constant 0 : i32
    %c0_i32_3 = arith.constant 0 : i32
    return %c0_i32, %c0_i32_0, %c0_i32_1, %c0_i32_2 : i32, i32, i32, i32
  }
  func.func @transform_6(%arg0: i32) -> (i32, i32, i32) {
    %c0_i32 = arith.constant 0 : i32
    %c0_i32_0 = arith.constant 0 : i32
    %c0_i32_1 = arith.constant 0 : i32
    return %arg0, %c0_i32, %c0_i32_0 : i32, i32, i32
  }
}

module attributes {stable_mosaic.version = 14 : i64} {
  func.func @_mlp_body(%arg0: memref<2x10000x64xf32, #tpu.memory_space<vmem>>, %arg1: memref<2x10240x64xf32, #tpu.memory_space<vmem>>, %arg2: memref<1xf32, #tpu.memory_space<smem>>, %arg3: memref<128x256xf32, #tpu.memory_space<vmem>>, %arg4: memref<1x256xf32, #tpu.memory_space<vmem>>, %arg5: memref<1x256xf32, #tpu.memory_space<vmem>>, %arg6: memref<1x256xf32, #tpu.memory_space<vmem>>, %arg7: memref<256x128xf32, #tpu.memory_space<vmem>>, %arg8: memref<1x128xf32, #tpu.memory_space<vmem>>, %arg9: memref<1x128xf32, #tpu.memory_space<vmem>>, %arg10: memref<1x128xf32, #tpu.memory_space<vmem>>, %arg11: memref<2x10000x64xf32, #tpu.memory_space<vmem>>) attributes {dimension_semantics = [], scalar_prefetch = 0 : i64, scratch_operands = 0 : i64, tpu.core_type = #tpu.core_type<tc>} {
    %get3A = arith.constant 0 : index
    %get3A_0 = arith.constant 0 : index
    %get3A_1 = arith.constant 0 : index
    %get3A_2 = vector.load %arg0[%get3A, %get3A_0, %get3A_1] : memref<2x10000x64xf32, #tpu.memory_space<vmem>>, vector<1x10000x64xf32>
    %get3A_3 = vector.shape_cast %get3A_2 : vector<1x10000x64xf32> to vector<10000x64xf32>
    %get3A_4 = arith.constant 1 : index
    %get3A_5 = arith.constant 0 : index
    %get3A_6 = arith.constant 0 : index
    %get3A_7 = vector.load %arg0[%get3A_4, %get3A_5, %get3A_6] : memref<2x10000x64xf32, #tpu.memory_space<vmem>>, vector<1x10000x64xf32>
    %get3A_8 = vector.shape_cast %get3A_7 : vector<1x10000x64xf32> to vector<10000x64xf32>
    %concatenate3A = tpu.concatenate %get3A_3, %get3A_8 in 1 : vector<10000x64xf32>, vector<10000x64xf32> -> vector<10000x128xf32>
    %get3A_9 = arith.constant 0 : index
    %get3A_10 = arith.constant 0 : index
    %get3A_11 = arith.constant 0 : index
    %get3A_12 = vector.load %arg1[%get3A_9, %get3A_10, %get3A_11] : memref<2x10240x64xf32, #tpu.memory_space<vmem>>, vector<1x10000x64xf32>
    %get3A_13 = vector.shape_cast %get3A_12 : vector<1x10000x64xf32> to vector<10000x64xf32>
    %get3A_14 = arith.constant 1 : index
    %get3A_15 = arith.constant 0 : index
    %get3A_16 = arith.constant 0 : index
    %get3A_17 = vector.load %arg1[%get3A_14, %get3A_15, %get3A_16] : memref<2x10240x64xf32, #tpu.memory_space<vmem>>, vector<1x10000x64xf32>
    %get3A_18 = vector.shape_cast %get3A_17 : vector<1x10000x64xf32> to vector<10000x64xf32>
    %concatenate3A_19 = tpu.concatenate %get3A_13, %get3A_18 in 1 : vector<10000x64xf32>, vector<10000x64xf32> -> vector<10000x128xf32>
    %get3A_20 = arith.constant 0 : index
    %get3A_21 = memref.load %arg2[%get3A_20] : memref<1xf32, #tpu.memory_space<smem>>
    %add3A = arith.constant 1.000000e+00 : f32
    %add3A_22 = arith.addf %add3A, %get3A_21 : f32
    %mul3A = vector.broadcast %add3A_22 : f32 to vector<10000x128xf32>
    %mul3A_23 = arith.mulf %mul3A, %concatenate3A : vector<10000x128xf32>
    %add3A_24 = arith.addf %mul3A_23, %concatenate3A_19 : vector<10000x128xf32>
    %get3A_25 = arith.constant 0 : index
    %get3A_26 = arith.constant 0 : index
    %get3A_27 = vector.load %arg3[%get3A_25, %get3A_26] : memref<128x256xf32, #tpu.memory_space<vmem>>, vector<128x256xf32>
    %dot_general3A = arith.constant dense<0.000000e+00> : vector<10000x256xf32>
    %dot_general3A_28 = tpu.matmul %add3A_24, %get3A_27, %dot_general3A {dimension_numbers = #tpu.dot_dimension_numbers<[1], [0], [0], [1], [0, 0, 1, 1], [], []>, transpose_lhs_hint = false} : vector<10000x128xf32>, vector<128x256xf32>, vector<10000x256xf32> -> vector<10000x256xf32>
    %get3A_29 = arith.constant 0 : index
    %get3A_30 = arith.constant 0 : index
    %get3A_31 = vector.load %arg4[%get3A_29, %get3A_30] : memref<1x256xf32, #tpu.memory_space<vmem>>, vector<1x256xf32>
    %add3A_32 = vector.broadcast %get3A_31 : vector<1x256xf32> to vector<10000x256xf32>
    %add3A_33 = arith.addf %dot_general3A_28, %add3A_32 : vector<10000x256xf32>
    %reduce_sum3A = arith.constant dense<0.000000e+00> : vector<256xf32>
    %reduce_sum3A_34 = vector.multi_reduction <add>, %add3A_33, %reduce_sum3A [0] : vector<10000x256xf32> to vector<256xf32>
    %broadcast_in_dim3A = vector.shape_cast %reduce_sum3A_34 : vector<256xf32> to vector<1x256xf32>
    %div3A = arith.constant 1.000000e+04 : f32
    %div3A_35 = vector.broadcast %div3A : f32 to vector<1x256xf32>
    %div3A_36 = arith.divf %broadcast_in_dim3A, %div3A_35 : vector<1x256xf32>
    %sub3A = vector.broadcast %div3A_36 : vector<1x256xf32> to vector<10000x256xf32>
    %sub3A_37 = arith.subf %add3A_33, %sub3A : vector<10000x256xf32>
    %integer_pow3A = arith.mulf %sub3A_37, %sub3A_37 : vector<10000x256xf32>
    %reduce_sum3A_38 = arith.constant dense<0.000000e+00> : vector<256xf32>
    %reduce_sum3A_39 = vector.multi_reduction <add>, %integer_pow3A, %reduce_sum3A_38 [0] : vector<10000x256xf32> to vector<256xf32>
    %broadcast_in_dim3A_40 = vector.shape_cast %reduce_sum3A_39 : vector<256xf32> to vector<1x256xf32>
    %div3A_41 = arith.constant 1.000000e+04 : f32
    %div3A_42 = vector.broadcast %div3A_41 : f32 to vector<1x256xf32>
    %div3A_43 = arith.divf %broadcast_in_dim3A_40, %div3A_42 : vector<1x256xf32>
    %sub3A_44 = vector.broadcast %div3A_36 : vector<1x256xf32> to vector<10000x256xf32>
    %sub3A_45 = arith.subf %add3A_33, %sub3A_44 : vector<10000x256xf32>
    %add3A_46 = arith.constant 9.99999974E-6 : f32
    %add3A_47 = vector.broadcast %add3A_46 : f32 to vector<1x256xf32>
    %add3A_48 = arith.addf %div3A_43, %add3A_47 : vector<1x256xf32>
    %rsqrt3A = math.rsqrt %add3A_48 : vector<1x256xf32>
    %mul3A_49 = vector.broadcast %rsqrt3A : vector<1x256xf32> to vector<10000x256xf32>
    %mul3A_50 = arith.mulf %sub3A_45, %mul3A_49 : vector<10000x256xf32>
    %get3A_51 = arith.constant 0 : index
    %get3A_52 = arith.constant 0 : index
    %get3A_53 = vector.load %arg5[%get3A_51, %get3A_52] : memref<1x256xf32, #tpu.memory_space<vmem>>, vector<1x256xf32>
    %mul3A_54 = vector.broadcast %get3A_53 : vector<1x256xf32> to vector<10000x256xf32>
    %mul3A_55 = arith.mulf %mul3A_50, %mul3A_54 : vector<10000x256xf32>
    %get3A_56 = arith.constant 0 : index
    %get3A_57 = arith.constant 0 : index
    %get3A_58 = vector.load %arg6[%get3A_56, %get3A_57] : memref<1x256xf32, #tpu.memory_space<vmem>>, vector<1x256xf32>
    %add3A_59 = vector.broadcast %get3A_58 : vector<1x256xf32> to vector<10000x256xf32>
    %add3A_60 = arith.addf %mul3A_55, %add3A_59 : vector<10000x256xf32>
    %max3A = arith.constant 0.000000e+00 : f32
    %max3A_61 = vector.broadcast %max3A : f32 to vector<10000x256xf32>
    %max3A_62 = arith.maximumf %add3A_60, %max3A_61 : vector<10000x256xf32>
    %get3A_63 = arith.constant 0 : index
    %get3A_64 = arith.constant 0 : index
    %get3A_65 = vector.load %arg7[%get3A_63, %get3A_64] : memref<256x128xf32, #tpu.memory_space<vmem>>, vector<256x128xf32>
    %dot_general3A_66 = arith.constant dense<0.000000e+00> : vector<10000x128xf32>
    %dot_general3A_67 = tpu.matmul %max3A_62, %get3A_65, %dot_general3A_66 {dimension_numbers = #tpu.dot_dimension_numbers<[1], [0], [0], [1], [0, 0, 1, 1], [], []>, transpose_lhs_hint = false} : vector<10000x256xf32>, vector<256x128xf32>, vector<10000x128xf32> -> vector<10000x128xf32>
    %get3A_68 = arith.constant 0 : index
    %get3A_69 = arith.constant 0 : index
    %get3A_70 = vector.load %arg8[%get3A_68, %get3A_69] : memref<1x128xf32, #tpu.memory_space<vmem>>, vector<1x128xf32>
    %add3A_71 = vector.broadcast %get3A_70 : vector<1x128xf32> to vector<10000x128xf32>
    %add3A_72 = arith.addf %dot_general3A_67, %add3A_71 : vector<10000x128xf32>
    %reduce_sum3A_73 = arith.constant dense<0.000000e+00> : vector<128xf32>
    %reduce_sum3A_74 = vector.multi_reduction <add>, %add3A_72, %reduce_sum3A_73 [0] : vector<10000x128xf32> to vector<128xf32>
    %broadcast_in_dim3A_75 = vector.shape_cast %reduce_sum3A_74 : vector<128xf32> to vector<1x128xf32>
    %div3A_76 = arith.constant 1.000000e+04 : f32
    %div3A_77 = vector.broadcast %div3A_76 : f32 to vector<1x128xf32>
    %div3A_78 = arith.divf %broadcast_in_dim3A_75, %div3A_77 : vector<1x128xf32>
    %sub3A_79 = vector.broadcast %div3A_78 : vector<1x128xf32> to vector<10000x128xf32>
    %sub3A_80 = arith.subf %add3A_72, %sub3A_79 : vector<10000x128xf32>
    %integer_pow3A_81 = arith.mulf %sub3A_80, %sub3A_80 : vector<10000x128xf32>
    %reduce_sum3A_82 = arith.constant dense<0.000000e+00> : vector<128xf32>
    %reduce_sum3A_83 = vector.multi_reduction <add>, %integer_pow3A_81, %reduce_sum3A_82 [0] : vector<10000x128xf32> to vector<128xf32>
    %broadcast_in_dim3A_84 = vector.shape_cast %reduce_sum3A_83 : vector<128xf32> to vector<1x128xf32>
    %div3A_85 = arith.constant 1.000000e+04 : f32
    %div3A_86 = vector.broadcast %div3A_85 : f32 to vector<1x128xf32>
    %div3A_87 = arith.divf %broadcast_in_dim3A_84, %div3A_86 : vector<1x128xf32>
    %sub3A_88 = vector.broadcast %div3A_78 : vector<1x128xf32> to vector<10000x128xf32>
    %sub3A_89 = arith.subf %add3A_72, %sub3A_88 : vector<10000x128xf32>
    %add3A_90 = arith.constant 9.99999974E-6 : f32
    %add3A_91 = vector.broadcast %add3A_90 : f32 to vector<1x128xf32>
    %add3A_92 = arith.addf %div3A_87, %add3A_91 : vector<1x128xf32>
    %rsqrt3A_93 = math.rsqrt %add3A_92 : vector<1x128xf32>
    %mul3A_94 = vector.broadcast %rsqrt3A_93 : vector<1x128xf32> to vector<10000x128xf32>
    %mul3A_95 = arith.mulf %sub3A_89, %mul3A_94 : vector<10000x128xf32>
    %get3A_96 = arith.constant 0 : index
    %get3A_97 = arith.constant 0 : index
    %get3A_98 = vector.load %arg9[%get3A_96, %get3A_97] : memref<1x128xf32, #tpu.memory_space<vmem>>, vector<1x128xf32>
    %mul3A_99 = vector.broadcast %get3A_98 : vector<1x128xf32> to vector<10000x128xf32>
    %mul3A_100 = arith.mulf %mul3A_95, %mul3A_99 : vector<10000x128xf32>
    %get3A_101 = arith.constant 0 : index
    %get3A_102 = arith.constant 0 : index
    %get3A_103 = vector.load %arg10[%get3A_101, %get3A_102] : memref<1x128xf32, #tpu.memory_space<vmem>>, vector<1x128xf32>
    %add3A_104 = vector.broadcast %get3A_103 : vector<1x128xf32> to vector<10000x128xf32>
    %add3A_105 = arith.addf %mul3A_100, %add3A_104 : vector<10000x128xf32>
    %max3A_106 = arith.constant 0.000000e+00 : f32
    %max3A_107 = vector.broadcast %max3A_106 : f32 to vector<10000x128xf32>
    %max3A_108 = arith.maximumf %add3A_105, %max3A_107 : vector<10000x128xf32>
    %slice3A = vector.extract_strided_slice %max3A_108 {offsets = [0, 0], sizes = [10000, 64], strides = [1, 1]} : vector<10000x128xf32> to vector<10000x64xf32>
    %swap3A = arith.constant 0 : index
    %swap3A_109 = arith.constant 0 : index
    %swap3A_110 = arith.constant 0 : index
    %swap3A_111 = vector.load %arg11[%swap3A, %swap3A_109, %swap3A_110] : memref<2x10000x64xf32, #tpu.memory_space<vmem>>, vector<1x10000x64xf32>
    %swap3A_112 = vector.shape_cast %swap3A_111 : vector<1x10000x64xf32> to vector<10000x64xf32>
    %swap3A_113 = vector.shape_cast %slice3A : vector<10000x64xf32> to vector<1x10000x64xf32>
    tpu.vector_store %arg11[%swap3A, %swap3A_109, %swap3A_110], %swap3A_113 {strides = array<i32>} : memref<2x10000x64xf32, #tpu.memory_space<vmem>>, vector<1x10000x64xf32>,
    %slice3A_114 = vector.extract_strided_slice %max3A_108 {offsets = [0, 64], sizes = [10000, 64], strides = [1, 1]} : vector<10000x128xf32> to vector<10000x64xf32>
    %swap3A_115 = arith.constant 1 : index
    %swap3A_116 = arith.constant 0 : index
    %swap3A_117 = arith.constant 0 : index
    %swap3A_118 = vector.load %arg11[%swap3A_115, %swap3A_116, %swap3A_117] : memref<2x10000x64xf32, #tpu.memory_space<vmem>>, vector<1x10000x64xf32>
    %swap3A_119 = vector.shape_cast %swap3A_118 : vector<1x10000x64xf32> to vector<10000x64xf32>
    %swap3A_120 = vector.shape_cast %slice3A_114 : vector<10000x64xf32> to vector<1x10000x64xf32>
    tpu.vector_store %arg11[%swap3A_115, %swap3A_116, %swap3A_117], %swap3A_120 {strides = array<i32>} : memref<2x10000x64xf32, #tpu.memory_space<vmem>>, vector<1x10000x64xf32>,
    return
  }
}

module attributes {stable_mosaic.version = 14 : i64} {
  func.func @_mlp_body(%arg0: memref<2x10000x64xf32, #tpu.memory_space<vmem>>, %arg1: memref<2x10240x64xf32, #tpu.memory_space<vmem>>, %arg2: memref<1xf32, #tpu.memory_space<smem>>, %arg3: memref<128x256xf32, #tpu.memory_space<vmem>>, %arg4: memref<1x256xf32, #tpu.memory_space<vmem>>, %arg5: memref<1x256xf32, #tpu.memory_space<vmem>>, %arg6: memref<1x256xf32, #tpu.memory_space<vmem>>, %arg7: memref<256x128xf32, #tpu.memory_space<vmem>>, %arg8: memref<1x128xf32, #tpu.memory_space<vmem>>, %arg9: memref<1x128xf32, #tpu.memory_space<vmem>>, %arg10: memref<1x128xf32, #tpu.memory_space<vmem>>, %arg11: memref<10000x128xf32, #tpu.memory_space<vmem>>) attributes {dimension_semantics = [], scalar_prefetch = 0 : i64, scratch_operands = 0 : i64, tpu.core_type = #tpu.core_type<tc>} {
    %get3A = arith.constant 0 : index
    %get3A_0 = arith.constant 0 : index
    %get3A_1 = arith.constant 0 : index
    %get3A_2 = vector.load %arg0[%get3A, %get3A_0, %get3A_1] : memref<2x10000x64xf32, #tpu.memory_space<vmem>>, vector<1x10000x64xf32>
    %get3A_3 = vector.shape_cast %get3A_2 : vector<1x10000x64xf32> to vector<10000x64xf32>
    %get3A_4 = arith.constant 1 : index
    %get3A_5 = arith.constant 0 : index
    %get3A_6 = arith.constant 0 : index
    %get3A_7 = vector.load %arg0[%get3A_4, %get3A_5, %get3A_6] : memref<2x10000x64xf32, #tpu.memory_space<vmem>>, vector<1x10000x64xf32>
    %get3A_8 = vector.shape_cast %get3A_7 : vector<1x10000x64xf32> to vector<10000x64xf32>
    %concatenate3A = tpu.concatenate %get3A_3, %get3A_8 in 1 : vector<10000x64xf32>, vector<10000x64xf32> -> vector<10000x128xf32>
    %get3A_9 = arith.constant 0 : index
    %get3A_10 = arith.constant 0 : index
    %get3A_11 = arith.constant 0 : index
    %get3A_12 = vector.load %arg1[%get3A_9, %get3A_10, %get3A_11] : memref<2x10240x64xf32, #tpu.memory_space<vmem>>, vector<1x10000x64xf32>
    %get3A_13 = vector.shape_cast %get3A_12 : vector<1x10000x64xf32> to vector<10000x64xf32>
    %get3A_14 = arith.constant 1 : index
    %get3A_15 = arith.constant 0 : index
    %get3A_16 = arith.constant 0 : index
    %get3A_17 = vector.load %arg1[%get3A_14, %get3A_15, %get3A_16] : memref<2x10240x64xf32, #tpu.memory_space<vmem>>, vector<1x10000x64xf32>
    %get3A_18 = vector.shape_cast %get3A_17 : vector<1x10000x64xf32> to vector<10000x64xf32>
    %concatenate3A_19 = tpu.concatenate %get3A_13, %get3A_18 in 1 : vector<10000x64xf32>, vector<10000x64xf32> -> vector<10000x128xf32>
    %get3A_20 = arith.constant 0 : index
    %get3A_21 = memref.load %arg2[%get3A_20] : memref<1xf32, #tpu.memory_space<smem>>
    %add3A = arith.constant 1.000000e+00 : f32
    %add3A_22 = arith.addf %add3A, %get3A_21 : f32
    %mul3A = vector.broadcast %add3A_22 : f32 to vector<10000x128xf32>
    %mul3A_23 = arith.mulf %mul3A, %concatenate3A : vector<10000x128xf32>
    %add3A_24 = arith.addf %mul3A_23, %concatenate3A_19 : vector<10000x128xf32>
    %get3A_25 = arith.constant 0 : index
    %get3A_26 = arith.constant 0 : index
    %get3A_27 = vector.load %arg3[%get3A_25, %get3A_26] : memref<128x256xf32, #tpu.memory_space<vmem>>, vector<128x256xf32>
    %dot_general3A = arith.constant dense<0.000000e+00> : vector<10000x256xf32>
    %dot_general3A_28 = tpu.matmul %add3A_24, %get3A_27, %dot_general3A {dimension_numbers = #tpu.dot_dimension_numbers<[1], [0], [0], [1], [0, 0, 1, 1], [], []>, transpose_lhs_hint = false} : vector<10000x128xf32>, vector<128x256xf32>, vector<10000x256xf32> -> vector<10000x256xf32>
    %get3A_29 = arith.constant 0 : index
    %get3A_30 = arith.constant 0 : index
    %get3A_31 = vector.load %arg4[%get3A_29, %get3A_30] : memref<1x256xf32, #tpu.memory_space<vmem>>, vector<1x256xf32>
    %add3A_32 = vector.broadcast %get3A_31 : vector<1x256xf32> to vector<10000x256xf32>
    %add3A_33 = arith.addf %dot_general3A_28, %add3A_32 : vector<10000x256xf32>
    %reduce_sum3A = arith.constant dense<0.000000e+00> : vector<256xf32>
    %reduce_sum3A_34 = vector.multi_reduction <add>, %add3A_33, %reduce_sum3A [0] : vector<10000x256xf32> to vector<256xf32>
    %broadcast_in_dim3A = vector.shape_cast %reduce_sum3A_34 : vector<256xf32> to vector<1x256xf32>
    %div3A = arith.constant 1.000000e+04 : f32
    %div3A_35 = vector.broadcast %div3A : f32 to vector<1x256xf32>
    %div3A_36 = arith.divf %broadcast_in_dim3A, %div3A_35 : vector<1x256xf32>
    %sub3A = vector.broadcast %div3A_36 : vector<1x256xf32> to vector<10000x256xf32>
    %sub3A_37 = arith.subf %add3A_33, %sub3A : vector<10000x256xf32>
    %integer_pow3A = arith.mulf %sub3A_37, %sub3A_37 : vector<10000x256xf32>
    %reduce_sum3A_38 = arith.constant dense<0.000000e+00> : vector<256xf32>
    %reduce_sum3A_39 = vector.multi_reduction <add>, %integer_pow3A, %reduce_sum3A_38 [0] : vector<10000x256xf32> to vector<256xf32>
    %broadcast_in_dim3A_40 = vector.shape_cast %reduce_sum3A_39 : vector<256xf32> to vector<1x256xf32>
    %div3A_41 = arith.constant 1.000000e+04 : f32
    %div3A_42 = vector.broadcast %div3A_41 : f32 to vector<1x256xf32>
    %div3A_43 = arith.divf %broadcast_in_dim3A_40, %div3A_42 : vector<1x256xf32>
    %sub3A_44 = vector.broadcast %div3A_36 : vector<1x256xf32> to vector<10000x256xf32>
    %sub3A_45 = arith.subf %add3A_33, %sub3A_44 : vector<10000x256xf32>
    %add3A_46 = arith.constant 9.99999974E-6 : f32
    %add3A_47 = vector.broadcast %add3A_46 : f32 to vector<1x256xf32>
    %add3A_48 = arith.addf %div3A_43, %add3A_47 : vector<1x256xf32>
    %rsqrt3A = math.rsqrt %add3A_48 : vector<1x256xf32>
    %mul3A_49 = vector.broadcast %rsqrt3A : vector<1x256xf32> to vector<10000x256xf32>
    %mul3A_50 = arith.mulf %sub3A_45, %mul3A_49 : vector<10000x256xf32>
    %get3A_51 = arith.constant 0 : index
    %get3A_52 = arith.constant 0 : index
    %get3A_53 = vector.load %arg5[%get3A_51, %get3A_52] : memref<1x256xf32, #tpu.memory_space<vmem>>, vector<1x256xf32>
    %mul3A_54 = vector.broadcast %get3A_53 : vector<1x256xf32> to vector<10000x256xf32>
    %mul3A_55 = arith.mulf %mul3A_50, %mul3A_54 : vector<10000x256xf32>
    %get3A_56 = arith.constant 0 : index
    %get3A_57 = arith.constant 0 : index
    %get3A_58 = vector.load %arg6[%get3A_56, %get3A_57] : memref<1x256xf32, #tpu.memory_space<vmem>>, vector<1x256xf32>
    %add3A_59 = vector.broadcast %get3A_58 : vector<1x256xf32> to vector<10000x256xf32>
    %add3A_60 = arith.addf %mul3A_55, %add3A_59 : vector<10000x256xf32>
    %max3A = arith.constant 0.000000e+00 : f32
    %max3A_61 = vector.broadcast %max3A : f32 to vector<10000x256xf32>
    %max3A_62 = arith.maximumf %add3A_60, %max3A_61 : vector<10000x256xf32>
    %get3A_63 = arith.constant 0 : index
    %get3A_64 = arith.constant 0 : index
    %get3A_65 = vector.load %arg7[%get3A_63, %get3A_64] : memref<256x128xf32, #tpu.memory_space<vmem>>, vector<256x128xf32>
    %dot_general3A_66 = arith.constant dense<0.000000e+00> : vector<10000x128xf32>
    %dot_general3A_67 = tpu.matmul %max3A_62, %get3A_65, %dot_general3A_66 {dimension_numbers = #tpu.dot_dimension_numbers<[1], [0], [0], [1], [0, 0, 1, 1], [], []>, transpose_lhs_hint = false} : vector<10000x256xf32>, vector<256x128xf32>, vector<10000x128xf32> -> vector<10000x128xf32>
    %get3A_68 = arith.constant 0 : index
    %get3A_69 = arith.constant 0 : index
    %get3A_70 = vector.load %arg8[%get3A_68, %get3A_69] : memref<1x128xf32, #tpu.memory_space<vmem>>, vector<1x128xf32>
    %add3A_71 = vector.broadcast %get3A_70 : vector<1x128xf32> to vector<10000x128xf32>
    %add3A_72 = arith.addf %dot_general3A_67, %add3A_71 : vector<10000x128xf32>
    %reduce_sum3A_73 = arith.constant dense<0.000000e+00> : vector<128xf32>
    %reduce_sum3A_74 = vector.multi_reduction <add>, %add3A_72, %reduce_sum3A_73 [0] : vector<10000x128xf32> to vector<128xf32>
    %broadcast_in_dim3A_75 = vector.shape_cast %reduce_sum3A_74 : vector<128xf32> to vector<1x128xf32>
    %div3A_76 = arith.constant 1.000000e+04 : f32
    %div3A_77 = vector.broadcast %div3A_76 : f32 to vector<1x128xf32>
    %div3A_78 = arith.divf %broadcast_in_dim3A_75, %div3A_77 : vector<1x128xf32>
    %sub3A_79 = vector.broadcast %div3A_78 : vector<1x128xf32> to vector<10000x128xf32>
    %sub3A_80 = arith.subf %add3A_72, %sub3A_79 : vector<10000x128xf32>
    %integer_pow3A_81 = arith.mulf %sub3A_80, %sub3A_80 : vector<10000x128xf32>
    %reduce_sum3A_82 = arith.constant dense<0.000000e+00> : vector<128xf32>
    %reduce_sum3A_83 = vector.multi_reduction <add>, %integer_pow3A_81, %reduce_sum3A_82 [0] : vector<10000x128xf32> to vector<128xf32>
    %broadcast_in_dim3A_84 = vector.shape_cast %reduce_sum3A_83 : vector<128xf32> to vector<1x128xf32>
    %div3A_85 = arith.constant 1.000000e+04 : f32
    %div3A_86 = vector.broadcast %div3A_85 : f32 to vector<1x128xf32>
    %div3A_87 = arith.divf %broadcast_in_dim3A_84, %div3A_86 : vector<1x128xf32>
    %sub3A_88 = vector.broadcast %div3A_78 : vector<1x128xf32> to vector<10000x128xf32>
    %sub3A_89 = arith.subf %add3A_72, %sub3A_88 : vector<10000x128xf32>
    %add3A_90 = arith.constant 9.99999974E-6 : f32
    %add3A_91 = vector.broadcast %add3A_90 : f32 to vector<1x128xf32>
    %add3A_92 = arith.addf %div3A_87, %add3A_91 : vector<1x128xf32>
    %rsqrt3A_93 = math.rsqrt %add3A_92 : vector<1x128xf32>
    %mul3A_94 = vector.broadcast %rsqrt3A_93 : vector<1x128xf32> to vector<10000x128xf32>
    %mul3A_95 = arith.mulf %sub3A_89, %mul3A_94 : vector<10000x128xf32>
    %get3A_96 = arith.constant 0 : index
    %get3A_97 = arith.constant 0 : index
    %get3A_98 = vector.load %arg9[%get3A_96, %get3A_97] : memref<1x128xf32, #tpu.memory_space<vmem>>, vector<1x128xf32>
    %mul3A_99 = vector.broadcast %get3A_98 : vector<1x128xf32> to vector<10000x128xf32>
    %mul3A_100 = arith.mulf %mul3A_95, %mul3A_99 : vector<10000x128xf32>
    %get3A_101 = arith.constant 0 : index
    %get3A_102 = arith.constant 0 : index
    %get3A_103 = vector.load %arg10[%get3A_101, %get3A_102] : memref<1x128xf32, #tpu.memory_space<vmem>>, vector<1x128xf32>
    %add3A_104 = vector.broadcast %get3A_103 : vector<1x128xf32> to vector<10000x128xf32>
    %add3A_105 = arith.addf %mul3A_100, %add3A_104 : vector<10000x128xf32>
    %swap3A = arith.constant 0 : index
    %swap3A_106 = arith.constant 0 : index
    %swap3A_107 = vector.load %arg11[%swap3A, %swap3A_106] : memref<10000x128xf32, #tpu.memory_space<vmem>>, vector<10000x128xf32>
    tpu.vector_store %arg11[%swap3A, %swap3A_106], %add3A_105 {strides = array<i32>} : memref<10000x128xf32, #tpu.memory_space<vmem>>, vector<10000x128xf32>,
    return
  }
}

</mosaic_0001>

<sc_bundles>
// kernel: kernel.10.cloned.1.call-start
scs
__scs_entry_jumppad:
0x0: {  	(pc) =	sbr.rel $0x88, $3  }
0x1: {  	(tag) =	ssettag $0x0;
	lr =	simm.s32 $0x1  }
0x2: {  	[smem:$0x3F92] =	sst lr;
	_ =	strace $0xD0000000  }
0x3: {  	_ = 	snop  }
0x4: {  	_ = 	snop  }
0x5: {  	_ = 	snop  }
0x6: {  	_ = 	snop  }
0x7: {  	_ = 	snop  }
__scs_overlays_trampoline_lowered:
0x8: {  	[smem:$0x3FA1] =	sst s0  }
0x9: {  	[smem:$0x3FA2] =	sst s1  }
0xa: {  	[smem:$0x3FA3] =	sst s2  }
0xb: {  	[smem:$0x3FA4] =	sst s3  }
0xc: {  	[smem:$0x3FA5] =	sst s4  }
0xd: {  	[smem:$0x3FA6] =	sst s5  }
0xe: {  	[smem:$0x3FA7] =	sst s6  }
0xf: {  	[smem:$0x3FA8] =	sst s7  }
0x10: {  	[smem:$0x3FA9] =	sst s8  }
0x11: {  	[smem:$0x3FAA] =	sst s9;
	s0 =	simm.s32 @!p0 $0x0  }
0x12: {  	s1 =	sld [smem:$0x3F90];
	s0 =	simm.s32 @p0 $0x1  }
0x13: {  	[smem:$0x3FAB] =	sst s0;
	s0 =	simm.s32 @!p1 $0x0  }
0x14: {  	s2 =	sld [smem:$0x3F8F];
	s0 =	simm.s32 @p1 $0x1  }
0x15: {  	[smem:$0x3FAC] =	sst s0;
	s0 =	simm.s32 @!p2 $0x0  }
0x16: {  	s3 =	sld [smem:$0x3FDB];
	s0 =	simm.s32 @p2 $0x1  }
0x17: {  	s4 =	simm.s32 $0x1BF5;
	[smem:$0x3FAE] =	sst s0  }
0x18: {  	s0 =	sld [smem:$0x3F91];
	_ =	swait.ge [sflag:s4], $0x0  }
0x19: {  	s7 =	sld [smem:$0x3F92]  }
0x1a: {  	s8 =	sadd.s32 $0xFFFFE003, lr  }
0x1b: {  	s9 =	sadd.s32 $0xFFFFFEF7, lr;
	s5 =	simm.s32 $0xFFFFFFFF;
	p2 =	slt.u32 s8, $0xFFFFF086  }
0x1c: {  	p1 =	slt.u32 s9, $0xF7A;
	s5 =	simm.s32 @!p2 $0x0  }
0x1d: {  	s5 =	simm.s32 @p1 $0x1;
	p0 =	seq.s32 s7, s2  }
0x1e: {  	s7 =	smul.u32 @!p0 $0xF7A, s2;
	p2 =	seq.s32 @!p0 s5, $0x0  }
0x1f: {  	s9 =	smul.u32 $0xF7A, s1;
	s8 =	simm.s32 @!p0 $0x1BF5;
	p2 =	por !p2, p0  }
0x20: {  	[sflag:s8] =	ssyncset.s32 @!p0 $0xFFFFF086;
	s6 =	sadd.s32 @!p0 s3, s7;
	s7 =	simm.s32 @!p0 $0x108  }
0x21: {  	s3 =	sadd.s32 s3, s9;
	s6 =	sadd.s32 @!p0 $0x88, s6;
	s7 =	simm.s32 @p2 $0x1082  }
0x22: {  	[simem:s7], [sflag:s8] =	dma.local @!p0 [hbm:s6], $0xF7A  }
0x23: {  	s9 =	sor.u32 $0xD0000000, s2;
	s6 =	simm.s32 $0x108;
	_ =	swait.ge @!p0 [sflag:s8], $0x0  }
0x24: {  	s3 =	sadd.s32 $0x88, s3;
	s6 =	simm.s32 @!p1 $0x1082;
	[sflag:s4] =	ssyncset.s32 $0xFFFFF086  }
0x25: {  	[simem:s6], [sflag:s4] =	dma.local [hbm:s3], $0xF7A  }
0x26: {  	[smem:$0x3F92] =	sst s1;
	(tag) =	ssettag s2;
	_ =	strace s9  }
0x27: {  	s1 =	sld [smem:$0x3FA2]  }
0x28: {  	s2 =	sld [smem:$0x3FA3]  }
0x29: {  	s4 =	sld [smem:$0x3FA5]  }
0x2a: {  	p0 =	seq.s32 s5, $0x0;
	s5 =	sld [smem:$0x3FA6]  }
0x2b: {  	s6 =	sld [smem:$0x3FA7]  }
0x2c: {  	s7 =	sld [smem:$0x3FA8]  }
0x2d: {  	s3 =	simm.s32 $0x108;
	s8 =	sld [smem:$0x3FA9]  }
0x2e: {  	s3 =	simm.s32 @!p0 $0x1082;
	s9 =	sld [smem:$0x3FAA]  }
0x2f: {  	lr =	sadd.s32 s0, s3;
	s0 =	sld [smem:$0x3FA1]  }
0x30: {  	s3 =	sld [smem:$0x3FA4]  }
0x31: {  	[smem:$0x3FAD] =	sst s10  }
0x32: {  	s10 =	sld [smem:$0x3FAB];
	_ =	sdelay $0x3  }
0x33: {  	p0 =	seq.s32 s10, $0x1;
	s10 =	sld [smem:$0x3FAD];
	_ =	sdelay $0x3  }
0x34: {  	[smem:$0x3FAD] =	sst s10  }
0x35: {  	s10 =	sld [smem:$0x3FAC];
	_ =	sdelay $0x3  }
0x36: {  	p1 =	seq.s32 s10, $0x1;
	s10 =	sld [smem:$0x3FAD];
	_ =	sdelay $0x3  }
0x37: {  	[smem:$0x3FAD] =	sst s10  }
0x38: {  	s10 =	sld [smem:$0x3FAE]  }
0x39: {  	_ = 	snop;
	(pc) =	sbr.ind lr, $3  }
0x3a: {  	_ = 	snop  }
0x3b: {  	_ = 	snop  }
0x3c: {  	p2 =	seq.s32 s10, $0x1;
	s10 =	sld [smem:$0x3FAD]  }
0x3d: {  	_ =	shalt  }
0x3e: {  	_ =	shalt  }
0x3f: {  	_ =	shalt  }
0x40: {  	_ =	shalt  }
0x41: {  	_ =	shalt  }
0x42: {  	_ =	shalt  }
0x43: {  	_ =	shalt  }
0x44: {  	_ =	shalt  }
0x45: {  	_ =	shalt  }
0x46: {  	_ =	shalt  }
0x47: {  	_ =	shalt  }
0x48: {  	_ =	shalt  }
0x49: {  	_ =	shalt  }
0x4a: {  	_ =	shalt  }
0x4b: {  	_ =	shalt  }
0x4c: {  	_ =	shalt  }
0x4d: {  	_ =	shalt  }
0x4e: {  	_ =	shalt  }
0x4f: {  	_ =	shalt  }
0x50: {  	_ =	shalt  }
0x51: {  	_ =	shalt  }
0x52: {  	_ =	shalt  }
0x53: {  	_ =	shalt  }
0x54: {  	_ =	shalt  }
0x55: {  	_ =	shalt  }
0x56: {  	_ =	shalt  }
0x57: {  	_ =	shalt  }
0x58: {  	_ =	shalt  }
0x59: {  	_ =	shalt  }
0x5a: {  	_ =	shalt  }
0x5b: {  	_ =	shalt  }
0x5c: {  	_ =	shalt  }
0x5d: {  	_ =	shalt  }
0x5e: {  	_ =	shalt  }
0x5f: {  	_ =	shalt  }
0x60: {  	_ =	shalt  }
0x61: {  	_ =	shalt  }
0x62: {  	_ =	shalt  }
0x63: {  	_ =	shalt  }
0x64: {  	_ =	shalt  }
0x65: {  	_ =	shalt  }
0x66: {  	_ =	shalt  }
0x67: {  	_ =	shalt  }
0x68: {  	_ =	shalt  }
0x69: {  	_ =	shalt  }
0x6a: {  	_ =	shalt  }
0x6b: {  	_ =	shalt  }
0x6c: {  	_ =	shalt  }
0x6d: {  	_ =	shalt  }
0x6e: {  	_ =	shalt  }
0x6f: {  	_ =	shalt  }
0x70: {  	_ =	shalt  }
0x71: {  	_ =	shalt  }
0x72: {  	_ =	shalt  }
0x73: {  	_ =	shalt  }
0x74: {  	_ =	shalt  }
0x75: {  	_ =	shalt  }
0x76: {  	_ =	shalt  }
0x77: {  	_ =	shalt  }
0x78: {  	_ =	shalt  }
0x79: {  	_ =	shalt  }
0x7a: {  	_ =	shalt  }
0x7b: {  	_ =	shalt  }
0x7c: {  	_ =	shalt  }
0x7d: {  	_ =	shalt  }
0x7e: {  	_ =	shalt  }
0x7f: {  	_ =	shalt  }
0x80: {  	_ =	shalt  }
0x81: {  	_ =	shalt  }
0x82: {  	_ =	shalt  }
0x83: {  	_ =	shalt  }
0x84: {  	_ =	shalt  }
0x85: {  	_ =	shalt  }
0x86: {  	_ =	shalt  }
0x87: {  	_ =	shalt  }
.Lfunc_end0:
.L_simem_size_0:
called_computation.1_lowered:
.L_overlay_start_0:
0x88: {  	s2 =	sld [smem:$0x3FD9]  }
0x89: {  	s3 =	sld [smem:$0x3FFE];
	_ =	sdelay $0x1  }
0x8a: {  	s1 =	srdreg.scid  }
0x8b: {  	s0 =	sand.u32 $0x1, s1  }
0x8c: {  	s14 =	sshll.u32 s0, $0xA;
	s2 =	sadd.s32 s3, s2  }
0x8d: {  	s2 =	sadd.s32 s2, s14  }
0x8e: {  	[smem:$0x3FB9] =	sst s2  }
0x8f: {  	_ = 	snop  }
0x90: {  	s2 =	sld [smem:$0x3FD0];
	_ =	sdelay $0x2  }
0x91: {  	s15 =	simm.s32 $0xA;
	s4 =	simm.s32 $0x10  }
0x92: {  	[smem:s4], [sflag:s15] =	dma.local [hbm:s2], $0x1  }
0x93: {  	_ =	swait.eq [sflag:s15], $0x1  }
0x94: {  	[sflag:s15] =	ssyncset.done $0x0  }
0x95: {  	[sflag:s15] =	ssyncadd.s32 $0xFFFFFFFF  }
0x96: {  	s16 =	sld [smem:$0x10];
	(tm) =	ssettm $0x1  }
0x97: {  	s17 =	sld [smem:$0x3FFB];
	_ =	sdelay $0x3  }
0x98: {  	_ =	strace s17  }
0x99: {  	s3 =	sld [smem:$0x3FFC];
	_ =	sdelay $0x3  }
0x9a: {  	_ =	strace s3  }
0x9b: {  	s3 =	sld [smem:$0x3FFD];
	_ =	sdelay $0x3  }
0x9c: {  	_ =	strace s3  }
0x9d: {  	_ =	strace $0x8FFFFFFF  }
0x9e: {  	s18 =	sld [smem:$0x3FDB];
	_ =	sdelay $0x1  }
0x9f: {  	s19 =	simm.s32 $_scs_section_size  }
0xa0: {  	s5 =	simm.s32 $_size__tile_overlayer_lowered;
	s6 =	simm.s32 $_tile_overlayer_lowered  }
0xa1: {  	s22 =	simm.s32 $0x1BFF;
	s21 =	sshll.u32 s6, $0x1;
	s3 =	sadd.s32 s19, s18  }
0xa2: {  	s7 =	simm.s32 $0x0;
	s20 =	sshll.u32 s5, $0x1;
	s5 =	sadd.s32 s21, s3  }
0xa3: {  	[timem:s7], [sflag:s22] =	dma.local [hbm:s5], s20  }
0xa4: {  	_ =	swait.ge [sflag:s22], s20  }
0xa5: {  	s4 =	ssub.s32 $0x0, s20;
	[sflag:s22] =	ssyncset.done $0x0  }
0xa6: {  	[sflag:s22] =	ssyncadd.s32 s4;
	_ =	sdelay $0x1  }
0xa7: {  	s23 =	simm.s32 $0x1B8B  }
0xa8: {  	_ =	swait.ge [sflag:s23], $0x1  }
0xa9: {  	[sflag:s23] =	ssyncset.done $0x0  }
0xaa: {  	s25 =	simm.s32 $0x1B8E;
	s24 =	sld [smem:$0x3FFE];
	[sflag:s23] =	ssyncadd.s32 $0xFFFFFFFF  }
0xab: {  	s26 =	simm.s32 $execute0_lowered;
	[smem:$0x3FD2] =	sst s25  }
0xac: {  	s5 =	sshll.u32 s26, $0x1;
	_ =	strace $0x80000049;
	[dreg:$0x1] =	wrdreg $0xFFFFFFFF  }
0xad: {  	s28 =	simm.s32 $_size_execute0_lowered;
	s3 =	sadd.s32 s3, s5;
	[dreg:$0x0] =	wrdreg $0x0  }
0xae: {  	s5 =	sshll.u32 s28, $0x1;
	[dreg:$0x2] =	wrdreg s3  }
0xaf: {  	[dreg:$0x3] =	wrdreg s5  }
0xb0: {  	[dreg:$0x4] =	wrdreg $0xC0  }
0xb1: {  	_ =	task [dreg:s7], $0x5FFFF  }
0xb2: {  	[dreg:$0x1] =	wrdreg $0xFFFFFFFF  }
0xb3: {  	[dreg:$0x0] =	wrdreg $0x60  }
0xb4: {  	[dreg:$0x2] =	wrdreg s16  }
0xb5: {  	[dreg:$0x3] =	wrdreg s24  }
0xb6: {  	[dreg:$0x4] =	wrdreg $0xA2800  }
0xb7: {  	[dreg:$0x5] =	wrdreg $0x9  }
0xb8: {  	_ =	task.clear_ibuf [dreg:s7], $0x6FFFF;
	_ =	strace $0x90000049  }
0xb9: {  	s29 =	simm.s32 $0x9;
	_ =	strace $0x8000004B  }
0xba: {  	_ =	swait.ge [sflag:s29], $0x1  }
0xbb: {  	[sflag:s29] =	ssyncadd.s32 $0xFFFFFFFF  }
0xbc: {  	_ =	strace $0x9000004B  }
0xbd: {  	_ =	sfence  }
0xbe: {  	s30 =	sld [smem:$0x0];
	_ =	sdelay $0x2  }
0xbf: {  	s31 =	sshll.u32 s1, $0xD;
	s1 =	sshrl.u32 s1, $0x2  }
0xc0: {  	s3 =	sand.u32 $0x4000, s31;
	s1 =	sadd.s32 s1, s30  }
0xc1: {  	s0 =	sor.u32 s3, s0;
	s1 =	sshll.u32 s1, $0x11  }
0xc2: {  	s0 =	sor.u32 s1, s0  }
0xc3: {  	s0 =	sadd.s32 $0x8F2B, s0  }
0xc4: {  	[sflag:s0] =	ssyncadd.remote.s32 $0x1  }
0xc5: {  	_ =	sfence.sel $0xFFFF  }
0xc6: {  	[dreg:$0x0] =	wrdreg $0xFFFFFFFF;
	(pc) =	sbr.abs _section_cstart, $3  }
0xc7: {  	[dreg:$0x1] =	wrdreg $0xFFFFFFFF  }
0xc8: {  	_ =	task.clear_ibuf [dreg:s7], $0x2FFFF;
	_ =	strace $0x9FFFFFFF  }
0xc9: {  	(tm) =	ssettm $0x7FFFFFFF  }
tec
execute0_lowered:
.L_overlay_start_1:
0x0: {  	(tag) =	ssettag $0x1  }
0x1: {  	s1 =	rddreg [dreg:$0x0]  }
0x2: {  	s0 =	rddreg [dreg:$0x1]  }
0x3: {  	s2 =	rddreg [dreg:$0x2]  }
0x4: {  	s3 =	simm.s32 $0x0;
	s4 =	srdreg.scid;
	s12 =	stileid.u32  }
0x5: {  	s28 =	simm.s32 $0x9;
	s31 =	simm.s32 $0x1;
	s29 =	simm.s32 $0x230  }
0x6: {  	s30 =	simm.s32 $0x6680;
	[smem:$0x7FF] =	sst s3;
	s5 =	sadd.s32 $0xD200, s0  }
0x7: {  	s4 =	sand.u32 $0x1, s4;
	s6 =	sadd.s32 $0x3400, s0;
	s7 =	sadd.s32 $0x65200, s0  }
0x8: {  	s11 =	smul.u32 $0xA000, s12;
	s8 =	sadd.s32 $0x99000, s0;
	s0 =	sadd.s32 $0x6F000, s0  }
0x9: {  	_ =	strace $0x8000004A;
	s9 =	ssub.s32 $0x2, s4;
	s17 =	smul.u32 $0xA0000, s4  }
0xa: {  	s10 =	sshrl.u32 s9, $0x1;
	s13 =	sadd.s32 $0x2800, s11;
	s14 =	sadd.s32 $0x5000, s11  }
0xb: {  	s23 =	sadd.s32 $0x7800, s11;
	s9 =	ssub.s32 s9, s10;
	s10 =	smul.u32 $0x4E20, s12  }
0xc: {  	s12 =	sadd.s32 s11, s2;
	s15 =	sadd.s32 s13, s2;
	s22 =	sadd.s32 s14, s2  }
0xd: {  	s18 =	sadd.s32 s23, s2;
	s11 =	sadd.s32 s11, s17;
	[dreg:$0x4] =	wrdreg s15  }
0xe: {  	s13 =	sadd.s32 s17, s13;
	s14 =	sadd.s32 s17, s14;
	[dreg:$0x5] =	wrdreg s22  }
0xf: {  	[dreg:$0x6] =	wrdreg s18;
	s15 =	sadd.s32 s17, s23;
	s22 =	sshll.u32 s4, $0x9  }
0x10: {  	s11 =	sshrl.u32 s11, $0x3;
	s17 =	sshrl.u32 s13, $0x3;
	s18 =	sshrl.u32 s14, $0x3  }
0x11: {  	s13 =	simm.s32 $0x1680;
	s14 =	simm.s32 $0x3E80;
	s16 =	sshrl.u32 s10, $0x3  }
0x12: {  	s11 =	sadd.s32 s0, s11;
	s19 =	sadd.s32 s0, s18;
	s20 =	sshrl.u32 s15, $0x3  }
0x13: {  	s15 =	simm.s32 $0x3;
	s18 =	simm.s32 $0x5280;
	[dreg:$0xa] =	wrdreg s11  }
0x14: {  	s24 =	sadd.s32 s5, s16;
	s25 =	sadd.s32 s6, s16;
	[dreg:$0xc] =	wrdreg s19  }
0x15: {  	s26 =	sadd.s32 s7, s16;
	s16 =	sadd.s32 $0xA, s16;
	[dreg:$0x7] =	wrdreg s24  }
0x16: {  	s11 =	sadd.s32 s0, s17;
	s0 =	sadd.s32 s0, s20;
	[dreg:$0x8] =	wrdreg s25  }
0x17: {  	s17 =	simm.s32 $0x140;
	s19 =	simm.s32 $0x4;
	[dreg:$0x9] =	wrdreg s26  }
0x18: {  	s20 =	simm.s32 $0x6;
	s25 =	smul.u32 $0x2710, s4;
	[dreg:$0xb] =	wrdreg s11  }
0x19: {  	[dreg:$0xd] =	wrdreg s0;
	s21 =	sadd.s32 s5, s16;
	s23 =	sadd.s32 s6, s16  }
0x1a: {  	s24 =	sadd.s32 s7, s16;
	s26 =	smax.u32 s9, $0x1;
	[dreg:$0xe] =	wrdreg s21  }
0x1b: {  	s0 =	simm.s32 $0x50;
	s4 =	simm.s32 $0x2;
	[dreg:$0xf] =	wrdreg s23  }
0x1c: {  	s16 =	simm.s32 $0x5;
	[dreg:$0x10] =	wrdreg s24;
	s23 =	sadd.s32 $0xA0, s10  }
0x1d: {  	v2 =	vimm.f32 $0.0e+00;
	v0 =	vmov s22;
	s24 =	sadd.s32 $0xF0, s10;
	[dreg:$0x11] =	wrdreg s26;
	s21 =	simm.s32 $0x190;
	v1 =	vmov s25  }
.LBB2_1:
0x1e: {  	s10 =	simm.s32 $0x100;
	s9 =	simm.s32 $0x0  }
.LBB2_2:
0x1f: {  	p0 =	sne.s32 s10, $0x9F00;
	[tilespmem:s9+$0x7AB0] =	vst v2;
	s11 =	smov.u32 s10;
	s10 =	sadd.s32 $0x100, s10  }
.Ltmp0:
0x20: {  	[tilespmem:s9+$0x7AA0] =	vst v2;
	(pc) =	sbr.rel @p0 .LBB2_2-.Ltmp0, $3  }
0x21: {  	[tilespmem:s9+$0x7A80] =	vst v2  }
0x22: {  	[tilespmem:s9+$0x7A90] =	vst v2;
	_ =	sdelay $0x1  }
0x23: {  	s9 =	sshra.s32 s11, $0x2  }
0x24: {  	[tilespmem:s9+$0x7AB0] =	vst v2  }
0x25: {  	[tilespmem:s9+$0x7AA0] =	vst v2  }
0x26: {  	[tilespmem:s9+$0x7A80] =	vst v2  }
0x27: {  	[tilespmem:s9+$0x7A90] =	vst v2;
	s10 =	simm.s32 $0x7A80  }
0x28: {  	[spmem:s12] =	stream.linear.scatter [tilespmem:s10], [sflag:$0x9], $0x2800, $0x38;
	[tilespmem:$0x14280] =	vst v63  }
0x29: {  	_ =	swait.ge [sflag:s28], $0x2800  }
0x2a: {  	[sflag:s28] =	ssyncset.done $0x0  }
0x2b: {  	s26 =	smov.u32 s12;
	s12 =	rddreg [dreg:$0x4];
	[sflag:s28] =	ssyncadd.s32 $0xFFFFD800  }
0x2c: {  	[spmem:s12] =	stream.linear.scatter [tilespmem:s10], [sflag:$0x9], $0x2800, $0x38;
	[tilespmem:$0x14280] =	vst v63  }
0x2d: {  	_ =	swait.ge [sflag:s28], $0x2800  }
0x2e: {  	[sflag:s28] =	ssyncset.done $0x0  }
0x2f: {  	s22 =	rddreg [dreg:$0x5];
	[sflag:s28] =	ssyncadd.s32 $0xFFFFD800  }
0x30: {  	[spmem:s22] =	stream.linear.scatter [tilespmem:s10], [sflag:$0x9], $0x2800, $0x38;
	[tilespmem:$0x14280] =	vst v63  }
0x31: {  	_ =	swait.ge [sflag:s28], $0x2800  }
0x32: {  	[sflag:s28] =	ssyncset.done $0x0  }
0x33: {  	s25 =	rddreg [dreg:$0x6];
	[sflag:s28] =	ssyncadd.s32 $0xFFFFD800  }
0x34: {  	[spmem:s25] =	stream.linear.scatter [tilespmem:s10], [sflag:$0x9], $0x2800, $0x38;
	[tilespmem:$0x14280] =	vst v63  }
0x35: {  	_ =	swait.ge [sflag:s28], $0x2800  }
0x36: {  	[sflag:s28] =	ssyncset.done $0x0  }
0x37: {  	[sflag:s28] =	ssyncadd.s32 $0xFFFFD800  }
0x38: {  	[bflag:$0x0] =	sbarrier.arrive $0xFFFF  }
0x39: {  	s22 =	simm.s32 $0x0;
	s11 =	rddreg [dreg:$0x7]  }
0x3a: {  	[tilespmem:s22], [sflag:$0x1] =	stream.linear.gather [hbm4b:s11+s22], $0x50, $0x38;
	[tilespmem:$0x14280] =	vst v63  }
0x3b: {  	s25 =	simm.s32 $0xA0;
	s12 =	rddreg [dreg:$0x8]  }
0x3c: {  	[tilespmem:s25], [sflag:$0x1] =	stream.linear.gather [hbm4b:s12+s22], $0x50, $0x38;
	[tilespmem:$0x14280] =	vst v63  }
0x3d: {  	s10 =	rddreg [dreg:$0x9];
	s11 =	simm.s32 $0x1E0  }
0x3e: {  	[tilespmem:s11], [sflag:$0x1] =	stream.linear.gather [hbm4b:s10+s22], $0x50, $0x38;
	[tilespmem:$0x14280] =	vst v63  }
0x3f: {  	_ =	swait.ge [sflag:s31], $0x50  }
0x40: {  	[sflag:s31] =	ssyncset.done $0x0  }
0x41: {  	[sflag:s31] =	ssyncadd.s32 $0xFFFFFFB0  }
0x42: {  	_ =	swait.ge [sflag:s31], $0x50  }
0x43: {  	[sflag:s31] =	ssyncset.done $0x0  }
0x44: {  	[sflag:s31] =	ssyncadd.s32 $0xFFFFFFB0  }
0x45: {  	_ =	swait.ge [sflag:s31], $0x50  }
0x46: {  	[sflag:s31] =	ssyncset.done $0x0  }
0x47: {  	[sflag:s31] =	ssyncadd.s32 $0xFFFFFFB0  }
0x48: {  	v3 =	vld [tilespmem:$0x1E0]  }
0x49: {  	v4 =	vld [tilespmem:$0x0]  }
0x4a: {  	v5 =	vld [tilespmem:$0x1F0]  }
0x4b: {  	v6 =	vld [tilespmem:$0x10]  }
0x4c: {  	v7 =	vld [tilespmem:$0x200]  }
0x4d: {  	v8 =	vld [tilespmem:$0x20];
	v3 =	vadd.s32 v0, v3  }
0x4e: {  	v60 =	vld [tilespmem:$0x210];
	[tilespmem:$0x1E0] =	vst v3;
	v3 =	vadd.s32 v1, v4  }
0x4f: {  	v61 =	vld [tilespmem:$0x30];
	[tilespmem:$0x0] =	vst v3;
	v3 =	vadd.s32 v0, v5  }
0x50: {  	v62 =	vld [tilespmem:$0x220];
	[tilespmem:$0x1F0] =	vst v3;
	v3 =	vadd.s32 v1, v6  }
0x51: {  	v63 =	vld [tilespmem:$0x40];
	[tilespmem:$0x10] =	vst v3;
	v3 =	vadd.s32 v0, v7  }
0x52: {  	[tilespmem:$0x200] =	vst v3;
	v3 =	vadd.s32 v1, v8  }
0x53: {  	[tilespmem:$0x20] =	vst v3;
	v3 =	vadd.s32 v0, v60  }
0x54: {  	[tilespmem:$0x210] =	vst v3;
	v3 =	vadd.s32 v1, v61  }
0x55: {  	[tilespmem:$0x30] =	vst v3;
	v3 =	vadd.s32 v0, v62  }
0x56: {  	[tilespmem:$0x220] =	vst v3;
	v3 =	vadd.s32 v1, v63  }
0x57: {  	s12 =	simm.s32 $0x280;
	[tilespmem:$0x40] =	vst v3  }
0x58: {  	[tilespmem:s12], [sflag:$0x3] =	stream.indirect.gather [hbm4b:s1+s0], $0x40, s22, s0, $0xb8;
	[tilespmem:$0x14280] =	vst v63  }
0x59: {  	s25 =	simm.s32 $0x2A80  }
0x5a: {  	[tilespmem:s25], [sflag:$0x5] =	stream.indirect.gather [hbm4b:s8+s0], $0x40, s11, s0, $0xb8;
	[tilespmem:$0x14280] =	vst v63  }
0x5b: {  	s10 =	rddreg [dreg:$0xe]  }
0x5c: {  	[tilespmem:s0], [sflag:$0x2] =	stream.linear.gather [hbm4b:s10+s22], $0x50, $0x38;
	[tilespmem:$0x14280] =	vst v63  }
0x5d: {  	s12 =	simm.s32 $0xF0;
	s11 =	rddreg [dreg:$0xf]  }
0x5e: {  	[tilespmem:s12], [sflag:$0x2] =	stream.linear.gather [hbm4b:s11+s22], $0x50, $0x38;
	[tilespmem:$0x14280] =	vst v63  }
0x5f: {  	s25 =	rddreg [dreg:$0x10]  }
0x60: {  	[tilespmem:s29], [sflag:$0x2] =	stream.linear.gather [hbm4b:s25+s22], $0x50, $0x38;
	[tilespmem:$0x14280] =	vst v63  }
.LBB2_4:
0x61: {  	_ =	swait.ge [sflag:s4], $0x50  }
0x62: {  	[sflag:s4] =	ssyncset.done $0x0  }
0x63: {  	[sflag:s4] =	ssyncadd.s32 $0xFFFFFFB0  }
0x64: {  	_ =	swait.ge [sflag:s4], $0x50  }
0x65: {  	[sflag:s4] =	ssyncset.done $0x0  }
0x66: {  	[sflag:s4] =	ssyncadd.s32 $0xFFFFFFB0  }
0x67: {  	_ =	swait.ge [sflag:s4], $0x50  }
0x68: {  	[sflag:s4] =	ssyncset.done $0x0  }
0x69: {  	[sflag:s4] =	ssyncadd.s32 $0xFFFFFFB0  }
0x6a: {  	v3 =	vld [tilespmem:$0x230]  }
0x6b: {  	v4 =	vld [tilespmem:$0x50]  }
0x6c: {  	v5 =	vld [tilespmem:$0x240]  }
0x6d: {  	v6 =	vld [tilespmem:$0x60]  }
0x6e: {  	v7 =	vld [tilespmem:$0x250]  }
0x6f: {  	v8 =	vld [tilespmem:$0x70];
	v3 =	vadd.s32 v0, v3  }
0x70: {  	[tilespmem:$0x230] =	vst v3;
	v3 =	vadd.s32 v1, v4;
	v4 =	vld [tilespmem:$0x260]  }
0x71: {  	[tilespmem:$0x50] =	vst v3;
	v3 =	vadd.s32 v0, v5;
	v5 =	vld [tilespmem:$0x80]  }
0x72: {  	[tilespmem:$0x240] =	vst v3;
	v3 =	vadd.s32 v1, v6;
	v6 =	vld [tilespmem:$0x270]  }
0x73: {  	[tilespmem:$0x60] =	vst v3;
	v3 =	vadd.s32 v0, v7;
	v7 =	vld [tilespmem:$0x90]  }
0x74: {  	[tilespmem:$0x250] =	vst v3;
	v3 =	vadd.s32 v1, v8  }
0x75: {  	[tilespmem:$0x70] =	vst v3;
	v3 =	vadd.s32 v0, v4  }
0x76: {  	[tilespmem:$0x260] =	vst v3;
	v3 =	vadd.s32 v1, v5  }
0x77: {  	[tilespmem:$0x80] =	vst v3;
	v3 =	vadd.s32 v0, v6  }
0x78: {  	[tilespmem:$0x270] =	vst v3;
	v3 =	vadd.s32 v1, v7  }
0x79: {  	[tilespmem:$0x90] =	vst v3  }
0x7a: {  	[tilespmem:s13], [sflag:$0x4] =	stream.indirect.gather [hbm4b:s1+s0], $0x40, s0, s0, $0xb8;
	[tilespmem:$0x14280] =	vst v63  }
0x7b: {  	_ = 	snop  }
0x7c: {  	[tilespmem:s14], [sflag:$0x6] =	stream.indirect.gather [hbm4b:s8+s0], $0x40, s29, s0, $0xb8;
	[tilespmem:$0x14280] =	vst v63  }
0x7d: {  	_ =	swait.ge [sflag:s15], $0x1400  }
0x7e: {  	[sflag:s15] =	ssyncset.done $0x0  }
0x7f: {  	[sflag:s15] =	ssyncadd.s32 $0xFFFFEC00  }
0x80: {  	_ =	swait.ge [sflag:s16], $0x1400  }
0x81: {  	p1 =	seq.s32 s22, $0x0;
	[sflag:s16] =	ssyncset.done $0x0  }
0x82: {  	s9 =	simm.s32 @!p1 $0x7;
	[sflag:s16] =	ssyncadd.s32 $0xFFFFEC00  }
0x83: {  	_ =	swait.ge @!p1 [sflag:s9], $0x1400  }
0x84: {  	[sflag:s9] =	ssyncset.done @!p1 $0x0  }
0x85: {  	[sflag:s9] =	ssyncadd.s32 @!p1 $0xFFFFEC00  }
0x86: {  	v3 =	vld [tilespmem:$0xA0]  }
0x87: {  	v4 =	vld [tilespmem:$0xB0]  }
0x88: {  	v5 =	vld [tilespmem:$0xC0]  }
0x89: {  	v6 =	vld [tilespmem:$0xD0]  }
0x8a: {  	p0 =	seq.s32 s22, $0x7C;
	v7 =	vld [tilespmem:$0xE0]  }
0x8b: {  	s25 =	smul.u32 @!p0 $0xA0, s22;
	[tilespmem:$0x140] =	vst v3  }
0x8c: {  	[tilespmem:$0x150] =	vst v4  }
0x8d: {  	s9 =	sadd.s32 @!p0 s25, s23;
	[tilespmem:$0x160] =	vst v5  }
0x8e: {  	s9 =	sshrl.u32 @!p0 s9, $0x3;
	[tilespmem:$0x170] =	vst v6  }
0x8f: {  	s11 =	simm.s32 @!p0 $0x0;
	s10 =	sadd.s32 @!p0 s5, s9;
	[tilespmem:$0x180] =	vst v7  }
0x90: {  	[tilespmem:s11], [sflag:$0x1] =	stream.linear.gather @!p0 [hbm4b:s10+s11], $0x50, $0x38;
	[tilespmem:$0x14280] =	vst v63  }
0x91: {  	s12 =	simm.s32 @!p0 $0xA0;
	s10 =	sadd.s32 @!p0 s6, s9  }
0x92: {  	[tilespmem:s12], [sflag:$0x1] =	stream.linear.gather @!p0 [hbm4b:s10+s11], $0x50, $0x38;
	[tilespmem:$0x14280] =	vst v63  }
0x93: {  	s9 =	sadd.s32 @!p0 s7, s9;
	s10 =	simm.s32 @!p0 $0x1E0  }
0x94: {  	[tilespmem:s10], [sflag:$0x1] =	stream.linear.gather @!p0 [hbm4b:s9+s11], $0x50, $0x38;
	[tilespmem:$0x14280] =	vst v63  }
0x95: {  	s10 =	simm.s32 $0x0  }
0x96: {  	v5 =	vld [tilespmem:s10+$0x2B0]  }
0x97: {  	v6 =	vld [tilespmem:s10+$0x2AB0]  }
0x98: {  	v8 =	vld [tilespmem:s10+$0x280]  }
0x99: {  	v9 =	vld [tilespmem:s10+$0x2A80]  }
0x9a: {  	v4 =	vld [tilespmem:s10+$0x290]  }
0x9b: {  	v7 =	vld [tilespmem:s10+$0x2A90]  }
0x9c: {  	v3 =	vld [tilespmem:s10+$0x2A0];
	v10 =	vadd.f32 v6, v5  }
0x9d: {  	s9 =	simm.s32 $0x40;
	v6 =	vld [tilespmem:s10+$0x2AA0]  }
0x9e: {  	s11 =	simm.s32 $0x200;
	v5 =	vld [tilespmem:s9+$0x2B0];
	v8 =	vadd.f32 v9, v8;
	v9 =	vmax.f32 v10, $0.0e+00  }
.LBB2_5:
0x9f: {  	p2 =	sne.s32 s11, $0x4F00;
	v10 =	vld [tilespmem:s9+$0x2AB0];
	[tilespmem:s10+$0x52B0] =	vst v9  }
0xa0: {  	v9 =	vld [tilespmem:s9+$0x280];
	v8 =	vmax.f32 v8, $0.0e+00;
	v7 =	vadd.f32 v7, v4  }
0xa1: {  	v11 =	vld [tilespmem:s9+$0x2A80];
	[tilespmem:s10+$0x5280] =	vst v8  }
.Ltmp1:
0xa2: {  	v4 =	vld [tilespmem:s9+$0x290];
	v8 =	vmax.f32 v7, $0.0e+00;
	v6 =	vadd.f32 v6, v3;
	(pc) =	sbr.rel @p2 .LBB2_5-.Ltmp1, $4  }
0xa3: {  	v7 =	vld [tilespmem:s9+$0x2A90];
	[tilespmem:s10+$0x5290] =	vst v8  }
0xa4: {  	v3 =	vld [tilespmem:s9+$0x2A0];
	v10 =	vadd.f32 v10, v5;
	v5 =	vmax.f32 v6, $0.0e+00  }
0xa5: {  	v6 =	vld [tilespmem:s9+$0x2AA0];
	[tilespmem:s10+$0x52A0] =	vst v5;
	s10 =	smov.u32 s9;
	s9 =	sshra.s32 s11, $0x2  }
0xa6: {  	s11 =	sadd.s32 $0x100, s11;
	v5 =	vld [tilespmem:s9+$0x2B0];
	v8 =	vadd.f32 v11, v9;
	v9 =	vmax.f32 v10, $0.0e+00  }
0xa7: {  	v10 =	vld [tilespmem:s9+$0x2AB0];
	[tilespmem:s10+$0x52B0] =	vst v9  }
0xa8: {  	v9 =	vld [tilespmem:s9+$0x280];
	v8 =	vmax.f32 v8, $0.0e+00;
	v4 =	vadd.f32 v7, v4  }
0xa9: {  	v11 =	vld [tilespmem:s9+$0x2A80];
	[tilespmem:s10+$0x5280] =	vst v8  }
0xaa: {  	v7 =	vld [tilespmem:s9+$0x290];
	v4 =	vmax.f32 v4, $0.0e+00  }
0xab: {  	v8 =	vld [tilespmem:s9+$0x2A90];
	[tilespmem:s10+$0x5290] =	vst v4  }
0xac: {  	v4 =	vld [tilespmem:s9+$0x2A0]  }
0xad: {  	v12 =	vld [tilespmem:s9+$0x2AA0]  }
0xae: {  	v3 =	vadd.f32 v6, v3  }
0xaf: {  	v5 =	vadd.f32 v10, v5  }
0xb0: {  	v3 =	vmax.f32 v3, $0.0e+00;
	v6 =	vadd.f32 v11, v9  }
0xb1: {  	[tilespmem:s10+$0x52A0] =	vst v3;
	v3 =	vmax.f32 v5, $0.0e+00;
	v5 =	vadd.f32 v8, v7  }
0xb2: {  	[tilespmem:s9+$0x52B0] =	vst v3;
	v3 =	vmax.f32 v6, $0.0e+00;
	v4 =	vadd.f32 v12, v4  }
0xb3: {  	[tilespmem:s9+$0x5280] =	vst v3;
	v3 =	vmax.f32 v5, $0.0e+00  }
0xb4: {  	[tilespmem:s9+$0x5290] =	vst v3;
	v3 =	vmax.f32 v4, $0.0e+00  }
0xb5: {  	[tilespmem:s9+$0x52A0] =	vst v3;
	s9 =	simm.s32 @!p0 $0x1  }
0xb6: {  	[spmem:s2] =	stream.indirect.scatter.add.f32 [tilespmem:s18], [sflag:$0x7], $0x40, s17, s0, $0xb8;
	[tilespmem:$0x14280] =	vst v63  }
0xb7: {  	_ =	swait.ge @!p0 [sflag:s9], $0x50  }
0xb8: {  	[sflag:s9] =	ssyncset.done @!p0 $0x0  }
0xb9: {  	[sflag:s9] =	ssyncadd.s32 @!p0 $0xFFFFFFB0  }
0xba: {  	_ =	swait.ge @!p0 [sflag:s9], $0x50  }
0xbb: {  	[sflag:s9] =	ssyncset.done @!p0 $0x0  }
0xbc: {  	[sflag:s9] =	ssyncadd.s32 @!p0 $0xFFFFFFB0  }
0xbd: {  	_ =	swait.ge @!p0 [sflag:s9], $0x50  }
0xbe: {  	[sflag:s9] =	ssyncset.done @!p0 $0x0  }
0xbf: {  	[sflag:s9] =	ssyncadd.s32 @!p0 $0xFFFFFFB0  }
0xc0: {  	v3 =	vld @!p0 [tilespmem:$0x1E0]  }
0xc1: {  	v4 =	vld @!p0 [tilespmem:$0x0]  }
0xc2: {  	v5 =	vld @!p0 [tilespmem:$0x1F0]  }
0xc3: {  	v6 =	vld @!p0 [tilespmem:$0x10]  }
0xc4: {  	v7 =	vld @!p0 [tilespmem:$0x200]  }
0xc5: {  	v8 =	vld @!p0 [tilespmem:$0x20];
	v3 =	vadd.s32 @!p0 v0, v3  }
0xc6: {  	[tilespmem:$0x1E0] =	vst @!p0 v3;
	v3 =	vadd.s32 @!p0 v1, v4;
	v4 =	vld @!p0 [tilespmem:$0x210]  }
0xc7: {  	[tilespmem:$0x0] =	vst @!p0 v3;
	v3 =	vadd.s32 @!p0 v0, v5;
	v5 =	vld @!p0 [tilespmem:$0x30]  }
0xc8: {  	[tilespmem:$0x1F0] =	vst @!p0 v3;
	v3 =	vadd.s32 @!p0 v1, v6;
	v6 =	vld @!p0 [tilespmem:$0x220]  }
0xc9: {  	[tilespmem:$0x10] =	vst @!p0 v3;
	v3 =	vadd.s32 @!p0 v0, v7;
	v7 =	vld @!p0 [tilespmem:$0x40]  }
0xca: {  	[tilespmem:$0x200] =	vst @!p0 v3;
	v3 =	vadd.s32 @!p0 v1, v8  }
0xcb: {  	[tilespmem:$0x20] =	vst @!p0 v3;
	v3 =	vadd.s32 @!p0 v0, v4  }
0xcc: {  	[tilespmem:$0x210] =	vst @!p0 v3;
	v3 =	vadd.s32 @!p0 v1, v5  }
0xcd: {  	[tilespmem:$0x30] =	vst @!p0 v3;
	v3 =	vadd.s32 @!p0 v0, v6  }
0xce: {  	[tilespmem:$0x220] =	vst @!p0 v3;
	v3 =	vadd.s32 @!p0 v1, v7  }
0xcf: {  	s11 =	simm.s32 @!p0 $0x280;
	s10 =	simm.s32 @!p0 $0x0;
	s9 =	simm.s32 @!p0 $0x50;
	[tilespmem:$0x40] =	vst @!p0 v3  }
0xd0: {  	[tilespmem:s11], [sflag:$0x3] =	stream.indirect.gather @!p0 [hbm4b:s1+s9], $0x40, s10, s9, $0xb8;
	[tilespmem:$0x14280] =	vst v63  }
0xd1: {  	s12 =	simm.s32 @!p0 $0x2A80;
	s11 =	simm.s32 @!p0 $0x1E0  }
0xd2: {  	[tilespmem:s12], [sflag:$0x5] =	stream.indirect.gather @!p0 [hbm4b:s8+s9], $0x40, s11, s9, $0xb8;
	[tilespmem:$0x14280] =	vst v63  }
0xd3: {  	_ =	swait.ge [sflag:s19], $0x1400  }
0xd4: {  	[sflag:s19] =	ssyncset.done $0x0  }
0xd5: {  	[sflag:s19] =	ssyncadd.s32 $0xFFFFEC00  }
0xd6: {  	_ =	swait.ge [sflag:s20], $0x1400  }
0xd7: {  	[sflag:s20] =	ssyncset.done $0x0  }
0xd8: {  	s11 =	simm.s32 @!p1 $0x8;
	[sflag:s20] =	ssyncadd.s32 $0xFFFFEC00  }
0xd9: {  	_ =	swait.ge @!p1 [sflag:s11], $0x1400  }
0xda: {  	[sflag:s11] =	ssyncset.done @!p1 $0x0  }
0xdb: {  	[sflag:s11] =	ssyncadd.s32 @!p1 $0xFFFFEC00  }
0xdc: {  	v3 =	vld [tilespmem:$0xF0]  }
0xdd: {  	v4 =	vld [tilespmem:$0x100]  }
0xde: {  	v5 =	vld [tilespmem:$0x110]  }
0xdf: {  	v6 =	vld [tilespmem:$0x120]  }
0xe0: {  	v7 =	vld [tilespmem:$0x130]  }
0xe1: {  	[tilespmem:$0x190] =	vst v3  }
0xe2: {  	[tilespmem:$0x1A0] =	vst v4  }
0xe3: {  	s11 =	sadd.s32 @!p0 s25, s24;
	[tilespmem:$0x1B0] =	vst v5  }
0xe4: {  	s11 =	sshrl.u32 @!p0 s11, $0x3;
	[tilespmem:$0x1C0] =	vst v6  }
0xe5: {  	s12 =	sadd.s32 @!p0 s5, s11;
	[tilespmem:$0x1D0] =	vst v7  }
0xe6: {  	[tilespmem:s9], [sflag:$0x2] =	stream.linear.gather @!p0 [hbm4b:s12+s10], $0x50, $0x38;
	[tilespmem:$0x14280] =	vst v63  }
0xe7: {  	s9 =	sadd.s32 @!p0 s6, s11;
	s12 =	simm.s32 @!p0 $0xF0  }
0xe8: {  	[tilespmem:s12], [sflag:$0x2] =	stream.linear.gather @!p0 [hbm4b:s9+s10], $0x50, $0x38;
	[tilespmem:$0x14280] =	vst v63  }
0xe9: {  	s9 =	sadd.s32 @!p0 s7, s11;
	s11 =	simm.s32 @!p0 $0x230  }
0xea: {  	[tilespmem:s11], [sflag:$0x2] =	stream.linear.gather @!p0 [hbm4b:s9+s10], $0x50, $0x38;
	[tilespmem:$0x14280] =	vst v63  }
0xeb: {  	s10 =	simm.s32 $0x0  }
0xec: {  	v5 =	vld [tilespmem:s10+$0x16B0]  }
0xed: {  	v6 =	vld [tilespmem:s10+$0x3EB0]  }
0xee: {  	v8 =	vld [tilespmem:s10+$0x1680]  }
0xef: {  	v9 =	vld [tilespmem:s10+$0x3E80]  }
0xf0: {  	v4 =	vld [tilespmem:s10+$0x1690]  }
0xf1: {  	v7 =	vld [tilespmem:s10+$0x3E90]  }
0xf2: {  	v3 =	vld [tilespmem:s10+$0x16A0];
	v10 =	vadd.f32 v6, v5  }
0xf3: {  	s9 =	simm.s32 $0x40;
	v6 =	vld [tilespmem:s10+$0x3EA0]  }
0xf4: {  	s11 =	simm.s32 $0x200;
	v5 =	vld [tilespmem:s9+$0x16B0];
	v8 =	vadd.f32 v9, v8;
	v9 =	vmax.f32 v10, $0.0e+00  }
.LBB2_7:
0xf5: {  	p0 =	sne.s32 s11, $0x4F00;
	v10 =	vld [tilespmem:s9+$0x3EB0];
	[tilespmem:s10+$0x66B0] =	vst v9  }
0xf6: {  	v9 =	vld [tilespmem:s9+$0x1680];
	v8 =	vmax.f32 v8, $0.0e+00;
	v7 =	vadd.f32 v7, v4  }
0xf7: {  	v11 =	vld [tilespmem:s9+$0x3E80];
	[tilespmem:s10+$0x6680] =	vst v8  }
.Ltmp2:
0xf8: {  	v4 =	vld [tilespmem:s9+$0x1690];
	v8 =	vmax.f32 v7, $0.0e+00;
	v6 =	vadd.f32 v6, v3;
	(pc) =	sbr.rel @p0 .LBB2_7-.Ltmp2, $4  }
0xf9: {  	v7 =	vld [tilespmem:s9+$0x3E90];
	[tilespmem:s10+$0x6690] =	vst v8  }
0xfa: {  	v3 =	vld [tilespmem:s9+$0x16A0];
	v10 =	vadd.f32 v10, v5;
	v5 =	vmax.f32 v6, $0.0e+00  }
0xfb: {  	v6 =	vld [tilespmem:s9+$0x3EA0];
	[tilespmem:s10+$0x66A0] =	vst v5;
	s10 =	smov.u32 s9;
	s9 =	sshra.s32 s11, $0x2  }
0xfc: {  	s11 =	sadd.s32 $0x100, s11;
	v5 =	vld [tilespmem:s9+$0x16B0];
	v8 =	vadd.f32 v11, v9;
	v9 =	vmax.f32 v10, $0.0e+00  }
0xfd: {  	v10 =	vld [tilespmem:s9+$0x3EB0];
	[tilespmem:s10+$0x66B0] =	vst v9  }
0xfe: {  	v9 =	vld [tilespmem:s9+$0x1680];
	v8 =	vmax.f32 v8, $0.0e+00;
	v4 =	vadd.f32 v7, v4  }
0xff: {  	v11 =	vld [tilespmem:s9+$0x3E80];
	[tilespmem:s10+$0x6680] =	vst v8  }
0x100: {  	v61 =	vld [tilespmem:s9+$0x1690];
	v4 =	vmax.f32 v4, $0.0e+00  }
0x101: {  	v8 =	vld [tilespmem:s9+$0x3E90];
	[tilespmem:s10+$0x6690] =	vst v4  }
0x102: {  	v4 =	vld [tilespmem:s9+$0x16A0]  }
0x103: {  	v12 =	vld [tilespmem:s9+$0x3EA0]  }
0x104: {  	v3 =	vadd.f32 v6, v3  }
0x105: {  	v5 =	vadd.f32 v10, v5  }
0x106: {  	s22 =	sadd.s32 $0x1, s22;
	v3 =	vmax.f32 v3, $0.0e+00;
	v62 =	vadd.f32 v11, v9  }
0x107: {  	p0 =	sne.s32 s22, $0x7D;
	[tilespmem:s10+$0x66A0] =	vst v3;
	v3 =	vmax.f32 v5, $0.0e+00;
	v63 =	vadd.f32 v8, v61  }
.Ltmp3:
0x108: {  	[tilespmem:s9+$0x66B0] =	vst v3;
	v3 =	vmax.f32 v62, $0.0e+00;
	v4 =	vadd.f32 v12, v4;
	(pc) =	sbr.rel @p0 .LBB2_4-.Ltmp3, $4  }
0x109: {  	[tilespmem:s9+$0x6680] =	vst v3;
	v3 =	vmax.f32 v63, $0.0e+00  }
0x10a: {  	[tilespmem:s9+$0x6690] =	vst v3;
	v3 =	vmax.f32 v4, $0.0e+00  }
0x10b: {  	[tilespmem:s9+$0x66A0] =	vst v3  }
0x10c: {  	[spmem:s2] =	stream.indirect.scatter.add.f32 [tilespmem:s30], [sflag:$0x8], $0x40, s21, s0, $0xb8;
	[tilespmem:$0x14280] =	vst v63  }
0x10d: {  	s9 =	simm.s32 $0x7  }
0x10e: {  	_ =	swait.ge [sflag:s9], $0x1400  }
0x10f: {  	[sflag:s9] =	ssyncset.done $0x0  }
0x110: {  	s25 =	simm.s32 $0x8;
	[sflag:s9] =	ssyncadd.s32 $0xFFFFEC00  }
0x111: {  	_ =	swait.ge [sflag:s25], $0x1400  }
0x112: {  	[sflag:s25] =	ssyncset.done $0x0  }
0x113: {  	s10 =	stileid.u32;
	[sflag:s25] =	ssyncadd.s32 $0xFFFFEC00  }
0x114: {  	s9 =	sshll.u32 s10, $0x6;
	[bflag:$0x0] =	sbarrier.arrive $0xFFFF  }
0x115: {  	s10 =	sshrl.u32 s26, $0x3;
	s9 =	sor.u32 $0x1C09, s9;
	s11 =	rddreg [dreg:$0xa]  }
0x116: {  	[hbm:s11], [sflag:s9] =	dma.local [spmem:s10], $0x500  }
0x117: {  	_ =	swait.ge [sflag:s28], $0x500  }
0x118: {  	[sflag:s28] =	ssyncset.done $0x0;
	s11 =	rddreg [dreg:$0x4]  }
0x119: {  	s22 =	rddreg [dreg:$0xb];
	[sflag:s28] =	ssyncadd.s32 $0xFFFFFB00;
	s10 =	sshrl.u32 s11, $0x3  }
0x11a: {  	[hbm:s22], [sflag:s9] =	dma.local [spmem:s10], $0x500  }
0x11b: {  	_ =	swait.ge [sflag:s28], $0x500  }
0x11c: {  	s12 =	smov.u32 s26;
	[sflag:s28] =	ssyncset.done $0x0;
	s25 =	rddreg [dreg:$0x5]  }
0x11d: {  	s26 =	rddreg [dreg:$0xc];
	[sflag:s28] =	ssyncadd.s32 $0xFFFFFB00;
	s10 =	sshrl.u32 s25, $0x3  }
0x11e: {  	[hbm:s26], [sflag:s9] =	dma.local [spmem:s10], $0x500  }
0x11f: {  	_ =	swait.ge [sflag:s28], $0x500  }
0x120: {  	[sflag:s28] =	ssyncset.done $0x0;
	s22 =	rddreg [dreg:$0x6]  }
0x121: {  	s25 =	rddreg [dreg:$0xd];
	[sflag:s28] =	ssyncadd.s32 $0xFFFFFB00;
	s10 =	sshrl.u32 s22, $0x3  }
0x122: {  	[hbm:s25], [sflag:s9] =	dma.local [spmem:s10], $0x500  }
0x123: {  	_ =	swait.ge [sflag:s28], $0x500  }
0x124: {  	s3 =	sadd.s32 $0x1, s3;
	s26 =	rddreg [dreg:$0x11]  }
0x125: {  	p0 =	sne.s32 s3, s26  }
.Ltmp4:
0x126: {  	_ = 	snop;
	(pc) =	sbr.rel @p0 .LBB2_1-.Ltmp4, $3  }
0x127: {  	_ =	sdelay $0x1  }
0x128: {  	[sflag:s28] =	ssyncset.done $0x0  }
0x129: {  	[sflag:s28] =	ssyncadd.s32 $0xFFFFFB00  }
0x12a: {  	_ =	sfence.sel $0x180000  }
0x12b: {  	[bflag:$0x0] =	sbarrier.arrive $0xFFFF  }
0x12c: {  	_ =	strace $0x9000004A  }
0x12d: {  	s0 =	stileid.u32;
	[bflag:$0x2] =	sbarrier.arrive $0xFFFF  }
0x12e: {  	p0 =	sne.s32 s0, $0x0;
	s0 =	rddreg [dreg:$0x3]  }
0x12f: {  	s0 =	sadd.s32 @!p0 $0x100000, s0  }
0x130: {  	[sflag:s0] =	ssyncadd.tile.s32 @!p0 $0x1;
	_ =	shalt  }
.Lfunc_end2:
_tile_overlayer_lowered:
.L_overlay_start_2:
0x131: {  	(tag) =	ssettag $0x2  }
0x132: {  	s0 =	rddreg [dreg:$0x0];
	s2 =	stileid.u32  }
0x133: {  	s1 =	rddreg [dreg:$0x1];
	p0 =	sne.s32 s2, $0x0  }
0x134: {  	s3 =	rddreg [dreg:$0x2];
	[bflag:$0x3] =	sbarrier.arrive $0xFFFF;
	s2 =	simm.s32 @!p0 $0x1C09  }
0x135: {  	[timem:s3], [sflag:s2] =	dma.local @!p0 [hbm:s0], s1  }
0x136: {  	s0 =	simm.s32 @!p0 $0x9  }
0x137: {  	_ =	swait.ge @!p0 [sflag:s0], s1  }
0x138: {  	s1 =	ssub.s32 @!p0 $0x0, s1;
	[sflag:s0] =	ssyncset.done @!p0 $0x0  }
0x139: {  	[sflag:s0] =	ssyncadd.s32 @!p0 s1  }
0x13a: {  	[bflag:$0x3] =	sbarrier.arrive $0xFFFF  }
0x13b: {  	_ =	shalt  }

// kernel: kernel.7.cloned.1.call-start
scs
__scs_entry_jumppad:
0x0: {  	(pc) =	sbr.rel $0x88, $3  }
0x1: {  	(tag) =	ssettag $0x0;
	lr =	simm.s32 $0x1  }
0x2: {  	[smem:$0x3F92] =	sst lr;
	_ =	strace $0xD0000000  }
0x3: {  	_ = 	snop  }
0x4: {  	_ = 	snop  }
0x5: {  	_ = 	snop  }
0x6: {  	_ = 	snop  }
0x7: {  	_ = 	snop  }
__scs_overlays_trampoline_lowered:
0x8: {  	[smem:$0x3FA1] =	sst s0  }
0x9: {  	[smem:$0x3FA2] =	sst s1  }
0xa: {  	[smem:$0x3FA3] =	sst s2  }
0xb: {  	[smem:$0x3FA4] =	sst s3  }
0xc: {  	[smem:$0x3FA5] =	sst s4  }
0xd: {  	[smem:$0x3FA6] =	sst s5  }
0xe: {  	[smem:$0x3FA7] =	sst s6  }
0xf: {  	[smem:$0x3FA8] =	sst s7  }
0x10: {  	[smem:$0x3FA9] =	sst s8  }
0x11: {  	[smem:$0x3FAA] =	sst s9;
	s0 =	simm.s32 @!p0 $0x0  }
0x12: {  	s1 =	sld [smem:$0x3F90];
	s0 =	simm.s32 @p0 $0x1  }
0x13: {  	[smem:$0x3FAB] =	sst s0;
	s0 =	simm.s32 @!p1 $0x0  }
0x14: {  	s2 =	sld [smem:$0x3F8F];
	s0 =	simm.s32 @p1 $0x1  }
0x15: {  	[smem:$0x3FAC] =	sst s0;
	s0 =	simm.s32 @!p2 $0x0  }
0x16: {  	s3 =	sld [smem:$0x3FDB];
	s0 =	simm.s32 @p2 $0x1  }
0x17: {  	s4 =	simm.s32 $0x1BF5;
	[smem:$0x3FAE] =	sst s0  }
0x18: {  	s0 =	sld [smem:$0x3F91];
	_ =	swait.ge [sflag:s4], $0x0  }
0x19: {  	s7 =	sld [smem:$0x3F92]  }
0x1a: {  	s8 =	sadd.s32 $0xFFFFE003, lr  }
0x1b: {  	s9 =	sadd.s32 $0xFFFFFEF7, lr;
	s5 =	simm.s32 $0xFFFFFFFF;
	p2 =	slt.u32 s8, $0xFFFFF086  }
0x1c: {  	p1 =	slt.u32 s9, $0xF7A;
	s5 =	simm.s32 @!p2 $0x0  }
0x1d: {  	s5 =	simm.s32 @p1 $0x1;
	p0 =	seq.s32 s7, s2  }
0x1e: {  	s7 =	smul.u32 @!p0 $0xF7A, s2;
	p2 =	seq.s32 @!p0 s5, $0x0  }
0x1f: {  	s9 =	smul.u32 $0xF7A, s1;
	s8 =	simm.s32 @!p0 $0x1BF5;
	p2 =	por !p2, p0  }
0x20: {  	[sflag:s8] =	ssyncset.s32 @!p0 $0xFFFFF086;
	s6 =	sadd.s32 @!p0 s3, s7;
	s7 =	simm.s32 @!p0 $0x108  }
0x21: {  	s3 =	sadd.s32 s3, s9;
	s6 =	sadd.s32 @!p0 $0x88, s6;
	s7 =	simm.s32 @p2 $0x1082  }
0x22: {  	[simem:s7], [sflag:s8] =	dma.local @!p0 [hbm:s6], $0xF7A  }
0x23: {  	s9 =	sor.u32 $0xD0000000, s2;
	s6 =	simm.s32 $0x108;
	_ =	swait.ge @!p0 [sflag:s8], $0x0  }
0x24: {  	s3 =	sadd.s32 $0x88, s3;
	s6 =	simm.s32 @!p1 $0x1082;
	[sflag:s4] =	ssyncset.s32 $0xFFFFF086  }
0x25: {  	[simem:s6], [sflag:s4] =	dma.local [hbm:s3], $0xF7A  }
0x26: {  	[smem:$0x3F92] =	sst s1;
	(tag) =	ssettag s2;
	_ =	strace s9  }
0x27: {  	s1 =	sld [smem:$0x3FA2]  }
0x28: {  	s2 =	sld [smem:$0x3FA3]  }
0x29: {  	s4 =	sld [smem:$0x3FA5]  }
0x2a: {  	p0 =	seq.s32 s5, $0x0;
	s5 =	sld [smem:$0x3FA6]  }
0x2b: {  	s6 =	sld [smem:$0x3FA7]  }
0x2c: {  	s7 =	sld [smem:$0x3FA8]  }
0x2d: {  	s3 =	simm.s32 $0x108;
	s8 =	sld [smem:$0x3FA9]  }
0x2e: {  	s3 =	simm.s32 @!p0 $0x1082;
	s9 =	sld [smem:$0x3FAA]  }
0x2f: {  	lr =	sadd.s32 s0, s3;
	s0 =	sld [smem:$0x3FA1]  }
0x30: {  	s3 =	sld [smem:$0x3FA4]  }
0x31: {  	[smem:$0x3FAD] =	sst s10  }
0x32: {  	s10 =	sld [smem:$0x3FAB];
	_ =	sdelay $0x3  }
0x33: {  	p0 =	seq.s32 s10, $0x1;
	s10 =	sld [smem:$0x3FAD];
	_ =	sdelay $0x3  }
0x34: {  	[smem:$0x3FAD] =	sst s10  }
0x35: {  	s10 =	sld [smem:$0x3FAC];
	_ =	sdelay $0x3  }
0x36: {  	p1 =	seq.s32 s10, $0x1;
	s10 =	sld [smem:$0x3FAD];
	_ =	sdelay $0x3  }
0x37: {  	[smem:$0x3FAD] =	sst s10  }
0x38: {  	s10 =	sld [smem:$0x3FAE]  }
0x39: {  	_ = 	snop;
	(pc) =	sbr.ind lr, $3  }
0x3a: {  	_ = 	snop  }
0x3b: {  	_ = 	snop  }
0x3c: {  	p2 =	seq.s32 s10, $0x1;
	s10 =	sld [smem:$0x3FAD]  }
0x3d: {  	_ =	shalt  }
0x3e: {  	_ =	shalt  }
0x3f: {  	_ =	shalt  }
0x40: {  	_ =	shalt  }
0x41: {  	_ =	shalt  }
0x42: {  	_ =	shalt  }
0x43: {  	_ =	shalt  }
0x44: {  	_ =	shalt  }
0x45: {  	_ =	shalt  }
0x46: {  	_ =	shalt  }
0x47: {  	_ =	shalt  }
0x48: {  	_ =	shalt  }
0x49: {  	_ =	shalt  }
0x4a: {  	_ =	shalt  }
0x4b: {  	_ =	shalt  }
0x4c: {  	_ =	shalt  }
0x4d: {  	_ =	shalt  }
0x4e: {  	_ =	shalt  }
0x4f: {  	_ =	shalt  }
0x50: {  	_ =	shalt  }
0x51: {  	_ =	shalt  }
0x52: {  	_ =	shalt  }
0x53: {  	_ =	shalt  }
0x54: {  	_ =	shalt  }
0x55: {  	_ =	shalt  }
0x56: {  	_ =	shalt  }
0x57: {  	_ =	shalt  }
0x58: {  	_ =	shalt  }
0x59: {  	_ =	shalt  }
0x5a: {  	_ =	shalt  }
0x5b: {  	_ =	shalt  }
0x5c: {  	_ =	shalt  }
0x5d: {  	_ =	shalt  }
0x5e: {  	_ =	shalt  }
0x5f: {  	_ =	shalt  }
0x60: {  	_ =	shalt  }
0x61: {  	_ =	shalt  }
0x62: {  	_ =	shalt  }
0x63: {  	_ =	shalt  }
0x64: {  	_ =	shalt  }
0x65: {  	_ =	shalt  }
0x66: {  	_ =	shalt  }
0x67: {  	_ =	shalt  }
0x68: {  	_ =	shalt  }
0x69: {  	_ =	shalt  }
0x6a: {  	_ =	shalt  }
0x6b: {  	_ =	shalt  }
0x6c: {  	_ =	shalt  }
0x6d: {  	_ =	shalt  }
0x6e: {  	_ =	shalt  }
0x6f: {  	_ =	shalt  }
0x70: {  	_ =	shalt  }
0x71: {  	_ =	shalt  }
0x72: {  	_ =	shalt  }
0x73: {  	_ =	shalt  }
0x74: {  	_ =	shalt  }
0x75: {  	_ =	shalt  }
0x76: {  	_ =	shalt  }
0x77: {  	_ =	shalt  }
0x78: {  	_ =	shalt  }
0x79: {  	_ =	shalt  }
0x7a: {  	_ =	shalt  }
0x7b: {  	_ =	shalt  }
0x7c: {  	_ =	shalt  }
0x7d: {  	_ =	shalt  }
0x7e: {  	_ =	shalt  }
0x7f: {  	_ =	shalt  }
0x80: {  	_ =	shalt  }
0x81: {  	_ =	shalt  }
0x82: {  	_ =	shalt  }
0x83: {  	_ =	shalt  }
0x84: {  	_ =	shalt  }
0x85: {  	_ =	shalt  }
0x86: {  	_ =	shalt  }
0x87: {  	_ =	shalt  }
.Lfunc_end0:
.L_simem_size_0:
called_computation_lowered:
.L_overlay_start_0:
0x88: {  	s2 =	sld [smem:$0x3FD9]  }
0x89: {  	s3 =	sld [smem:$0x3FFE];
	_ =	sdelay $0x1  }
0x8a: {  	s1 =	srdreg.scid  }
0x8b: {  	s0 =	sand.u32 $0x1, s1  }
0x8c: {  	s14 =	sshll.u32 s0, $0xA;
	s2 =	sadd.s32 s3, s2  }
0x8d: {  	s2 =	sadd.s32 s2, s14  }
0x8e: {  	[smem:$0x3FB9] =	sst s2  }
0x8f: {  	_ = 	snop  }
0x90: {  	s2 =	sld [smem:$0x3FD0];
	_ =	sdelay $0x2  }
0x91: {  	s15 =	simm.s32 $0xA;
	s4 =	simm.s32 $0x10  }
0x92: {  	[smem:s4], [sflag:s15] =	dma.local [hbm:s2], $0x1  }
0x93: {  	_ =	swait.eq [sflag:s15], $0x1  }
0x94: {  	[sflag:s15] =	ssyncset.done $0x0  }
0x95: {  	[sflag:s15] =	ssyncadd.s32 $0xFFFFFFFF  }
0x96: {  	s16 =	sld [smem:$0x10];
	(tm) =	ssettm $0x1  }
0x97: {  	s17 =	sld [smem:$0x3FFB];
	_ =	sdelay $0x3  }
0x98: {  	_ =	strace s17  }
0x99: {  	s3 =	sld [smem:$0x3FFC];
	_ =	sdelay $0x3  }
0x9a: {  	_ =	strace s3  }
0x9b: {  	s3 =	sld [smem:$0x3FFD];
	_ =	sdelay $0x3  }
0x9c: {  	_ =	strace s3  }
0x9d: {  	_ =	strace $0x8FFFFFFF  }
0x9e: {  	s18 =	sld [smem:$0x3FDB];
	_ =	sdelay $0x1  }
0x9f: {  	s19 =	simm.s32 $_scs_section_size  }
0xa0: {  	s5 =	simm.s32 $_size__tile_overlayer_lowered;
	s6 =	simm.s32 $_tile_overlayer_lowered  }
0xa1: {  	s22 =	simm.s32 $0x1BFF;
	s21 =	sshll.u32 s6, $0x1;
	s3 =	sadd.s32 s19, s18  }
0xa2: {  	s7 =	simm.s32 $0x0;
	s20 =	sshll.u32 s5, $0x1;
	s5 =	sadd.s32 s21, s3  }
0xa3: {  	[timem:s7], [sflag:s22] =	dma.local [hbm:s5], s20  }
0xa4: {  	_ =	swait.ge [sflag:s22], s20  }
0xa5: {  	s4 =	ssub.s32 $0x0, s20;
	[sflag:s22] =	ssyncset.done $0x0  }
0xa6: {  	[sflag:s22] =	ssyncadd.s32 s4;
	_ =	sdelay $0x1  }
0xa7: {  	s23 =	simm.s32 $0x1B8B  }
0xa8: {  	_ =	swait.ge [sflag:s23], $0x1  }
0xa9: {  	[sflag:s23] =	ssyncset.done $0x0  }
0xaa: {  	s25 =	simm.s32 $0x1B8E;
	s24 =	sld [smem:$0x3FFE];
	[sflag:s23] =	ssyncadd.s32 $0xFFFFFFFF  }
0xab: {  	s26 =	simm.s32 $execute0_lowered;
	[smem:$0x3FD2] =	sst s25  }
0xac: {  	s5 =	sshll.u32 s26, $0x1;
	_ =	strace $0x80000046;
	[dreg:$0x1] =	wrdreg $0xFFFFFFFF  }
0xad: {  	s28 =	simm.s32 $_size_execute0_lowered;
	s3 =	sadd.s32 s3, s5;
	[dreg:$0x0] =	wrdreg $0x0  }
0xae: {  	s5 =	sshll.u32 s28, $0x1;
	[dreg:$0x2] =	wrdreg s3  }
0xaf: {  	[dreg:$0x3] =	wrdreg s5  }
0xb0: {  	[dreg:$0x4] =	wrdreg $0xC0  }
0xb1: {  	_ =	task [dreg:s7], $0x5FFFF  }
0xb2: {  	[dreg:$0x1] =	wrdreg $0xFFFFFFFF  }
0xb3: {  	[dreg:$0x0] =	wrdreg $0x60  }
0xb4: {  	[dreg:$0x2] =	wrdreg s16  }
0xb5: {  	[dreg:$0x3] =	wrdreg s24  }
0xb6: {  	[dreg:$0x4] =	wrdreg $0xA2800  }
0xb7: {  	[dreg:$0x5] =	wrdreg $0x9  }
0xb8: {  	_ =	task.clear_ibuf [dreg:s7], $0x6FFFF;
	_ =	strace $0x90000046  }
0xb9: {  	s29 =	simm.s32 $0x9;
	_ =	strace $0x80000048  }
0xba: {  	_ =	swait.ge [sflag:s29], $0x1  }
0xbb: {  	[sflag:s29] =	ssyncadd.s32 $0xFFFFFFFF  }
0xbc: {  	_ =	strace $0x90000048  }
0xbd: {  	_ =	sfence  }
0xbe: {  	s30 =	sld [smem:$0x0];
	_ =	sdelay $0x2  }
0xbf: {  	s31 =	sshll.u32 s1, $0xD;
	s1 =	sshrl.u32 s1, $0x2  }
0xc0: {  	s3 =	sand.u32 $0x4000, s31;
	s1 =	sadd.s32 s1, s30  }
0xc1: {  	s0 =	sor.u32 s3, s0;
	s1 =	sshll.u32 s1, $0x11  }
0xc2: {  	s0 =	sor.u32 s1, s0  }
0xc3: {  	s0 =	sadd.s32 $0x8F2B, s0  }
0xc4: {  	[sflag:s0] =	ssyncadd.remote.s32 $0x1  }
0xc5: {  	_ =	sfence.sel $0xFFFF  }
0xc6: {  	[dreg:$0x0] =	wrdreg $0xFFFFFFFF;
	(pc) =	sbr.abs _section_cstart, $3  }
0xc7: {  	[dreg:$0x1] =	wrdreg $0xFFFFFFFF  }
0xc8: {  	_ =	task.clear_ibuf [dreg:s7], $0x2FFFF;
	_ =	strace $0x9FFFFFFF  }
0xc9: {  	(tm) =	ssettm $0x7FFFFFFF  }
tec
execute0_lowered:
.L_overlay_start_1:
0x0: {  	(tag) =	ssettag $0x1  }
0x1: {  	s1 =	rddreg [dreg:$0x0]  }
0x2: {  	s0 =	rddreg [dreg:$0x1]  }
0x3: {  	s2 =	rddreg [dreg:$0x2]  }
0x4: {  	s3 =	simm.s32 $0x0;
	s4 =	srdreg.scid;
	s12 =	stileid.u32  }
0x5: {  	s28 =	simm.s32 $0x9;
	s31 =	simm.s32 $0x1;
	s29 =	simm.s32 $0x230  }
0x6: {  	s30 =	simm.s32 $0x6680;
	[smem:$0x7FF] =	sst s3;
	s5 =	sadd.s32 $0xD200, s0  }
0x7: {  	s4 =	sand.u32 $0x1, s4;
	s6 =	sadd.s32 $0x3400, s0;
	s7 =	sadd.s32 $0x65200, s0  }
0x8: {  	s11 =	smul.u32 $0xA000, s12;
	s8 =	sadd.s32 $0x6F000, s0;
	s0 =	sadd.s32 $0x71000, s0  }
0x9: {  	_ =	strace $0x80000047;
	s9 =	ssub.s32 $0x2, s4;
	s17 =	smul.u32 $0xA0000, s4  }
0xa: {  	s10 =	sshrl.u32 s9, $0x1;
	s13 =	sadd.s32 $0x2800, s11;
	s14 =	sadd.s32 $0x5000, s11  }
0xb: {  	s23 =	sadd.s32 $0x7800, s11;
	s9 =	ssub.s32 s9, s10;
	s10 =	smul.u32 $0x4E20, s12  }
0xc: {  	s12 =	sadd.s32 s11, s2;
	s15 =	sadd.s32 s13, s2;
	s22 =	sadd.s32 s14, s2  }
0xd: {  	s18 =	sadd.s32 s23, s2;
	s11 =	sadd.s32 s11, s17;
	[dreg:$0x4] =	wrdreg s15  }
0xe: {  	s13 =	sadd.s32 s17, s13;
	s14 =	sadd.s32 s17, s14;
	[dreg:$0x5] =	wrdreg s22  }
0xf: {  	[dreg:$0x6] =	wrdreg s18;
	s15 =	sadd.s32 s17, s23;
	s22 =	sshll.u32 s4, $0x9  }
0x10: {  	s11 =	sshrl.u32 s11, $0x3;
	s17 =	sshrl.u32 s13, $0x3;
	s18 =	sshrl.u32 s14, $0x3  }
0x11: {  	s13 =	simm.s32 $0x1680;
	s14 =	simm.s32 $0x3E80;
	s16 =	sshrl.u32 s10, $0x3  }
0x12: {  	s11 =	sadd.s32 s0, s11;
	s19 =	sadd.s32 s0, s18;
	s20 =	sshrl.u32 s15, $0x3  }
0x13: {  	s15 =	simm.s32 $0x3;
	s18 =	simm.s32 $0x5280;
	[dreg:$0xa] =	wrdreg s11  }
0x14: {  	s24 =	sadd.s32 s5, s16;
	s25 =	sadd.s32 s6, s16;
	[dreg:$0xc] =	wrdreg s19  }
0x15: {  	s26 =	sadd.s32 s7, s16;
	s16 =	sadd.s32 $0xA, s16;
	[dreg:$0x7] =	wrdreg s24  }
0x16: {  	s11 =	sadd.s32 s0, s17;
	s0 =	sadd.s32 s0, s20;
	[dreg:$0x8] =	wrdreg s25  }
0x17: {  	s17 =	simm.s32 $0x140;
	s19 =	simm.s32 $0x4;
	[dreg:$0x9] =	wrdreg s26  }
0x18: {  	s20 =	simm.s32 $0x6;
	s25 =	smul.u32 $0x2710, s4;
	[dreg:$0xb] =	wrdreg s11  }
0x19: {  	[dreg:$0xd] =	wrdreg s0;
	s21 =	sadd.s32 s5, s16;
	s23 =	sadd.s32 s6, s16  }
0x1a: {  	s24 =	sadd.s32 s7, s16;
	s26 =	smax.u32 s9, $0x1;
	[dreg:$0xe] =	wrdreg s21  }
0x1b: {  	s0 =	simm.s32 $0x50;
	s4 =	simm.s32 $0x2;
	[dreg:$0xf] =	wrdreg s23  }
0x1c: {  	s16 =	simm.s32 $0x5;
	[dreg:$0x10] =	wrdreg s24;
	s23 =	sadd.s32 $0xA0, s10  }
0x1d: {  	v2 =	vimm.f32 $0.0e+00;
	v0 =	vmov s22;
	s24 =	sadd.s32 $0xF0, s10;
	[dreg:$0x11] =	wrdreg s26;
	s21 =	simm.s32 $0x190;
	v1 =	vmov s25  }
.LBB2_1:
0x1e: {  	s10 =	simm.s32 $0x100;
	s9 =	simm.s32 $0x0  }
.LBB2_2:
0x1f: {  	p0 =	sne.s32 s10, $0x9F00;
	[tilespmem:s9+$0x7AB0] =	vst v2;
	s11 =	smov.u32 s10;
	s10 =	sadd.s32 $0x100, s10  }
.Ltmp0:
0x20: {  	[tilespmem:s9+$0x7AA0] =	vst v2;
	(pc) =	sbr.rel @p0 .LBB2_2-.Ltmp0, $3  }
0x21: {  	[tilespmem:s9+$0x7A80] =	vst v2  }
0x22: {  	[tilespmem:s9+$0x7A90] =	vst v2;
	_ =	sdelay $0x1  }
0x23: {  	s9 =	sshra.s32 s11, $0x2  }
0x24: {  	[tilespmem:s9+$0x7AB0] =	vst v2  }
0x25: {  	[tilespmem:s9+$0x7AA0] =	vst v2  }
0x26: {  	[tilespmem:s9+$0x7A80] =	vst v2  }
0x27: {  	[tilespmem:s9+$0x7A90] =	vst v2;
	s10 =	simm.s32 $0x7A80  }
0x28: {  	[spmem:s12] =	stream.linear.scatter [tilespmem:s10], [sflag:$0x9], $0x2800, $0x38;
	[tilespmem:$0x14280] =	vst v63  }
0x29: {  	_ =	swait.ge [sflag:s28], $0x2800  }
0x2a: {  	[sflag:s28] =	ssyncset.done $0x0  }
0x2b: {  	s26 =	smov.u32 s12;
	s12 =	rddreg [dreg:$0x4];
	[sflag:s28] =	ssyncadd.s32 $0xFFFFD800  }
0x2c: {  	[spmem:s12] =	stream.linear.scatter [tilespmem:s10], [sflag:$0x9], $0x2800, $0x38;
	[tilespmem:$0x14280] =	vst v63  }
0x2d: {  	_ =	swait.ge [sflag:s28], $0x2800  }
0x2e: {  	[sflag:s28] =	ssyncset.done $0x0  }
0x2f: {  	s22 =	rddreg [dreg:$0x5];
	[sflag:s28] =	ssyncadd.s32 $0xFFFFD800  }
0x30: {  	[spmem:s22] =	stream.linear.scatter [tilespmem:s10], [sflag:$0x9], $0x2800, $0x38;
	[tilespmem:$0x14280] =	vst v63  }
0x31: {  	_ =	swait.ge [sflag:s28], $0x2800  }
0x32: {  	[sflag:s28] =	ssyncset.done $0x0  }
0x33: {  	s25 =	rddreg [dreg:$0x6];
	[sflag:s28] =	ssyncadd.s32 $0xFFFFD800  }
0x34: {  	[spmem:s25] =	stream.linear.scatter [tilespmem:s10], [sflag:$0x9], $0x2800, $0x38;
	[tilespmem:$0x14280] =	vst v63  }
0x35: {  	_ =	swait.ge [sflag:s28], $0x2800  }
0x36: {  	[sflag:s28] =	ssyncset.done $0x0  }
0x37: {  	[sflag:s28] =	ssyncadd.s32 $0xFFFFD800  }
0x38: {  	[bflag:$0x0] =	sbarrier.arrive $0xFFFF  }
0x39: {  	s22 =	simm.s32 $0x0;
	s11 =	rddreg [dreg:$0x7]  }
0x3a: {  	[tilespmem:s22], [sflag:$0x1] =	stream.linear.gather [hbm4b:s11+s22], $0x50, $0x38;
	[tilespmem:$0x14280] =	vst v63  }
0x3b: {  	s25 =	simm.s32 $0xA0;
	s12 =	rddreg [dreg:$0x8]  }
0x3c: {  	[tilespmem:s25], [sflag:$0x1] =	stream.linear.gather [hbm4b:s12+s22], $0x50, $0x38;
	[tilespmem:$0x14280] =	vst v63  }
0x3d: {  	s10 =	rddreg [dreg:$0x9];
	s11 =	simm.s32 $0x1E0  }
0x3e: {  	[tilespmem:s11], [sflag:$0x1] =	stream.linear.gather [hbm4b:s10+s22], $0x50, $0x38;
	[tilespmem:$0x14280] =	vst v63  }
0x3f: {  	_ =	swait.ge [sflag:s31], $0x50  }
0x40: {  	[sflag:s31] =	ssyncset.done $0x0  }
0x41: {  	[sflag:s31] =	ssyncadd.s32 $0xFFFFFFB0  }
0x42: {  	_ =	swait.ge [sflag:s31], $0x50  }
0x43: {  	[sflag:s31] =	ssyncset.done $0x0  }
0x44: {  	[sflag:s31] =	ssyncadd.s32 $0xFFFFFFB0  }
0x45: {  	_ =	swait.ge [sflag:s31], $0x50  }
0x46: {  	[sflag:s31] =	ssyncset.done $0x0  }
0x47: {  	[sflag:s31] =	ssyncadd.s32 $0xFFFFFFB0  }
0x48: {  	v3 =	vld [tilespmem:$0x1E0]  }
0x49: {  	v4 =	vld [tilespmem:$0x0]  }
0x4a: {  	v5 =	vld [tilespmem:$0x1F0]  }
0x4b: {  	v6 =	vld [tilespmem:$0x10]  }
0x4c: {  	v7 =	vld [tilespmem:$0x200]  }
0x4d: {  	v8 =	vld [tilespmem:$0x20];
	v3 =	vadd.s32 v0, v3  }
0x4e: {  	v60 =	vld [tilespmem:$0x210];
	[tilespmem:$0x1E0] =	vst v3;
	v3 =	vadd.s32 v1, v4  }
0x4f: {  	v61 =	vld [tilespmem:$0x30];
	[tilespmem:$0x0] =	vst v3;
	v3 =	vadd.s32 v0, v5  }
0x50: {  	v62 =	vld [tilespmem:$0x220];
	[tilespmem:$0x1F0] =	vst v3;
	v3 =	vadd.s32 v1, v6  }
0x51: {  	v63 =	vld [tilespmem:$0x40];
	[tilespmem:$0x10] =	vst v3;
	v3 =	vadd.s32 v0, v7  }
0x52: {  	[tilespmem:$0x200] =	vst v3;
	v3 =	vadd.s32 v1, v8  }
0x53: {  	[tilespmem:$0x20] =	vst v3;
	v3 =	vadd.s32 v0, v60  }
0x54: {  	[tilespmem:$0x210] =	vst v3;
	v3 =	vadd.s32 v1, v61  }
0x55: {  	[tilespmem:$0x30] =	vst v3;
	v3 =	vadd.s32 v0, v62  }
0x56: {  	[tilespmem:$0x220] =	vst v3;
	v3 =	vadd.s32 v1, v63  }
0x57: {  	s12 =	simm.s32 $0x280;
	[tilespmem:$0x40] =	vst v3  }
0x58: {  	[tilespmem:s12], [sflag:$0x3] =	stream.indirect.gather [hbm4b:s1+s0], $0x40, s22, s0, $0xb8;
	[tilespmem:$0x14280] =	vst v63  }
0x59: {  	s25 =	simm.s32 $0x2A80  }
0x5a: {  	[tilespmem:s25], [sflag:$0x5] =	stream.indirect.gather [hbm4b:s8+s0], $0x40, s11, s0, $0xb8;
	[tilespmem:$0x14280] =	vst v63  }
0x5b: {  	s10 =	rddreg [dreg:$0xe]  }
0x5c: {  	[tilespmem:s0], [sflag:$0x2] =	stream.linear.gather [hbm4b:s10+s22], $0x50, $0x38;
	[tilespmem:$0x14280] =	vst v63  }
0x5d: {  	s12 =	simm.s32 $0xF0;
	s11 =	rddreg [dreg:$0xf]  }
0x5e: {  	[tilespmem:s12], [sflag:$0x2] =	stream.linear.gather [hbm4b:s11+s22], $0x50, $0x38;
	[tilespmem:$0x14280] =	vst v63  }
0x5f: {  	s25 =	rddreg [dreg:$0x10]  }
0x60: {  	[tilespmem:s29], [sflag:$0x2] =	stream.linear.gather [hbm4b:s25+s22], $0x50, $0x38;
	[tilespmem:$0x14280] =	vst v63  }
.LBB2_4:
0x61: {  	_ =	swait.ge [sflag:s4], $0x50  }
0x62: {  	[sflag:s4] =	ssyncset.done $0x0  }
0x63: {  	[sflag:s4] =	ssyncadd.s32 $0xFFFFFFB0  }
0x64: {  	_ =	swait.ge [sflag:s4], $0x50  }
0x65: {  	[sflag:s4] =	ssyncset.done $0x0  }
0x66: {  	[sflag:s4] =	ssyncadd.s32 $0xFFFFFFB0  }
0x67: {  	_ =	swait.ge [sflag:s4], $0x50  }
0x68: {  	[sflag:s4] =	ssyncset.done $0x0  }
0x69: {  	[sflag:s4] =	ssyncadd.s32 $0xFFFFFFB0  }
0x6a: {  	v3 =	vld [tilespmem:$0x230]  }
0x6b: {  	v4 =	vld [tilespmem:$0x50]  }
0x6c: {  	v5 =	vld [tilespmem:$0x240]  }
0x6d: {  	v6 =	vld [tilespmem:$0x60]  }
0x6e: {  	v7 =	vld [tilespmem:$0x250]  }
0x6f: {  	v8 =	vld [tilespmem:$0x70];
	v3 =	vadd.s32 v0, v3  }
0x70: {  	[tilespmem:$0x230] =	vst v3;
	v3 =	vadd.s32 v1, v4;
	v4 =	vld [tilespmem:$0x260]  }
0x71: {  	[tilespmem:$0x50] =	vst v3;
	v3 =	vadd.s32 v0, v5;
	v5 =	vld [tilespmem:$0x80]  }
0x72: {  	[tilespmem:$0x240] =	vst v3;
	v3 =	vadd.s32 v1, v6;
	v6 =	vld [tilespmem:$0x270]  }
0x73: {  	[tilespmem:$0x60] =	vst v3;
	v3 =	vadd.s32 v0, v7;
	v7 =	vld [tilespmem:$0x90]  }
0x74: {  	[tilespmem:$0x250] =	vst v3;
	v3 =	vadd.s32 v1, v8  }
0x75: {  	[tilespmem:$0x70] =	vst v3;
	v3 =	vadd.s32 v0, v4  }
0x76: {  	[tilespmem:$0x260] =	vst v3;
	v3 =	vadd.s32 v1, v5  }
0x77: {  	[tilespmem:$0x80] =	vst v3;
	v3 =	vadd.s32 v0, v6  }
0x78: {  	[tilespmem:$0x270] =	vst v3;
	v3 =	vadd.s32 v1, v7  }
0x79: {  	[tilespmem:$0x90] =	vst v3  }
0x7a: {  	[tilespmem:s13], [sflag:$0x4] =	stream.indirect.gather [hbm4b:s1+s0], $0x40, s0, s0, $0xb8;
	[tilespmem:$0x14280] =	vst v63  }
0x7b: {  	_ = 	snop  }
0x7c: {  	[tilespmem:s14], [sflag:$0x6] =	stream.indirect.gather [hbm4b:s8+s0], $0x40, s29, s0, $0xb8;
	[tilespmem:$0x14280] =	vst v63  }
0x7d: {  	_ =	swait.ge [sflag:s15], $0x1400  }
0x7e: {  	[sflag:s15] =	ssyncset.done $0x0  }
0x7f: {  	[sflag:s15] =	ssyncadd.s32 $0xFFFFEC00  }
0x80: {  	_ =	swait.ge [sflag:s16], $0x1400  }
0x81: {  	p1 =	seq.s32 s22, $0x0;
	[sflag:s16] =	ssyncset.done $0x0  }
0x82: {  	s9 =	simm.s32 @!p1 $0x7;
	[sflag:s16] =	ssyncadd.s32 $0xFFFFEC00  }
0x83: {  	_ =	swait.ge @!p1 [sflag:s9], $0x1400  }
0x84: {  	[sflag:s9] =	ssyncset.done @!p1 $0x0  }
0x85: {  	[sflag:s9] =	ssyncadd.s32 @!p1 $0xFFFFEC00  }
0x86: {  	v3 =	vld [tilespmem:$0xA0]  }
0x87: {  	v4 =	vld [tilespmem:$0xB0]  }
0x88: {  	v5 =	vld [tilespmem:$0xC0]  }
0x89: {  	v6 =	vld [tilespmem:$0xD0]  }
0x8a: {  	p0 =	seq.s32 s22, $0x7C;
	v7 =	vld [tilespmem:$0xE0]  }
0x8b: {  	s25 =	smul.u32 @!p0 $0xA0, s22;
	[tilespmem:$0x140] =	vst v3  }
0x8c: {  	[tilespmem:$0x150] =	vst v4  }
0x8d: {  	s9 =	sadd.s32 @!p0 s25, s23;
	[tilespmem:$0x160] =	vst v5  }
0x8e: {  	s9 =	sshrl.u32 @!p0 s9, $0x3;
	[tilespmem:$0x170] =	vst v6  }
0x8f: {  	s11 =	simm.s32 @!p0 $0x0;
	s10 =	sadd.s32 @!p0 s5, s9;
	[tilespmem:$0x180] =	vst v7  }
0x90: {  	[tilespmem:s11], [sflag:$0x1] =	stream.linear.gather @!p0 [hbm4b:s10+s11], $0x50, $0x38;
	[tilespmem:$0x14280] =	vst v63  }
0x91: {  	s12 =	simm.s32 @!p0 $0xA0;
	s10 =	sadd.s32 @!p0 s6, s9  }
0x92: {  	[tilespmem:s12], [sflag:$0x1] =	stream.linear.gather @!p0 [hbm4b:s10+s11], $0x50, $0x38;
	[tilespmem:$0x14280] =	vst v63  }
0x93: {  	s9 =	sadd.s32 @!p0 s7, s9;
	s10 =	simm.s32 @!p0 $0x1E0  }
0x94: {  	[tilespmem:s10], [sflag:$0x1] =	stream.linear.gather @!p0 [hbm4b:s9+s11], $0x50, $0x38;
	[tilespmem:$0x14280] =	vst v63  }
0x95: {  	s10 =	simm.s32 $0x0  }
0x96: {  	v5 =	vld [tilespmem:s10+$0x2B0]  }
0x97: {  	v6 =	vld [tilespmem:s10+$0x2AB0]  }
0x98: {  	v8 =	vld [tilespmem:s10+$0x280]  }
0x99: {  	v9 =	vld [tilespmem:s10+$0x2A80]  }
0x9a: {  	v4 =	vld [tilespmem:s10+$0x290]  }
0x9b: {  	v7 =	vld [tilespmem:s10+$0x2A90]  }
0x9c: {  	v3 =	vld [tilespmem:s10+$0x2A0];
	v10 =	vadd.f32 v6, v5  }
0x9d: {  	s9 =	simm.s32 $0x40;
	v6 =	vld [tilespmem:s10+$0x2AA0]  }
0x9e: {  	s11 =	simm.s32 $0x200;
	v5 =	vld [tilespmem:s9+$0x2B0];
	v8 =	vadd.f32 v9, v8;
	v9 =	vmax.f32 v10, $0.0e+00  }
.LBB2_5:
0x9f: {  	p2 =	sne.s32 s11, $0x4F00;
	v10 =	vld [tilespmem:s9+$0x2AB0];
	[tilespmem:s10+$0x52B0] =	vst v9  }
0xa0: {  	v9 =	vld [tilespmem:s9+$0x280];
	v8 =	vmax.f32 v8, $0.0e+00;
	v7 =	vadd.f32 v7, v4  }
0xa1: {  	v11 =	vld [tilespmem:s9+$0x2A80];
	[tilespmem:s10+$0x5280] =	vst v8  }
.Ltmp1:
0xa2: {  	v4 =	vld [tilespmem:s9+$0x290];
	v8 =	vmax.f32 v7, $0.0e+00;
	v6 =	vadd.f32 v6, v3;
	(pc) =	sbr.rel @p2 .LBB2_5-.Ltmp1, $4  }
0xa3: {  	v7 =	vld [tilespmem:s9+$0x2A90];
	[tilespmem:s10+$0x5290] =	vst v8  }
0xa4: {  	v3 =	vld [tilespmem:s9+$0x2A0];
	v10 =	vadd.f32 v10, v5;
	v5 =	vmax.f32 v6, $0.0e+00  }
0xa5: {  	v6 =	vld [tilespmem:s9+$0x2AA0];
	[tilespmem:s10+$0x52A0] =	vst v5;
	s10 =	smov.u32 s9;
	s9 =	sshra.s32 s11, $0x2  }
0xa6: {  	s11 =	sadd.s32 $0x100, s11;
	v5 =	vld [tilespmem:s9+$0x2B0];
	v8 =	vadd.f32 v11, v9;
	v9 =	vmax.f32 v10, $0.0e+00  }
0xa7: {  	v10 =	vld [tilespmem:s9+$0x2AB0];
	[tilespmem:s10+$0x52B0] =	vst v9  }
0xa8: {  	v9 =	vld [tilespmem:s9+$0x280];
	v8 =	vmax.f32 v8, $0.0e+00;
	v4 =	vadd.f32 v7, v4  }
0xa9: {  	v11 =	vld [tilespmem:s9+$0x2A80];
	[tilespmem:s10+$0x5280] =	vst v8  }
0xaa: {  	v7 =	vld [tilespmem:s9+$0x290];
	v4 =	vmax.f32 v4, $0.0e+00  }
0xab: {  	v8 =	vld [tilespmem:s9+$0x2A90];
	[tilespmem:s10+$0x5290] =	vst v4  }
0xac: {  	v4 =	vld [tilespmem:s9+$0x2A0]  }
0xad: {  	v12 =	vld [tilespmem:s9+$0x2AA0]  }
0xae: {  	v3 =	vadd.f32 v6, v3  }
0xaf: {  	v5 =	vadd.f32 v10, v5  }
0xb0: {  	v3 =	vmax.f32 v3, $0.0e+00;
	v6 =	vadd.f32 v11, v9  }
0xb1: {  	[tilespmem:s10+$0x52A0] =	vst v3;
	v3 =	vmax.f32 v5, $0.0e+00;
	v5 =	vadd.f32 v8, v7  }
0xb2: {  	[tilespmem:s9+$0x52B0] =	vst v3;
	v3 =	vmax.f32 v6, $0.0e+00;
	v4 =	vadd.f32 v12, v4  }
0xb3: {  	[tilespmem:s9+$0x5280] =	vst v3;
	v3 =	vmax.f32 v5, $0.0e+00  }
0xb4: {  	[tilespmem:s9+$0x5290] =	vst v3;
	v3 =	vmax.f32 v4, $0.0e+00  }
0xb5: {  	[tilespmem:s9+$0x52A0] =	vst v3;
	s9 =	simm.s32 @!p0 $0x1  }
0xb6: {  	[spmem:s2] =	stream.indirect.scatter.add.f32 [tilespmem:s18], [sflag:$0x7], $0x40, s17, s0, $0xb8;
	[tilespmem:$0x14280] =	vst v63  }
0xb7: {  	_ =	swait.ge @!p0 [sflag:s9], $0x50  }
0xb8: {  	[sflag:s9] =	ssyncset.done @!p0 $0x0  }
0xb9: {  	[sflag:s9] =	ssyncadd.s32 @!p0 $0xFFFFFFB0  }
0xba: {  	_ =	swait.ge @!p0 [sflag:s9], $0x50  }
0xbb: {  	[sflag:s9] =	ssyncset.done @!p0 $0x0  }
0xbc: {  	[sflag:s9] =	ssyncadd.s32 @!p0 $0xFFFFFFB0  }
0xbd: {  	_ =	swait.ge @!p0 [sflag:s9], $0x50  }
0xbe: {  	[sflag:s9] =	ssyncset.done @!p0 $0x0  }
0xbf: {  	[sflag:s9] =	ssyncadd.s32 @!p0 $0xFFFFFFB0  }
0xc0: {  	v3 =	vld @!p0 [tilespmem:$0x1E0]  }
0xc1: {  	v4 =	vld @!p0 [tilespmem:$0x0]  }
0xc2: {  	v5 =	vld @!p0 [tilespmem:$0x1F0]  }
0xc3: {  	v6 =	vld @!p0 [tilespmem:$0x10]  }
0xc4: {  	v7 =	vld @!p0 [tilespmem:$0x200]  }
0xc5: {  	v8 =	vld @!p0 [tilespmem:$0x20];
	v3 =	vadd.s32 @!p0 v0, v3  }
0xc6: {  	[tilespmem:$0x1E0] =	vst @!p0 v3;
	v3 =	vadd.s32 @!p0 v1, v4;
	v4 =	vld @!p0 [tilespmem:$0x210]  }
0xc7: {  	[tilespmem:$0x0] =	vst @!p0 v3;
	v3 =	vadd.s32 @!p0 v0, v5;
	v5 =	vld @!p0 [tilespmem:$0x30]  }
0xc8: {  	[tilespmem:$0x1F0] =	vst @!p0 v3;
	v3 =	vadd.s32 @!p0 v1, v6;
	v6 =	vld @!p0 [tilespmem:$0x220]  }
0xc9: {  	[tilespmem:$0x10] =	vst @!p0 v3;
	v3 =	vadd.s32 @!p0 v0, v7;
	v7 =	vld @!p0 [tilespmem:$0x40]  }
0xca: {  	[tilespmem:$0x200] =	vst @!p0 v3;
	v3 =	vadd.s32 @!p0 v1, v8  }
0xcb: {  	[tilespmem:$0x20] =	vst @!p0 v3;
	v3 =	vadd.s32 @!p0 v0, v4  }
0xcc: {  	[tilespmem:$0x210] =	vst @!p0 v3;
	v3 =	vadd.s32 @!p0 v1, v5  }
0xcd: {  	[tilespmem:$0x30] =	vst @!p0 v3;
	v3 =	vadd.s32 @!p0 v0, v6  }
0xce: {  	[tilespmem:$0x220] =	vst @!p0 v3;
	v3 =	vadd.s32 @!p0 v1, v7  }
0xcf: {  	s11 =	simm.s32 @!p0 $0x280;
	s10 =	simm.s32 @!p0 $0x0;
	s9 =	simm.s32 @!p0 $0x50;
	[tilespmem:$0x40] =	vst @!p0 v3  }
0xd0: {  	[tilespmem:s11], [sflag:$0x3] =	stream.indirect.gather @!p0 [hbm4b:s1+s9], $0x40, s10, s9, $0xb8;
	[tilespmem:$0x14280] =	vst v63  }
0xd1: {  	s12 =	simm.s32 @!p0 $0x2A80;
	s11 =	simm.s32 @!p0 $0x1E0  }
0xd2: {  	[tilespmem:s12], [sflag:$0x5] =	stream.indirect.gather @!p0 [hbm4b:s8+s9], $0x40, s11, s9, $0xb8;
	[tilespmem:$0x14280] =	vst v63  }
0xd3: {  	_ =	swait.ge [sflag:s19], $0x1400  }
0xd4: {  	[sflag:s19] =	ssyncset.done $0x0  }
0xd5: {  	[sflag:s19] =	ssyncadd.s32 $0xFFFFEC00  }
0xd6: {  	_ =	swait.ge [sflag:s20], $0x1400  }
0xd7: {  	[sflag:s20] =	ssyncset.done $0x0  }
0xd8: {  	s11 =	simm.s32 @!p1 $0x8;
	[sflag:s20] =	ssyncadd.s32 $0xFFFFEC00  }
0xd9: {  	_ =	swait.ge @!p1 [sflag:s11], $0x1400  }
0xda: {  	[sflag:s11] =	ssyncset.done @!p1 $0x0  }
0xdb: {  	[sflag:s11] =	ssyncadd.s32 @!p1 $0xFFFFEC00  }
0xdc: {  	v3 =	vld [tilespmem:$0xF0]  }
0xdd: {  	v4 =	vld [tilespmem:$0x100]  }
0xde: {  	v5 =	vld [tilespmem:$0x110]  }
0xdf: {  	v6 =	vld [tilespmem:$0x120]  }
0xe0: {  	v7 =	vld [tilespmem:$0x130]  }
0xe1: {  	[tilespmem:$0x190] =	vst v3  }
0xe2: {  	[tilespmem:$0x1A0] =	vst v4  }
0xe3: {  	s11 =	sadd.s32 @!p0 s25, s24;
	[tilespmem:$0x1B0] =	vst v5  }
0xe4: {  	s11 =	sshrl.u32 @!p0 s11, $0x3;
	[tilespmem:$0x1C0] =	vst v6  }
0xe5: {  	s12 =	sadd.s32 @!p0 s5, s11;
	[tilespmem:$0x1D0] =	vst v7  }
0xe6: {  	[tilespmem:s9], [sflag:$0x2] =	stream.linear.gather @!p0 [hbm4b:s12+s10], $0x50, $0x38;
	[tilespmem:$0x14280] =	vst v63  }
0xe7: {  	s9 =	sadd.s32 @!p0 s6, s11;
	s12 =	simm.s32 @!p0 $0xF0  }
0xe8: {  	[tilespmem:s12], [sflag:$0x2] =	stream.linear.gather @!p0 [hbm4b:s9+s10], $0x50, $0x38;
	[tilespmem:$0x14280] =	vst v63  }
0xe9: {  	s9 =	sadd.s32 @!p0 s7, s11;
	s11 =	simm.s32 @!p0 $0x230  }
0xea: {  	[tilespmem:s11], [sflag:$0x2] =	stream.linear.gather @!p0 [hbm4b:s9+s10], $0x50, $0x38;
	[tilespmem:$0x14280] =	vst v63  }
0xeb: {  	s10 =	simm.s32 $0x0  }
0xec: {  	v5 =	vld [tilespmem:s10+$0x16B0]  }
0xed: {  	v6 =	vld [tilespmem:s10+$0x3EB0]  }
0xee: {  	v8 =	vld [tilespmem:s10+$0x1680]  }
0xef: {  	v9 =	vld [tilespmem:s10+$0x3E80]  }
0xf0: {  	v4 =	vld [tilespmem:s10+$0x1690]  }
0xf1: {  	v7 =	vld [tilespmem:s10+$0x3E90]  }
0xf2: {  	v3 =	vld [tilespmem:s10+$0x16A0];
	v10 =	vadd.f32 v6, v5  }
0xf3: {  	s9 =	simm.s32 $0x40;
	v6 =	vld [tilespmem:s10+$0x3EA0]  }
0xf4: {  	s11 =	simm.s32 $0x200;
	v5 =	vld [tilespmem:s9+$0x16B0];
	v8 =	vadd.f32 v9, v8;
	v9 =	vmax.f32 v10, $0.0e+00  }
.LBB2_7:
0xf5: {  	p0 =	sne.s32 s11, $0x4F00;
	v10 =	vld [tilespmem:s9+$0x3EB0];
	[tilespmem:s10+$0x66B0] =	vst v9  }
0xf6: {  	v9 =	vld [tilespmem:s9+$0x1680];
	v8 =	vmax.f32 v8, $0.0e+00;
	v7 =	vadd.f32 v7, v4  }
0xf7: {  	v11 =	vld [tilespmem:s9+$0x3E80];
	[tilespmem:s10+$0x6680] =	vst v8  }
.Ltmp2:
0xf8: {  	v4 =	vld [tilespmem:s9+$0x1690];
	v8 =	vmax.f32 v7, $0.0e+00;
	v6 =	vadd.f32 v6, v3;
	(pc) =	sbr.rel @p0 .LBB2_7-.Ltmp2, $4  }
0xf9: {  	v7 =	vld [tilespmem:s9+$0x3E90];
	[tilespmem:s10+$0x6690] =	vst v8  }
0xfa: {  	v3 =	vld [tilespmem:s9+$0x16A0];
	v10 =	vadd.f32 v10, v5;
	v5 =	vmax.f32 v6, $0.0e+00  }
0xfb: {  	v6 =	vld [tilespmem:s9+$0x3EA0];
	[tilespmem:s10+$0x66A0] =	vst v5;
	s10 =	smov.u32 s9;
	s9 =	sshra.s32 s11, $0x2  }
0xfc: {  	s11 =	sadd.s32 $0x100, s11;
	v5 =	vld [tilespmem:s9+$0x16B0];
	v8 =	vadd.f32 v11, v9;
	v9 =	vmax.f32 v10, $0.0e+00  }
0xfd: {  	v10 =	vld [tilespmem:s9+$0x3EB0];
	[tilespmem:s10+$0x66B0] =	vst v9  }
0xfe: {  	v9 =	vld [tilespmem:s9+$0x1680];
	v8 =	vmax.f32 v8, $0.0e+00;
	v4 =	vadd.f32 v7, v4  }
0xff: {  	v11 =	vld [tilespmem:s9+$0x3E80];
	[tilespmem:s10+$0x6680] =	vst v8  }
0x100: {  	v61 =	vld [tilespmem:s9+$0x1690];
	v4 =	vmax.f32 v4, $0.0e+00  }
0x101: {  	v8 =	vld [tilespmem:s9+$0x3E90];
	[tilespmem:s10+$0x6690] =	vst v4  }
0x102: {  	v4 =	vld [tilespmem:s9+$0x16A0]  }
0x103: {  	v12 =	vld [tilespmem:s9+$0x3EA0]  }
0x104: {  	v3 =	vadd.f32 v6, v3  }
0x105: {  	v5 =	vadd.f32 v10, v5  }
0x106: {  	s22 =	sadd.s32 $0x1, s22;
	v3 =	vmax.f32 v3, $0.0e+00;
	v62 =	vadd.f32 v11, v9  }
0x107: {  	p0 =	sne.s32 s22, $0x7D;
	[tilespmem:s10+$0x66A0] =	vst v3;
	v3 =	vmax.f32 v5, $0.0e+00;
	v63 =	vadd.f32 v8, v61  }
.Ltmp3:
0x108: {  	[tilespmem:s9+$0x66B0] =	vst v3;
	v3 =	vmax.f32 v62, $0.0e+00;
	v4 =	vadd.f32 v12, v4;
	(pc) =	sbr.rel @p0 .LBB2_4-.Ltmp3, $4  }
0x109: {  	[tilespmem:s9+$0x6680] =	vst v3;
	v3 =	vmax.f32 v63, $0.0e+00  }
0x10a: {  	[tilespmem:s9+$0x6690] =	vst v3;
	v3 =	vmax.f32 v4, $0.0e+00  }
0x10b: {  	[tilespmem:s9+$0x66A0] =	vst v3  }
0x10c: {  	[spmem:s2] =	stream.indirect.scatter.add.f32 [tilespmem:s30], [sflag:$0x8], $0x40, s21, s0, $0xb8;
	[tilespmem:$0x14280] =	vst v63  }
0x10d: {  	s9 =	simm.s32 $0x7  }
0x10e: {  	_ =	swait.ge [sflag:s9], $0x1400  }
0x10f: {  	[sflag:s9] =	ssyncset.done $0x0  }
0x110: {  	s25 =	simm.s32 $0x8;
	[sflag:s9] =	ssyncadd.s32 $0xFFFFEC00  }
0x111: {  	_ =	swait.ge [sflag:s25], $0x1400  }
0x112: {  	[sflag:s25] =	ssyncset.done $0x0  }
0x113: {  	s10 =	stileid.u32;
	[sflag:s25] =	ssyncadd.s32 $0xFFFFEC00  }
0x114: {  	s9 =	sshll.u32 s10, $0x6;
	[bflag:$0x0] =	sbarrier.arrive $0xFFFF  }
0x115: {  	s10 =	sshrl.u32 s26, $0x3;
	s9 =	sor.u32 $0x1C09, s9;
	s11 =	rddreg [dreg:$0xa]  }
0x116: {  	[hbm:s11], [sflag:s9] =	dma.local [spmem:s10], $0x500  }
0x117: {  	_ =	swait.ge [sflag:s28], $0x500  }
0x118: {  	[sflag:s28] =	ssyncset.done $0x0;
	s11 =	rddreg [dreg:$0x4]  }
0x119: {  	s22 =	rddreg [dreg:$0xb];
	[sflag:s28] =	ssyncadd.s32 $0xFFFFFB00;
	s10 =	sshrl.u32 s11, $0x3  }
0x11a: {  	[hbm:s22], [sflag:s9] =	dma.local [spmem:s10], $0x500  }
0x11b: {  	_ =	swait.ge [sflag:s28], $0x500  }
0x11c: {  	s12 =	smov.u32 s26;
	[sflag:s28] =	ssyncset.done $0x0;
	s25 =	rddreg [dreg:$0x5]  }
0x11d: {  	s26 =	rddreg [dreg:$0xc];
	[sflag:s28] =	ssyncadd.s32 $0xFFFFFB00;
	s10 =	sshrl.u32 s25, $0x3  }
0x11e: {  	[hbm:s26], [sflag:s9] =	dma.local [spmem:s10], $0x500  }
0x11f: {  	_ =	swait.ge [sflag:s28], $0x500  }
0x120: {  	[sflag:s28] =	ssyncset.done $0x0;
	s22 =	rddreg [dreg:$0x6]  }
0x121: {  	s25 =	rddreg [dreg:$0xd];
	[sflag:s28] =	ssyncadd.s32 $0xFFFFFB00;
	s10 =	sshrl.u32 s22, $0x3  }
0x122: {  	[hbm:s25], [sflag:s9] =	dma.local [spmem:s10], $0x500  }
0x123: {  	_ =	swait.ge [sflag:s28], $0x500  }
0x124: {  	s3 =	sadd.s32 $0x1, s3;
	s26 =	rddreg [dreg:$0x11]  }
0x125: {  	p0 =	sne.s32 s3, s26  }
.Ltmp4:
0x126: {  	_ = 	snop;
	(pc) =	sbr.rel @p0 .LBB2_1-.Ltmp4, $3  }
0x127: {  	_ =	sdelay $0x1  }
0x128: {  	[sflag:s28] =	ssyncset.done $0x0  }
0x129: {  	[sflag:s28] =	ssyncadd.s32 $0xFFFFFB00  }
0x12a: {  	_ =	sfence.sel $0x180000  }
0x12b: {  	[bflag:$0x0] =	sbarrier.arrive $0xFFFF  }
0x12c: {  	_ =	strace $0x90000047  }
0x12d: {  	s0 =	stileid.u32;
	[bflag:$0x2] =	sbarrier.arrive $0xFFFF  }
0x12e: {  	p0 =	sne.s32 s0, $0x0;
	s0 =	rddreg [dreg:$0x3]  }
0x12f: {  	s0 =	sadd.s32 @!p0 $0x100000, s0  }
0x130: {  	[sflag:s0] =	ssyncadd.tile.s32 @!p0 $0x1;
	_ =	shalt  }
.Lfunc_end2:
_tile_overlayer_lowered:
.L_overlay_start_2:
0x131: {  	(tag) =	ssettag $0x2  }
0x132: {  	s0 =	rddreg [dreg:$0x0];
	s2 =	stileid.u32  }
0x133: {  	s1 =	rddreg [dreg:$0x1];
	p0 =	sne.s32 s2, $0x0  }
0x134: {  	s3 =	rddreg [dreg:$0x2];
	[bflag:$0x3] =	sbarrier.arrive $0xFFFF;
	s2 =	simm.s32 @!p0 $0x1C09  }
0x135: {  	[timem:s3], [sflag:s2] =	dma.local @!p0 [hbm:s0], s1  }
0x136: {  	s0 =	simm.s32 @!p0 $0x9  }
0x137: {  	_ =	swait.ge @!p0 [sflag:s0], s1  }
0x138: {  	s1 =	ssub.s32 @!p0 $0x0, s1;
	[sflag:s0] =	ssyncset.done @!p0 $0x0  }
0x139: {  	[sflag:s0] =	ssyncadd.s32 @!p0 s1  }
0x13a: {  	[bflag:$0x3] =	sbarrier.arrive $0xFFFF  }
0x13b: {  	_ =	shalt  }

</sc_bundles>
